<compile_context>
chip_gen: v7x
topology: tpu7x:2x2x1
jax: 0.10.2.dev20260603
libtpu: 0.0.44.dev20260713+nightly
codegen_flags: <defaults>
</compile_context>

<pallas_src>
import jax
import jax.numpy as jnp
from jax import lax
from jax.experimental import pallas as pl
from jax.experimental.pallas import tpu as pltpu
from jax.experimental.pallas import tpu_sc as plsc

_N = 262144
_C = 51
_SC_ROWS = 16384
_CHUNK = 256
_GPER = _CHUNK // 64
_TC_BLOCK = 16384


def _sc_body(fb_hbm, lbl_hbm, out_hbm,
             fb0, fb1, lbl0, lbl1, out0, out1, sem0, sem1):
    info = plsc.get_sparse_core_info()
    nc = info.num_cores
    wid = lax.axis_index("s") * nc + lax.axis_index("c")
    nw = nc * info.num_subcores
    rows_per_w = _SC_ROWS // nw
    obase = wid * rows_per_w
    base = (_N - _SC_ROWS) + obase
    iota = lax.iota(jnp.int32, 16)
    n_chunks = rows_per_w // _CHUNK

    def start(ci, fbv, lblv, sem):
        row0 = pl.multiple_of(base + ci * _CHUNK, _CHUNK)
        pltpu.make_async_copy(fb_hbm.at[pl.ds(row0, _CHUNK), :], fbv, sem).start()
        pltpu.make_async_copy(lbl_hbm.at[pl.ds(row0, _CHUNK)], lblv, sem).start()

    def wait(fbv, lblv, sem):
        pltpu.make_async_copy(fb_hbm.at[pl.ds(0, _CHUNK), :], fbv, sem).wait()
        pltpu.make_async_copy(lbl_hbm.at[pl.ds(0, _CHUNK)], lblv, sem).wait()

    def compute(ci, fbv, lblv, outv):
        def group_body(g, _):
            r = pl.multiple_of(g * 64, 64)
            rows = [r + k * 16 + iota for k in range(4)]
            m = [plsc.load_gather(fbv, [rows[k], jnp.full((16,), 0, jnp.int32)])
                 for k in range(4)]
            mi = [jnp.zeros((16,), jnp.int32) for _ in range(4)]
            for j in range(1, _C):
                jv = jnp.full((16,), j, jnp.int32)
                v = [plsc.load_gather(fbv, [rows[k], jv]) for k in range(4)]
                for k in range(4):
                    pred = v[k] > m[k]
                    m[k] = jnp.maximum(m[k], v[k])
                    mi[k] = jnp.where(pred, jv, mi[k])
            for k in range(4):
                lbl = lblv[pl.ds(pl.multiple_of(r + k * 16, 16), 16)]
                outv[pl.ds(pl.multiple_of(r + k * 16, 16), 16)] = jnp.where(
                    lbl == 0, mi[k], lbl)
            return 0

        lax.fori_loop(0, _GPER, group_body, 0)
        orow0 = pl.multiple_of(obase + ci * _CHUNK, _CHUNK)
        pltpu.sync_copy(outv, out_hbm.at[pl.ds(orow0, _CHUNK)])

    start(0, fb0, lbl0, sem0)
    start(1, fb1, lbl1, sem1)

    def body(i, _):
        ci0 = 2 * i
        wait(fb0, lbl0, sem0)
        compute(ci0, fb0, lbl0, out0)
        start(ci0 + 2, fb0, lbl0, sem0)
        wait(fb1, lbl1, sem1)
        compute(ci0 + 1, fb1, lbl1, out1)
        start(ci0 + 3, fb1, lbl1, sem1)
        return 0

    lax.fori_loop(0, n_chunks // 2 - 1, body, 0)
    wait(fb0, lbl0, sem0)
    compute(n_chunks - 2, fb0, lbl0, out0)
    wait(fb1, lbl1, sem1)
    compute(n_chunks - 1, fb1, lbl1, out1)


def _tc_rows_kernel(fb_ref, lbl_ref, out_ref):
    ft = fb_ref[...].T
    idx = jnp.argmax(ft, axis=0).astype(jnp.int32)
    lbl = lbl_ref[0, 0, :]
    out_ref[0, 0, :] = jnp.where(lbl == 0, idx, lbl)


def kernel(rel_logits, freq_bias, rel_labels, rel_covar, gamma):
    n, c = freq_bias.shape
    tc_rows = n - _SC_ROWS
    grid = tc_rows // _TC_BLOCK

    sc_run = pl.kernel(
        _sc_body,
        out_type=jax.ShapeDtypeStruct((_SC_ROWS,), jnp.int32),
        mesh=plsc.VectorSubcoreMesh(core_axis_name="c", subcore_axis_name="s"),
        scratch_types=[
            pltpu.VMEM((_CHUNK, _C), jnp.float32),
            pltpu.VMEM((_CHUNK, _C), jnp.float32),
            pltpu.VMEM((_CHUNK,), jnp.int32),
            pltpu.VMEM((_CHUNK,), jnp.int32),
            pltpu.VMEM((_CHUNK,), jnp.int32),
            pltpu.VMEM((_CHUNK,), jnp.int32),
            pltpu.SemaphoreType.DMA,
            pltpu.SemaphoreType.DMA,
        ],
        compiler_params=pltpu.CompilerParams(
            needs_layout_passes=False, use_tc_tiling_on_sc=True
        ),
    )
    out_sc = sc_run(freq_bias, rel_labels)

    lbl3 = rel_labels[:tc_rows].reshape(grid, 1, _TC_BLOCK)
    out_tc = pl.pallas_call(
        _tc_rows_kernel,
        grid=(grid,),
        in_specs=[
            pl.BlockSpec((_TC_BLOCK, c), lambda i: (i, 0)),
            pl.BlockSpec((1, 1, _TC_BLOCK), lambda i: (i, 0, 0)),
        ],
        out_specs=pl.BlockSpec((1, 1, _TC_BLOCK), lambda i: (i, 0, 0)),
        out_shape=jax.ShapeDtypeStruct((grid, 1, _TC_BLOCK), jnp.int32),
        compiler_params=pltpu.CompilerParams(
            dimension_semantics=("arbitrary",),
        ),
    )(freq_bias, lbl3)

    return jnp.concatenate([out_tc.reshape(tc_rows), out_sc])

# --- scband reference (transcript-rebuilt; emitter-appended) ---
"""Pipeline reference for scband-rel-sample-37572373905818 (READ-ONLY COPY).

The authoritative reference and input builder live on the scoring server;
editing this copy changes nothing except your own understanding.
"""

import jax, jax.numpy as jnp
import numpy as np

N = 262144
C = 51

def setup_inputs(seed: int = 0) -> dict:
    key = jax.random.key(seed)
    k1, k2, k3, k4 = jax.random.split(key, 4)
    rel_logits = jax.random.normal(k1, (N, C), dtype=jnp.float32)
    freq_bias = jax.random.uniform(k2, (N, C), dtype=jnp.float32)
    rel_labels = jax.random.randint(k3, (N,), 0, C, dtype=jnp.int32)
    rel_covar = jax.random.normal(k4, (N, C), dtype=jnp.float32)
    gamma = jnp.float32(0.01)
    return {"rel_logits": rel_logits, "freq_bias": freq_bias, "rel_labels": rel_labels, "rel_covar": rel_covar, "gamma": gamma}

def reference(rel_logits, freq_bias, rel_labels, rel_covar, gamma=0.01):
    # Original torch forward takes the `if True:` branch under no_grad:
    #   topk_prob, topk_idx = freq_bias.topk(1)
    #   mask = topk_prob[bg_idx, 0] > 0.6   (the product with labels is computed then discarded)
    #   rel_labels[bg_idx] = topk_idx[bg_idx, 0]
    topk_prob, topk_idx = jax.lax.top_k(freq_bias, 1)
    bg_mask = rel_labels == 0
    # dead computation in the original (result discarded) -- kept for faithfulness
    _ = (topk_prob[:, 0] > 0.6).astype(jnp.float32)
    new_labels = jnp.where(bg_mask, topk_idx[:, 0].astype(rel_labels.dtype), rel_labels)
    return new_labels

if __name__ == "__main__":
    import jax
    _d = setup_inputs()
    print(jax.jit(kernel)(*tuple(_d.values())))

</pallas_src>

<mosaic_0001>
#map = affine_map<(d0, d1) -> (0, 0)>
#map1 = affine_map<(d0, d1) -> (0)>
module attributes {stable_mosaic.version = 14 : i64} {
  func.func @_sc_body(%arg0: i32, %arg1: i32, %arg2: memref<262144x51xf32, #tpu.memory_space<hbm>>, %arg3: memref<262144xi32, #tpu.memory_space<hbm>>, %arg4: memref<16384xi32, #tpu.memory_space<hbm>>, %arg5: memref<256x51xf32, #tpu.memory_space<vmem>>, %arg6: memref<256x51xf32, #tpu.memory_space<vmem>>, %arg7: memref<256xi32, #tpu.memory_space<vmem>>, %arg8: memref<256xi32, #tpu.memory_space<vmem>>, %arg9: memref<256xi32, #tpu.memory_space<vmem>>, %arg10: memref<256xi32, #tpu.memory_space<vmem>>, %arg11: memref<!tpu.dma_semaphore, #tpu.memory_space<semaphore_mem>>, %arg12: memref<!tpu.dma_semaphore, #tpu.memory_space<semaphore_mem>>) attributes {dimension_semantics = [#tpu.dimension_semantics<core_parallel>, #tpu.dimension_semantics<subcore_parallel>], iteration_bounds = array<i64: 2, 16>, scalar_prefetch = 0 : i64, scratch_operands = 8 : i64, tpu.core_type = #tpu.core_type<sc_vector_subcore>, window_params = [{transform_indices = #map}, {transform_indices = #map1}, {transform_indices = #map1}]} {
    %mul3A = arith.constant 2 : i32
    %mul3A_0 = arith.muli %arg1, %mul3A : i32
    %add3A = arith.addi %mul3A_0, %arg0 : i32
    %mul3A_1 = arith.constant 512 : i32
    %mul3A_2 = arith.muli %add3A, %mul3A_1 : i32
    %add3A_3 = arith.constant 245760 : i32
    %add3A_4 = arith.addi %add3A_3, %mul3A_2 : i32
    %iota3A = tpu.iota {dimensions = array<i32: 0>} : vector<16xi32>
    %add3A_5 = arith.constant 0 : i32
    %add3A_6 = arith.addi %add3A_4, %add3A_5 : i32
    %multiple_of3A = tpu.assume_multiple %add3A_6, 256 : i32
    %dma_start3A = arith.constant 0 : i32
    %dma_start3A_7 = tpu.memref_slice %arg2[%multiple_of3A, %dma_start3A] : memref<262144x51xf32, #tpu.memory_space<hbm>> -> memref<256x51xf32, #tpu.memory_space<hbm>>
    %dma_start3A_8 = arith.constant 0 : i32
    %dma_start3A_9 = tpu.memref_slice %arg2[%multiple_of3A, %dma_start3A_8] : memref<262144x51xf32, #tpu.memory_space<hbm>> -> memref<256x51xf32, #tpu.memory_space<hbm>>
    tpu.enqueue_dma source(%dma_start3A_9 : memref<256x51xf32, #tpu.memory_space<hbm>>) target(%arg5 : memref<256x51xf32, #tpu.memory_space<vmem>>) target_semaphore(%arg11 : memref<!tpu.dma_semaphore, #tpu.memory_space<semaphore_mem>>)
    %dma_start3A_10 = tpu.memref_slice %arg3[%multiple_of3A] : memref<262144xi32, #tpu.memory_space<hbm>> -> memref<256xi32, #tpu.memory_space<hbm>>
    %dma_start3A_11 = tpu.memref_slice %arg3[%multiple_of3A] : memref<262144xi32, #tpu.memory_space<hbm>> -> memref<256xi32, #tpu.memory_space<hbm>>
    tpu.enqueue_dma source(%dma_start3A_11 : memref<256xi32, #tpu.memory_space<hbm>>) target(%arg7 : memref<256xi32, #tpu.memory_space<vmem>>) target_semaphore(%arg11 : memref<!tpu.dma_semaphore, #tpu.memory_space<semaphore_mem>>)
    %add3A_12 = arith.constant 256 : i32
    %add3A_13 = arith.addi %add3A_4, %add3A_12 : i32
    %multiple_of3A_14 = tpu.assume_multiple %add3A_13, 256 : i32
    %dma_start3A_15 = arith.constant 0 : i32
    %dma_start3A_16 = tpu.memref_slice %arg2[%multiple_of3A_14, %dma_start3A_15] : memref<262144x51xf32, #tpu.memory_space<hbm>> -> memref<256x51xf32, #tpu.memory_space<hbm>>
    %dma_start3A_17 = arith.constant 0 : i32
    %dma_start3A_18 = tpu.memref_slice %arg2[%multiple_of3A_14, %dma_start3A_17] : memref<262144x51xf32, #tpu.memory_space<hbm>> -> memref<256x51xf32, #tpu.memory_space<hbm>>
    tpu.enqueue_dma source(%dma_start3A_18 : memref<256x51xf32, #tpu.memory_space<hbm>>) target(%arg6 : memref<256x51xf32, #tpu.memory_space<vmem>>) target_semaphore(%arg12 : memref<!tpu.dma_semaphore, #tpu.memory_space<semaphore_mem>>)
    %dma_start3A_19 = tpu.memref_slice %arg3[%multiple_of3A_14] : memref<262144xi32, #tpu.memory_space<hbm>> -> memref<256xi32, #tpu.memory_space<hbm>>
    %dma_start3A_20 = tpu.memref_slice %arg3[%multiple_of3A_14] : memref<262144xi32, #tpu.memory_space<hbm>> -> memref<256xi32, #tpu.memory_space<hbm>>
    tpu.enqueue_dma source(%dma_start3A_20 : memref<256xi32, #tpu.memory_space<hbm>>) target(%arg8 : memref<256xi32, #tpu.memory_space<vmem>>) target_semaphore(%arg12 : memref<!tpu.dma_semaphore, #tpu.memory_space<semaphore_mem>>)
    %scan3A = arith.constant 0 : i32
    %scan3A_21 = arith.constant 0 : i32
    %scan3A_22 = arith.constant 0 : i32
    %scan3A_23 = arith.addi %scan3A_21, %scan3A_22 : i32
    %scan3A_24 = arith.constant 0 : i32
    %dma_wait3A = arith.constant 0 : i32
    %dma_wait3A_25 = arith.constant 0 : i32
    %dma_wait3A_26 = tpu.memref_slice %arg2[%dma_wait3A, %dma_wait3A_25] : memref<262144x51xf32, #tpu.memory_space<hbm>> -> memref<256x51xf32, #tpu.memory_space<hbm>>
    %dma_wait3A_27 = arith.constant 0 : i32
    %dma_wait3A_28 = arith.constant 0 : i32
    %dma_wait3A_29 = tpu.memref_slice %arg2[%dma_wait3A_27, %dma_wait3A_28] : memref<262144x51xf32, #tpu.memory_space<hbm>> -> memref<256x51xf32, #tpu.memory_space<hbm>>
    tpu.wait_dma2 semaphore(%arg11 : memref<!tpu.dma_semaphore, #tpu.memory_space<semaphore_mem>>) src(%dma_wait3A_29 : memref<256x51xf32, #tpu.memory_space<hbm>>) dst(%arg5 : memref<256x51xf32, #tpu.memory_space<vmem>>)
    %dma_wait3A_30 = arith.constant 0 : i32
    %dma_wait3A_31 = tpu.memref_slice %arg3[%dma_wait3A_30] : memref<262144xi32, #tpu.memory_space<hbm>> -> memref<256xi32, #tpu.memory_space<hbm>>
    %dma_wait3A_32 = arith.constant 0 : i32
    %dma_wait3A_33 = tpu.memref_slice %arg3[%dma_wait3A_32] : memref<262144xi32, #tpu.memory_space<hbm>> -> memref<256xi32, #tpu.memory_space<hbm>>
    tpu.wait_dma2 semaphore(%arg11 : memref<!tpu.dma_semaphore, #tpu.memory_space<semaphore_mem>>) src(%dma_wait3A_33 : memref<256xi32, #tpu.memory_space<hbm>>) dst(%arg7 : memref<256xi32, #tpu.memory_space<vmem>>)
    %scan3A_34 = arith.constant 0 : i32
    %scan3A_35 = arith.constant 0 : i32
    %scan3A_36 = arith.constant 4 : i32
    %scan3A_37 = arith.addi %scan3A_35, %scan3A_36 : i32
    %scan3A_38 = arith.constant 1 : i32
    %scan3A_39 = scf.for %scan3A_64 = %scan3A_35 to %scan3A_37 step %scan3A_38 iter_args(%scan3A_65 = %scan3A_34) -> (i32)  : i32 {
      %mul3A_66 = arith.constant 64 : i32
      %mul3A_67 = arith.muli %scan3A_64, %mul3A_66 : i32
      %multiple_of3A_68 = tpu.assume_multiple %mul3A_67, 64 : i32
      %add3A_69 = arith.constant 0 : i32
      %add3A_70 = arith.addi %multiple_of3A_68, %add3A_69 : i32
      %add3A_71 = vector.broadcast %add3A_70 : i32 to vector<16xi32>
      %add3A_72 = arith.addi %add3A_71, %iota3A : vector<16xi32>
      %add3A_73 = arith.constant 16 : i32
      %add3A_74 = arith.addi %multiple_of3A_68, %add3A_73 : i32
      %add3A_75 = vector.broadcast %add3A_74 : i32 to vector<16xi32>
      %add3A_76 = arith.addi %add3A_75, %iota3A : vector<16xi32>
      %add3A_77 = arith.constant 32 : i32
      %add3A_78 = arith.addi %multiple_of3A_68, %add3A_77 : i32
      %add3A_79 = vector.broadcast %add3A_78 : i32 to vector<16xi32>
      %add3A_80 = arith.addi %add3A_79, %iota3A : vector<16xi32>
      %add3A_81 = arith.constant 48 : i32
      %add3A_82 = arith.addi %multiple_of3A_68, %add3A_81 : i32
      %add3A_83 = vector.broadcast %add3A_82 : i32 to vector<16xi32>
      %add3A_84 = arith.addi %add3A_83, %iota3A : vector<16xi32>
      %broadcast_in_dim3A = arith.constant 0 : i32
      %broadcast_in_dim3A_85 = vector.broadcast %broadcast_in_dim3A : i32 to vector<16xi32>
      %gather3A = tpu.vector_load_idx %arg5[%add3A_72, %broadcast_in_dim3A_85] : memref<256x51xf32, #tpu.memory_space<vmem>>[vector<16xi32>, vector<16xi32>], vector<16xf32>,
      %broadcast_in_dim3A_86 = arith.constant 0 : i32
      %broadcast_in_dim3A_87 = vector.broadcast %broadcast_in_dim3A_86 : i32 to vector<16xi32>
      %gather3A_88 = tpu.vector_load_idx %arg5[%add3A_76, %broadcast_in_dim3A_87] : memref<256x51xf32, #tpu.memory_space<vmem>>[vector<16xi32>, vector<16xi32>], vector<16xf32>,
      %broadcast_in_dim3A_89 = arith.constant 0 : i32
      %broadcast_in_dim3A_90 = vector.broadcast %broadcast_in_dim3A_89 : i32 to vector<16xi32>
      %gather3A_91 = tpu.vector_load_idx %arg5[%add3A_80, %broadcast_in_dim3A_90] : memref<256x51xf32, #tpu.memory_space<vmem>>[vector<16xi32>, vector<16xi32>], vector<16xf32>,
      %broadcast_in_dim3A_92 = arith.constant 0 : i32
      %broadcast_in_dim3A_93 = vector.broadcast %broadcast_in_dim3A_92 : i32 to vector<16xi32>
      %gather3A_94 = tpu.vector_load_idx %arg5[%add3A_84, %broadcast_in_dim3A_93] : memref<256x51xf32, #tpu.memory_space<vmem>>[vector<16xi32>, vector<16xi32>], vector<16xf32>,
      %broadcast_in_dim3A_95 = arith.constant 0 : i32
      %broadcast_in_dim3A_96 = vector.broadcast %broadcast_in_dim3A_95 : i32 to vector<16xi32>
      %broadcast_in_dim3A_97 = arith.constant 0 : i32
      %broadcast_in_dim3A_98 = vector.broadcast %broadcast_in_dim3A_97 : i32 to vector<16xi32>
      %broadcast_in_dim3A_99 = arith.constant 0 : i32
      %broadcast_in_dim3A_100 = vector.broadcast %broadcast_in_dim3A_99 : i32 to vector<16xi32>
      %broadcast_in_dim3A_101 = arith.constant 0 : i32
      %broadcast_in_dim3A_102 = vector.broadcast %broadcast_in_dim3A_101 : i32 to vector<16xi32>
      %broadcast_in_dim3A_103 = arith.constant 1 : i32
      %broadcast_in_dim3A_104 = vector.broadcast %broadcast_in_dim3A_103 : i32 to vector<16xi32>
      %gather3A_105 = tpu.vector_load_idx %arg5[%add3A_72, %broadcast_in_dim3A_104] : memref<256x51xf32, #tpu.memory_space<vmem>>[vector<16xi32>, vector<16xi32>], vector<16xf32>,
      %gather3A_106 = tpu.vector_load_idx %arg5[%add3A_76, %broadcast_in_dim3A_104] : memref<256x51xf32, #tpu.memory_space<vmem>>[vector<16xi32>, vector<16xi32>], vector<16xf32>,
      %gather3A_107 = tpu.vector_load_idx %arg5[%add3A_80, %broadcast_in_dim3A_104] : memref<256x51xf32, #tpu.memory_space<vmem>>[vector<16xi32>, vector<16xi32>], vector<16xf32>,
      %gather3A_108 = tpu.vector_load_idx %arg5[%add3A_84, %broadcast_in_dim3A_104] : memref<256x51xf32, #tpu.memory_space<vmem>>[vector<16xi32>, vector<16xi32>], vector<16xf32>,
      %gt3A = arith.cmpf ogt, %gather3A_105, %gather3A : vector<16xf32>
      %max3A = arith.maximumf %gather3A, %gather3A_105 : vector<16xf32>
      %select_n3A = arith.select %gt3A, %broadcast_in_dim3A_104, %broadcast_in_dim3A_96 : vector<16xi1>, vector<16xi32>
      %gt3A_109 = arith.cmpf ogt, %gather3A_106, %gather3A_88 : vector<16xf32>
      %max3A_110 = arith.maximumf %gather3A_88, %gather3A_106 : vector<16xf32>
      %select_n3A_111 = arith.select %gt3A_109, %broadcast_in_dim3A_104, %broadcast_in_dim3A_98 : vector<16xi1>, vector<16xi32>
      %gt3A_112 = arith.cmpf ogt, %gather3A_107, %gather3A_91 : vector<16xf32>
      %max3A_113 = arith.maximumf %gather3A_91, %gather3A_107 : vector<16xf32>
      %select_n3A_114 = arith.select %gt3A_112, %broadcast_in_dim3A_104, %broadcast_in_dim3A_100 : vector<16xi1>, vector<16xi32>
      %gt3A_115 = arith.cmpf ogt, %gather3A_108, %gather3A_94 : vector<16xf32>
      %max3A_116 = arith.maximumf %gather3A_94, %gather3A_108 : vector<16xf32>
      %select_n3A_117 = arith.select %gt3A_115, %broadcast_in_dim3A_104, %broadcast_in_dim3A_102 : vector<16xi1>, vector<16xi32>
      %broadcast_in_dim3A_118 = arith.constant 2 : i32
      %broadcast_in_dim3A_119 = vector.broadcast %broadcast_in_dim3A_118 : i32 to vector<16xi32>
      %gather3A_120 = tpu.vector_load_idx %arg5[%add3A_72, %broadcast_in_dim3A_119] : memref<256x51xf32, #tpu.memory_space<vmem>>[vector<16xi32>, vector<16xi32>], vector<16xf32>,
      %gather3A_121 = tpu.vector_load_idx %arg5[%add3A_76, %broadcast_in_dim3A_119] : memref<256x51xf32, #tpu.memory_space<vmem>>[vector<16xi32>, vector<16xi32>], vector<16xf32>,
      %gather3A_122 = tpu.vector_load_idx %arg5[%add3A_80, %broadcast_in_dim3A_119] : memref<256x51xf32, #tpu.memory_space<vmem>>[vector<16xi32>, vector<16xi32>], vector<16xf32>,
      %gather3A_123 = tpu.vector_load_idx %arg5[%add3A_84, %broadcast_in_dim3A_119] : memref<256x51xf32, #tpu.memory_space<vmem>>[vector<16xi32>, vector<16xi32>], vector<16xf32>,
      %gt3A_124 = arith.cmpf ogt, %gather3A_120, %max3A : vector<16xf32>
      %max3A_125 = arith.maximumf %max3A, %gather3A_120 : vector<16xf32>
      %select_n3A_126 = arith.select %gt3A_124, %broadcast_in_dim3A_119, %select_n3A : vector<16xi1>, vector<16xi32>
      %gt3A_127 = arith.cmpf ogt, %gather3A_121, %max3A_110 : vector<16xf32>
      %max3A_128 = arith.maximumf %max3A_110, %gather3A_121 : vector<16xf32>
      %select_n3A_129 = arith.select %gt3A_127, %broadcast_in_dim3A_119, %select_n3A_111 : vector<16xi1>, vector<16xi32>
      %gt3A_130 = arith.cmpf ogt, %gather3A_122, %max3A_113 : vector<16xf32>
      %max3A_131 = arith.maximumf %max3A_113, %gather3A_122 : vector<16xf32>
      %select_n3A_132 = arith.select %gt3A_130, %broadcast_in_dim3A_119, %select_n3A_114 : vector<16xi1>, vector<16xi32>
      %gt3A_133 = arith.cmpf ogt, %gather3A_123, %max3A_116 : vector<16xf32>
      %max3A_134 = arith.maximumf %max3A_116, %gather3A_123 : vector<16xf32>
      %select_n3A_135 = arith.select %gt3A_133, %broadcast_in_dim3A_119, %select_n3A_117 : vector<16xi1>, vector<16xi32>
      %broadcast_in_dim3A_136 = arith.constant 3 : i32
      %broadcast_in_dim3A_137 = vector.broadcast %broadcast_in_dim3A_136 : i32 to vector<16xi32>
      %gather3A_138 = tpu.vector_load_idx %arg5[%add3A_72, %broadcast_in_dim3A_137] : memref<256x51xf32, #tpu.memory_space<vmem>>[vector<16xi32>, vector<16xi32>], vector<16xf32>,
      %gather3A_139 = tpu.vector_load_idx %arg5[%add3A_76, %broadcast_in_dim3A_137] : memref<256x51xf32, #tpu.memory_space<vmem>>[vector<16xi32>, vector<16xi32>], vector<16xf32>,
      %gather3A_140 = tpu.vector_load_idx %arg5[%add3A_80, %broadcast_in_dim3A_137] : memref<256x51xf32, #tpu.memory_space<vmem>>[vector<16xi32>, vector<16xi32>], vector<16xf32>,
      %gather3A_141 = tpu.vector_load_idx %arg5[%add3A_84, %broadcast_in_dim3A_137] : memref<256x51xf32, #tpu.memory_space<vmem>>[vector<16xi32>, vector<16xi32>], vector<16xf32>,
      %gt3A_142 = arith.cmpf ogt, %gather3A_138, %max3A_125 : vector<16xf32>
      %max3A_143 = arith.maximumf %max3A_125, %gather3A_138 : vector<16xf32>
      %select_n3A_144 = arith.select %gt3A_142, %broadcast_in_dim3A_137, %select_n3A_126 : vector<16xi1>, vector<16xi32>
      %gt3A_145 = arith.cmpf ogt, %gather3A_139, %max3A_128 : vector<16xf32>
      %max3A_146 = arith.maximumf %max3A_128, %gather3A_139 : vector<16xf32>
      %select_n3A_147 = arith.select %gt3A_145, %broadcast_in_dim3A_137, %select_n3A_129 : vector<16xi1>, vector<16xi32>
      %gt3A_148 = arith.cmpf ogt, %gather3A_140, %max3A_131 : vector<16xf32>
      %max3A_149 = arith.maximumf %max3A_131, %gather3A_140 : vector<16xf32>
      %select_n3A_150 = arith.select %gt3A_148, %broadcast_in_dim3A_137, %select_n3A_132 : vector<16xi1>, vector<16xi32>
      %gt3A_151 = arith.cmpf ogt, %gather3A_141, %max3A_134 : vector<16xf32>
      %max3A_152 = arith.maximumf %max3A_134, %gather3A_141 : vector<16xf32>
      %select_n3A_153 = arith.select %gt3A_151, %broadcast_in_dim3A_137, %select_n3A_135 : vector<16xi1>, vector<16xi32>
      %broadcast_in_dim3A_154 = arith.constant 4 : i32
      %broadcast_in_dim3A_155 = vector.broadcast %broadcast_in_dim3A_154 : i32 to vector<16xi32>
      %gather3A_156 = tpu.vector_load_idx %arg5[%add3A_72, %broadcast_in_dim3A_155] : memref<256x51xf32, #tpu.memory_space<vmem>>[vector<16xi32>, vector<16xi32>], vector<16xf32>,
      %gather3A_157 = tpu.vector_load_idx %arg5[%add3A_76, %broadcast_in_dim3A_155] : memref<256x51xf32, #tpu.memory_space<vmem>>[vector<16xi32>, vector<16xi32>], vector<16xf32>,
      %gather3A_158 = tpu.vector_load_idx %arg5[%add3A_80, %broadcast_in_dim3A_155] : memref<256x51xf32, #tpu.memory_space<vmem>>[vector<16xi32>, vector<16xi32>], vector<16xf32>,
      %gather3A_159 = tpu.vector_load_idx %arg5[%add3A_84, %broadcast_in_dim3A_155] : memref<256x51xf32, #tpu.memory_space<vmem>>[vector<16xi32>, vector<16xi32>], vector<16xf32>,
      %gt3A_160 = arith.cmpf ogt, %gather3A_156, %max3A_143 : vector<16xf32>
      %max3A_161 = arith.maximumf %max3A_143, %gather3A_156 : vector<16xf32>
      %select_n3A_162 = arith.select %gt3A_160, %broadcast_in_dim3A_155, %select_n3A_144 : vector<16xi1>, vector<16xi32>
      %gt3A_163 = arith.cmpf ogt, %gather3A_157, %max3A_146 : vector<16xf32>
      %max3A_164 = arith.maximumf %max3A_146, %gather3A_157 : vector<16xf32>
      %select_n3A_165 = arith.select %gt3A_163, %broadcast_in_dim3A_155, %select_n3A_147 : vector<16xi1>, vector<16xi32>
      %gt3A_166 = arith.cmpf ogt, %gather3A_158, %max3A_149 : vector<16xf32>
      %max3A_167 = arith.maximumf %max3A_149, %gather3A_158 : vector<16xf32>
      %select_n3A_168 = arith.select %gt3A_166, %broadcast_in_dim3A_155, %select_n3A_150 : vector<16xi1>, vector<16xi32>
      %gt3A_169 = arith.cmpf ogt, %gather3A_159, %max3A_152 : vector<16xf32>
      %max3A_170 = arith.maximumf %max3A_152, %gather3A_159 : vector<16xf32>
      %select_n3A_171 = arith.select %gt3A_169, %broadcast_in_dim3A_155, %select_n3A_153 : vector<16xi1>, vector<16xi32>
      %broadcast_in_dim3A_172 = arith.constant 5 : i32
      %broadcast_in_dim3A_173 = vector.broadcast %broadcast_in_dim3A_172 : i32 to vector<16xi32>
      %gather3A_174 = tpu.vector_load_idx %arg5[%add3A_72, %broadcast_in_dim3A_173] : memref<256x51xf32, #tpu.memory_space<vmem>>[vector<16xi32>, vector<16xi32>], vector<16xf32>,
      %gather3A_175 = tpu.vector_load_idx %arg5[%add3A_76, %broadcast_in_dim3A_173] : memref<256x51xf32, #tpu.memory_space<vmem>>[vector<16xi32>, vector<16xi32>], vector<16xf32>,
      %gather3A_176 = tpu.vector_load_idx %arg5[%add3A_80, %broadcast_in_dim3A_173] : memref<256x51xf32, #tpu.memory_space<vmem>>[vector<16xi32>, vector<16xi32>], vector<16xf32>,
      %gather3A_177 = tpu.vector_load_idx %arg5[%add3A_84, %broadcast_in_dim3A_173] : memref<256x51xf32, #tpu.memory_space<vmem>>[vector<16xi32>, vector<16xi32>], vector<16xf32>,
      %gt3A_178 = arith.cmpf ogt, %gather3A_174, %max3A_161 : vector<16xf32>
      %max3A_179 = arith.maximumf %max3A_161, %gather3A_174 : vector<16xf32>
      %select_n3A_180 = arith.select %gt3A_178, %broadcast_in_dim3A_173, %select_n3A_162 : vector<16xi1>, vector<16xi32>
      %gt3A_181 = arith.cmpf ogt, %gather3A_175, %max3A_164 : vector<16xf32>
      %max3A_182 = arith.maximumf %max3A_164, %gather3A_175 : vector<16xf32>
      %select_n3A_183 = arith.select %gt3A_181, %broadcast_in_dim3A_173, %select_n3A_165 : vector<16xi1>, vector<16xi32>
      %gt3A_184 = arith.cmpf ogt, %gather3A_176, %max3A_167 : vector<16xf32>
      %max3A_185 = arith.maximumf %max3A_167, %gather3A_176 : vector<16xf32>
      %select_n3A_186 = arith.select %gt3A_184, %broadcast_in_dim3A_173, %select_n3A_168 : vector<16xi1>, vector<16xi32>
      %gt3A_187 = arith.cmpf ogt, %gather3A_177, %max3A_170 : vector<16xf32>
      %max3A_188 = arith.maximumf %max3A_170, %gather3A_177 : vector<16xf32>
      %select_n3A_189 = arith.select %gt3A_187, %broadcast_in_dim3A_173, %select_n3A_171 : vector<16xi1>, vector<16xi32>
      %broadcast_in_dim3A_190 = arith.constant 6 : i32
      %broadcast_in_dim3A_191 = vector.broadcast %broadcast_in_dim3A_190 : i32 to vector<16xi32>
      %gather3A_192 = tpu.vector_load_idx %arg5[%add3A_72, %broadcast_in_dim3A_191] : memref<256x51xf32, #tpu.memory_space<vmem>>[vector<16xi32>, vector<16xi32>], vector<16xf32>,
      %gather3A_193 = tpu.vector_load_idx %arg5[%add3A_76, %broadcast_in_dim3A_191] : memref<256x51xf32, #tpu.memory_space<vmem>>[vector<16xi32>, vector<16xi32>], vector<16xf32>,
      %gather3A_194 = tpu.vector_load_idx %arg5[%add3A_80, %broadcast_in_dim3A_191] : memref<256x51xf32, #tpu.memory_space<vmem>>[vector<16xi32>, vector<16xi32>], vector<16xf32>,
      %gather3A_195 = tpu.vector_load_idx %arg5[%add3A_84, %broadcast_in_dim3A_191] : memref<256x51xf32, #tpu.memory_space<vmem>>[vector<16xi32>, vector<16xi32>], vector<16xf32>,
      %gt3A_196 = arith.cmpf ogt, %gather3A_192, %max3A_179 : vector<16xf32>
      %max3A_197 = arith.maximumf %max3A_179, %gather3A_192 : vector<16xf32>
      %select_n3A_198 = arith.select %gt3A_196, %broadcast_in_dim3A_191, %select_n3A_180 : vector<16xi1>, vector<16xi32>
      %gt3A_199 = arith.cmpf ogt, %gather3A_193, %max3A_182 : vector<16xf32>
      %max3A_200 = arith.maximumf %max3A_182, %gather3A_193 : vector<16xf32>
      %select_n3A_201 = arith.select %gt3A_199, %broadcast_in_dim3A_191, %select_n3A_183 : vector<16xi1>, vector<16xi32>
      %gt3A_202 = arith.cmpf ogt, %gather3A_194, %max3A_185 : vector<16xf32>
      %max3A_203 = arith.maximumf %max3A_185, %gather3A_194 : vector<16xf32>
      %select_n3A_204 = arith.select %gt3A_202, %broadcast_in_dim3A_191, %select_n3A_186 : vector<16xi1>, vector<16xi32>
      %gt3A_205 = arith.cmpf ogt, %gather3A_195, %max3A_188 : vector<16xf32>
      %max3A_206 = arith.maximumf %max3A_188, %gather3A_195 : vector<16xf32>
      %select_n3A_207 = arith.select %gt3A_205, %broadcast_in_dim3A_191, %select_n3A_189 : vector<16xi1>, vector<16xi32>
      %broadcast_in_dim3A_208 = arith.constant 7 : i32
      %broadcast_in_dim3A_209 = vector.broadcast %broadcast_in_dim3A_208 : i32 to vector<16xi32>
      %gather3A_210 = tpu.vector_load_idx %arg5[%add3A_72, %broadcast_in_dim3A_209] : memref<256x51xf32, #tpu.memory_space<vmem>>[vector<16xi32>, vector<16xi32>], vector<16xf32>,
      %gather3A_211 = tpu.vector_load_idx %arg5[%add3A_76, %broadcast_in_dim3A_209] : memref<256x51xf32, #tpu.memory_space<vmem>>[vector<16xi32>, vector<16xi32>], vector<16xf32>,
      %gather3A_212 = tpu.vector_load_idx %arg5[%add3A_80, %broadcast_in_dim3A_209] : memref<256x51xf32, #tpu.memory_space<vmem>>[vector<16xi32>, vector<16xi32>], vector<16xf32>,
      %gather3A_213 = tpu.vector_load_idx %arg5[%add3A_84, %broadcast_in_dim3A_209] : memref<256x51xf32, #tpu.memory_space<vmem>>[vector<16xi32>, vector<16xi32>], vector<16xf32>,
      %gt3A_214 = arith.cmpf ogt, %gather3A_210, %max3A_197 : vector<16xf32>
      %max3A_215 = arith.maximumf %max3A_197, %gather3A_210 : vector<16xf32>
      %select_n3A_216 = arith.select %gt3A_214, %broadcast_in_dim3A_209, %select_n3A_198 : vector<16xi1>, vector<16xi32>
      %gt3A_217 = arith.cmpf ogt, %gather3A_211, %max3A_200 : vector<16xf32>
      %max3A_218 = arith.maximumf %max3A_200, %gather3A_211 : vector<16xf32>
      %select_n3A_219 = arith.select %gt3A_217, %broadcast_in_dim3A_209, %select_n3A_201 : vector<16xi1>, vector<16xi32>
      %gt3A_220 = arith.cmpf ogt, %gather3A_212, %max3A_203 : vector<16xf32>
      %max3A_221 = arith.maximumf %max3A_203, %gather3A_212 : vector<16xf32>
      %select_n3A_222 = arith.select %gt3A_220, %broadcast_in_dim3A_209, %select_n3A_204 : vector<16xi1>, vector<16xi32>
      %gt3A_223 = arith.cmpf ogt, %gather3A_213, %max3A_206 : vector<16xf32>
      %max3A_224 = arith.maximumf %max3A_206, %gather3A_213 : vector<16xf32>
      %select_n3A_225 = arith.select %gt3A_223, %broadcast_in_dim3A_209, %select_n3A_207 : vector<16xi1>, vector<16xi32>
      %broadcast_in_dim3A_226 = arith.constant 8 : i32
      %broadcast_in_dim3A_227 = vector.broadcast %broadcast_in_dim3A_226 : i32 to vector<16xi32>
      %gather3A_228 = tpu.vector_load_idx %arg5[%add3A_72, %broadcast_in_dim3A_227] : memref<256x51xf32, #tpu.memory_space<vmem>>[vector<16xi32>, vector<16xi32>], vector<16xf32>,
      %gather3A_229 = tpu.vector_load_idx %arg5[%add3A_76, %broadcast_in_dim3A_227] : memref<256x51xf32, #tpu.memory_space<vmem>>[vector<16xi32>, vector<16xi32>], vector<16xf32>,
      %gather3A_230 = tpu.vector_load_idx %arg5[%add3A_80, %broadcast_in_dim3A_227] : memref<256x51xf32, #tpu.memory_space<vmem>>[vector<16xi32>, vector<16xi32>], vector<16xf32>,
      %gather3A_231 = tpu.vector_load_idx %arg5[%add3A_84, %broadcast_in_dim3A_227] : memref<256x51xf32, #tpu.memory_space<vmem>>[vector<16xi32>, vector<16xi32>], vector<16xf32>,
      %gt3A_232 = arith.cmpf ogt, %gather3A_228, %max3A_215 : vector<16xf32>
      %max3A_233 = arith.maximumf %max3A_215, %gather3A_228 : vector<16xf32>
      %select_n3A_234 = arith.select %gt3A_232, %broadcast_in_dim3A_227, %select_n3A_216 : vector<16xi1>, vector<16xi32>
      %gt3A_235 = arith.cmpf ogt, %gather3A_229, %max3A_218 : vector<16xf32>
      %max3A_236 = arith.maximumf %max3A_218, %gather3A_229 : vector<16xf32>
      %select_n3A_237 = arith.select %gt3A_235, %broadcast_in_dim3A_227, %select_n3A_219 : vector<16xi1>, vector<16xi32>
      %gt3A_238 = arith.cmpf ogt, %gather3A_230, %max3A_221 : vector<16xf32>
      %max3A_239 = arith.maximumf %max3A_221, %gather3A_230 : vector<16xf32>
      %select_n3A_240 = arith.select %gt3A_238, %broadcast_in_dim3A_227, %select_n3A_222 : vector<16xi1>, vector<16xi32>
      %gt3A_241 = arith.cmpf ogt, %gather3A_231, %max3A_224 : vector<16xf32>
      %max3A_242 = arith.maximumf %max3A_224, %gather3A_231 : vector<16xf32>
      %select_n3A_243 = arith.select %gt3A_241, %broadcast_in_dim3A_227, %select_n3A_225 : vector<16xi1>, vector<16xi32>
      %broadcast_in_dim3A_244 = arith.constant 9 : i32
      %broadcast_in_dim3A_245 = vector.broadcast %broadcast_in_dim3A_244 : i32 to vector<16xi32>
      %gather3A_246 = tpu.vector_load_idx %arg5[%add3A_72, %broadcast_in_dim3A_245] : memref<256x51xf32, #tpu.memory_space<vmem>>[vector<16xi32>, vector<16xi32>], vector<16xf32>,
      %gather3A_247 = tpu.vector_load_idx %arg5[%add3A_76, %broadcast_in_dim3A_245] : memref<256x51xf32, #tpu.memory_space<vmem>>[vector<16xi32>, vector<16xi32>], vector<16xf32>,
      %gather3A_248 = tpu.vector_load_idx %arg5[%add3A_80, %broadcast_in_dim3A_245] : memref<256x51xf32, #tpu.memory_space<vmem>>[vector<16xi32>, vector<16xi32>], vector<16xf32>,
      %gather3A_249 = tpu.vector_load_idx %arg5[%add3A_84, %broadcast_in_dim3A_245] : memref<256x51xf32, #tpu.memory_space<vmem>>[vector<16xi32>, vector<16xi32>], vector<16xf32>,
      %gt3A_250 = arith.cmpf ogt, %gather3A_246, %max3A_233 : vector<16xf32>
      %max3A_251 = arith.maximumf %max3A_233, %gather3A_246 : vector<16xf32>
      %select_n3A_252 = arith.select %gt3A_250, %broadcast_in_dim3A_245, %select_n3A_234 : vector<16xi1>, vector<16xi32>
      %gt3A_253 = arith.cmpf ogt, %gather3A_247, %max3A_236 : vector<16xf32>
      %max3A_254 = arith.maximumf %max3A_236, %gather3A_247 : vector<16xf32>
      %select_n3A_255 = arith.select %gt3A_253, %broadcast_in_dim3A_245, %select_n3A_237 : vector<16xi1>, vector<16xi32>
      %gt3A_256 = arith.cmpf ogt, %gather3A_248, %max3A_239 : vector<16xf32>
      %max3A_257 = arith.maximumf %max3A_239, %gather3A_248 : vector<16xf32>
      %select_n3A_258 = arith.select %gt3A_256, %broadcast_in_dim3A_245, %select_n3A_240 : vector<16xi1>, vector<16xi32>
      %gt3A_259 = arith.cmpf ogt, %gather3A_249, %max3A_242 : vector<16xf32>
      %max3A_260 = arith.maximumf %max3A_242, %gather3A_249 : vector<16xf32>
      %select_n3A_261 = arith.select %gt3A_259, %broadcast_in_dim3A_245, %select_n3A_243 : vector<16xi1>, vector<16xi32>
      %broadcast_in_dim3A_262 = arith.constant 10 : i32
      %broadcast_in_dim3A_263 = vector.broadcast %broadcast_in_dim3A_262 : i32 to vector<16xi32>
      %gather3A_264 = tpu.vector_load_idx %arg5[%add3A_72, %broadcast_in_dim3A_263] : memref<256x51xf32, #tpu.memory_space<vmem>>[vector<16xi32>, vector<16xi32>], vector<16xf32>,
      %gather3A_265 = tpu.vector_load_idx %arg5[%add3A_76, %broadcast_in_dim3A_263] : memref<256x51xf32, #tpu.memory_space<vmem>>[vector<16xi32>, vector<16xi32>], vector<16xf32>,
      %gather3A_266 = tpu.vector_load_idx %arg5[%add3A_80, %broadcast_in_dim3A_263] : memref<256x51xf32, #tpu.memory_space<vmem>>[vector<16xi32>, vector<16xi32>], vector<16xf32>,
      %gather3A_267 = tpu.vector_load_idx %arg5[%add3A_84, %broadcast_in_dim3A_263] : memref<256x51xf32, #tpu.memory_space<vmem>>[vector<16xi32>, vector<16xi32>], vector<16xf32>,
      %gt3A_268 = arith.cmpf ogt, %gather3A_264, %max3A_251 : vector<16xf32>
      %max3A_269 = arith.maximumf %max3A_251, %gather3A_264 : vector<16xf32>
      %select_n3A_270 = arith.select %gt3A_268, %broadcast_in_dim3A_263, %select_n3A_252 : vector<16xi1>, vector<16xi32>
      %gt3A_271 = arith.cmpf ogt, %gather3A_265, %max3A_254 : vector<16xf32>
      %max3A_272 = arith.maximumf %max3A_254, %gather3A_265 : vector<16xf32>
      %select_n3A_273 = arith.select %gt3A_271, %broadcast_in_dim3A_263, %select_n3A_255 : vector<16xi1>, vector<16xi32>
      %gt3A_274 = arith.cmpf ogt, %gather3A_266, %max3A_257 : vector<16xf32>
      %max3A_275 = arith.maximumf %max3A_257, %gather3A_266 : vector<16xf32>
      %select_n3A_276 = arith.select %gt3A_274, %broadcast_in_dim3A_263, %select_n3A_258 : vector<16xi1>, vector<16xi32>
      %gt3A_277 = arith.cmpf ogt, %gather3A_267, %max3A_260 : vector<16xf32>
      %max3A_278 = arith.maximumf %max3A_260, %gather3A_267 : vector<16xf32>
      %select_n3A_279 = arith.select %gt3A_277, %broadcast_in_dim3A_263, %select_n3A_261 : vector<16xi1>, vector<16xi32>
      %broadcast_in_dim3A_280 = arith.constant 11 : i32
      %broadcast_in_dim3A_281 = vector.broadcast %broadcast_in_dim3A_280 : i32 to vector<16xi32>
      %gather3A_282 = tpu.vector_load_idx %arg5[%add3A_72, %broadcast_in_dim3A_281] : memref<256x51xf32, #tpu.memory_space<vmem>>[vector<16xi32>, vector<16xi32>], vector<16xf32>,
      %gather3A_283 = tpu.vector_load_idx %arg5[%add3A_76, %broadcast_in_dim3A_281] : memref<256x51xf32, #tpu.memory_space<vmem>>[vector<16xi32>, vector<16xi32>], vector<16xf32>,
      %gather3A_284 = tpu.vector_load_idx %arg5[%add3A_80, %broadcast_in_dim3A_281] : memref<256x51xf32, #tpu.memory_space<vmem>>[vector<16xi32>, vector<16xi32>], vector<16xf32>,
      %gather3A_285 = tpu.vector_load_idx %arg5[%add3A_84, %broadcast_in_dim3A_281] : memref<256x51xf32, #tpu.memory_space<vmem>>[vector<16xi32>, vector<16xi32>], vector<16xf32>,
      %gt3A_286 = arith.cmpf ogt, %gather3A_282, %max3A_269 : vector<16xf32>
      %max3A_287 = arith.maximumf %max3A_269, %gather3A_282 : vector<16xf32>
      %select_n3A_288 = arith.select %gt3A_286, %broadcast_in_dim3A_281, %select_n3A_270 : vector<16xi1>, vector<16xi32>
      %gt3A_289 = arith.cmpf ogt, %gather3A_283, %max3A_272 : vector<16xf32>
      %max3A_290 = arith.maximumf %max3A_272, %gather3A_283 : vector<16xf32>
      %select_n3A_291 = arith.select %gt3A_289, %broadcast_in_dim3A_281, %select_n3A_273 : vector<16xi1>, vector<16xi32>
      %gt3A_292 = arith.cmpf ogt, %gather3A_284, %max3A_275 : vector<16xf32>
      %max3A_293 = arith.maximumf %max3A_275, %gather3A_284 : vector<16xf32>
      %select_n3A_294 = arith.select %gt3A_292, %broadcast_in_dim3A_281, %select_n3A_276 : vector<16xi1>, vector<16xi32>
      %gt3A_295 = arith.cmpf ogt, %gather3A_285, %max3A_278 : vector<16xf32>
      %max3A_296 = arith.maximumf %max3A_278, %gather3A_285 : vector<16xf32>
      %select_n3A_297 = arith.select %gt3A_295, %broadcast_in_dim3A_281, %select_n3A_279 : vector<16xi1>, vector<16xi32>
      %broadcast_in_dim3A_298 = arith.constant 12 : i32
      %broadcast_in_dim3A_299 = vector.broadcast %broadcast_in_dim3A_298 : i32 to vector<16xi32>
      %gather3A_300 = tpu.vector_load_idx %arg5[%add3A_72, %broadcast_in_dim3A_299] : memref<256x51xf32, #tpu.memory_space<vmem>>[vector<16xi32>, vector<16xi32>], vector<16xf32>,
      %gather3A_301 = tpu.vector_load_idx %arg5[%add3A_76, %broadcast_in_dim3A_299] : memref<256x51xf32, #tpu.memory_space<vmem>>[vector<16xi32>, vector<16xi32>], vector<16xf32>,
      %gather3A_302 = tpu.vector_load_idx %arg5[%add3A_80, %broadcast_in_dim3A_299] : memref<256x51xf32, #tpu.memory_space<vmem>>[vector<16xi32>, vector<16xi32>], vector<16xf32>,
      %gather3A_303 = tpu.vector_load_idx %arg5[%add3A_84, %broadcast_in_dim3A_299] : memref<256x51xf32, #tpu.memory_space<vmem>>[vector<16xi32>, vector<16xi32>], vector<16xf32>,
      %gt3A_304 = arith.cmpf ogt, %gather3A_300, %max3A_287 : vector<16xf32>
      %max3A_305 = arith.maximumf %max3A_287, %gather3A_300 : vector<16xf32>
      %select_n3A_306 = arith.select %gt3A_304, %broadcast_in_dim3A_299, %select_n3A_288 : vector<16xi1>, vector<16xi32>
      %gt3A_307 = arith.cmpf ogt, %gather3A_301, %max3A_290 : vector<16xf32>
      %max3A_308 = arith.maximumf %max3A_290, %gather3A_301 : vector<16xf32>
      %select_n3A_309 = arith.select %gt3A_307, %broadcast_in_dim3A_299, %select_n3A_291 : vector<16xi1>, vector<16xi32>
      %gt3A_310 = arith.cmpf ogt, %gather3A_302, %max3A_293 : vector<16xf32>
      %max3A_311 = arith.maximumf %max3A_293, %gather3A_302 : vector<16xf32>
      %select_n3A_312 = arith.select %gt3A_310, %broadcast_in_dim3A_299, %select_n3A_294 : vector<16xi1>, vector<16xi32>
      %gt3A_313 = arith.cmpf ogt, %gather3A_303, %max3A_296 : vector<16xf32>
      %max3A_314 = arith.maximumf %max3A_296, %gather3A_303 : vector<16xf32>
      %select_n3A_315 = arith.select %gt3A_313, %broadcast_in_dim3A_299, %select_n3A_297 : vector<16xi1>, vector<16xi32>
      %broadcast_in_dim3A_316 = arith.constant 13 : i32
      %broadcast_in_dim3A_317 = vector.broadcast %broadcast_in_dim3A_316 : i32 to vector<16xi32>
      %gather3A_318 = tpu.vector_load_idx %arg5[%add3A_72, %broadcast_in_dim3A_317] : memref<256x51xf32, #tpu.memory_space<vmem>>[vector<16xi32>, vector<16xi32>], vector<16xf32>,
      %gather3A_319 = tpu.vector_load_idx %arg5[%add3A_76, %broadcast_in_dim3A_317] : memref<256x51xf32, #tpu.memory_space<vmem>>[vector<16xi32>, vector<16xi32>], vector<16xf32>,
      %gather3A_320 = tpu.vector_load_idx %arg5[%add3A_80, %broadcast_in_dim3A_317] : memref<256x51xf32, #tpu.memory_space<vmem>>[vector<16xi32>, vector<16xi32>], vector<16xf32>,
      %gather3A_321 = tpu.vector_load_idx %arg5[%add3A_84, %broadcast_in_dim3A_317] : memref<256x51xf32, #tpu.memory_space<vmem>>[vector<16xi32>, vector<16xi32>], vector<16xf32>,
      %gt3A_322 = arith.cmpf ogt, %gather3A_318, %max3A_305 : vector<16xf32>
      %max3A_323 = arith.maximumf %max3A_305, %gather3A_318 : vector<16xf32>
      %select_n3A_324 = arith.select %gt3A_322, %broadcast_in_dim3A_317, %select_n3A_306 : vector<16xi1>, vector<16xi32>
      %gt3A_325 = arith.cmpf ogt, %gather3A_319, %max3A_308 : vector<16xf32>
      %max3A_326 = arith.maximumf %max3A_308, %gather3A_319 : vector<16xf32>
      %select_n3A_327 = arith.select %gt3A_325, %broadcast_in_dim3A_317, %select_n3A_309 : vector<16xi1>, vector<16xi32>
      %gt3A_328 = arith.cmpf ogt, %gather3A_320, %max3A_311 : vector<16xf32>
      %max3A_329 = arith.maximumf %max3A_311, %gather3A_320 : vector<16xf32>
      %select_n3A_330 = arith.select %gt3A_328, %broadcast_in_dim3A_317, %select_n3A_312 : vector<16xi1>, vector<16xi32>
      %gt3A_331 = arith.cmpf ogt, %gather3A_321, %max3A_314 : vector<16xf32>
      %max3A_332 = arith.maximumf %max3A_314, %gather3A_321 : vector<16xf32>
      %select_n3A_333 = arith.select %gt3A_331, %broadcast_in_dim3A_317, %select_n3A_315 : vector<16xi1>, vector<16xi32>
      %broadcast_in_dim3A_334 = arith.constant 14 : i32
      %broadcast_in_dim3A_335 = vector.broadcast %broadcast_in_dim3A_334 : i32 to vector<16xi32>
      %gather3A_336 = tpu.vector_load_idx %arg5[%add3A_72, %broadcast_in_dim3A_335] : memref<256x51xf32, #tpu.memory_space<vmem>>[vector<16xi32>, vector<16xi32>], vector<16xf32>,
      %gather3A_337 = tpu.vector_load_idx %arg5[%add3A_76, %broadcast_in_dim3A_335] : memref<256x51xf32, #tpu.memory_space<vmem>>[vector<16xi32>, vector<16xi32>], vector<16xf32>,
      %gather3A_338 = tpu.vector_load_idx %arg5[%add3A_80, %broadcast_in_dim3A_335] : memref<256x51xf32, #tpu.memory_space<vmem>>[vector<16xi32>, vector<16xi32>], vector<16xf32>,
      %gather3A_339 = tpu.vector_load_idx %arg5[%add3A_84, %broadcast_in_dim3A_335] : memref<256x51xf32, #tpu.memory_space<vmem>>[vector<16xi32>, vector<16xi32>], vector<16xf32>,
      %gt3A_340 = arith.cmpf ogt, %gather3A_336, %max3A_323 : vector<16xf32>
      %max3A_341 = arith.maximumf %max3A_323, %gather3A_336 : vector<16xf32>
      %select_n3A_342 = arith.select %gt3A_340, %broadcast_in_dim3A_335, %select_n3A_324 : vector<16xi1>, vector<16xi32>
      %gt3A_343 = arith.cmpf ogt, %gather3A_337, %max3A_326 : vector<16xf32>
      %max3A_344 = arith.maximumf %max3A_326, %gather3A_337 : vector<16xf32>
      %select_n3A_345 = arith.select %gt3A_343, %broadcast_in_dim3A_335, %select_n3A_327 : vector<16xi1>, vector<16xi32>
      %gt3A_346 = arith.cmpf ogt, %gather3A_338, %max3A_329 : vector<16xf32>
      %max3A_347 = arith.maximumf %max3A_329, %gather3A_338 : vector<16xf32>
      %select_n3A_348 = arith.select %gt3A_346, %broadcast_in_dim3A_335, %select_n3A_330 : vector<16xi1>, vector<16xi32>
      %gt3A_349 = arith.cmpf ogt, %gather3A_339, %max3A_332 : vector<16xf32>
      %max3A_350 = arith.maximumf %max3A_332, %gather3A_339 : vector<16xf32>
      %select_n3A_351 = arith.select %gt3A_349, %broadcast_in_dim3A_335, %select_n3A_333 : vector<16xi1>, vector<16xi32>
      %broadcast_in_dim3A_352 = arith.constant 15 : i32
      %broadcast_in_dim3A_353 = vector.broadcast %broadcast_in_dim3A_352 : i32 to vector<16xi32>
      %gather3A_354 = tpu.vector_load_idx %arg5[%add3A_72, %broadcast_in_dim3A_353] : memref<256x51xf32, #tpu.memory_space<vmem>>[vector<16xi32>, vector<16xi32>], vector<16xf32>,
      %gather3A_355 = tpu.vector_load_idx %arg5[%add3A_76, %broadcast_in_dim3A_353] : memref<256x51xf32, #tpu.memory_space<vmem>>[vector<16xi32>, vector<16xi32>], vector<16xf32>,
      %gather3A_356 = tpu.vector_load_idx %arg5[%add3A_80, %broadcast_in_dim3A_353] : memref<256x51xf32, #tpu.memory_space<vmem>>[vector<16xi32>, vector<16xi32>], vector<16xf32>,
      %gather3A_357 = tpu.vector_load_idx %arg5[%add3A_84, %broadcast_in_dim3A_353] : memref<256x51xf32, #tpu.memory_space<vmem>>[vector<16xi32>, vector<16xi32>], vector<16xf32>,
      %gt3A_358 = arith.cmpf ogt, %gather3A_354, %max3A_341 : vector<16xf32>
      %max3A_359 = arith.maximumf %max3A_341, %gather3A_354 : vector<16xf32>
      %select_n3A_360 = arith.select %gt3A_358, %broadcast_in_dim3A_353, %select_n3A_342 : vector<16xi1>, vector<16xi32>
      %gt3A_361 = arith.cmpf ogt, %gather3A_355, %max3A_344 : vector<16xf32>
      %max3A_362 = arith.maximumf %max3A_344, %gather3A_355 : vector<16xf32>
      %select_n3A_363 = arith.select %gt3A_361, %broadcast_in_dim3A_353, %select_n3A_345 : vector<16xi1>, vector<16xi32>
      %gt3A_364 = arith.cmpf ogt, %gather3A_356, %max3A_347 : vector<16xf32>
      %max3A_365 = arith.maximumf %max3A_347, %gather3A_356 : vector<16xf32>
      %select_n3A_366 = arith.select %gt3A_364, %broadcast_in_dim3A_353, %select_n3A_348 : vector<16xi1>, vector<16xi32>
      %gt3A_367 = arith.cmpf ogt, %gather3A_357, %max3A_350 : vector<16xf32>
      %max3A_368 = arith.maximumf %max3A_350, %gather3A_357 : vector<16xf32>
      %select_n3A_369 = arith.select %gt3A_367, %broadcast_in_dim3A_353, %select_n3A_351 : vector<16xi1>, vector<16xi32>
      %broadcast_in_dim3A_370 = arith.constant 16 : i32
      %broadcast_in_dim3A_371 = vector.broadcast %broadcast_in_dim3A_370 : i32 to vector<16xi32>
      %gather3A_372 = tpu.vector_load_idx %arg5[%add3A_72, %broadcast_in_dim3A_371] : memref<256x51xf32, #tpu.memory_space<vmem>>[vector<16xi32>, vector<16xi32>], vector<16xf32>,
      %gather3A_373 = tpu.vector_load_idx %arg5[%add3A_76, %broadcast_in_dim3A_371] : memref<256x51xf32, #tpu.memory_space<vmem>>[vector<16xi32>, vector<16xi32>], vector<16xf32>,
      %gather3A_374 = tpu.vector_load_idx %arg5[%add3A_80, %broadcast_in_dim3A_371] : memref<256x51xf32, #tpu.memory_space<vmem>>[vector<16xi32>, vector<16xi32>], vector<16xf32>,
      %gather3A_375 = tpu.vector_load_idx %arg5[%add3A_84, %broadcast_in_dim3A_371] : memref<256x51xf32, #tpu.memory_space<vmem>>[vector<16xi32>, vector<16xi32>], vector<16xf32>,
      %gt3A_376 = arith.cmpf ogt, %gather3A_372, %max3A_359 : vector<16xf32>
      %max3A_377 = arith.maximumf %max3A_359, %gather3A_372 : vector<16xf32>
      %select_n3A_378 = arith.select %gt3A_376, %broadcast_in_dim3A_371, %select_n3A_360 : vector<16xi1>, vector<16xi32>
      %gt3A_379 = arith.cmpf ogt, %gather3A_373, %max3A_362 : vector<16xf32>
      %max3A_380 = arith.maximumf %max3A_362, %gather3A_373 : vector<16xf32>
      %select_n3A_381 = arith.select %gt3A_379, %broadcast_in_dim3A_371, %select_n3A_363 : vector<16xi1>, vector<16xi32>
      %gt3A_382 = arith.cmpf ogt, %gather3A_374, %max3A_365 : vector<16xf32>
      %max3A_383 = arith.maximumf %max3A_365, %gather3A_374 : vector<16xf32>
      %select_n3A_384 = arith.select %gt3A_382, %broadcast_in_dim3A_371, %select_n3A_366 : vector<16xi1>, vector<16xi32>
      %gt3A_385 = arith.cmpf ogt, %gather3A_375, %max3A_368 : vector<16xf32>
      %max3A_386 = arith.maximumf %max3A_368, %gather3A_375 : vector<16xf32>
      %select_n3A_387 = arith.select %gt3A_385, %broadcast_in_dim3A_371, %select_n3A_369 : vector<16xi1>, vector<16xi32>
      %broadcast_in_dim3A_388 = arith.constant 17 : i32
      %broadcast_in_dim3A_389 = vector.broadcast %broadcast_in_dim3A_388 : i32 to vector<16xi32>
      %gather3A_390 = tpu.vector_load_idx %arg5[%add3A_72, %broadcast_in_dim3A_389] : memref<256x51xf32, #tpu.memory_space<vmem>>[vector<16xi32>, vector<16xi32>], vector<16xf32>,
      %gather3A_391 = tpu.vector_load_idx %arg5[%add3A_76, %broadcast_in_dim3A_389] : memref<256x51xf32, #tpu.memory_space<vmem>>[vector<16xi32>, vector<16xi32>], vector<16xf32>,
      %gather3A_392 = tpu.vector_load_idx %arg5[%add3A_80, %broadcast_in_dim3A_389] : memref<256x51xf32, #tpu.memory_space<vmem>>[vector<16xi32>, vector<16xi32>], vector<16xf32>,
      %gather3A_393 = tpu.vector_load_idx %arg5[%add3A_84, %broadcast_in_dim3A_389] : memref<256x51xf32, #tpu.memory_space<vmem>>[vector<16xi32>, vector<16xi32>], vector<16xf32>,
      %gt3A_394 = arith.cmpf ogt, %gather3A_390, %max3A_377 : vector<16xf32>
      %max3A_395 = arith.maximumf %max3A_377, %gather3A_390 : vector<16xf32>
      %select_n3A_396 = arith.select %gt3A_394, %broadcast_in_dim3A_389, %select_n3A_378 : vector<16xi1>, vector<16xi32>
      %gt3A_397 = arith.cmpf ogt, %gather3A_391, %max3A_380 : vector<16xf32>
      %max3A_398 = arith.maximumf %max3A_380, %gather3A_391 : vector<16xf32>
      %select_n3A_399 = arith.select %gt3A_397, %broadcast_in_dim3A_389, %select_n3A_381 : vector<16xi1>, vector<16xi32>
      %gt3A_400 = arith.cmpf ogt, %gather3A_392, %max3A_383 : vector<16xf32>
      %max3A_401 = arith.maximumf %max3A_383, %gather3A_392 : vector<16xf32>
      %select_n3A_402 = arith.select %gt3A_400, %broadcast_in_dim3A_389, %select_n3A_384 : vector<16xi1>, vector<16xi32>
      %gt3A_403 = arith.cmpf ogt, %gather3A_393, %max3A_386 : vector<16xf32>
      %max3A_404 = arith.maximumf %max3A_386, %gather3A_393 : vector<16xf32>
      %select_n3A_405 = arith.select %gt3A_403, %broadcast_in_dim3A_389, %select_n3A_387 : vector<16xi1>, vector<16xi32>
      %broadcast_in_dim3A_406 = arith.constant 18 : i32
      %broadcast_in_dim3A_407 = vector.broadcast %broadcast_in_dim3A_406 : i32 to vector<16xi32>
      %gather3A_408 = tpu.vector_load_idx %arg5[%add3A_72, %broadcast_in_dim3A_407] : memref<256x51xf32, #tpu.memory_space<vmem>>[vector<16xi32>, vector<16xi32>], vector<16xf32>,
      %gather3A_409 = tpu.vector_load_idx %arg5[%add3A_76, %broadcast_in_dim3A_407] : memref<256x51xf32, #tpu.memory_space<vmem>>[vector<16xi32>, vector<16xi32>], vector<16xf32>,
      %gather3A_410 = tpu.vector_load_idx %arg5[%add3A_80, %broadcast_in_dim3A_407] : memref<256x51xf32, #tpu.memory_space<vmem>>[vector<16xi32>, vector<16xi32>], vector<16xf32>,
      %gather3A_411 = tpu.vector_load_idx %arg5[%add3A_84, %broadcast_in_dim3A_407] : memref<256x51xf32, #tpu.memory_space<vmem>>[vector<16xi32>, vector<16xi32>], vector<16xf32>,
      %gt3A_412 = arith.cmpf ogt, %gather3A_408, %max3A_395 : vector<16xf32>
      %max3A_413 = arith.maximumf %max3A_395, %gather3A_408 : vector<16xf32>
      %select_n3A_414 = arith.select %gt3A_412, %broadcast_in_dim3A_407, %select_n3A_396 : vector<16xi1>, vector<16xi32>
      %gt3A_415 = arith.cmpf ogt, %gather3A_409, %max3A_398 : vector<16xf32>
      %max3A_416 = arith.maximumf %max3A_398, %gather3A_409 : vector<16xf32>
      %select_n3A_417 = arith.select %gt3A_415, %broadcast_in_dim3A_407, %select_n3A_399 : vector<16xi1>, vector<16xi32>
      %gt3A_418 = arith.cmpf ogt, %gather3A_410, %max3A_401 : vector<16xf32>
      %max3A_419 = arith.maximumf %max3A_401, %gather3A_410 : vector<16xf32>
      %select_n3A_420 = arith.select %gt3A_418, %broadcast_in_dim3A_407, %select_n3A_402 : vector<16xi1>, vector<16xi32>
      %gt3A_421 = arith.cmpf ogt, %gather3A_411, %max3A_404 : vector<16xf32>
      %max3A_422 = arith.maximumf %max3A_404, %gather3A_411 : vector<16xf32>
      %select_n3A_423 = arith.select %gt3A_421, %broadcast_in_dim3A_407, %select_n3A_405 : vector<16xi1>, vector<16xi32>
      %broadcast_in_dim3A_424 = arith.constant 19 : i32
      %broadcast_in_dim3A_425 = vector.broadcast %broadcast_in_dim3A_424 : i32 to vector<16xi32>
      %gather3A_426 = tpu.vector_load_idx %arg5[%add3A_72, %broadcast_in_dim3A_425] : memref<256x51xf32, #tpu.memory_space<vmem>>[vector<16xi32>, vector<16xi32>], vector<16xf32>,
      %gather3A_427 = tpu.vector_load_idx %arg5[%add3A_76, %broadcast_in_dim3A_425] : memref<256x51xf32, #tpu.memory_space<vmem>>[vector<16xi32>, vector<16xi32>], vector<16xf32>,
      %gather3A_428 = tpu.vector_load_idx %arg5[%add3A_80, %broadcast_in_dim3A_425] : memref<256x51xf32, #tpu.memory_space<vmem>>[vector<16xi32>, vector<16xi32>], vector<16xf32>,
      %gather3A_429 = tpu.vector_load_idx %arg5[%add3A_84, %broadcast_in_dim3A_425] : memref<256x51xf32, #tpu.memory_space<vmem>>[vector<16xi32>, vector<16xi32>], vector<16xf32>,
      %gt3A_430 = arith.cmpf ogt, %gather3A_426, %max3A_413 : vector<16xf32>
      %max3A_431 = arith.maximumf %max3A_413, %gather3A_426 : vector<16xf32>
      %select_n3A_432 = arith.select %gt3A_430, %broadcast_in_dim3A_425, %select_n3A_414 : vector<16xi1>, vector<16xi32>
      %gt3A_433 = arith.cmpf ogt, %gather3A_427, %max3A_416 : vector<16xf32>
      %max3A_434 = arith.maximumf %max3A_416, %gather3A_427 : vector<16xf32>
      %select_n3A_435 = arith.select %gt3A_433, %broadcast_in_dim3A_425, %select_n3A_417 : vector<16xi1>, vector<16xi32>
      %gt3A_436 = arith.cmpf ogt, %gather3A_428, %max3A_419 : vector<16xf32>
      %max3A_437 = arith.maximumf %max3A_419, %gather3A_428 : vector<16xf32>
      %select_n3A_438 = arith.select %gt3A_436, %broadcast_in_dim3A_425, %select_n3A_420 : vector<16xi1>, vector<16xi32>
      %gt3A_439 = arith.cmpf ogt, %gather3A_429, %max3A_422 : vector<16xf32>
      %max3A_440 = arith.maximumf %max3A_422, %gather3A_429 : vector<16xf32>
      %select_n3A_441 = arith.select %gt3A_439, %broadcast_in_dim3A_425, %select_n3A_423 : vector<16xi1>, vector<16xi32>
      %broadcast_in_dim3A_442 = arith.constant 20 : i32
      %broadcast_in_dim3A_443 = vector.broadcast %broadcast_in_dim3A_442 : i32 to vector<16xi32>
      %gather3A_444 = tpu.vector_load_idx %arg5[%add3A_72, %broadcast_in_dim3A_443] : memref<256x51xf32, #tpu.memory_space<vmem>>[vector<16xi32>, vector<16xi32>], vector<16xf32>,
      %gather3A_445 = tpu.vector_load_idx %arg5[%add3A_76, %broadcast_in_dim3A_443] : memref<256x51xf32, #tpu.memory_space<vmem>>[vector<16xi32>, vector<16xi32>], vector<16xf32>,
      %gather3A_446 = tpu.vector_load_idx %arg5[%add3A_80, %broadcast_in_dim3A_443] : memref<256x51xf32, #tpu.memory_space<vmem>>[vector<16xi32>, vector<16xi32>], vector<16xf32>,
      %gather3A_447 = tpu.vector_load_idx %arg5[%add3A_84, %broadcast_in_dim3A_443] : memref<256x51xf32, #tpu.memory_space<vmem>>[vector<16xi32>, vector<16xi32>], vector<16xf32>,
      %gt3A_448 = arith.cmpf ogt, %gather3A_444, %max3A_431 : vector<16xf32>
      %max3A_449 = arith.maximumf %max3A_431, %gather3A_444 : vector<16xf32>
      %select_n3A_450 = arith.select %gt3A_448, %broadcast_in_dim3A_443, %select_n3A_432 : vector<16xi1>, vector<16xi32>
      %gt3A_451 = arith.cmpf ogt, %gather3A_445, %max3A_434 : vector<16xf32>
      %max3A_452 = arith.maximumf %max3A_434, %gather3A_445 : vector<16xf32>
      %select_n3A_453 = arith.select %gt3A_451, %broadcast_in_dim3A_443, %select_n3A_435 : vector<16xi1>, vector<16xi32>
      %gt3A_454 = arith.cmpf ogt, %gather3A_446, %max3A_437 : vector<16xf32>
      %max3A_455 = arith.maximumf %max3A_437, %gather3A_446 : vector<16xf32>
      %select_n3A_456 = arith.select %gt3A_454, %broadcast_in_dim3A_443, %select_n3A_438 : vector<16xi1>, vector<16xi32>
      %gt3A_457 = arith.cmpf ogt, %gather3A_447, %max3A_440 : vector<16xf32>
      %max3A_458 = arith.maximumf %max3A_440, %gather3A_447 : vector<16xf32>
      %select_n3A_459 = arith.select %gt3A_457, %broadcast_in_dim3A_443, %select_n3A_441 : vector<16xi1>, vector<16xi32>
      %broadcast_in_dim3A_460 = arith.constant 21 : i32
      %broadcast_in_dim3A_461 = vector.broadcast %broadcast_in_dim3A_460 : i32 to vector<16xi32>
      %gather3A_462 = tpu.vector_load_idx %arg5[%add3A_72, %broadcast_in_dim3A_461] : memref<256x51xf32, #tpu.memory_space<vmem>>[vector<16xi32>, vector<16xi32>], vector<16xf32>,
      %gather3A_463 = tpu.vector_load_idx %arg5[%add3A_76, %broadcast_in_dim3A_461] : memref<256x51xf32, #tpu.memory_space<vmem>>[vector<16xi32>, vector<16xi32>], vector<16xf32>,
      %gather3A_464 = tpu.vector_load_idx %arg5[%add3A_80, %broadcast_in_dim3A_461] : memref<256x51xf32, #tpu.memory_space<vmem>>[vector<16xi32>, vector<16xi32>], vector<16xf32>,
      %gather3A_465 = tpu.vector_load_idx %arg5[%add3A_84, %broadcast_in_dim3A_461] : memref<256x51xf32, #tpu.memory_space<vmem>>[vector<16xi32>, vector<16xi32>], vector<16xf32>,
      %gt3A_466 = arith.cmpf ogt, %gather3A_462, %max3A_449 : vector<16xf32>
      %max3A_467 = arith.maximumf %max3A_449, %gather3A_462 : vector<16xf32>
      %select_n3A_468 = arith.select %gt3A_466, %broadcast_in_dim3A_461, %select_n3A_450 : vector<16xi1>, vector<16xi32>
      %gt3A_469 = arith.cmpf ogt, %gather3A_463, %max3A_452 : vector<16xf32>
      %max3A_470 = arith.maximumf %max3A_452, %gather3A_463 : vector<16xf32>
      %select_n3A_471 = arith.select %gt3A_469, %broadcast_in_dim3A_461, %select_n3A_453 : vector<16xi1>, vector<16xi32>
      %gt3A_472 = arith.cmpf ogt, %gather3A_464, %max3A_455 : vector<16xf32>
      %max3A_473 = arith.maximumf %max3A_455, %gather3A_464 : vector<16xf32>
      %select_n3A_474 = arith.select %gt3A_472, %broadcast_in_dim3A_461, %select_n3A_456 : vector<16xi1>, vector<16xi32>
      %gt3A_475 = arith.cmpf ogt, %gather3A_465, %max3A_458 : vector<16xf32>
      %max3A_476 = arith.maximumf %max3A_458, %gather3A_465 : vector<16xf32>
      %select_n3A_477 = arith.select %gt3A_475, %broadcast_in_dim3A_461, %select_n3A_459 : vector<16xi1>, vector<16xi32>
      %broadcast_in_dim3A_478 = arith.constant 22 : i32
      %broadcast_in_dim3A_479 = vector.broadcast %broadcast_in_dim3A_478 : i32 to vector<16xi32>
      %gather3A_480 = tpu.vector_load_idx %arg5[%add3A_72, %broadcast_in_dim3A_479] : memref<256x51xf32, #tpu.memory_space<vmem>>[vector<16xi32>, vector<16xi32>], vector<16xf32>,
      %gather3A_481 = tpu.vector_load_idx %arg5[%add3A_76, %broadcast_in_dim3A_479] : memref<256x51xf32, #tpu.memory_space<vmem>>[vector<16xi32>, vector<16xi32>], vector<16xf32>,
      %gather3A_482 = tpu.vector_load_idx %arg5[%add3A_80, %broadcast_in_dim3A_479] : memref<256x51xf32, #tpu.memory_space<vmem>>[vector<16xi32>, vector<16xi32>], vector<16xf32>,
      %gather3A_483 = tpu.vector_load_idx %arg5[%add3A_84, %broadcast_in_dim3A_479] : memref<256x51xf32, #tpu.memory_space<vmem>>[vector<16xi32>, vector<16xi32>], vector<16xf32>,
      %gt3A_484 = arith.cmpf ogt, %gather3A_480, %max3A_467 : vector<16xf32>
      %max3A_485 = arith.maximumf %max3A_467, %gather3A_480 : vector<16xf32>
      %select_n3A_486 = arith.select %gt3A_484, %broadcast_in_dim3A_479, %select_n3A_468 : vector<16xi1>, vector<16xi32>
      %gt3A_487 = arith.cmpf ogt, %gather3A_481, %max3A_470 : vector<16xf32>
      %max3A_488 = arith.maximumf %max3A_470, %gather3A_481 : vector<16xf32>
      %select_n3A_489 = arith.select %gt3A_487, %broadcast_in_dim3A_479, %select_n3A_471 : vector<16xi1>, vector<16xi32>
      %gt3A_490 = arith.cmpf ogt, %gather3A_482, %max3A_473 : vector<16xf32>
      %max3A_491 = arith.maximumf %max3A_473, %gather3A_482 : vector<16xf32>
      %select_n3A_492 = arith.select %gt3A_490, %broadcast_in_dim3A_479, %select_n3A_474 : vector<16xi1>, vector<16xi32>
      %gt3A_493 = arith.cmpf ogt, %gather3A_483, %max3A_476 : vector<16xf32>
      %max3A_494 = arith.maximumf %max3A_476, %gather3A_483 : vector<16xf32>
      %select_n3A_495 = arith.select %gt3A_493, %broadcast_in_dim3A_479, %select_n3A_477 : vector<16xi1>, vector<16xi32>
      %broadcast_in_dim3A_496 = arith.constant 23 : i32
      %broadcast_in_dim3A_497 = vector.broadcast %broadcast_in_dim3A_496 : i32 to vector<16xi32>
      %gather3A_498 = tpu.vector_load_idx %arg5[%add3A_72, %broadcast_in_dim3A_497] : memref<256x51xf32, #tpu.memory_space<vmem>>[vector<16xi32>, vector<16xi32>], vector<16xf32>,
      %gather3A_499 = tpu.vector_load_idx %arg5[%add3A_76, %broadcast_in_dim3A_497] : memref<256x51xf32, #tpu.memory_space<vmem>>[vector<16xi32>, vector<16xi32>], vector<16xf32>,
      %gather3A_500 = tpu.vector_load_idx %arg5[%add3A_80, %broadcast_in_dim3A_497] : memref<256x51xf32, #tpu.memory_space<vmem>>[vector<16xi32>, vector<16xi32>], vector<16xf32>,
      %gather3A_501 = tpu.vector_load_idx %arg5[%add3A_84, %broadcast_in_dim3A_497] : memref<256x51xf32, #tpu.memory_space<vmem>>[vector<16xi32>, vector<16xi32>], vector<16xf32>,
      %gt3A_502 = arith.cmpf ogt, %gather3A_498, %max3A_485 : vector<16xf32>
      %max3A_503 = arith.maximumf %max3A_485, %gather3A_498 : vector<16xf32>
      %select_n3A_504 = arith.select %gt3A_502, %broadcast_in_dim3A_497, %select_n3A_486 : vector<16xi1>, vector<16xi32>
      %gt3A_505 = arith.cmpf ogt, %gather3A_499, %max3A_488 : vector<16xf32>
      %max3A_506 = arith.maximumf %max3A_488, %gather3A_499 : vector<16xf32>
      %select_n3A_507 = arith.select %gt3A_505, %broadcast_in_dim3A_497, %select_n3A_489 : vector<16xi1>, vector<16xi32>
      %gt3A_508 = arith.cmpf ogt, %gather3A_500, %max3A_491 : vector<16xf32>
      %max3A_509 = arith.maximumf %max3A_491, %gather3A_500 : vector<16xf32>
      %select_n3A_510 = arith.select %gt3A_508, %broadcast_in_dim3A_497, %select_n3A_492 : vector<16xi1>, vector<16xi32>
      %gt3A_511 = arith.cmpf ogt, %gather3A_501, %max3A_494 : vector<16xf32>
      %max3A_512 = arith.maximumf %max3A_494, %gather3A_501 : vector<16xf32>
      %select_n3A_513 = arith.select %gt3A_511, %broadcast_in_dim3A_497, %select_n3A_495 : vector<16xi1>, vector<16xi32>
      %broadcast_in_dim3A_514 = arith.constant 24 : i32
      %broadcast_in_dim3A_515 = vector.broadcast %broadcast_in_dim3A_514 : i32 to vector<16xi32>
      %gather3A_516 = tpu.vector_load_idx %arg5[%add3A_72, %broadcast_in_dim3A_515] : memref<256x51xf32, #tpu.memory_space<vmem>>[vector<16xi32>, vector<16xi32>], vector<16xf32>,
      %gather3A_517 = tpu.vector_load_idx %arg5[%add3A_76, %broadcast_in_dim3A_515] : memref<256x51xf32, #tpu.memory_space<vmem>>[vector<16xi32>, vector<16xi32>], vector<16xf32>,
      %gather3A_518 = tpu.vector_load_idx %arg5[%add3A_80, %broadcast_in_dim3A_515] : memref<256x51xf32, #tpu.memory_space<vmem>>[vector<16xi32>, vector<16xi32>], vector<16xf32>,
      %gather3A_519 = tpu.vector_load_idx %arg5[%add3A_84, %broadcast_in_dim3A_515] : memref<256x51xf32, #tpu.memory_space<vmem>>[vector<16xi32>, vector<16xi32>], vector<16xf32>,
      %gt3A_520 = arith.cmpf ogt, %gather3A_516, %max3A_503 : vector<16xf32>
      %max3A_521 = arith.maximumf %max3A_503, %gather3A_516 : vector<16xf32>
      %select_n3A_522 = arith.select %gt3A_520, %broadcast_in_dim3A_515, %select_n3A_504 : vector<16xi1>, vector<16xi32>
      %gt3A_523 = arith.cmpf ogt, %gather3A_517, %max3A_506 : vector<16xf32>
      %max3A_524 = arith.maximumf %max3A_506, %gather3A_517 : vector<16xf32>
      %select_n3A_525 = arith.select %gt3A_523, %broadcast_in_dim3A_515, %select_n3A_507 : vector<16xi1>, vector<16xi32>
      %gt3A_526 = arith.cmpf ogt, %gather3A_518, %max3A_509 : vector<16xf32>
      %max3A_527 = arith.maximumf %max3A_509, %gather3A_518 : vector<16xf32>
      %select_n3A_528 = arith.select %gt3A_526, %broadcast_in_dim3A_515, %select_n3A_510 : vector<16xi1>, vector<16xi32>
      %gt3A_529 = arith.cmpf ogt, %gather3A_519, %max3A_512 : vector<16xf32>
      %max3A_530 = arith.maximumf %max3A_512, %gather3A_519 : vector<16xf32>
      %select_n3A_531 = arith.select %gt3A_529, %broadcast_in_dim3A_515, %select_n3A_513 : vector<16xi1>, vector<16xi32>
      %broadcast_in_dim3A_532 = arith.constant 25 : i32
      %broadcast_in_dim3A_533 = vector.broadcast %broadcast_in_dim3A_532 : i32 to vector<16xi32>
      %gather3A_534 = tpu.vector_load_idx %arg5[%add3A_72, %broadcast_in_dim3A_533] : memref<256x51xf32, #tpu.memory_space<vmem>>[vector<16xi32>, vector<16xi32>], vector<16xf32>,
      %gather3A_535 = tpu.vector_load_idx %arg5[%add3A_76, %broadcast_in_dim3A_533] : memref<256x51xf32, #tpu.memory_space<vmem>>[vector<16xi32>, vector<16xi32>], vector<16xf32>,
      %gather3A_536 = tpu.vector_load_idx %arg5[%add3A_80, %broadcast_in_dim3A_533] : memref<256x51xf32, #tpu.memory_space<vmem>>[vector<16xi32>, vector<16xi32>], vector<16xf32>,
      %gather3A_537 = tpu.vector_load_idx %arg5[%add3A_84, %broadcast_in_dim3A_533] : memref<256x51xf32, #tpu.memory_space<vmem>>[vector<16xi32>, vector<16xi32>], vector<16xf32>,
      %gt3A_538 = arith.cmpf ogt, %gather3A_534, %max3A_521 : vector<16xf32>
      %max3A_539 = arith.maximumf %max3A_521, %gather3A_534 : vector<16xf32>
      %select_n3A_540 = arith.select %gt3A_538, %broadcast_in_dim3A_533, %select_n3A_522 : vector<16xi1>, vector<16xi32>
      %gt3A_541 = arith.cmpf ogt, %gather3A_535, %max3A_524 : vector<16xf32>
      %max3A_542 = arith.maximumf %max3A_524, %gather3A_535 : vector<16xf32>
      %select_n3A_543 = arith.select %gt3A_541, %broadcast_in_dim3A_533, %select_n3A_525 : vector<16xi1>, vector<16xi32>
      %gt3A_544 = arith.cmpf ogt, %gather3A_536, %max3A_527 : vector<16xf32>
      %max3A_545 = arith.maximumf %max3A_527, %gather3A_536 : vector<16xf32>
      %select_n3A_546 = arith.select %gt3A_544, %broadcast_in_dim3A_533, %select_n3A_528 : vector<16xi1>, vector<16xi32>
      %gt3A_547 = arith.cmpf ogt, %gather3A_537, %max3A_530 : vector<16xf32>
      %max3A_548 = arith.maximumf %max3A_530, %gather3A_537 : vector<16xf32>
      %select_n3A_549 = arith.select %gt3A_547, %broadcast_in_dim3A_533, %select_n3A_531 : vector<16xi1>, vector<16xi32>
      %broadcast_in_dim3A_550 = arith.constant 26 : i32
      %broadcast_in_dim3A_551 = vector.broadcast %broadcast_in_dim3A_550 : i32 to vector<16xi32>
      %gather3A_552 = tpu.vector_load_idx %arg5[%add3A_72, %broadcast_in_dim3A_551] : memref<256x51xf32, #tpu.memory_space<vmem>>[vector<16xi32>, vector<16xi32>], vector<16xf32>,
      %gather3A_553 = tpu.vector_load_idx %arg5[%add3A_76, %broadcast_in_dim3A_551] : memref<256x51xf32, #tpu.memory_space<vmem>>[vector<16xi32>, vector<16xi32>], vector<16xf32>,
      %gather3A_554 = tpu.vector_load_idx %arg5[%add3A_80, %broadcast_in_dim3A_551] : memref<256x51xf32, #tpu.memory_space<vmem>>[vector<16xi32>, vector<16xi32>], vector<16xf32>,
      %gather3A_555 = tpu.vector_load_idx %arg5[%add3A_84, %broadcast_in_dim3A_551] : memref<256x51xf32, #tpu.memory_space<vmem>>[vector<16xi32>, vector<16xi32>], vector<16xf32>,
      %gt3A_556 = arith.cmpf ogt, %gather3A_552, %max3A_539 : vector<16xf32>
      %max3A_557 = arith.maximumf %max3A_539, %gather3A_552 : vector<16xf32>
      %select_n3A_558 = arith.select %gt3A_556, %broadcast_in_dim3A_551, %select_n3A_540 : vector<16xi1>, vector<16xi32>
      %gt3A_559 = arith.cmpf ogt, %gather3A_553, %max3A_542 : vector<16xf32>
      %max3A_560 = arith.maximumf %max3A_542, %gather3A_553 : vector<16xf32>
      %select_n3A_561 = arith.select %gt3A_559, %broadcast_in_dim3A_551, %select_n3A_543 : vector<16xi1>, vector<16xi32>
      %gt3A_562 = arith.cmpf ogt, %gather3A_554, %max3A_545 : vector<16xf32>
      %max3A_563 = arith.maximumf %max3A_545, %gather3A_554 : vector<16xf32>
      %select_n3A_564 = arith.select %gt3A_562, %broadcast_in_dim3A_551, %select_n3A_546 : vector<16xi1>, vector<16xi32>
      %gt3A_565 = arith.cmpf ogt, %gather3A_555, %max3A_548 : vector<16xf32>
      %max3A_566 = arith.maximumf %max3A_548, %gather3A_555 : vector<16xf32>
      %select_n3A_567 = arith.select %gt3A_565, %broadcast_in_dim3A_551, %select_n3A_549 : vector<16xi1>, vector<16xi32>
      %broadcast_in_dim3A_568 = arith.constant 27 : i32
      %broadcast_in_dim3A_569 = vector.broadcast %broadcast_in_dim3A_568 : i32 to vector<16xi32>
      %gather3A_570 = tpu.vector_load_idx %arg5[%add3A_72, %broadcast_in_dim3A_569] : memref<256x51xf32, #tpu.memory_space<vmem>>[vector<16xi32>, vector<16xi32>], vector<16xf32>,
      %gather3A_571 = tpu.vector_load_idx %arg5[%add3A_76, %broadcast_in_dim3A_569] : memref<256x51xf32, #tpu.memory_space<vmem>>[vector<16xi32>, vector<16xi32>], vector<16xf32>,
      %gather3A_572 = tpu.vector_load_idx %arg5[%add3A_80, %broadcast_in_dim3A_569] : memref<256x51xf32, #tpu.memory_space<vmem>>[vector<16xi32>, vector<16xi32>], vector<16xf32>,
      %gather3A_573 = tpu.vector_load_idx %arg5[%add3A_84, %broadcast_in_dim3A_569] : memref<256x51xf32, #tpu.memory_space<vmem>>[vector<16xi32>, vector<16xi32>], vector<16xf32>,
      %gt3A_574 = arith.cmpf ogt, %gather3A_570, %max3A_557 : vector<16xf32>
      %max3A_575 = arith.maximumf %max3A_557, %gather3A_570 : vector<16xf32>
      %select_n3A_576 = arith.select %gt3A_574, %broadcast_in_dim3A_569, %select_n3A_558 : vector<16xi1>, vector<16xi32>
      %gt3A_577 = arith.cmpf ogt, %gather3A_571, %max3A_560 : vector<16xf32>
      %max3A_578 = arith.maximumf %max3A_560, %gather3A_571 : vector<16xf32>
      %select_n3A_579 = arith.select %gt3A_577, %broadcast_in_dim3A_569, %select_n3A_561 : vector<16xi1>, vector<16xi32>
      %gt3A_580 = arith.cmpf ogt, %gather3A_572, %max3A_563 : vector<16xf32>
      %max3A_581 = arith.maximumf %max3A_563, %gather3A_572 : vector<16xf32>
      %select_n3A_582 = arith.select %gt3A_580, %broadcast_in_dim3A_569, %select_n3A_564 : vector<16xi1>, vector<16xi32>
      %gt3A_583 = arith.cmpf ogt, %gather3A_573, %max3A_566 : vector<16xf32>
      %max3A_584 = arith.maximumf %max3A_566, %gather3A_573 : vector<16xf32>
      %select_n3A_585 = arith.select %gt3A_583, %broadcast_in_dim3A_569, %select_n3A_567 : vector<16xi1>, vector<16xi32>
      %broadcast_in_dim3A_586 = arith.constant 28 : i32
      %broadcast_in_dim3A_587 = vector.broadcast %broadcast_in_dim3A_586 : i32 to vector<16xi32>
      %gather3A_588 = tpu.vector_load_idx %arg5[%add3A_72, %broadcast_in_dim3A_587] : memref<256x51xf32, #tpu.memory_space<vmem>>[vector<16xi32>, vector<16xi32>], vector<16xf32>,
      %gather3A_589 = tpu.vector_load_idx %arg5[%add3A_76, %broadcast_in_dim3A_587] : memref<256x51xf32, #tpu.memory_space<vmem>>[vector<16xi32>, vector<16xi32>], vector<16xf32>,
      %gather3A_590 = tpu.vector_load_idx %arg5[%add3A_80, %broadcast_in_dim3A_587] : memref<256x51xf32, #tpu.memory_space<vmem>>[vector<16xi32>, vector<16xi32>], vector<16xf32>,
      %gather3A_591 = tpu.vector_load_idx %arg5[%add3A_84, %broadcast_in_dim3A_587] : memref<256x51xf32, #tpu.memory_space<vmem>>[vector<16xi32>, vector<16xi32>], vector<16xf32>,
      %gt3A_592 = arith.cmpf ogt, %gather3A_588, %max3A_575 : vector<16xf32>
      %max3A_593 = arith.maximumf %max3A_575, %gather3A_588 : vector<16xf32>
      %select_n3A_594 = arith.select %gt3A_592, %broadcast_in_dim3A_587, %select_n3A_576 : vector<16xi1>, vector<16xi32>
      %gt3A_595 = arith.cmpf ogt, %gather3A_589, %max3A_578 : vector<16xf32>
      %max3A_596 = arith.maximumf %max3A_578, %gather3A_589 : vector<16xf32>
      %select_n3A_597 = arith.select %gt3A_595, %broadcast_in_dim3A_587, %select_n3A_579 : vector<16xi1>, vector<16xi32>
      %gt3A_598 = arith.cmpf ogt, %gather3A_590, %max3A_581 : vector<16xf32>
      %max3A_599 = arith.maximumf %max3A_581, %gather3A_590 : vector<16xf32>
      %select_n3A_600 = arith.select %gt3A_598, %broadcast_in_dim3A_587, %select_n3A_582 : vector<16xi1>, vector<16xi32>
      %gt3A_601 = arith.cmpf ogt, %gather3A_591, %max3A_584 : vector<16xf32>
      %max3A_602 = arith.maximumf %max3A_584, %gather3A_591 : vector<16xf32>
      %select_n3A_603 = arith.select %gt3A_601, %broadcast_in_dim3A_587, %select_n3A_585 : vector<16xi1>, vector<16xi32>
      %broadcast_in_dim3A_604 = arith.constant 29 : i32
      %broadcast_in_dim3A_605 = vector.broadcast %broadcast_in_dim3A_604 : i32 to vector<16xi32>
      %gather3A_606 = tpu.vector_load_idx %arg5[%add3A_72, %broadcast_in_dim3A_605] : memref<256x51xf32, #tpu.memory_space<vmem>>[vector<16xi32>, vector<16xi32>], vector<16xf32>,
      %gather3A_607 = tpu.vector_load_idx %arg5[%add3A_76, %broadcast_in_dim3A_605] : memref<256x51xf32, #tpu.memory_space<vmem>>[vector<16xi32>, vector<16xi32>], vector<16xf32>,
      %gather3A_608 = tpu.vector_load_idx %arg5[%add3A_80, %broadcast_in_dim3A_605] : memref<256x51xf32, #tpu.memory_space<vmem>>[vector<16xi32>, vector<16xi32>], vector<16xf32>,
      %gather3A_609 = tpu.vector_load_idx %arg5[%add3A_84, %broadcast_in_dim3A_605] : memref<256x51xf32, #tpu.memory_space<vmem>>[vector<16xi32>, vector<16xi32>], vector<16xf32>,
      %gt3A_610 = arith.cmpf ogt, %gather3A_606, %max3A_593 : vector<16xf32>
      %max3A_611 = arith.maximumf %max3A_593, %gather3A_606 : vector<16xf32>
      %select_n3A_612 = arith.select %gt3A_610, %broadcast_in_dim3A_605, %select_n3A_594 : vector<16xi1>, vector<16xi32>
      %gt3A_613 = arith.cmpf ogt, %gather3A_607, %max3A_596 : vector<16xf32>
      %max3A_614 = arith.maximumf %max3A_596, %gather3A_607 : vector<16xf32>
      %select_n3A_615 = arith.select %gt3A_613, %broadcast_in_dim3A_605, %select_n3A_597 : vector<16xi1>, vector<16xi32>
      %gt3A_616 = arith.cmpf ogt, %gather3A_608, %max3A_599 : vector<16xf32>
      %max3A_617 = arith.maximumf %max3A_599, %gather3A_608 : vector<16xf32>
      %select_n3A_618 = arith.select %gt3A_616, %broadcast_in_dim3A_605, %select_n3A_600 : vector<16xi1>, vector<16xi32>
      %gt3A_619 = arith.cmpf ogt, %gather3A_609, %max3A_602 : vector<16xf32>
      %max3A_620 = arith.maximumf %max3A_602, %gather3A_609 : vector<16xf32>
      %select_n3A_621 = arith.select %gt3A_619, %broadcast_in_dim3A_605, %select_n3A_603 : vector<16xi1>, vector<16xi32>
      %broadcast_in_dim3A_622 = arith.constant 30 : i32
      %broadcast_in_dim3A_623 = vector.broadcast %broadcast_in_dim3A_622 : i32 to vector<16xi32>
      %gather3A_624 = tpu.vector_load_idx %arg5[%add3A_72, %broadcast_in_dim3A_623] : memref<256x51xf32, #tpu.memory_space<vmem>>[vector<16xi32>, vector<16xi32>], vector<16xf32>,
      %gather3A_625 = tpu.vector_load_idx %arg5[%add3A_76, %broadcast_in_dim3A_623] : memref<256x51xf32, #tpu.memory_space<vmem>>[vector<16xi32>, vector<16xi32>], vector<16xf32>,
      %gather3A_626 = tpu.vector_load_idx %arg5[%add3A_80, %broadcast_in_dim3A_623] : memref<256x51xf32, #tpu.memory_space<vmem>>[vector<16xi32>, vector<16xi32>], vector<16xf32>,
      %gather3A_627 = tpu.vector_load_idx %arg5[%add3A_84, %broadcast_in_dim3A_623] : memref<256x51xf32, #tpu.memory_space<vmem>>[vector<16xi32>, vector<16xi32>], vector<16xf32>,
      %gt3A_628 = arith.cmpf ogt, %gather3A_624, %max3A_611 : vector<16xf32>
      %max3A_629 = arith.maximumf %max3A_611, %gather3A_624 : vector<16xf32>
      %select_n3A_630 = arith.select %gt3A_628, %broadcast_in_dim3A_623, %select_n3A_612 : vector<16xi1>, vector<16xi32>
      %gt3A_631 = arith.cmpf ogt, %gather3A_625, %max3A_614 : vector<16xf32>
      %max3A_632 = arith.maximumf %max3A_614, %gather3A_625 : vector<16xf32>
      %select_n3A_633 = arith.select %gt3A_631, %broadcast_in_dim3A_623, %select_n3A_615 : vector<16xi1>, vector<16xi32>
      %gt3A_634 = arith.cmpf ogt, %gather3A_626, %max3A_617 : vector<16xf32>
      %max3A_635 = arith.maximumf %max3A_617, %gather3A_626 : vector<16xf32>
      %select_n3A_636 = arith.select %gt3A_634, %broadcast_in_dim3A_623, %select_n3A_618 : vector<16xi1>, vector<16xi32>
      %gt3A_637 = arith.cmpf ogt, %gather3A_627, %max3A_620 : vector<16xf32>
      %max3A_638 = arith.maximumf %max3A_620, %gather3A_627 : vector<16xf32>
      %select_n3A_639 = arith.select %gt3A_637, %broadcast_in_dim3A_623, %select_n3A_621 : vector<16xi1>, vector<16xi32>
      %broadcast_in_dim3A_640 = arith.constant 31 : i32
      %broadcast_in_dim3A_641 = vector.broadcast %broadcast_in_dim3A_640 : i32 to vector<16xi32>
      %gather3A_642 = tpu.vector_load_idx %arg5[%add3A_72, %broadcast_in_dim3A_641] : memref<256x51xf32, #tpu.memory_space<vmem>>[vector<16xi32>, vector<16xi32>], vector<16xf32>,
      %gather3A_643 = tpu.vector_load_idx %arg5[%add3A_76, %broadcast_in_dim3A_641] : memref<256x51xf32, #tpu.memory_space<vmem>>[vector<16xi32>, vector<16xi32>], vector<16xf32>,
      %gather3A_644 = tpu.vector_load_idx %arg5[%add3A_80, %broadcast_in_dim3A_641] : memref<256x51xf32, #tpu.memory_space<vmem>>[vector<16xi32>, vector<16xi32>], vector<16xf32>,
      %gather3A_645 = tpu.vector_load_idx %arg5[%add3A_84, %broadcast_in_dim3A_641] : memref<256x51xf32, #tpu.memory_space<vmem>>[vector<16xi32>, vector<16xi32>], vector<16xf32>,
      %gt3A_646 = arith.cmpf ogt, %gather3A_642, %max3A_629 : vector<16xf32>
      %max3A_647 = arith.maximumf %max3A_629, %gather3A_642 : vector<16xf32>
      %select_n3A_648 = arith.select %gt3A_646, %broadcast_in_dim3A_641, %select_n3A_630 : vector<16xi1>, vector<16xi32>
      %gt3A_649 = arith.cmpf ogt, %gather3A_643, %max3A_632 : vector<16xf32>
      %max3A_650 = arith.maximumf %max3A_632, %gather3A_643 : vector<16xf32>
      %select_n3A_651 = arith.select %gt3A_649, %broadcast_in_dim3A_641, %select_n3A_633 : vector<16xi1>, vector<16xi32>
      %gt3A_652 = arith.cmpf ogt, %gather3A_644, %max3A_635 : vector<16xf32>
      %max3A_653 = arith.maximumf %max3A_635, %gather3A_644 : vector<16xf32>
      %select_n3A_654 = arith.select %gt3A_652, %broadcast_in_dim3A_641, %select_n3A_636 : vector<16xi1>, vector<16xi32>
      %gt3A_655 = arith.cmpf ogt, %gather3A_645, %max3A_638 : vector<16xf32>
      %max3A_656 = arith.maximumf %max3A_638, %gather3A_645 : vector<16xf32>
      %select_n3A_657 = arith.select %gt3A_655, %broadcast_in_dim3A_641, %select_n3A_639 : vector<16xi1>, vector<16xi32>
      %broadcast_in_dim3A_658 = arith.constant 32 : i32
      %broadcast_in_dim3A_659 = vector.broadcast %broadcast_in_dim3A_658 : i32 to vector<16xi32>
      %gather3A_660 = tpu.vector_load_idx %arg5[%add3A_72, %broadcast_in_dim3A_659] : memref<256x51xf32, #tpu.memory_space<vmem>>[vector<16xi32>, vector<16xi32>], vector<16xf32>,
      %gather3A_661 = tpu.vector_load_idx %arg5[%add3A_76, %broadcast_in_dim3A_659] : memref<256x51xf32, #tpu.memory_space<vmem>>[vector<16xi32>, vector<16xi32>], vector<16xf32>,
      %gather3A_662 = tpu.vector_load_idx %arg5[%add3A_80, %broadcast_in_dim3A_659] : memref<256x51xf32, #tpu.memory_space<vmem>>[vector<16xi32>, vector<16xi32>], vector<16xf32>,
      %gather3A_663 = tpu.vector_load_idx %arg5[%add3A_84, %broadcast_in_dim3A_659] : memref<256x51xf32, #tpu.memory_space<vmem>>[vector<16xi32>, vector<16xi32>], vector<16xf32>,
      %gt3A_664 = arith.cmpf ogt, %gather3A_660, %max3A_647 : vector<16xf32>
      %max3A_665 = arith.maximumf %max3A_647, %gather3A_660 : vector<16xf32>
      %select_n3A_666 = arith.select %gt3A_664, %broadcast_in_dim3A_659, %select_n3A_648 : vector<16xi1>, vector<16xi32>
      %gt3A_667 = arith.cmpf ogt, %gather3A_661, %max3A_650 : vector<16xf32>
      %max3A_668 = arith.maximumf %max3A_650, %gather3A_661 : vector<16xf32>
      %select_n3A_669 = arith.select %gt3A_667, %broadcast_in_dim3A_659, %select_n3A_651 : vector<16xi1>, vector<16xi32>
      %gt3A_670 = arith.cmpf ogt, %gather3A_662, %max3A_653 : vector<16xf32>
      %max3A_671 = arith.maximumf %max3A_653, %gather3A_662 : vector<16xf32>
      %select_n3A_672 = arith.select %gt3A_670, %broadcast_in_dim3A_659, %select_n3A_654 : vector<16xi1>, vector<16xi32>
      %gt3A_673 = arith.cmpf ogt, %gather3A_663, %max3A_656 : vector<16xf32>
      %max3A_674 = arith.maximumf %max3A_656, %gather3A_663 : vector<16xf32>
      %select_n3A_675 = arith.select %gt3A_673, %broadcast_in_dim3A_659, %select_n3A_657 : vector<16xi1>, vector<16xi32>
      %broadcast_in_dim3A_676 = arith.constant 33 : i32
      %broadcast_in_dim3A_677 = vector.broadcast %broadcast_in_dim3A_676 : i32 to vector<16xi32>
      %gather3A_678 = tpu.vector_load_idx %arg5[%add3A_72, %broadcast_in_dim3A_677] : memref<256x51xf32, #tpu.memory_space<vmem>>[vector<16xi32>, vector<16xi32>], vector<16xf32>,
      %gather3A_679 = tpu.vector_load_idx %arg5[%add3A_76, %broadcast_in_dim3A_677] : memref<256x51xf32, #tpu.memory_space<vmem>>[vector<16xi32>, vector<16xi32>], vector<16xf32>,
      %gather3A_680 = tpu.vector_load_idx %arg5[%add3A_80, %broadcast_in_dim3A_677] : memref<256x51xf32, #tpu.memory_space<vmem>>[vector<16xi32>, vector<16xi32>], vector<16xf32>,
      %gather3A_681 = tpu.vector_load_idx %arg5[%add3A_84, %broadcast_in_dim3A_677] : memref<256x51xf32, #tpu.memory_space<vmem>>[vector<16xi32>, vector<16xi32>], vector<16xf32>,
      %gt3A_682 = arith.cmpf ogt, %gather3A_678, %max3A_665 : vector<16xf32>
      %max3A_683 = arith.maximumf %max3A_665, %gather3A_678 : vector<16xf32>
      %select_n3A_684 = arith.select %gt3A_682, %broadcast_in_dim3A_677, %select_n3A_666 : vector<16xi1>, vector<16xi32>
      %gt3A_685 = arith.cmpf ogt, %gather3A_679, %max3A_668 : vector<16xf32>
      %max3A_686 = arith.maximumf %max3A_668, %gather3A_679 : vector<16xf32>
      %select_n3A_687 = arith.select %gt3A_685, %broadcast_in_dim3A_677, %select_n3A_669 : vector<16xi1>, vector<16xi32>
      %gt3A_688 = arith.cmpf ogt, %gather3A_680, %max3A_671 : vector<16xf32>
      %max3A_689 = arith.maximumf %max3A_671, %gather3A_680 : vector<16xf32>
      %select_n3A_690 = arith.select %gt3A_688, %broadcast_in_dim3A_677, %select_n3A_672 : vector<16xi1>, vector<16xi32>
      %gt3A_691 = arith.cmpf ogt, %gather3A_681, %max3A_674 : vector<16xf32>
      %max3A_692 = arith.maximumf %max3A_674, %gather3A_681 : vector<16xf32>
      %select_n3A_693 = arith.select %gt3A_691, %broadcast_in_dim3A_677, %select_n3A_675 : vector<16xi1>, vector<16xi32>
      %broadcast_in_dim3A_694 = arith.constant 34 : i32
      %broadcast_in_dim3A_695 = vector.broadcast %broadcast_in_dim3A_694 : i32 to vector<16xi32>
      %gather3A_696 = tpu.vector_load_idx %arg5[%add3A_72, %broadcast_in_dim3A_695] : memref<256x51xf32, #tpu.memory_space<vmem>>[vector<16xi32>, vector<16xi32>], vector<16xf32>,
      %gather3A_697 = tpu.vector_load_idx %arg5[%add3A_76, %broadcast_in_dim3A_695] : memref<256x51xf32, #tpu.memory_space<vmem>>[vector<16xi32>, vector<16xi32>], vector<16xf32>,
      %gather3A_698 = tpu.vector_load_idx %arg5[%add3A_80, %broadcast_in_dim3A_695] : memref<256x51xf32, #tpu.memory_space<vmem>>[vector<16xi32>, vector<16xi32>], vector<16xf32>,
      %gather3A_699 = tpu.vector_load_idx %arg5[%add3A_84, %broadcast_in_dim3A_695] : memref<256x51xf32, #tpu.memory_space<vmem>>[vector<16xi32>, vector<16xi32>], vector<16xf32>,
      %gt3A_700 = arith.cmpf ogt, %gather3A_696, %max3A_683 : vector<16xf32>
      %max3A_701 = arith.maximumf %max3A_683, %gather3A_696 : vector<16xf32>
      %select_n3A_702 = arith.select %gt3A_700, %broadcast_in_dim3A_695, %select_n3A_684 : vector<16xi1>, vector<16xi32>
      %gt3A_703 = arith.cmpf ogt, %gather3A_697, %max3A_686 : vector<16xf32>
      %max3A_704 = arith.maximumf %max3A_686, %gather3A_697 : vector<16xf32>
      %select_n3A_705 = arith.select %gt3A_703, %broadcast_in_dim3A_695, %select_n3A_687 : vector<16xi1>, vector<16xi32>
      %gt3A_706 = arith.cmpf ogt, %gather3A_698, %max3A_689 : vector<16xf32>
      %max3A_707 = arith.maximumf %max3A_689, %gather3A_698 : vector<16xf32>
      %select_n3A_708 = arith.select %gt3A_706, %broadcast_in_dim3A_695, %select_n3A_690 : vector<16xi1>, vector<16xi32>
      %gt3A_709 = arith.cmpf ogt, %gather3A_699, %max3A_692 : vector<16xf32>
      %max3A_710 = arith.maximumf %max3A_692, %gather3A_699 : vector<16xf32>
      %select_n3A_711 = arith.select %gt3A_709, %broadcast_in_dim3A_695, %select_n3A_693 : vector<16xi1>, vector<16xi32>
      %broadcast_in_dim3A_712 = arith.constant 35 : i32
      %broadcast_in_dim3A_713 = vector.broadcast %broadcast_in_dim3A_712 : i32 to vector<16xi32>
      %gather3A_714 = tpu.vector_load_idx %arg5[%add3A_72, %broadcast_in_dim3A_713] : memref<256x51xf32, #tpu.memory_space<vmem>>[vector<16xi32>, vector<16xi32>], vector<16xf32>,
      %gather3A_715 = tpu.vector_load_idx %arg5[%add3A_76, %broadcast_in_dim3A_713] : memref<256x51xf32, #tpu.memory_space<vmem>>[vector<16xi32>, vector<16xi32>], vector<16xf32>,
      %gather3A_716 = tpu.vector_load_idx %arg5[%add3A_80, %broadcast_in_dim3A_713] : memref<256x51xf32, #tpu.memory_space<vmem>>[vector<16xi32>, vector<16xi32>], vector<16xf32>,
      %gather3A_717 = tpu.vector_load_idx %arg5[%add3A_84, %broadcast_in_dim3A_713] : memref<256x51xf32, #tpu.memory_space<vmem>>[vector<16xi32>, vector<16xi32>], vector<16xf32>,
      %gt3A_718 = arith.cmpf ogt, %gather3A_714, %max3A_701 : vector<16xf32>
      %max3A_719 = arith.maximumf %max3A_701, %gather3A_714 : vector<16xf32>
      %select_n3A_720 = arith.select %gt3A_718, %broadcast_in_dim3A_713, %select_n3A_702 : vector<16xi1>, vector<16xi32>
      %gt3A_721 = arith.cmpf ogt, %gather3A_715, %max3A_704 : vector<16xf32>
      %max3A_722 = arith.maximumf %max3A_704, %gather3A_715 : vector<16xf32>
      %select_n3A_723 = arith.select %gt3A_721, %broadcast_in_dim3A_713, %select_n3A_705 : vector<16xi1>, vector<16xi32>
      %gt3A_724 = arith.cmpf ogt, %gather3A_716, %max3A_707 : vector<16xf32>
      %max3A_725 = arith.maximumf %max3A_707, %gather3A_716 : vector<16xf32>
      %select_n3A_726 = arith.select %gt3A_724, %broadcast_in_dim3A_713, %select_n3A_708 : vector<16xi1>, vector<16xi32>
      %gt3A_727 = arith.cmpf ogt, %gather3A_717, %max3A_710 : vector<16xf32>
      %max3A_728 = arith.maximumf %max3A_710, %gather3A_717 : vector<16xf32>
      %select_n3A_729 = arith.select %gt3A_727, %broadcast_in_dim3A_713, %select_n3A_711 : vector<16xi1>, vector<16xi32>
      %broadcast_in_dim3A_730 = arith.constant 36 : i32
      %broadcast_in_dim3A_731 = vector.broadcast %broadcast_in_dim3A_730 : i32 to vector<16xi32>
      %gather3A_732 = tpu.vector_load_idx %arg5[%add3A_72, %broadcast_in_dim3A_731] : memref<256x51xf32, #tpu.memory_space<vmem>>[vector<16xi32>, vector<16xi32>], vector<16xf32>,
      %gather3A_733 = tpu.vector_load_idx %arg5[%add3A_76, %broadcast_in_dim3A_731] : memref<256x51xf32, #tpu.memory_space<vmem>>[vector<16xi32>, vector<16xi32>], vector<16xf32>,
      %gather3A_734 = tpu.vector_load_idx %arg5[%add3A_80, %broadcast_in_dim3A_731] : memref<256x51xf32, #tpu.memory_space<vmem>>[vector<16xi32>, vector<16xi32>], vector<16xf32>,
      %gather3A_735 = tpu.vector_load_idx %arg5[%add3A_84, %broadcast_in_dim3A_731] : memref<256x51xf32, #tpu.memory_space<vmem>>[vector<16xi32>, vector<16xi32>], vector<16xf32>,
      %gt3A_736 = arith.cmpf ogt, %gather3A_732, %max3A_719 : vector<16xf32>
      %max3A_737 = arith.maximumf %max3A_719, %gather3A_732 : vector<16xf32>
      %select_n3A_738 = arith.select %gt3A_736, %broadcast_in_dim3A_731, %select_n3A_720 : vector<16xi1>, vector<16xi32>
      %gt3A_739 = arith.cmpf ogt, %gather3A_733, %max3A_722 : vector<16xf32>
      %max3A_740 = arith.maximumf %max3A_722, %gather3A_733 : vector<16xf32>
      %select_n3A_741 = arith.select %gt3A_739, %broadcast_in_dim3A_731, %select_n3A_723 : vector<16xi1>, vector<16xi32>
      %gt3A_742 = arith.cmpf ogt, %gather3A_734, %max3A_725 : vector<16xf32>
      %max3A_743 = arith.maximumf %max3A_725, %gather3A_734 : vector<16xf32>
      %select_n3A_744 = arith.select %gt3A_742, %broadcast_in_dim3A_731, %select_n3A_726 : vector<16xi1>, vector<16xi32>
      %gt3A_745 = arith.cmpf ogt, %gather3A_735, %max3A_728 : vector<16xf32>
      %max3A_746 = arith.maximumf %max3A_728, %gather3A_735 : vector<16xf32>
      %select_n3A_747 = arith.select %gt3A_745, %broadcast_in_dim3A_731, %select_n3A_729 : vector<16xi1>, vector<16xi32>
      %broadcast_in_dim3A_748 = arith.constant 37 : i32
      %broadcast_in_dim3A_749 = vector.broadcast %broadcast_in_dim3A_748 : i32 to vector<16xi32>
      %gather3A_750 = tpu.vector_load_idx %arg5[%add3A_72, %broadcast_in_dim3A_749] : memref<256x51xf32, #tpu.memory_space<vmem>>[vector<16xi32>, vector<16xi32>], vector<16xf32>,
      %gather3A_751 = tpu.vector_load_idx %arg5[%add3A_76, %broadcast_in_dim3A_749] : memref<256x51xf32, #tpu.memory_space<vmem>>[vector<16xi32>, vector<16xi32>], vector<16xf32>,
      %gather3A_752 = tpu.vector_load_idx %arg5[%add3A_80, %broadcast_in_dim3A_749] : memref<256x51xf32, #tpu.memory_space<vmem>>[vector<16xi32>, vector<16xi32>], vector<16xf32>,
      %gather3A_753 = tpu.vector_load_idx %arg5[%add3A_84, %broadcast_in_dim3A_749] : memref<256x51xf32, #tpu.memory_space<vmem>>[vector<16xi32>, vector<16xi32>], vector<16xf32>,
      %gt3A_754 = arith.cmpf ogt, %gather3A_750, %max3A_737 : vector<16xf32>
      %max3A_755 = arith.maximumf %max3A_737, %gather3A_750 : vector<16xf32>
      %select_n3A_756 = arith.select %gt3A_754, %broadcast_in_dim3A_749, %select_n3A_738 : vector<16xi1>, vector<16xi32>
      %gt3A_757 = arith.cmpf ogt, %gather3A_751, %max3A_740 : vector<16xf32>
      %max3A_758 = arith.maximumf %max3A_740, %gather3A_751 : vector<16xf32>
      %select_n3A_759 = arith.select %gt3A_757, %broadcast_in_dim3A_749, %select_n3A_741 : vector<16xi1>, vector<16xi32>
      %gt3A_760 = arith.cmpf ogt, %gather3A_752, %max3A_743 : vector<16xf32>
      %max3A_761 = arith.maximumf %max3A_743, %gather3A_752 : vector<16xf32>
      %select_n3A_762 = arith.select %gt3A_760, %broadcast_in_dim3A_749, %select_n3A_744 : vector<16xi1>, vector<16xi32>
      %gt3A_763 = arith.cmpf ogt, %gather3A_753, %max3A_746 : vector<16xf32>
      %max3A_764 = arith.maximumf %max3A_746, %gather3A_753 : vector<16xf32>
      %select_n3A_765 = arith.select %gt3A_763, %broadcast_in_dim3A_749, %select_n3A_747 : vector<16xi1>, vector<16xi32>
      %broadcast_in_dim3A_766 = arith.constant 38 : i32
      %broadcast_in_dim3A_767 = vector.broadcast %broadcast_in_dim3A_766 : i32 to vector<16xi32>
      %gather3A_768 = tpu.vector_load_idx %arg5[%add3A_72, %broadcast_in_dim3A_767] : memref<256x51xf32, #tpu.memory_space<vmem>>[vector<16xi32>, vector<16xi32>], vector<16xf32>,
      %gather3A_769 = tpu.vector_load_idx %arg5[%add3A_76, %broadcast_in_dim3A_767] : memref<256x51xf32, #tpu.memory_space<vmem>>[vector<16xi32>, vector<16xi32>], vector<16xf32>,
      %gather3A_770 = tpu.vector_load_idx %arg5[%add3A_80, %broadcast_in_dim3A_767] : memref<256x51xf32, #tpu.memory_space<vmem>>[vector<16xi32>, vector<16xi32>], vector<16xf32>,
      %gather3A_771 = tpu.vector_load_idx %arg5[%add3A_84, %broadcast_in_dim3A_767] : memref<256x51xf32, #tpu.memory_space<vmem>>[vector<16xi32>, vector<16xi32>], vector<16xf32>,
      %gt3A_772 = arith.cmpf ogt, %gather3A_768, %max3A_755 : vector<16xf32>
      %max3A_773 = arith.maximumf %max3A_755, %gather3A_768 : vector<16xf32>
      %select_n3A_774 = arith.select %gt3A_772, %broadcast_in_dim3A_767, %select_n3A_756 : vector<16xi1>, vector<16xi32>
      %gt3A_775 = arith.cmpf ogt, %gather3A_769, %max3A_758 : vector<16xf32>
      %max3A_776 = arith.maximumf %max3A_758, %gather3A_769 : vector<16xf32>
      %select_n3A_777 = arith.select %gt3A_775, %broadcast_in_dim3A_767, %select_n3A_759 : vector<16xi1>, vector<16xi32>
      %gt3A_778 = arith.cmpf ogt, %gather3A_770, %max3A_761 : vector<16xf32>
      %max3A_779 = arith.maximumf %max3A_761, %gather3A_770 : vector<16xf32>
      %select_n3A_780 = arith.select %gt3A_778, %broadcast_in_dim3A_767, %select_n3A_762 : vector<16xi1>, vector<16xi32>
      %gt3A_781 = arith.cmpf ogt, %gather3A_771, %max3A_764 : vector<16xf32>
      %max3A_782 = arith.maximumf %max3A_764, %gather3A_771 : vector<16xf32>
      %select_n3A_783 = arith.select %gt3A_781, %broadcast_in_dim3A_767, %select_n3A_765 : vector<16xi1>, vector<16xi32>
      %broadcast_in_dim3A_784 = arith.constant 39 : i32
      %broadcast_in_dim3A_785 = vector.broadcast %broadcast_in_dim3A_784 : i32 to vector<16xi32>
      %gather3A_786 = tpu.vector_load_idx %arg5[%add3A_72, %broadcast_in_dim3A_785] : memref<256x51xf32, #tpu.memory_space<vmem>>[vector<16xi32>, vector<16xi32>], vector<16xf32>,
      %gather3A_787 = tpu.vector_load_idx %arg5[%add3A_76, %broadcast_in_dim3A_785] : memref<256x51xf32, #tpu.memory_space<vmem>>[vector<16xi32>, vector<16xi32>], vector<16xf32>,
      %gather3A_788 = tpu.vector_load_idx %arg5[%add3A_80, %broadcast_in_dim3A_785] : memref<256x51xf32, #tpu.memory_space<vmem>>[vector<16xi32>, vector<16xi32>], vector<16xf32>,
      %gather3A_789 = tpu.vector_load_idx %arg5[%add3A_84, %broadcast_in_dim3A_785] : memref<256x51xf32, #tpu.memory_space<vmem>>[vector<16xi32>, vector<16xi32>], vector<16xf32>,
      %gt3A_790 = arith.cmpf ogt, %gather3A_786, %max3A_773 : vector<16xf32>
      %max3A_791 = arith.maximumf %max3A_773, %gather3A_786 : vector<16xf32>
      %select_n3A_792 = arith.select %gt3A_790, %broadcast_in_dim3A_785, %select_n3A_774 : vector<16xi1>, vector<16xi32>
      %gt3A_793 = arith.cmpf ogt, %gather3A_787, %max3A_776 : vector<16xf32>
      %max3A_794 = arith.maximumf %max3A_776, %gather3A_787 : vector<16xf32>
      %select_n3A_795 = arith.select %gt3A_793, %broadcast_in_dim3A_785, %select_n3A_777 : vector<16xi1>, vector<16xi32>
      %gt3A_796 = arith.cmpf ogt, %gather3A_788, %max3A_779 : vector<16xf32>
      %max3A_797 = arith.maximumf %max3A_779, %gather3A_788 : vector<16xf32>
      %select_n3A_798 = arith.select %gt3A_796, %broadcast_in_dim3A_785, %select_n3A_780 : vector<16xi1>, vector<16xi32>
      %gt3A_799 = arith.cmpf ogt, %gather3A_789, %max3A_782 : vector<16xf32>
      %max3A_800 = arith.maximumf %max3A_782, %gather3A_789 : vector<16xf32>
      %select_n3A_801 = arith.select %gt3A_799, %broadcast_in_dim3A_785, %select_n3A_783 : vector<16xi1>, vector<16xi32>
      %broadcast_in_dim3A_802 = arith.constant 40 : i32
      %broadcast_in_dim3A_803 = vector.broadcast %broadcast_in_dim3A_802 : i32 to vector<16xi32>
      %gather3A_804 = tpu.vector_load_idx %arg5[%add3A_72, %broadcast_in_dim3A_803] : memref<256x51xf32, #tpu.memory_space<vmem>>[vector<16xi32>, vector<16xi32>], vector<16xf32>,
      %gather3A_805 = tpu.vector_load_idx %arg5[%add3A_76, %broadcast_in_dim3A_803] : memref<256x51xf32, #tpu.memory_space<vmem>>[vector<16xi32>, vector<16xi32>], vector<16xf32>,
      %gather3A_806 = tpu.vector_load_idx %arg5[%add3A_80, %broadcast_in_dim3A_803] : memref<256x51xf32, #tpu.memory_space<vmem>>[vector<16xi32>, vector<16xi32>], vector<16xf32>,
      %gather3A_807 = tpu.vector_load_idx %arg5[%add3A_84, %broadcast_in_dim3A_803] : memref<256x51xf32, #tpu.memory_space<vmem>>[vector<16xi32>, vector<16xi32>], vector<16xf32>,
      %gt3A_808 = arith.cmpf ogt, %gather3A_804, %max3A_791 : vector<16xf32>
      %max3A_809 = arith.maximumf %max3A_791, %gather3A_804 : vector<16xf32>
      %select_n3A_810 = arith.select %gt3A_808, %broadcast_in_dim3A_803, %select_n3A_792 : vector<16xi1>, vector<16xi32>
      %gt3A_811 = arith.cmpf ogt, %gather3A_805, %max3A_794 : vector<16xf32>
      %max3A_812 = arith.maximumf %max3A_794, %gather3A_805 : vector<16xf32>
      %select_n3A_813 = arith.select %gt3A_811, %broadcast_in_dim3A_803, %select_n3A_795 : vector<16xi1>, vector<16xi32>
      %gt3A_814 = arith.cmpf ogt, %gather3A_806, %max3A_797 : vector<16xf32>
      %max3A_815 = arith.maximumf %max3A_797, %gather3A_806 : vector<16xf32>
      %select_n3A_816 = arith.select %gt3A_814, %broadcast_in_dim3A_803, %select_n3A_798 : vector<16xi1>, vector<16xi32>
      %gt3A_817 = arith.cmpf ogt, %gather3A_807, %max3A_800 : vector<16xf32>
      %max3A_818 = arith.maximumf %max3A_800, %gather3A_807 : vector<16xf32>
      %select_n3A_819 = arith.select %gt3A_817, %broadcast_in_dim3A_803, %select_n3A_801 : vector<16xi1>, vector<16xi32>
      %broadcast_in_dim3A_820 = arith.constant 41 : i32
      %broadcast_in_dim3A_821 = vector.broadcast %broadcast_in_dim3A_820 : i32 to vector<16xi32>
      %gather3A_822 = tpu.vector_load_idx %arg5[%add3A_72, %broadcast_in_dim3A_821] : memref<256x51xf32, #tpu.memory_space<vmem>>[vector<16xi32>, vector<16xi32>], vector<16xf32>,
      %gather3A_823 = tpu.vector_load_idx %arg5[%add3A_76, %broadcast_in_dim3A_821] : memref<256x51xf32, #tpu.memory_space<vmem>>[vector<16xi32>, vector<16xi32>], vector<16xf32>,
      %gather3A_824 = tpu.vector_load_idx %arg5[%add3A_80, %broadcast_in_dim3A_821] : memref<256x51xf32, #tpu.memory_space<vmem>>[vector<16xi32>, vector<16xi32>], vector<16xf32>,
      %gather3A_825 = tpu.vector_load_idx %arg5[%add3A_84, %broadcast_in_dim3A_821] : memref<256x51xf32, #tpu.memory_space<vmem>>[vector<16xi32>, vector<16xi32>], vector<16xf32>,
      %gt3A_826 = arith.cmpf ogt, %gather3A_822, %max3A_809 : vector<16xf32>
      %max3A_827 = arith.maximumf %max3A_809, %gather3A_822 : vector<16xf32>
      %select_n3A_828 = arith.select %gt3A_826, %broadcast_in_dim3A_821, %select_n3A_810 : vector<16xi1>, vector<16xi32>
      %gt3A_829 = arith.cmpf ogt, %gather3A_823, %max3A_812 : vector<16xf32>
      %max3A_830 = arith.maximumf %max3A_812, %gather3A_823 : vector<16xf32>
      %select_n3A_831 = arith.select %gt3A_829, %broadcast_in_dim3A_821, %select_n3A_813 : vector<16xi1>, vector<16xi32>
      %gt3A_832 = arith.cmpf ogt, %gather3A_824, %max3A_815 : vector<16xf32>
      %max3A_833 = arith.maximumf %max3A_815, %gather3A_824 : vector<16xf32>
      %select_n3A_834 = arith.select %gt3A_832, %broadcast_in_dim3A_821, %select_n3A_816 : vector<16xi1>, vector<16xi32>
      %gt3A_835 = arith.cmpf ogt, %gather3A_825, %max3A_818 : vector<16xf32>
      %max3A_836 = arith.maximumf %max3A_818, %gather3A_825 : vector<16xf32>
      %select_n3A_837 = arith.select %gt3A_835, %broadcast_in_dim3A_821, %select_n3A_819 : vector<16xi1>, vector<16xi32>
      %broadcast_in_dim3A_838 = arith.constant 42 : i32
      %broadcast_in_dim3A_839 = vector.broadcast %broadcast_in_dim3A_838 : i32 to vector<16xi32>
      %gather3A_840 = tpu.vector_load_idx %arg5[%add3A_72, %broadcast_in_dim3A_839] : memref<256x51xf32, #tpu.memory_space<vmem>>[vector<16xi32>, vector<16xi32>], vector<16xf32>,
      %gather3A_841 = tpu.vector_load_idx %arg5[%add3A_76, %broadcast_in_dim3A_839] : memref<256x51xf32, #tpu.memory_space<vmem>>[vector<16xi32>, vector<16xi32>], vector<16xf32>,
      %gather3A_842 = tpu.vector_load_idx %arg5[%add3A_80, %broadcast_in_dim3A_839] : memref<256x51xf32, #tpu.memory_space<vmem>>[vector<16xi32>, vector<16xi32>], vector<16xf32>,
      %gather3A_843 = tpu.vector_load_idx %arg5[%add3A_84, %broadcast_in_dim3A_839] : memref<256x51xf32, #tpu.memory_space<vmem>>[vector<16xi32>, vector<16xi32>], vector<16xf32>,
      %gt3A_844 = arith.cmpf ogt, %gather3A_840, %max3A_827 : vector<16xf32>
      %max3A_845 = arith.maximumf %max3A_827, %gather3A_840 : vector<16xf32>
      %select_n3A_846 = arith.select %gt3A_844, %broadcast_in_dim3A_839, %select_n3A_828 : vector<16xi1>, vector<16xi32>
      %gt3A_847 = arith.cmpf ogt, %gather3A_841, %max3A_830 : vector<16xf32>
      %max3A_848 = arith.maximumf %max3A_830, %gather3A_841 : vector<16xf32>
      %select_n3A_849 = arith.select %gt3A_847, %broadcast_in_dim3A_839, %select_n3A_831 : vector<16xi1>, vector<16xi32>
      %gt3A_850 = arith.cmpf ogt, %gather3A_842, %max3A_833 : vector<16xf32>
      %max3A_851 = arith.maximumf %max3A_833, %gather3A_842 : vector<16xf32>
      %select_n3A_852 = arith.select %gt3A_850, %broadcast_in_dim3A_839, %select_n3A_834 : vector<16xi1>, vector<16xi32>
      %gt3A_853 = arith.cmpf ogt, %gather3A_843, %max3A_836 : vector<16xf32>
      %max3A_854 = arith.maximumf %max3A_836, %gather3A_843 : vector<16xf32>
      %select_n3A_855 = arith.select %gt3A_853, %broadcast_in_dim3A_839, %select_n3A_837 : vector<16xi1>, vector<16xi32>
      %broadcast_in_dim3A_856 = arith.constant 43 : i32
      %broadcast_in_dim3A_857 = vector.broadcast %broadcast_in_dim3A_856 : i32 to vector<16xi32>
      %gather3A_858 = tpu.vector_load_idx %arg5[%add3A_72, %broadcast_in_dim3A_857] : memref<256x51xf32, #tpu.memory_space<vmem>>[vector<16xi32>, vector<16xi32>], vector<16xf32>,
      %gather3A_859 = tpu.vector_load_idx %arg5[%add3A_76, %broadcast_in_dim3A_857] : memref<256x51xf32, #tpu.memory_space<vmem>>[vector<16xi32>, vector<16xi32>], vector<16xf32>,
      %gather3A_860 = tpu.vector_load_idx %arg5[%add3A_80, %broadcast_in_dim3A_857] : memref<256x51xf32, #tpu.memory_space<vmem>>[vector<16xi32>, vector<16xi32>], vector<16xf32>,
      %gather3A_861 = tpu.vector_load_idx %arg5[%add3A_84, %broadcast_in_dim3A_857] : memref<256x51xf32, #tpu.memory_space<vmem>>[vector<16xi32>, vector<16xi32>], vector<16xf32>,
      %gt3A_862 = arith.cmpf ogt, %gather3A_858, %max3A_845 : vector<16xf32>
      %max3A_863 = arith.maximumf %max3A_845, %gather3A_858 : vector<16xf32>
      %select_n3A_864 = arith.select %gt3A_862, %broadcast_in_dim3A_857, %select_n3A_846 : vector<16xi1>, vector<16xi32>
      %gt3A_865 = arith.cmpf ogt, %gather3A_859, %max3A_848 : vector<16xf32>
      %max3A_866 = arith.maximumf %max3A_848, %gather3A_859 : vector<16xf32>
      %select_n3A_867 = arith.select %gt3A_865, %broadcast_in_dim3A_857, %select_n3A_849 : vector<16xi1>, vector<16xi32>
      %gt3A_868 = arith.cmpf ogt, %gather3A_860, %max3A_851 : vector<16xf32>
      %max3A_869 = arith.maximumf %max3A_851, %gather3A_860 : vector<16xf32>
      %select_n3A_870 = arith.select %gt3A_868, %broadcast_in_dim3A_857, %select_n3A_852 : vector<16xi1>, vector<16xi32>
      %gt3A_871 = arith.cmpf ogt, %gather3A_861, %max3A_854 : vector<16xf32>
      %max3A_872 = arith.maximumf %max3A_854, %gather3A_861 : vector<16xf32>
      %select_n3A_873 = arith.select %gt3A_871, %broadcast_in_dim3A_857, %select_n3A_855 : vector<16xi1>, vector<16xi32>
      %broadcast_in_dim3A_874 = arith.constant 44 : i32
      %broadcast_in_dim3A_875 = vector.broadcast %broadcast_in_dim3A_874 : i32 to vector<16xi32>
      %gather3A_876 = tpu.vector_load_idx %arg5[%add3A_72, %broadcast_in_dim3A_875] : memref<256x51xf32, #tpu.memory_space<vmem>>[vector<16xi32>, vector<16xi32>], vector<16xf32>,
      %gather3A_877 = tpu.vector_load_idx %arg5[%add3A_76, %broadcast_in_dim3A_875] : memref<256x51xf32, #tpu.memory_space<vmem>>[vector<16xi32>, vector<16xi32>], vector<16xf32>,
      %gather3A_878 = tpu.vector_load_idx %arg5[%add3A_80, %broadcast_in_dim3A_875] : memref<256x51xf32, #tpu.memory_space<vmem>>[vector<16xi32>, vector<16xi32>], vector<16xf32>,
      %gather3A_879 = tpu.vector_load_idx %arg5[%add3A_84, %broadcast_in_dim3A_875] : memref<256x51xf32, #tpu.memory_space<vmem>>[vector<16xi32>, vector<16xi32>], vector<16xf32>,
      %gt3A_880 = arith.cmpf ogt, %gather3A_876, %max3A_863 : vector<16xf32>
      %max3A_881 = arith.maximumf %max3A_863, %gather3A_876 : vector<16xf32>
      %select_n3A_882 = arith.select %gt3A_880, %broadcast_in_dim3A_875, %select_n3A_864 : vector<16xi1>, vector<16xi32>
      %gt3A_883 = arith.cmpf ogt, %gather3A_877, %max3A_866 : vector<16xf32>
      %max3A_884 = arith.maximumf %max3A_866, %gather3A_877 : vector<16xf32>
      %select_n3A_885 = arith.select %gt3A_883, %broadcast_in_dim3A_875, %select_n3A_867 : vector<16xi1>, vector<16xi32>
      %gt3A_886 = arith.cmpf ogt, %gather3A_878, %max3A_869 : vector<16xf32>
      %max3A_887 = arith.maximumf %max3A_869, %gather3A_878 : vector<16xf32>
      %select_n3A_888 = arith.select %gt3A_886, %broadcast_in_dim3A_875, %select_n3A_870 : vector<16xi1>, vector<16xi32>
      %gt3A_889 = arith.cmpf ogt, %gather3A_879, %max3A_872 : vector<16xf32>
      %max3A_890 = arith.maximumf %max3A_872, %gather3A_879 : vector<16xf32>
      %select_n3A_891 = arith.select %gt3A_889, %broadcast_in_dim3A_875, %select_n3A_873 : vector<16xi1>, vector<16xi32>
      %broadcast_in_dim3A_892 = arith.constant 45 : i32
      %broadcast_in_dim3A_893 = vector.broadcast %broadcast_in_dim3A_892 : i32 to vector<16xi32>
      %gather3A_894 = tpu.vector_load_idx %arg5[%add3A_72, %broadcast_in_dim3A_893] : memref<256x51xf32, #tpu.memory_space<vmem>>[vector<16xi32>, vector<16xi32>], vector<16xf32>,
      %gather3A_895 = tpu.vector_load_idx %arg5[%add3A_76, %broadcast_in_dim3A_893] : memref<256x51xf32, #tpu.memory_space<vmem>>[vector<16xi32>, vector<16xi32>], vector<16xf32>,
      %gather3A_896 = tpu.vector_load_idx %arg5[%add3A_80, %broadcast_in_dim3A_893] : memref<256x51xf32, #tpu.memory_space<vmem>>[vector<16xi32>, vector<16xi32>], vector<16xf32>,
      %gather3A_897 = tpu.vector_load_idx %arg5[%add3A_84, %broadcast_in_dim3A_893] : memref<256x51xf32, #tpu.memory_space<vmem>>[vector<16xi32>, vector<16xi32>], vector<16xf32>,
      %gt3A_898 = arith.cmpf ogt, %gather3A_894, %max3A_881 : vector<16xf32>
      %max3A_899 = arith.maximumf %max3A_881, %gather3A_894 : vector<16xf32>
      %select_n3A_900 = arith.select %gt3A_898, %broadcast_in_dim3A_893, %select_n3A_882 : vector<16xi1>, vector<16xi32>
      %gt3A_901 = arith.cmpf ogt, %gather3A_895, %max3A_884 : vector<16xf32>
      %max3A_902 = arith.maximumf %max3A_884, %gather3A_895 : vector<16xf32>
      %select_n3A_903 = arith.select %gt3A_901, %broadcast_in_dim3A_893, %select_n3A_885 : vector<16xi1>, vector<16xi32>
      %gt3A_904 = arith.cmpf ogt, %gather3A_896, %max3A_887 : vector<16xf32>
      %max3A_905 = arith.maximumf %max3A_887, %gather3A_896 : vector<16xf32>
      %select_n3A_906 = arith.select %gt3A_904, %broadcast_in_dim3A_893, %select_n3A_888 : vector<16xi1>, vector<16xi32>
      %gt3A_907 = arith.cmpf ogt, %gather3A_897, %max3A_890 : vector<16xf32>
      %max3A_908 = arith.maximumf %max3A_890, %gather3A_897 : vector<16xf32>
      %select_n3A_909 = arith.select %gt3A_907, %broadcast_in_dim3A_893, %select_n3A_891 : vector<16xi1>, vector<16xi32>
      %broadcast_in_dim3A_910 = arith.constant 46 : i32
      %broadcast_in_dim3A_911 = vector.broadcast %broadcast_in_dim3A_910 : i32 to vector<16xi32>
      %gather3A_912 = tpu.vector_load_idx %arg5[%add3A_72, %broadcast_in_dim3A_911] : memref<256x51xf32, #tpu.memory_space<vmem>>[vector<16xi32>, vector<16xi32>], vector<16xf32>,
      %gather3A_913 = tpu.vector_load_idx %arg5[%add3A_76, %broadcast_in_dim3A_911] : memref<256x51xf32, #tpu.memory_space<vmem>>[vector<16xi32>, vector<16xi32>], vector<16xf32>,
      %gather3A_914 = tpu.vector_load_idx %arg5[%add3A_80, %broadcast_in_dim3A_911] : memref<256x51xf32, #tpu.memory_space<vmem>>[vector<16xi32>, vector<16xi32>], vector<16xf32>,
      %gather3A_915 = tpu.vector_load_idx %arg5[%add3A_84, %broadcast_in_dim3A_911] : memref<256x51xf32, #tpu.memory_space<vmem>>[vector<16xi32>, vector<16xi32>], vector<16xf32>,
      %gt3A_916 = arith.cmpf ogt, %gather3A_912, %max3A_899 : vector<16xf32>
      %max3A_917 = arith.maximumf %max3A_899, %gather3A_912 : vector<16xf32>
      %select_n3A_918 = arith.select %gt3A_916, %broadcast_in_dim3A_911, %select_n3A_900 : vector<16xi1>, vector<16xi32>
      %gt3A_919 = arith.cmpf ogt, %gather3A_913, %max3A_902 : vector<16xf32>
      %max3A_920 = arith.maximumf %max3A_902, %gather3A_913 : vector<16xf32>
      %select_n3A_921 = arith.select %gt3A_919, %broadcast_in_dim3A_911, %select_n3A_903 : vector<16xi1>, vector<16xi32>
      %gt3A_922 = arith.cmpf ogt, %gather3A_914, %max3A_905 : vector<16xf32>
      %max3A_923 = arith.maximumf %max3A_905, %gather3A_914 : vector<16xf32>
      %select_n3A_924 = arith.select %gt3A_922, %broadcast_in_dim3A_911, %select_n3A_906 : vector<16xi1>, vector<16xi32>
      %gt3A_925 = arith.cmpf ogt, %gather3A_915, %max3A_908 : vector<16xf32>
      %max3A_926 = arith.maximumf %max3A_908, %gather3A_915 : vector<16xf32>
      %select_n3A_927 = arith.select %gt3A_925, %broadcast_in_dim3A_911, %select_n3A_909 : vector<16xi1>, vector<16xi32>
      %broadcast_in_dim3A_928 = arith.constant 47 : i32
      %broadcast_in_dim3A_929 = vector.broadcast %broadcast_in_dim3A_928 : i32 to vector<16xi32>
      %gather3A_930 = tpu.vector_load_idx %arg5[%add3A_72, %broadcast_in_dim3A_929] : memref<256x51xf32, #tpu.memory_space<vmem>>[vector<16xi32>, vector<16xi32>], vector<16xf32>,
      %gather3A_931 = tpu.vector_load_idx %arg5[%add3A_76, %broadcast_in_dim3A_929] : memref<256x51xf32, #tpu.memory_space<vmem>>[vector<16xi32>, vector<16xi32>], vector<16xf32>,
      %gather3A_932 = tpu.vector_load_idx %arg5[%add3A_80, %broadcast_in_dim3A_929] : memref<256x51xf32, #tpu.memory_space<vmem>>[vector<16xi32>, vector<16xi32>], vector<16xf32>,
      %gather3A_933 = tpu.vector_load_idx %arg5[%add3A_84, %broadcast_in_dim3A_929] : memref<256x51xf32, #tpu.memory_space<vmem>>[vector<16xi32>, vector<16xi32>], vector<16xf32>,
      %gt3A_934 = arith.cmpf ogt, %gather3A_930, %max3A_917 : vector<16xf32>
      %max3A_935 = arith.maximumf %max3A_917, %gather3A_930 : vector<16xf32>
      %select_n3A_936 = arith.select %gt3A_934, %broadcast_in_dim3A_929, %select_n3A_918 : vector<16xi1>, vector<16xi32>
      %gt3A_937 = arith.cmpf ogt, %gather3A_931, %max3A_920 : vector<16xf32>
      %max3A_938 = arith.maximumf %max3A_920, %gather3A_931 : vector<16xf32>
      %select_n3A_939 = arith.select %gt3A_937, %broadcast_in_dim3A_929, %select_n3A_921 : vector<16xi1>, vector<16xi32>
      %gt3A_940 = arith.cmpf ogt, %gather3A_932, %max3A_923 : vector<16xf32>
      %max3A_941 = arith.maximumf %max3A_923, %gather3A_932 : vector<16xf32>
      %select_n3A_942 = arith.select %gt3A_940, %broadcast_in_dim3A_929, %select_n3A_924 : vector<16xi1>, vector<16xi32>
      %gt3A_943 = arith.cmpf ogt, %gather3A_933, %max3A_926 : vector<16xf32>
      %max3A_944 = arith.maximumf %max3A_926, %gather3A_933 : vector<16xf32>
      %select_n3A_945 = arith.select %gt3A_943, %broadcast_in_dim3A_929, %select_n3A_927 : vector<16xi1>, vector<16xi32>
      %broadcast_in_dim3A_946 = arith.constant 48 : i32
      %broadcast_in_dim3A_947 = vector.broadcast %broadcast_in_dim3A_946 : i32 to vector<16xi32>
      %gather3A_948 = tpu.vector_load_idx %arg5[%add3A_72, %broadcast_in_dim3A_947] : memref<256x51xf32, #tpu.memory_space<vmem>>[vector<16xi32>, vector<16xi32>], vector<16xf32>,
      %gather3A_949 = tpu.vector_load_idx %arg5[%add3A_76, %broadcast_in_dim3A_947] : memref<256x51xf32, #tpu.memory_space<vmem>>[vector<16xi32>, vector<16xi32>], vector<16xf32>,
      %gather3A_950 = tpu.vector_load_idx %arg5[%add3A_80, %broadcast_in_dim3A_947] : memref<256x51xf32, #tpu.memory_space<vmem>>[vector<16xi32>, vector<16xi32>], vector<16xf32>,
      %gather3A_951 = tpu.vector_load_idx %arg5[%add3A_84, %broadcast_in_dim3A_947] : memref<256x51xf32, #tpu.memory_space<vmem>>[vector<16xi32>, vector<16xi32>], vector<16xf32>,
      %gt3A_952 = arith.cmpf ogt, %gather3A_948, %max3A_935 : vector<16xf32>
      %max3A_953 = arith.maximumf %max3A_935, %gather3A_948 : vector<16xf32>
      %select_n3A_954 = arith.select %gt3A_952, %broadcast_in_dim3A_947, %select_n3A_936 : vector<16xi1>, vector<16xi32>
      %gt3A_955 = arith.cmpf ogt, %gather3A_949, %max3A_938 : vector<16xf32>
      %max3A_956 = arith.maximumf %max3A_938, %gather3A_949 : vector<16xf32>
      %select_n3A_957 = arith.select %gt3A_955, %broadcast_in_dim3A_947, %select_n3A_939 : vector<16xi1>, vector<16xi32>
      %gt3A_958 = arith.cmpf ogt, %gather3A_950, %max3A_941 : vector<16xf32>
      %max3A_959 = arith.maximumf %max3A_941, %gather3A_950 : vector<16xf32>
      %select_n3A_960 = arith.select %gt3A_958, %broadcast_in_dim3A_947, %select_n3A_942 : vector<16xi1>, vector<16xi32>
      %gt3A_961 = arith.cmpf ogt, %gather3A_951, %max3A_944 : vector<16xf32>
      %max3A_962 = arith.maximumf %max3A_944, %gather3A_951 : vector<16xf32>
      %select_n3A_963 = arith.select %gt3A_961, %broadcast_in_dim3A_947, %select_n3A_945 : vector<16xi1>, vector<16xi32>
      %broadcast_in_dim3A_964 = arith.constant 49 : i32
      %broadcast_in_dim3A_965 = vector.broadcast %broadcast_in_dim3A_964 : i32 to vector<16xi32>
      %gather3A_966 = tpu.vector_load_idx %arg5[%add3A_72, %broadcast_in_dim3A_965] : memref<256x51xf32, #tpu.memory_space<vmem>>[vector<16xi32>, vector<16xi32>], vector<16xf32>,
      %gather3A_967 = tpu.vector_load_idx %arg5[%add3A_76, %broadcast_in_dim3A_965] : memref<256x51xf32, #tpu.memory_space<vmem>>[vector<16xi32>, vector<16xi32>], vector<16xf32>,
      %gather3A_968 = tpu.vector_load_idx %arg5[%add3A_80, %broadcast_in_dim3A_965] : memref<256x51xf32, #tpu.memory_space<vmem>>[vector<16xi32>, vector<16xi32>], vector<16xf32>,
      %gather3A_969 = tpu.vector_load_idx %arg5[%add3A_84, %broadcast_in_dim3A_965] : memref<256x51xf32, #tpu.memory_space<vmem>>[vector<16xi32>, vector<16xi32>], vector<16xf32>,
      %gt3A_970 = arith.cmpf ogt, %gather3A_966, %max3A_953 : vector<16xf32>
      %max3A_971 = arith.maximumf %max3A_953, %gather3A_966 : vector<16xf32>
      %select_n3A_972 = arith.select %gt3A_970, %broadcast_in_dim3A_965, %select_n3A_954 : vector<16xi1>, vector<16xi32>
      %gt3A_973 = arith.cmpf ogt, %gather3A_967, %max3A_956 : vector<16xf32>
      %max3A_974 = arith.maximumf %max3A_956, %gather3A_967 : vector<16xf32>
      %select_n3A_975 = arith.select %gt3A_973, %broadcast_in_dim3A_965, %select_n3A_957 : vector<16xi1>, vector<16xi32>
      %gt3A_976 = arith.cmpf ogt, %gather3A_968, %max3A_959 : vector<16xf32>
      %max3A_977 = arith.maximumf %max3A_959, %gather3A_968 : vector<16xf32>
      %select_n3A_978 = arith.select %gt3A_976, %broadcast_in_dim3A_965, %select_n3A_960 : vector<16xi1>, vector<16xi32>
      %gt3A_979 = arith.cmpf ogt, %gather3A_969, %max3A_962 : vector<16xf32>
      %max3A_980 = arith.maximumf %max3A_962, %gather3A_969 : vector<16xf32>
      %select_n3A_981 = arith.select %gt3A_979, %broadcast_in_dim3A_965, %select_n3A_963 : vector<16xi1>, vector<16xi32>
      %broadcast_in_dim3A_982 = arith.constant 50 : i32
      %broadcast_in_dim3A_983 = vector.broadcast %broadcast_in_dim3A_982 : i32 to vector<16xi32>
      %gather3A_984 = tpu.vector_load_idx %arg5[%add3A_72, %broadcast_in_dim3A_983] : memref<256x51xf32, #tpu.memory_space<vmem>>[vector<16xi32>, vector<16xi32>], vector<16xf32>,
      %gather3A_985 = tpu.vector_load_idx %arg5[%add3A_76, %broadcast_in_dim3A_983] : memref<256x51xf32, #tpu.memory_space<vmem>>[vector<16xi32>, vector<16xi32>], vector<16xf32>,
      %gather3A_986 = tpu.vector_load_idx %arg5[%add3A_80, %broadcast_in_dim3A_983] : memref<256x51xf32, #tpu.memory_space<vmem>>[vector<16xi32>, vector<16xi32>], vector<16xf32>,
      %gather3A_987 = tpu.vector_load_idx %arg5[%add3A_84, %broadcast_in_dim3A_983] : memref<256x51xf32, #tpu.memory_space<vmem>>[vector<16xi32>, vector<16xi32>], vector<16xf32>,
      %gt3A_988 = arith.cmpf ogt, %gather3A_984, %max3A_971 : vector<16xf32>
      %max3A_989 = arith.maximumf %max3A_971, %gather3A_984 : vector<16xf32>
      %select_n3A_990 = arith.select %gt3A_988, %broadcast_in_dim3A_983, %select_n3A_972 : vector<16xi1>, vector<16xi32>
      %gt3A_991 = arith.cmpf ogt, %gather3A_985, %max3A_974 : vector<16xf32>
      %max3A_992 = arith.maximumf %max3A_974, %gather3A_985 : vector<16xf32>
      %select_n3A_993 = arith.select %gt3A_991, %broadcast_in_dim3A_983, %select_n3A_975 : vector<16xi1>, vector<16xi32>
      %gt3A_994 = arith.cmpf ogt, %gather3A_986, %max3A_977 : vector<16xf32>
      %max3A_995 = arith.maximumf %max3A_977, %gather3A_986 : vector<16xf32>
      %select_n3A_996 = arith.select %gt3A_994, %broadcast_in_dim3A_983, %select_n3A_978 : vector<16xi1>, vector<16xi32>
      %gt3A_997 = arith.cmpf ogt, %gather3A_987, %max3A_980 : vector<16xf32>
      %max3A_998 = arith.maximumf %max3A_980, %gather3A_987 : vector<16xf32>
      %select_n3A_999 = arith.select %gt3A_997, %broadcast_in_dim3A_983, %select_n3A_981 : vector<16xi1>, vector<16xi32>
      %add3A_1000 = arith.constant 0 : i32
      %add3A_1001 = arith.addi %multiple_of3A_68, %add3A_1000 : i32
      %multiple_of3A_1002 = tpu.assume_multiple %add3A_1001, 16 : i32
      %get3A = arith.index_cast %multiple_of3A_1002 : i32 to index
      %get3A_1003 = tpu.vector_load %arg7[%get3A] {strides = array<i32>} : memref<256xi32, #tpu.memory_space<vmem>>, vector<16xi32>,
      %eq3A = arith.constant 0 : i32
      %eq3A_1004 = vector.broadcast %eq3A : i32 to vector<16xi32>
      %eq3A_1005 = arith.cmpi eq, %get3A_1003, %eq3A_1004 : vector<16xi32>
      %select_n3A_1006 = arith.select %eq3A_1005, %select_n3A_990, %get3A_1003 : vector<16xi1>, vector<16xi32>
      %add3A_1007 = arith.constant 0 : i32
      %add3A_1008 = arith.addi %multiple_of3A_68, %add3A_1007 : i32
      %multiple_of3A_1009 = tpu.assume_multiple %add3A_1008, 16 : i32
      %swap3A = arith.index_cast %multiple_of3A_1009 : i32 to index
      %swap3A_1010 = tpu.vector_load %arg9[%swap3A] {strides = array<i32>} : memref<256xi32, #tpu.memory_space<vmem>>, vector<16xi32>,
      tpu.vector_store %arg9[%swap3A], %select_n3A_1006 {strides = array<i32>} : memref<256xi32, #tpu.memory_space<vmem>>, vector<16xi32>,
      %add3A_1011 = arith.constant 16 : i32
      %add3A_1012 = arith.addi %multiple_of3A_68, %add3A_1011 : i32
      %multiple_of3A_1013 = tpu.assume_multiple %add3A_1012, 16 : i32
      %get3A_1014 = arith.index_cast %multiple_of3A_1013 : i32 to index
      %get3A_1015 = tpu.vector_load %arg7[%get3A_1014] {strides = array<i32>} : memref<256xi32, #tpu.memory_space<vmem>>, vector<16xi32>,
      %eq3A_1016 = arith.constant 0 : i32
      %eq3A_1017 = vector.broadcast %eq3A_1016 : i32 to vector<16xi32>
      %eq3A_1018 = arith.cmpi eq, %get3A_1015, %eq3A_1017 : vector<16xi32>
      %select_n3A_1019 = arith.select %eq3A_1018, %select_n3A_993, %get3A_1015 : vector<16xi1>, vector<16xi32>
      %add3A_1020 = arith.constant 16 : i32
      %add3A_1021 = arith.addi %multiple_of3A_68, %add3A_1020 : i32
      %multiple_of3A_1022 = tpu.assume_multiple %add3A_1021, 16 : i32
      %swap3A_1023 = arith.index_cast %multiple_of3A_1022 : i32 to index
      %swap3A_1024 = tpu.vector_load %arg9[%swap3A_1023] {strides = array<i32>} : memref<256xi32, #tpu.memory_space<vmem>>, vector<16xi32>,
      tpu.vector_store %arg9[%swap3A_1023], %select_n3A_1019 {strides = array<i32>} : memref<256xi32, #tpu.memory_space<vmem>>, vector<16xi32>,
      %add3A_1025 = arith.constant 32 : i32
      %add3A_1026 = arith.addi %multiple_of3A_68, %add3A_1025 : i32
      %multiple_of3A_1027 = tpu.assume_multiple %add3A_1026, 16 : i32
      %get3A_1028 = arith.index_cast %multiple_of3A_1027 : i32 to index
      %get3A_1029 = tpu.vector_load %arg7[%get3A_1028] {strides = array<i32>} : memref<256xi32, #tpu.memory_space<vmem>>, vector<16xi32>,
      %eq3A_1030 = arith.constant 0 : i32
      %eq3A_1031 = vector.broadcast %eq3A_1030 : i32 to vector<16xi32>
      %eq3A_1032 = arith.cmpi eq, %get3A_1029, %eq3A_1031 : vector<16xi32>
      %select_n3A_1033 = arith.select %eq3A_1032, %select_n3A_996, %get3A_1029 : vector<16xi1>, vector<16xi32>
      %add3A_1034 = arith.constant 32 : i32
      %add3A_1035 = arith.addi %multiple_of3A_68, %add3A_1034 : i32
      %multiple_of3A_1036 = tpu.assume_multiple %add3A_1035, 16 : i32
      %swap3A_1037 = arith.index_cast %multiple_of3A_1036 : i32 to index
      %swap3A_1038 = tpu.vector_load %arg9[%swap3A_1037] {strides = array<i32>} : memref<256xi32, #tpu.memory_space<vmem>>, vector<16xi32>,
      tpu.vector_store %arg9[%swap3A_1037], %select_n3A_1033 {strides = array<i32>} : memref<256xi32, #tpu.memory_space<vmem>>, vector<16xi32>,
      %add3A_1039 = arith.constant 48 : i32
      %add3A_1040 = arith.addi %multiple_of3A_68, %add3A_1039 : i32
      %multiple_of3A_1041 = tpu.assume_multiple %add3A_1040, 16 : i32
      %get3A_1042 = arith.index_cast %multiple_of3A_1041 : i32 to index
      %get3A_1043 = tpu.vector_load %arg7[%get3A_1042] {strides = array<i32>} : memref<256xi32, #tpu.memory_space<vmem>>, vector<16xi32>,
      %eq3A_1044 = arith.constant 0 : i32
      %eq3A_1045 = vector.broadcast %eq3A_1044 : i32 to vector<16xi32>
      %eq3A_1046 = arith.cmpi eq, %get3A_1043, %eq3A_1045 : vector<16xi32>
      %select_n3A_1047 = arith.select %eq3A_1046, %select_n3A_999, %get3A_1043 : vector<16xi1>, vector<16xi32>
      %add3A_1048 = arith.constant 48 : i32
      %add3A_1049 = arith.addi %multiple_of3A_68, %add3A_1048 : i32
      %multiple_of3A_1050 = tpu.assume_multiple %add3A_1049, 16 : i32
      %swap3A_1051 = arith.index_cast %multiple_of3A_1050 : i32 to index
      %swap3A_1052 = tpu.vector_load %arg9[%swap3A_1051] {strides = array<i32>} : memref<256xi32, #tpu.memory_space<vmem>>, vector<16xi32>,
      tpu.vector_store %arg9[%swap3A_1051], %select_n3A_1047 {strides = array<i32>} : memref<256xi32, #tpu.memory_space<vmem>>, vector<16xi32>,
      %scan3A_1053 = arith.constant 0 : i32
      scf.yield %scan3A_1053 : i32
    }
    %scan3A_40 = arith.constant 4 : i32
    %add3A_41 = arith.constant 0 : i32
    %add3A_42 = arith.addi %mul3A_2, %add3A_41 : i32
    %multiple_of3A_43 = tpu.assume_multiple %add3A_42, 256 : i32
    "tpu.region"() ({
      %run_scoped3A = tpu.sem_alloc : memref<!tpu.dma_semaphore, #tpu.memory_space<semaphore_mem>>
      %dma_start3A_64 = tpu.memref_slice %arg4[%multiple_of3A_43] : memref<16384xi32, #tpu.memory_space<hbm>> -> memref<256xi32, #tpu.memory_space<hbm>>
      %dma_start3A_65 = tpu.memref_slice %arg4[%multiple_of3A_43] : memref<16384xi32, #tpu.memory_space<hbm>> -> memref<256xi32, #tpu.memory_space<hbm>>
      tpu.enqueue_dma source(%arg9 : memref<256xi32, #tpu.memory_space<vmem>>) target(%dma_start3A_65 : memref<256xi32, #tpu.memory_space<hbm>>) target_semaphore(%run_scoped3A : memref<!tpu.dma_semaphore, #tpu.memory_space<semaphore_mem>>)
      %dma_wait3A_66 = tpu.memref_slice %arg4[%multiple_of3A_43] : memref<16384xi32, #tpu.memory_space<hbm>> -> memref<256xi32, #tpu.memory_space<hbm>>
      %dma_wait3A_67 = tpu.memref_slice %arg4[%multiple_of3A_43] : memref<16384xi32, #tpu.memory_space<hbm>> -> memref<256xi32, #tpu.memory_space<hbm>>
      tpu.wait_dma2 semaphore(%run_scoped3A : memref<!tpu.dma_semaphore, #tpu.memory_space<semaphore_mem>>) src(%arg9 : memref<256xi32, #tpu.memory_space<vmem>>) dst(%dma_wait3A_67 : memref<256xi32, #tpu.memory_space<hbm>>)
      tpu.yield
    }) : () -> ()
    %dma_wait3A_44 = arith.constant 0 : i32
    %dma_wait3A_45 = arith.constant 0 : i32
    %dma_wait3A_46 = tpu.memref_slice %arg2[%dma_wait3A_44, %dma_wait3A_45] : memref<262144x51xf32, #tpu.memory_space<hbm>> -> memref<256x51xf32, #tpu.memory_space<hbm>>
    %dma_wait3A_47 = arith.constant 0 : i32
    %dma_wait3A_48 = arith.constant 0 : i32
    %dma_wait3A_49 = tpu.memref_slice %arg2[%dma_wait3A_47, %dma_wait3A_48] : memref<262144x51xf32, #tpu.memory_space<hbm>> -> memref<256x51xf32, #tpu.memory_space<hbm>>
    tpu.wait_dma2 semaphore(%arg12 : memref<!tpu.dma_semaphore, #tpu.memory_space<semaphore_mem>>) src(%dma_wait3A_49 : memref<256x51xf32, #tpu.memory_space<hbm>>) dst(%arg6 : memref<256x51xf32, #tpu.memory_space<vmem>>)
    %dma_wait3A_50 = arith.constant 0 : i32
    %dma_wait3A_51 = tpu.memref_slice %arg3[%dma_wait3A_50] : memref<262144xi32, #tpu.memory_space<hbm>> -> memref<256xi32, #tpu.memory_space<hbm>>
    %dma_wait3A_52 = arith.constant 0 : i32
    %dma_wait3A_53 = tpu.memref_slice %arg3[%dma_wait3A_52] : memref<262144xi32, #tpu.memory_space<hbm>> -> memref<256xi32, #tpu.memory_space<hbm>>
    tpu.wait_dma2 semaphore(%arg12 : memref<!tpu.dma_semaphore, #tpu.memory_space<semaphore_mem>>) src(%dma_wait3A_53 : memref<256xi32, #tpu.memory_space<hbm>>) dst(%arg8 : memref<256xi32, #tpu.memory_space<vmem>>)
    %scan3A_54 = arith.constant 0 : i32
    %scan3A_55 = arith.constant 0 : i32
    %scan3A_56 = arith.constant 4 : i32
    %scan3A_57 = arith.addi %scan3A_55, %scan3A_56 : i32
    %scan3A_58 = arith.constant 1 : i32
    %scan3A_59 = scf.for %scan3A_64 = %scan3A_55 to %scan3A_57 step %scan3A_58 iter_args(%scan3A_65 = %scan3A_54) -> (i32)  : i32 {
      %mul3A_66 = arith.constant 64 : i32
      %mul3A_67 = arith.muli %scan3A_64, %mul3A_66 : i32
      %multiple_of3A_68 = tpu.assume_multiple %mul3A_67, 64 : i32
      %add3A_69 = arith.constant 0 : i32
      %add3A_70 = arith.addi %multiple_of3A_68, %add3A_69 : i32
      %add3A_71 = vector.broadcast %add3A_70 : i32 to vector<16xi32>
      %add3A_72 = arith.addi %add3A_71, %iota3A : vector<16xi32>
      %add3A_73 = arith.constant 16 : i32
      %add3A_74 = arith.addi %multiple_of3A_68, %add3A_73 : i32
      %add3A_75 = vector.broadcast %add3A_74 : i32 to vector<16xi32>
      %add3A_76 = arith.addi %add3A_75, %iota3A : vector<16xi32>
      %add3A_77 = arith.constant 32 : i32
      %add3A_78 = arith.addi %multiple_of3A_68, %add3A_77 : i32
      %add3A_79 = vector.broadcast %add3A_78 : i32 to vector<16xi32>
      %add3A_80 = arith.addi %add3A_79, %iota3A : vector<16xi32>
      %add3A_81 = arith.constant 48 : i32
      %add3A_82 = arith.addi %multiple_of3A_68, %add3A_81 : i32
      %add3A_83 = vector.broadcast %add3A_82 : i32 to vector<16xi32>
      %add3A_84 = arith.addi %add3A_83, %iota3A : vector<16xi32>
      %broadcast_in_dim3A = arith.constant 0 : i32
      %broadcast_in_dim3A_85 = vector.broadcast %broadcast_in_dim3A : i32 to vector<16xi32>
      %gather3A = tpu.vector_load_idx %arg6[%add3A_72, %broadcast_in_dim3A_85] : memref<256x51xf32, #tpu.memory_space<vmem>>[vector<16xi32>, vector<16xi32>], vector<16xf32>,
      %broadcast_in_dim3A_86 = arith.constant 0 : i32
      %broadcast_in_dim3A_87 = vector.broadcast %broadcast_in_dim3A_86 : i32 to vector<16xi32>
      %gather3A_88 = tpu.vector_load_idx %arg6[%add3A_76, %broadcast_in_dim3A_87] : memref<256x51xf32, #tpu.memory_space<vmem>>[vector<16xi32>, vector<16xi32>], vector<16xf32>,
      %broadcast_in_dim3A_89 = arith.constant 0 : i32
      %broadcast_in_dim3A_90 = vector.broadcast %broadcast_in_dim3A_89 : i32 to vector<16xi32>
      %gather3A_91 = tpu.vector_load_idx %arg6[%add3A_80, %broadcast_in_dim3A_90] : memref<256x51xf32, #tpu.memory_space<vmem>>[vector<16xi32>, vector<16xi32>], vector<16xf32>,
      %broadcast_in_dim3A_92 = arith.constant 0 : i32
      %broadcast_in_dim3A_93 = vector.broadcast %broadcast_in_dim3A_92 : i32 to vector<16xi32>
      %gather3A_94 = tpu.vector_load_idx %arg6[%add3A_84, %broadcast_in_dim3A_93] : memref<256x51xf32, #tpu.memory_space<vmem>>[vector<16xi32>, vector<16xi32>], vector<16xf32>,
      %broadcast_in_dim3A_95 = arith.constant 0 : i32
      %broadcast_in_dim3A_96 = vector.broadcast %broadcast_in_dim3A_95 : i32 to vector<16xi32>
      %broadcast_in_dim3A_97 = arith.constant 0 : i32
      %broadcast_in_dim3A_98 = vector.broadcast %broadcast_in_dim3A_97 : i32 to vector<16xi32>
      %broadcast_in_dim3A_99 = arith.constant 0 : i32
      %broadcast_in_dim3A_100 = vector.broadcast %broadcast_in_dim3A_99 : i32 to vector<16xi32>
      %broadcast_in_dim3A_101 = arith.constant 0 : i32
      %broadcast_in_dim3A_102 = vector.broadcast %broadcast_in_dim3A_101 : i32 to vector<16xi32>
      %broadcast_in_dim3A_103 = arith.constant 1 : i32
      %broadcast_in_dim3A_104 = vector.broadcast %broadcast_in_dim3A_103 : i32 to vector<16xi32>
      %gather3A_105 = tpu.vector_load_idx %arg6[%add3A_72, %broadcast_in_dim3A_104] : memref<256x51xf32, #tpu.memory_space<vmem>>[vector<16xi32>, vector<16xi32>], vector<16xf32>,
      %gather3A_106 = tpu.vector_load_idx %arg6[%add3A_76, %broadcast_in_dim3A_104] : memref<256x51xf32, #tpu.memory_space<vmem>>[vector<16xi32>, vector<16xi32>], vector<16xf32>,
      %gather3A_107 = tpu.vector_load_idx %arg6[%add3A_80, %broadcast_in_dim3A_104] : memref<256x51xf32, #tpu.memory_space<vmem>>[vector<16xi32>, vector<16xi32>], vector<16xf32>,
      %gather3A_108 = tpu.vector_load_idx %arg6[%add3A_84, %broadcast_in_dim3A_104] : memref<256x51xf32, #tpu.memory_space<vmem>>[vector<16xi32>, vector<16xi32>], vector<16xf32>,
      %gt3A = arith.cmpf ogt, %gather3A_105, %gather3A : vector<16xf32>
      %max3A = arith.maximumf %gather3A, %gather3A_105 : vector<16xf32>
      %select_n3A = arith.select %gt3A, %broadcast_in_dim3A_104, %broadcast_in_dim3A_96 : vector<16xi1>, vector<16xi32>
      %gt3A_109 = arith.cmpf ogt, %gather3A_106, %gather3A_88 : vector<16xf32>
      %max3A_110 = arith.maximumf %gather3A_88, %gather3A_106 : vector<16xf32>
      %select_n3A_111 = arith.select %gt3A_109, %broadcast_in_dim3A_104, %broadcast_in_dim3A_98 : vector<16xi1>, vector<16xi32>
      %gt3A_112 = arith.cmpf ogt, %gather3A_107, %gather3A_91 : vector<16xf32>
      %max3A_113 = arith.maximumf %gather3A_91, %gather3A_107 : vector<16xf32>
      %select_n3A_114 = arith.select %gt3A_112, %broadcast_in_dim3A_104, %broadcast_in_dim3A_100 : vector<16xi1>, vector<16xi32>
      %gt3A_115 = arith.cmpf ogt, %gather3A_108, %gather3A_94 : vector<16xf32>
      %max3A_116 = arith.maximumf %gather3A_94, %gather3A_108 : vector<16xf32>
      %select_n3A_117 = arith.select %gt3A_115, %broadcast_in_dim3A_104, %broadcast_in_dim3A_102 : vector<16xi1>, vector<16xi32>
      %broadcast_in_dim3A_118 = arith.constant 2 : i32
      %broadcast_in_dim3A_119 = vector.broadcast %broadcast_in_dim3A_118 : i32 to vector<16xi32>
      %gather3A_120 = tpu.vector_load_idx %arg6[%add3A_72, %broadcast_in_dim3A_119] : memref<256x51xf32, #tpu.memory_space<vmem>>[vector<16xi32>, vector<16xi32>], vector<16xf32>,
      %gather3A_121 = tpu.vector_load_idx %arg6[%add3A_76, %broadcast_in_dim3A_119] : memref<256x51xf32, #tpu.memory_space<vmem>>[vector<16xi32>, vector<16xi32>], vector<16xf32>,
      %gather3A_122 = tpu.vector_load_idx %arg6[%add3A_80, %broadcast_in_dim3A_119] : memref<256x51xf32, #tpu.memory_space<vmem>>[vector<16xi32>, vector<16xi32>], vector<16xf32>,
      %gather3A_123 = tpu.vector_load_idx %arg6[%add3A_84, %broadcast_in_dim3A_119] : memref<256x51xf32, #tpu.memory_space<vmem>>[vector<16xi32>, vector<16xi32>], vector<16xf32>,
      %gt3A_124 = arith.cmpf ogt, %gather3A_120, %max3A : vector<16xf32>
      %max3A_125 = arith.maximumf %max3A, %gather3A_120 : vector<16xf32>
      %select_n3A_126 = arith.select %gt3A_124, %broadcast_in_dim3A_119, %select_n3A : vector<16xi1>, vector<16xi32>
      %gt3A_127 = arith.cmpf ogt, %gather3A_121, %max3A_110 : vector<16xf32>
      %max3A_128 = arith.maximumf %max3A_110, %gather3A_121 : vector<16xf32>
      %select_n3A_129 = arith.select %gt3A_127, %broadcast_in_dim3A_119, %select_n3A_111 : vector<16xi1>, vector<16xi32>
      %gt3A_130 = arith.cmpf ogt, %gather3A_122, %max3A_113 : vector<16xf32>
      %max3A_131 = arith.maximumf %max3A_113, %gather3A_122 : vector<16xf32>
      %select_n3A_132 = arith.select %gt3A_130, %broadcast_in_dim3A_119, %select_n3A_114 : vector<16xi1>, vector<16xi32>
      %gt3A_133 = arith.cmpf ogt, %gather3A_123, %max3A_116 : vector<16xf32>
      %max3A_134 = arith.maximumf %max3A_116, %gather3A_123 : vector<16xf32>
      %select_n3A_135 = arith.select %gt3A_133, %broadcast_in_dim3A_119, %select_n3A_117 : vector<16xi1>, vector<16xi32>
      %broadcast_in_dim3A_136 = arith.constant 3 : i32
      %broadcast_in_dim3A_137 = vector.broadcast %broadcast_in_dim3A_136 : i32 to vector<16xi32>
      %gather3A_138 = tpu.vector_load_idx %arg6[%add3A_72, %broadcast_in_dim3A_137] : memref<256x51xf32, #tpu.memory_space<vmem>>[vector<16xi32>, vector<16xi32>], vector<16xf32>,
      %gather3A_139 = tpu.vector_load_idx %arg6[%add3A_76, %broadcast_in_dim3A_137] : memref<256x51xf32, #tpu.memory_space<vmem>>[vector<16xi32>, vector<16xi32>], vector<16xf32>,
      %gather3A_140 = tpu.vector_load_idx %arg6[%add3A_80, %broadcast_in_dim3A_137] : memref<256x51xf32, #tpu.memory_space<vmem>>[vector<16xi32>, vector<16xi32>], vector<16xf32>,
      %gather3A_141 = tpu.vector_load_idx %arg6[%add3A_84, %broadcast_in_dim3A_137] : memref<256x51xf32, #tpu.memory_space<vmem>>[vector<16xi32>, vector<16xi32>], vector<16xf32>,
      %gt3A_142 = arith.cmpf ogt, %gather3A_138, %max3A_125 : vector<16xf32>
      %max3A_143 = arith.maximumf %max3A_125, %gather3A_138 : vector<16xf32>
      %select_n3A_144 = arith.select %gt3A_142, %broadcast_in_dim3A_137, %select_n3A_126 : vector<16xi1>, vector<16xi32>
      %gt3A_145 = arith.cmpf ogt, %gather3A_139, %max3A_128 : vector<16xf32>
      %max3A_146 = arith.maximumf %max3A_128, %gather3A_139 : vector<16xf32>
      %select_n3A_147 = arith.select %gt3A_145, %broadcast_in_dim3A_137, %select_n3A_129 : vector<16xi1>, vector<16xi32>
      %gt3A_148 = arith.cmpf ogt, %gather3A_140, %max3A_131 : vector<16xf32>
      %max3A_149 = arith.maximumf %max3A_131, %gather3A_140 : vector<16xf32>
      %select_n3A_150 = arith.select %gt3A_148, %broadcast_in_dim3A_137, %select_n3A_132 : vector<16xi1>, vector<16xi32>
      %gt3A_151 = arith.cmpf ogt, %gather3A_141, %max3A_134 : vector<16xf32>
      %max3A_152 = arith.maximumf %max3A_134, %gather3A_141 : vector<16xf32>
      %select_n3A_153 = arith.select %gt3A_151, %broadcast_in_dim3A_137, %select_n3A_135 : vector<16xi1>, vector<16xi32>
      %broadcast_in_dim3A_154 = arith.constant 4 : i32
      %broadcast_in_dim3A_155 = vector.broadcast %broadcast_in_dim3A_154 : i32 to vector<16xi32>
      %gather3A_156 = tpu.vector_load_idx %arg6[%add3A_72, %broadcast_in_dim3A_155] : memref<256x51xf32, #tpu.memory_space<vmem>>[vector<16xi32>, vector<16xi32>], vector<16xf32>,
      %gather3A_157 = tpu.vector_load_idx %arg6[%add3A_76, %broadcast_in_dim3A_155] : memref<256x51xf32, #tpu.memory_space<vmem>>[vector<16xi32>, vector<16xi32>], vector<16xf32>,
      %gather3A_158 = tpu.vector_load_idx %arg6[%add3A_80, %broadcast_in_dim3A_155] : memref<256x51xf32, #tpu.memory_space<vmem>>[vector<16xi32>, vector<16xi32>], vector<16xf32>,
      %gather3A_159 = tpu.vector_load_idx %arg6[%add3A_84, %broadcast_in_dim3A_155] : memref<256x51xf32, #tpu.memory_space<vmem>>[vector<16xi32>, vector<16xi32>], vector<16xf32>,
      %gt3A_160 = arith.cmpf ogt, %gather3A_156, %max3A_143 : vector<16xf32>
      %max3A_161 = arith.maximumf %max3A_143, %gather3A_156 : vector<16xf32>
      %select_n3A_162 = arith.select %gt3A_160, %broadcast_in_dim3A_155, %select_n3A_144 : vector<16xi1>, vector<16xi32>
      %gt3A_163 = arith.cmpf ogt, %gather3A_157, %max3A_146 : vector<16xf32>
      %max3A_164 = arith.maximumf %max3A_146, %gather3A_157 : vector<16xf32>
      %select_n3A_165 = arith.select %gt3A_163, %broadcast_in_dim3A_155, %select_n3A_147 : vector<16xi1>, vector<16xi32>
      %gt3A_166 = arith.cmpf ogt, %gather3A_158, %max3A_149 : vector<16xf32>
      %max3A_167 = arith.maximumf %max3A_149, %gather3A_158 : vector<16xf32>
      %select_n3A_168 = arith.select %gt3A_166, %broadcast_in_dim3A_155, %select_n3A_150 : vector<16xi1>, vector<16xi32>
      %gt3A_169 = arith.cmpf ogt, %gather3A_159, %max3A_152 : vector<16xf32>
      %max3A_170 = arith.maximumf %max3A_152, %gather3A_159 : vector<16xf32>
      %select_n3A_171 = arith.select %gt3A_169, %broadcast_in_dim3A_155, %select_n3A_153 : vector<16xi1>, vector<16xi32>
      %broadcast_in_dim3A_172 = arith.constant 5 : i32
      %broadcast_in_dim3A_173 = vector.broadcast %broadcast_in_dim3A_172 : i32 to vector<16xi32>
      %gather3A_174 = tpu.vector_load_idx %arg6[%add3A_72, %broadcast_in_dim3A_173] : memref<256x51xf32, #tpu.memory_space<vmem>>[vector<16xi32>, vector<16xi32>], vector<16xf32>,
      %gather3A_175 = tpu.vector_load_idx %arg6[%add3A_76, %broadcast_in_dim3A_173] : memref<256x51xf32, #tpu.memory_space<vmem>>[vector<16xi32>, vector<16xi32>], vector<16xf32>,
      %gather3A_176 = tpu.vector_load_idx %arg6[%add3A_80, %broadcast_in_dim3A_173] : memref<256x51xf32, #tpu.memory_space<vmem>>[vector<16xi32>, vector<16xi32>], vector<16xf32>,
      %gather3A_177 = tpu.vector_load_idx %arg6[%add3A_84, %broadcast_in_dim3A_173] : memref<256x51xf32, #tpu.memory_space<vmem>>[vector<16xi32>, vector<16xi32>], vector<16xf32>,
      %gt3A_178 = arith.cmpf ogt, %gather3A_174, %max3A_161 : vector<16xf32>
      %max3A_179 = arith.maximumf %max3A_161, %gather3A_174 : vector<16xf32>
      %select_n3A_180 = arith.select %gt3A_178, %broadcast_in_dim3A_173, %select_n3A_162 : vector<16xi1>, vector<16xi32>
      %gt3A_181 = arith.cmpf ogt, %gather3A_175, %max3A_164 : vector<16xf32>
      %max3A_182 = arith.maximumf %max3A_164, %gather3A_175 : vector<16xf32>
      %select_n3A_183 = arith.select %gt3A_181, %broadcast_in_dim3A_173, %select_n3A_165 : vector<16xi1>, vector<16xi32>
      %gt3A_184 = arith.cmpf ogt, %gather3A_176, %max3A_167 : vector<16xf32>
      %max3A_185 = arith.maximumf %max3A_167, %gather3A_176 : vector<16xf32>
      %select_n3A_186 = arith.select %gt3A_184, %broadcast_in_dim3A_173, %select_n3A_168 : vector<16xi1>, vector<16xi32>
      %gt3A_187 = arith.cmpf ogt, %gather3A_177, %max3A_170 : vector<16xf32>
      %max3A_188 = arith.maximumf %max3A_170, %gather3A_177 : vector<16xf32>
      %select_n3A_189 = arith.select %gt3A_187, %broadcast_in_dim3A_173, %select_n3A_171 : vector<16xi1>, vector<16xi32>
      %broadcast_in_dim3A_190 = arith.constant 6 : i32
      %broadcast_in_dim3A_191 = vector.broadcast %broadcast_in_dim3A_190 : i32 to vector<16xi32>
      %gather3A_192 = tpu.vector_load_idx %arg6[%add3A_72, %broadcast_in_dim3A_191] : memref<256x51xf32, #tpu.memory_space<vmem>>[vector<16xi32>, vector<16xi32>], vector<16xf32>,
      %gather3A_193 = tpu.vector_load_idx %arg6[%add3A_76, %broadcast_in_dim3A_191] : memref<256x51xf32, #tpu.memory_space<vmem>>[vector<16xi32>, vector<16xi32>], vector<16xf32>,
      %gather3A_194 = tpu.vector_load_idx %arg6[%add3A_80, %broadcast_in_dim3A_191] : memref<256x51xf32, #tpu.memory_space<vmem>>[vector<16xi32>, vector<16xi32>], vector<16xf32>,
      %gather3A_195 = tpu.vector_load_idx %arg6[%add3A_84, %broadcast_in_dim3A_191] : memref<256x51xf32, #tpu.memory_space<vmem>>[vector<16xi32>, vector<16xi32>], vector<16xf32>,
      %gt3A_196 = arith.cmpf ogt, %gather3A_192, %max3A_179 : vector<16xf32>
      %max3A_197 = arith.maximumf %max3A_179, %gather3A_192 : vector<16xf32>
      %select_n3A_198 = arith.select %gt3A_196, %broadcast_in_dim3A_191, %select_n3A_180 : vector<16xi1>, vector<16xi32>
      %gt3A_199 = arith.cmpf ogt, %gather3A_193, %max3A_182 : vector<16xf32>
      %max3A_200 = arith.maximumf %max3A_182, %gather3A_193 : vector<16xf32>
      %select_n3A_201 = arith.select %gt3A_199, %broadcast_in_dim3A_191, %select_n3A_183 : vector<16xi1>, vector<16xi32>
      %gt3A_202 = arith.cmpf ogt, %gather3A_194, %max3A_185 : vector<16xf32>
      %max3A_203 = arith.maximumf %max3A_185, %gather3A_194 : vector<16xf32>
      %select_n3A_204 = arith.select %gt3A_202, %broadcast_in_dim3A_191, %select_n3A_186 : vector<16xi1>, vector<16xi32>
      %gt3A_205 = arith.cmpf ogt, %gather3A_195, %max3A_188 : vector<16xf32>
      %max3A_206 = arith.maximumf %max3A_188, %gather3A_195 : vector<16xf32>
      %select_n3A_207 = arith.select %gt3A_205, %broadcast_in_dim3A_191, %select_n3A_189 : vector<16xi1>, vector<16xi32>
      %broadcast_in_dim3A_208 = arith.constant 7 : i32
      %broadcast_in_dim3A_209 = vector.broadcast %broadcast_in_dim3A_208 : i32 to vector<16xi32>
      %gather3A_210 = tpu.vector_load_idx %arg6[%add3A_72, %broadcast_in_dim3A_209] : memref<256x51xf32, #tpu.memory_space<vmem>>[vector<16xi32>, vector<16xi32>], vector<16xf32>,
      %gather3A_211 = tpu.vector_load_idx %arg6[%add3A_76, %broadcast_in_dim3A_209] : memref<256x51xf32, #tpu.memory_space<vmem>>[vector<16xi32>, vector<16xi32>], vector<16xf32>,
      %gather3A_212 = tpu.vector_load_idx %arg6[%add3A_80, %broadcast_in_dim3A_209] : memref<256x51xf32, #tpu.memory_space<vmem>>[vector<16xi32>, vector<16xi32>], vector<16xf32>,
      %gather3A_213 = tpu.vector_load_idx %arg6[%add3A_84, %broadcast_in_dim3A_209] : memref<256x51xf32, #tpu.memory_space<vmem>>[vector<16xi32>, vector<16xi32>], vector<16xf32>,
      %gt3A_214 = arith.cmpf ogt, %gather3A_210, %max3A_197 : vector<16xf32>
      %max3A_215 = arith.maximumf %max3A_197, %gather3A_210 : vector<16xf32>
      %select_n3A_216 = arith.select %gt3A_214, %broadcast_in_dim3A_209, %select_n3A_198 : vector<16xi1>, vector<16xi32>
      %gt3A_217 = arith.cmpf ogt, %gather3A_211, %max3A_200 : vector<16xf32>
      %max3A_218 = arith.maximumf %max3A_200, %gather3A_211 : vector<16xf32>
      %select_n3A_219 = arith.select %gt3A_217, %broadcast_in_dim3A_209, %select_n3A_201 : vector<16xi1>, vector<16xi32>
      %gt3A_220 = arith.cmpf ogt, %gather3A_212, %max3A_203 : vector<16xf32>
      %max3A_221 = arith.maximumf %max3A_203, %gather3A_212 : vector<16xf32>
      %select_n3A_222 = arith.select %gt3A_220, %broadcast_in_dim3A_209, %select_n3A_204 : vector<16xi1>, vector<16xi32>
      %gt3A_223 = arith.cmpf ogt, %gather3A_213, %max3A_206 : vector<16xf32>
      %max3A_224 = arith.maximumf %max3A_206, %gather3A_213 : vector<16xf32>
      %select_n3A_225 = arith.select %gt3A_223, %broadcast_in_dim3A_209, %select_n3A_207 : vector<16xi1>, vector<16xi32>
      %broadcast_in_dim3A_226 = arith.constant 8 : i32
      %broadcast_in_dim3A_227 = vector.broadcast %broadcast_in_dim3A_226 : i32 to vector<16xi32>
      %gather3A_228 = tpu.vector_load_idx %arg6[%add3A_72, %broadcast_in_dim3A_227] : memref<256x51xf32, #tpu.memory_space<vmem>>[vector<16xi32>, vector<16xi32>], vector<16xf32>,
      %gather3A_229 = tpu.vector_load_idx %arg6[%add3A_76, %broadcast_in_dim3A_227] : memref<256x51xf32, #tpu.memory_space<vmem>>[vector<16xi32>, vector<16xi32>], vector<16xf32>,
      %gather3A_230 = tpu.vector_load_idx %arg6[%add3A_80, %broadcast_in_dim3A_227] : memref<256x51xf32, #tpu.memory_space<vmem>>[vector<16xi32>, vector<16xi32>], vector<16xf32>,
      %gather3A_231 = tpu.vector_load_idx %arg6[%add3A_84, %broadcast_in_dim3A_227] : memref<256x51xf32, #tpu.memory_space<vmem>>[vector<16xi32>, vector<16xi32>], vector<16xf32>,
      %gt3A_232 = arith.cmpf ogt, %gather3A_228, %max3A_215 : vector<16xf32>
      %max3A_233 = arith.maximumf %max3A_215, %gather3A_228 : vector<16xf32>
      %select_n3A_234 = arith.select %gt3A_232, %broadcast_in_dim3A_227, %select_n3A_216 : vector<16xi1>, vector<16xi32>
      %gt3A_235 = arith.cmpf ogt, %gather3A_229, %max3A_218 : vector<16xf32>
      %max3A_236 = arith.maximumf %max3A_218, %gather3A_229 : vector<16xf32>
      %select_n3A_237 = arith.select %gt3A_235, %broadcast_in_dim3A_227, %select_n3A_219 : vector<16xi1>, vector<16xi32>
      %gt3A_238 = arith.cmpf ogt, %gather3A_230, %max3A_221 : vector<16xf32>
      %max3A_239 = arith.maximumf %max3A_221, %gather3A_230 : vector<16xf32>
      %select_n3A_240 = arith.select %gt3A_238, %broadcast_in_dim3A_227, %select_n3A_222 : vector<16xi1>, vector<16xi32>
      %gt3A_241 = arith.cmpf ogt, %gather3A_231, %max3A_224 : vector<16xf32>
      %max3A_242 = arith.maximumf %max3A_224, %gather3A_231 : vector<16xf32>
      %select_n3A_243 = arith.select %gt3A_241, %broadcast_in_dim3A_227, %select_n3A_225 : vector<16xi1>, vector<16xi32>
      %broadcast_in_dim3A_244 = arith.constant 9 : i32
      %broadcast_in_dim3A_245 = vector.broadcast %broadcast_in_dim3A_244 : i32 to vector<16xi32>
      %gather3A_246 = tpu.vector_load_idx %arg6[%add3A_72, %broadcast_in_dim3A_245] : memref<256x51xf32, #tpu.memory_space<vmem>>[vector<16xi32>, vector<16xi32>], vector<16xf32>,
      %gather3A_247 = tpu.vector_load_idx %arg6[%add3A_76, %broadcast_in_dim3A_245] : memref<256x51xf32, #tpu.memory_space<vmem>>[vector<16xi32>, vector<16xi32>], vector<16xf32>,
      %gather3A_248 = tpu.vector_load_idx %arg6[%add3A_80, %broadcast_in_dim3A_245] : memref<256x51xf32, #tpu.memory_space<vmem>>[vector<16xi32>, vector<16xi32>], vector<16xf32>,
      %gather3A_249 = tpu.vector_load_idx %arg6[%add3A_84, %broadcast_in_dim3A_245] : memref<256x51xf32, #tpu.memory_space<vmem>>[vector<16xi32>, vector<16xi32>], vector<16xf32>,
      %gt3A_250 = arith.cmpf ogt, %gather3A_246, %max3A_233 : vector<16xf32>
      %max3A_251 = arith.maximumf %max3A_233, %gather3A_246 : vector<16xf32>
      %select_n3A_252 = arith.select %gt3A_250, %broadcast_in_dim3A_245, %select_n3A_234 : vector<16xi1>, vector<16xi32>
      %gt3A_253 = arith.cmpf ogt, %gather3A_247, %max3A_236 : vector<16xf32>
      %max3A_254 = arith.maximumf %max3A_236, %gather3A_247 : vector<16xf32>
      %select_n3A_255 = arith.select %gt3A_253, %broadcast_in_dim3A_245, %select_n3A_237 : vector<16xi1>, vector<16xi32>
      %gt3A_256 = arith.cmpf ogt, %gather3A_248, %max3A_239 : vector<16xf32>
      %max3A_257 = arith.maximumf %max3A_239, %gather3A_248 : vector<16xf32>
      %select_n3A_258 = arith.select %gt3A_256, %broadcast_in_dim3A_245, %select_n3A_240 : vector<16xi1>, vector<16xi32>
      %gt3A_259 = arith.cmpf ogt, %gather3A_249, %max3A_242 : vector<16xf32>
      %max3A_260 = arith.maximumf %max3A_242, %gather3A_249 : vector<16xf32>
      %select_n3A_261 = arith.select %gt3A_259, %broadcast_in_dim3A_245, %select_n3A_243 : vector<16xi1>, vector<16xi32>
      %broadcast_in_dim3A_262 = arith.constant 10 : i32
      %broadcast_in_dim3A_263 = vector.broadcast %broadcast_in_dim3A_262 : i32 to vector<16xi32>
      %gather3A_264 = tpu.vector_load_idx %arg6[%add3A_72, %broadcast_in_dim3A_263] : memref<256x51xf32, #tpu.memory_space<vmem>>[vector<16xi32>, vector<16xi32>], vector<16xf32>,
      %gather3A_265 = tpu.vector_load_idx %arg6[%add3A_76, %broadcast_in_dim3A_263] : memref<256x51xf32, #tpu.memory_space<vmem>>[vector<16xi32>, vector<16xi32>], vector<16xf32>,
      %gather3A_266 = tpu.vector_load_idx %arg6[%add3A_80, %broadcast_in_dim3A_263] : memref<256x51xf32, #tpu.memory_space<vmem>>[vector<16xi32>, vector<16xi32>], vector<16xf32>,
      %gather3A_267 = tpu.vector_load_idx %arg6[%add3A_84, %broadcast_in_dim3A_263] : memref<256x51xf32, #tpu.memory_space<vmem>>[vector<16xi32>, vector<16xi32>], vector<16xf32>,
      %gt3A_268 = arith.cmpf ogt, %gather3A_264, %max3A_251 : vector<16xf32>
      %max3A_269 = arith.maximumf %max3A_251, %gather3A_264 : vector<16xf32>
      %select_n3A_270 = arith.select %gt3A_268, %broadcast_in_dim3A_263, %select_n3A_252 : vector<16xi1>, vector<16xi32>
      %gt3A_271 = arith.cmpf ogt, %gather3A_265, %max3A_254 : vector<16xf32>
      %max3A_272 = arith.maximumf %max3A_254, %gather3A_265 : vector<16xf32>
      %select_n3A_273 = arith.select %gt3A_271, %broadcast_in_dim3A_263, %select_n3A_255 : vector<16xi1>, vector<16xi32>
      %gt3A_274 = arith.cmpf ogt, %gather3A_266, %max3A_257 : vector<16xf32>
      %max3A_275 = arith.maximumf %max3A_257, %gather3A_266 : vector<16xf32>
      %select_n3A_276 = arith.select %gt3A_274, %broadcast_in_dim3A_263, %select_n3A_258 : vector<16xi1>, vector<16xi32>
      %gt3A_277 = arith.cmpf ogt, %gather3A_267, %max3A_260 : vector<16xf32>
      %max3A_278 = arith.maximumf %max3A_260, %gather3A_267 : vector<16xf32>
      %select_n3A_279 = arith.select %gt3A_277, %broadcast_in_dim3A_263, %select_n3A_261 : vector<16xi1>, vector<16xi32>
      %broadcast_in_dim3A_280 = arith.constant 11 : i32
      %broadcast_in_dim3A_281 = vector.broadcast %broadcast_in_dim3A_280 : i32 to vector<16xi32>
      %gather3A_282 = tpu.vector_load_idx %arg6[%add3A_72, %broadcast_in_dim3A_281] : memref<256x51xf32, #tpu.memory_space<vmem>>[vector<16xi32>, vector<16xi32>], vector<16xf32>,
      %gather3A_283 = tpu.vector_load_idx %arg6[%add3A_76, %broadcast_in_dim3A_281] : memref<256x51xf32, #tpu.memory_space<vmem>>[vector<16xi32>, vector<16xi32>], vector<16xf32>,
      %gather3A_284 = tpu.vector_load_idx %arg6[%add3A_80, %broadcast_in_dim3A_281] : memref<256x51xf32, #tpu.memory_space<vmem>>[vector<16xi32>, vector<16xi32>], vector<16xf32>,
      %gather3A_285 = tpu.vector_load_idx %arg6[%add3A_84, %broadcast_in_dim3A_281] : memref<256x51xf32, #tpu.memory_space<vmem>>[vector<16xi32>, vector<16xi32>], vector<16xf32>,
      %gt3A_286 = arith.cmpf ogt, %gather3A_282, %max3A_269 : vector<16xf32>
      %max3A_287 = arith.maximumf %max3A_269, %gather3A_282 : vector<16xf32>
      %select_n3A_288 = arith.select %gt3A_286, %broadcast_in_dim3A_281, %select_n3A_270 : vector<16xi1>, vector<16xi32>
      %gt3A_289 = arith.cmpf ogt, %gather3A_283, %max3A_272 : vector<16xf32>
      %max3A_290 = arith.maximumf %max3A_272, %gather3A_283 : vector<16xf32>
      %select_n3A_291 = arith.select %gt3A_289, %broadcast_in_dim3A_281, %select_n3A_273 : vector<16xi1>, vector<16xi32>
      %gt3A_292 = arith.cmpf ogt, %gather3A_284, %max3A_275 : vector<16xf32>
      %max3A_293 = arith.maximumf %max3A_275, %gather3A_284 : vector<16xf32>
      %select_n3A_294 = arith.select %gt3A_292, %broadcast_in_dim3A_281, %select_n3A_276 : vector<16xi1>, vector<16xi32>
      %gt3A_295 = arith.cmpf ogt, %gather3A_285, %max3A_278 : vector<16xf32>
      %max3A_296 = arith.maximumf %max3A_278, %gather3A_285 : vector<16xf32>
      %select_n3A_297 = arith.select %gt3A_295, %broadcast_in_dim3A_281, %select_n3A_279 : vector<16xi1>, vector<16xi32>
      %broadcast_in_dim3A_298 = arith.constant 12 : i32
      %broadcast_in_dim3A_299 = vector.broadcast %broadcast_in_dim3A_298 : i32 to vector<16xi32>
      %gather3A_300 = tpu.vector_load_idx %arg6[%add3A_72, %broadcast_in_dim3A_299] : memref<256x51xf32, #tpu.memory_space<vmem>>[vector<16xi32>, vector<16xi32>], vector<16xf32>,
      %gather3A_301 = tpu.vector_load_idx %arg6[%add3A_76, %broadcast_in_dim3A_299] : memref<256x51xf32, #tpu.memory_space<vmem>>[vector<16xi32>, vector<16xi32>], vector<16xf32>,
      %gather3A_302 = tpu.vector_load_idx %arg6[%add3A_80, %broadcast_in_dim3A_299] : memref<256x51xf32, #tpu.memory_space<vmem>>[vector<16xi32>, vector<16xi32>], vector<16xf32>,
      %gather3A_303 = tpu.vector_load_idx %arg6[%add3A_84, %broadcast_in_dim3A_299] : memref<256x51xf32, #tpu.memory_space<vmem>>[vector<16xi32>, vector<16xi32>], vector<16xf32>,
      %gt3A_304 = arith.cmpf ogt, %gather3A_300, %max3A_287 : vector<16xf32>
      %max3A_305 = arith.maximumf %max3A_287, %gather3A_300 : vector<16xf32>
      %select_n3A_306 = arith.select %gt3A_304, %broadcast_in_dim3A_299, %select_n3A_288 : vector<16xi1>, vector<16xi32>
      %gt3A_307 = arith.cmpf ogt, %gather3A_301, %max3A_290 : vector<16xf32>
      %max3A_308 = arith.maximumf %max3A_290, %gather3A_301 : vector<16xf32>
      %select_n3A_309 = arith.select %gt3A_307, %broadcast_in_dim3A_299, %select_n3A_291 : vector<16xi1>, vector<16xi32>
      %gt3A_310 = arith.cmpf ogt, %gather3A_302, %max3A_293 : vector<16xf32>
      %max3A_311 = arith.maximumf %max3A_293, %gather3A_302 : vector<16xf32>
      %select_n3A_312 = arith.select %gt3A_310, %broadcast_in_dim3A_299, %select_n3A_294 : vector<16xi1>, vector<16xi32>
      %gt3A_313 = arith.cmpf ogt, %gather3A_303, %max3A_296 : vector<16xf32>
      %max3A_314 = arith.maximumf %max3A_296, %gather3A_303 : vector<16xf32>
      %select_n3A_315 = arith.select %gt3A_313, %broadcast_in_dim3A_299, %select_n3A_297 : vector<16xi1>, vector<16xi32>
      %broadcast_in_dim3A_316 = arith.constant 13 : i32
      %broadcast_in_dim3A_317 = vector.broadcast %broadcast_in_dim3A_316 : i32 to vector<16xi32>
      %gather3A_318 = tpu.vector_load_idx %arg6[%add3A_72, %broadcast_in_dim3A_317] : memref<256x51xf32, #tpu.memory_space<vmem>>[vector<16xi32>, vector<16xi32>], vector<16xf32>,
      %gather3A_319 = tpu.vector_load_idx %arg6[%add3A_76, %broadcast_in_dim3A_317] : memref<256x51xf32, #tpu.memory_space<vmem>>[vector<16xi32>, vector<16xi32>], vector<16xf32>,
      %gather3A_320 = tpu.vector_load_idx %arg6[%add3A_80, %broadcast_in_dim3A_317] : memref<256x51xf32, #tpu.memory_space<vmem>>[vector<16xi32>, vector<16xi32>], vector<16xf32>,
      %gather3A_321 = tpu.vector_load_idx %arg6[%add3A_84, %broadcast_in_dim3A_317] : memref<256x51xf32, #tpu.memory_space<vmem>>[vector<16xi32>, vector<16xi32>], vector<16xf32>,
      %gt3A_322 = arith.cmpf ogt, %gather3A_318, %max3A_305 : vector<16xf32>
      %max3A_323 = arith.maximumf %max3A_305, %gather3A_318 : vector<16xf32>
      %select_n3A_324 = arith.select %gt3A_322, %broadcast_in_dim3A_317, %select_n3A_306 : vector<16xi1>, vector<16xi32>
      %gt3A_325 = arith.cmpf ogt, %gather3A_319, %max3A_308 : vector<16xf32>
      %max3A_326 = arith.maximumf %max3A_308, %gather3A_319 : vector<16xf32>
      %select_n3A_327 = arith.select %gt3A_325, %broadcast_in_dim3A_317, %select_n3A_309 : vector<16xi1>, vector<16xi32>
      %gt3A_328 = arith.cmpf ogt, %gather3A_320, %max3A_311 : vector<16xf32>
      %max3A_329 = arith.maximumf %max3A_311, %gather3A_320 : vector<16xf32>
      %select_n3A_330 = arith.select %gt3A_328, %broadcast_in_dim3A_317, %select_n3A_312 : vector<16xi1>, vector<16xi32>
      %gt3A_331 = arith.cmpf ogt, %gather3A_321, %max3A_314 : vector<16xf32>
      %max3A_332 = arith.maximumf %max3A_314, %gather3A_321 : vector<16xf32>
      %select_n3A_333 = arith.select %gt3A_331, %broadcast_in_dim3A_317, %select_n3A_315 : vector<16xi1>, vector<16xi32>
      %broadcast_in_dim3A_334 = arith.constant 14 : i32
      %broadcast_in_dim3A_335 = vector.broadcast %broadcast_in_dim3A_334 : i32 to vector<16xi32>
      %gather3A_336 = tpu.vector_load_idx %arg6[%add3A_72, %broadcast_in_dim3A_335] : memref<256x51xf32, #tpu.memory_space<vmem>>[vector<16xi32>, vector<16xi32>], vector<16xf32>,
      %gather3A_337 = tpu.vector_load_idx %arg6[%add3A_76, %broadcast_in_dim3A_335] : memref<256x51xf32, #tpu.memory_space<vmem>>[vector<16xi32>, vector<16xi32>], vector<16xf32>,
      %gather3A_338 = tpu.vector_load_idx %arg6[%add3A_80, %broadcast_in_dim3A_335] : memref<256x51xf32, #tpu.memory_space<vmem>>[vector<16xi32>, vector<16xi32>], vector<16xf32>,
      %gather3A_339 = tpu.vector_load_idx %arg6[%add3A_84, %broadcast_in_dim3A_335] : memref<256x51xf32, #tpu.memory_space<vmem>>[vector<16xi32>, vector<16xi32>], vector<16xf32>,
      %gt3A_340 = arith.cmpf ogt, %gather3A_336, %max3A_323 : vector<16xf32>
      %max3A_341 = arith.maximumf %max3A_323, %gather3A_336 : vector<16xf32>
      %select_n3A_342 = arith.select %gt3A_340, %broadcast_in_dim3A_335, %select_n3A_324 : vector<16xi1>, vector<16xi32>
      %gt3A_343 = arith.cmpf ogt, %gather3A_337, %max3A_326 : vector<16xf32>
      %max3A_344 = arith.maximumf %max3A_326, %gather3A_337 : vector<16xf32>
      %select_n3A_345 = arith.select %gt3A_343, %broadcast_in_dim3A_335, %select_n3A_327 : vector<16xi1>, vector<16xi32>
      %gt3A_346 = arith.cmpf ogt, %gather3A_338, %max3A_329 : vector<16xf32>
      %max3A_347 = arith.maximumf %max3A_329, %gather3A_338 : vector<16xf32>
      %select_n3A_348 = arith.select %gt3A_346, %broadcast_in_dim3A_335, %select_n3A_330 : vector<16xi1>, vector<16xi32>
      %gt3A_349 = arith.cmpf ogt, %gather3A_339, %max3A_332 : vector<16xf32>
      %max3A_350 = arith.maximumf %max3A_332, %gather3A_339 : vector<16xf32>
      %select_n3A_351 = arith.select %gt3A_349, %broadcast_in_dim3A_335, %select_n3A_333 : vector<16xi1>, vector<16xi32>
      %broadcast_in_dim3A_352 = arith.constant 15 : i32
      %broadcast_in_dim3A_353 = vector.broadcast %broadcast_in_dim3A_352 : i32 to vector<16xi32>
      %gather3A_354 = tpu.vector_load_idx %arg6[%add3A_72, %broadcast_in_dim3A_353] : memref<256x51xf32, #tpu.memory_space<vmem>>[vector<16xi32>, vector<16xi32>], vector<16xf32>,
      %gather3A_355 = tpu.vector_load_idx %arg6[%add3A_76, %broadcast_in_dim3A_353] : memref<256x51xf32, #tpu.memory_space<vmem>>[vector<16xi32>, vector<16xi32>], vector<16xf32>,
      %gather3A_356 = tpu.vector_load_idx %arg6[%add3A_80, %broadcast_in_dim3A_353] : memref<256x51xf32, #tpu.memory_space<vmem>>[vector<16xi32>, vector<16xi32>], vector<16xf32>,
      %gather3A_357 = tpu.vector_load_idx %arg6[%add3A_84, %broadcast_in_dim3A_353] : memref<256x51xf32, #tpu.memory_space<vmem>>[vector<16xi32>, vector<16xi32>], vector<16xf32>,
      %gt3A_358 = arith.cmpf ogt, %gather3A_354, %max3A_341 : vector<16xf32>
      %max3A_359 = arith.maximumf %max3A_341, %gather3A_354 : vector<16xf32>
      %select_n3A_360 = arith.select %gt3A_358, %broadcast_in_dim3A_353, %select_n3A_342 : vector<16xi1>, vector<16xi32>
      %gt3A_361 = arith.cmpf ogt, %gather3A_355, %max3A_344 : vector<16xf32>
      %max3A_362 = arith.maximumf %max3A_344, %gather3A_355 : vector<16xf32>
      %select_n3A_363 = arith.select %gt3A_361, %broadcast_in_dim3A_353, %select_n3A_345 : vector<16xi1>, vector<16xi32>
      %gt3A_364 = arith.cmpf ogt, %gather3A_356, %max3A_347 : vector<16xf32>
      %max3A_365 = arith.maximumf %max3A_347, %gather3A_356 : vector<16xf32>
      %select_n3A_366 = arith.select %gt3A_364, %broadcast_in_dim3A_353, %select_n3A_348 : vector<16xi1>, vector<16xi32>
      %gt3A_367 = arith.cmpf ogt, %gather3A_357, %max3A_350 : vector<16xf32>
      %max3A_368 = arith.maximumf %max3A_350, %gather3A_357 : vector<16xf32>
      %select_n3A_369 = arith.select %gt3A_367, %broadcast_in_dim3A_353, %select_n3A_351 : vector<16xi1>, vector<16xi32>
      %broadcast_in_dim3A_370 = arith.constant 16 : i32
      %broadcast_in_dim3A_371 = vector.broadcast %broadcast_in_dim3A_370 : i32 to vector<16xi32>
      %gather3A_372 = tpu.vector_load_idx %arg6[%add3A_72, %broadcast_in_dim3A_371] : memref<256x51xf32, #tpu.memory_space<vmem>>[vector<16xi32>, vector<16xi32>], vector<16xf32>,
      %gather3A_373 = tpu.vector_load_idx %arg6[%add3A_76, %broadcast_in_dim3A_371] : memref<256x51xf32, #tpu.memory_space<vmem>>[vector<16xi32>, vector<16xi32>], vector<16xf32>,
      %gather3A_374 = tpu.vector_load_idx %arg6[%add3A_80, %broadcast_in_dim3A_371] : memref<256x51xf32, #tpu.memory_space<vmem>>[vector<16xi32>, vector<16xi32>], vector<16xf32>,
      %gather3A_375 = tpu.vector_load_idx %arg6[%add3A_84, %broadcast_in_dim3A_371] : memref<256x51xf32, #tpu.memory_space<vmem>>[vector<16xi32>, vector<16xi32>], vector<16xf32>,
      %gt3A_376 = arith.cmpf ogt, %gather3A_372, %max3A_359 : vector<16xf32>
      %max3A_377 = arith.maximumf %max3A_359, %gather3A_372 : vector<16xf32>
      %select_n3A_378 = arith.select %gt3A_376, %broadcast_in_dim3A_371, %select_n3A_360 : vector<16xi1>, vector<16xi32>
      %gt3A_379 = arith.cmpf ogt, %gather3A_373, %max3A_362 : vector<16xf32>
      %max3A_380 = arith.maximumf %max3A_362, %gather3A_373 : vector<16xf32>
      %select_n3A_381 = arith.select %gt3A_379, %broadcast_in_dim3A_371, %select_n3A_363 : vector<16xi1>, vector<16xi32>
      %gt3A_382 = arith.cmpf ogt, %gather3A_374, %max3A_365 : vector<16xf32>
      %max3A_383 = arith.maximumf %max3A_365, %gather3A_374 : vector<16xf32>
      %select_n3A_384 = arith.select %gt3A_382, %broadcast_in_dim3A_371, %select_n3A_366 : vector<16xi1>, vector<16xi32>
      %gt3A_385 = arith.cmpf ogt, %gather3A_375, %max3A_368 : vector<16xf32>
      %max3A_386 = arith.maximumf %max3A_368, %gather3A_375 : vector<16xf32>
      %select_n3A_387 = arith.select %gt3A_385, %broadcast_in_dim3A_371, %select_n3A_369 : vector<16xi1>, vector<16xi32>
      %broadcast_in_dim3A_388 = arith.constant 17 : i32
      %broadcast_in_dim3A_389 = vector.broadcast %broadcast_in_dim3A_388 : i32 to vector<16xi32>
      %gather3A_390 = tpu.vector_load_idx %arg6[%add3A_72, %broadcast_in_dim3A_389] : memref<256x51xf32, #tpu.memory_space<vmem>>[vector<16xi32>, vector<16xi32>], vector<16xf32>,
      %gather3A_391 = tpu.vector_load_idx %arg6[%add3A_76, %broadcast_in_dim3A_389] : memref<256x51xf32, #tpu.memory_space<vmem>>[vector<16xi32>, vector<16xi32>], vector<16xf32>,
      %gather3A_392 = tpu.vector_load_idx %arg6[%add3A_80, %broadcast_in_dim3A_389] : memref<256x51xf32, #tpu.memory_space<vmem>>[vector<16xi32>, vector<16xi32>], vector<16xf32>,
      %gather3A_393 = tpu.vector_load_idx %arg6[%add3A_84, %broadcast_in_dim3A_389] : memref<256x51xf32, #tpu.memory_space<vmem>>[vector<16xi32>, vector<16xi32>], vector<16xf32>,
      %gt3A_394 = arith.cmpf ogt, %gather3A_390, %max3A_377 : vector<16xf32>
      %max3A_395 = arith.maximumf %max3A_377, %gather3A_390 : vector<16xf32>
      %select_n3A_396 = arith.select %gt3A_394, %broadcast_in_dim3A_389, %select_n3A_378 : vector<16xi1>, vector<16xi32>
      %gt3A_397 = arith.cmpf ogt, %gather3A_391, %max3A_380 : vector<16xf32>
      %max3A_398 = arith.maximumf %max3A_380, %gather3A_391 : vector<16xf32>
      %select_n3A_399 = arith.select %gt3A_397, %broadcast_in_dim3A_389, %select_n3A_381 : vector<16xi1>, vector<16xi32>
      %gt3A_400 = arith.cmpf ogt, %gather3A_392, %max3A_383 : vector<16xf32>
      %max3A_401 = arith.maximumf %max3A_383, %gather3A_392 : vector<16xf32>
      %select_n3A_402 = arith.select %gt3A_400, %broadcast_in_dim3A_389, %select_n3A_384 : vector<16xi1>, vector<16xi32>
      %gt3A_403 = arith.cmpf ogt, %gather3A_393, %max3A_386 : vector<16xf32>
      %max3A_404 = arith.maximumf %max3A_386, %gather3A_393 : vector<16xf32>
      %select_n3A_405 = arith.select %gt3A_403, %broadcast_in_dim3A_389, %select_n3A_387 : vector<16xi1>, vector<16xi32>
      %broadcast_in_dim3A_406 = arith.constant 18 : i32
      %broadcast_in_dim3A_407 = vector.broadcast %broadcast_in_dim3A_406 : i32 to vector<16xi32>
      %gather3A_408 = tpu.vector_load_idx %arg6[%add3A_72, %broadcast_in_dim3A_407] : memref<256x51xf32, #tpu.memory_space<vmem>>[vector<16xi32>, vector<16xi32>], vector<16xf32>,
      %gather3A_409 = tpu.vector_load_idx %arg6[%add3A_76, %broadcast_in_dim3A_407] : memref<256x51xf32, #tpu.memory_space<vmem>>[vector<16xi32>, vector<16xi32>], vector<16xf32>,
      %gather3A_410 = tpu.vector_load_idx %arg6[%add3A_80, %broadcast_in_dim3A_407] : memref<256x51xf32, #tpu.memory_space<vmem>>[vector<16xi32>, vector<16xi32>], vector<16xf32>,
      %gather3A_411 = tpu.vector_load_idx %arg6[%add3A_84, %broadcast_in_dim3A_407] : memref<256x51xf32, #tpu.memory_space<vmem>>[vector<16xi32>, vector<16xi32>], vector<16xf32>,
      %gt3A_412 = arith.cmpf ogt, %gather3A_408, %max3A_395 : vector<16xf32>
      %max3A_413 = arith.maximumf %max3A_395, %gather3A_408 : vector<16xf32>
      %select_n3A_414 = arith.select %gt3A_412, %broadcast_in_dim3A_407, %select_n3A_396 : vector<16xi1>, vector<16xi32>
      %gt3A_415 = arith.cmpf ogt, %gather3A_409, %max3A_398 : vector<16xf32>
      %max3A_416 = arith.maximumf %max3A_398, %gather3A_409 : vector<16xf32>
      %select_n3A_417 = arith.select %gt3A_415, %broadcast_in_dim3A_407, %select_n3A_399 : vector<16xi1>, vector<16xi32>
      %gt3A_418 = arith.cmpf ogt, %gather3A_410, %max3A_401 : vector<16xf32>
      %max3A_419 = arith.maximumf %max3A_401, %gather3A_410 : vector<16xf32>
      %select_n3A_420 = arith.select %gt3A_418, %broadcast_in_dim3A_407, %select_n3A_402 : vector<16xi1>, vector<16xi32>
      %gt3A_421 = arith.cmpf ogt, %gather3A_411, %max3A_404 : vector<16xf32>
      %max3A_422 = arith.maximumf %max3A_404, %gather3A_411 : vector<16xf32>
      %select_n3A_423 = arith.select %gt3A_421, %broadcast_in_dim3A_407, %select_n3A_405 : vector<16xi1>, vector<16xi32>
      %broadcast_in_dim3A_424 = arith.constant 19 : i32
      %broadcast_in_dim3A_425 = vector.broadcast %broadcast_in_dim3A_424 : i32 to vector<16xi32>
      %gather3A_426 = tpu.vector_load_idx %arg6[%add3A_72, %broadcast_in_dim3A_425] : memref<256x51xf32, #tpu.memory_space<vmem>>[vector<16xi32>, vector<16xi32>], vector<16xf32>,
      %gather3A_427 = tpu.vector_load_idx %arg6[%add3A_76, %broadcast_in_dim3A_425] : memref<256x51xf32, #tpu.memory_space<vmem>>[vector<16xi32>, vector<16xi32>], vector<16xf32>,
      %gather3A_428 = tpu.vector_load_idx %arg6[%add3A_80, %broadcast_in_dim3A_425] : memref<256x51xf32, #tpu.memory_space<vmem>>[vector<16xi32>, vector<16xi32>], vector<16xf32>,
      %gather3A_429 = tpu.vector_load_idx %arg6[%add3A_84, %broadcast_in_dim3A_425] : memref<256x51xf32, #tpu.memory_space<vmem>>[vector<16xi32>, vector<16xi32>], vector<16xf32>,
      %gt3A_430 = arith.cmpf ogt, %gather3A_426, %max3A_413 : vector<16xf32>
      %max3A_431 = arith.maximumf %max3A_413, %gather3A_426 : vector<16xf32>
      %select_n3A_432 = arith.select %gt3A_430, %broadcast_in_dim3A_425, %select_n3A_414 : vector<16xi1>, vector<16xi32>
      %gt3A_433 = arith.cmpf ogt, %gather3A_427, %max3A_416 : vector<16xf32>
      %max3A_434 = arith.maximumf %max3A_416, %gather3A_427 : vector<16xf32>
      %select_n3A_435 = arith.select %gt3A_433, %broadcast_in_dim3A_425, %select_n3A_417 : vector<16xi1>, vector<16xi32>
      %gt3A_436 = arith.cmpf ogt, %gather3A_428, %max3A_419 : vector<16xf32>
      %max3A_437 = arith.maximumf %max3A_419, %gather3A_428 : vector<16xf32>
      %select_n3A_438 = arith.select %gt3A_436, %broadcast_in_dim3A_425, %select_n3A_420 : vector<16xi1>, vector<16xi32>
      %gt3A_439 = arith.cmpf ogt, %gather3A_429, %max3A_422 : vector<16xf32>
      %max3A_440 = arith.maximumf %max3A_422, %gather3A_429 : vector<16xf32>
      %select_n3A_441 = arith.select %gt3A_439, %broadcast_in_dim3A_425, %select_n3A_423 : vector<16xi1>, vector<16xi32>
      %broadcast_in_dim3A_442 = arith.constant 20 : i32
      %broadcast_in_dim3A_443 = vector.broadcast %broadcast_in_dim3A_442 : i32 to vector<16xi32>
      %gather3A_444 = tpu.vector_load_idx %arg6[%add3A_72, %broadcast_in_dim3A_443] : memref<256x51xf32, #tpu.memory_space<vmem>>[vector<16xi32>, vector<16xi32>], vector<16xf32>,
      %gather3A_445 = tpu.vector_load_idx %arg6[%add3A_76, %broadcast_in_dim3A_443] : memref<256x51xf32, #tpu.memory_space<vmem>>[vector<16xi32>, vector<16xi32>], vector<16xf32>,
      %gather3A_446 = tpu.vector_load_idx %arg6[%add3A_80, %broadcast_in_dim3A_443] : memref<256x51xf32, #tpu.memory_space<vmem>>[vector<16xi32>, vector<16xi32>], vector<16xf32>,
      %gather3A_447 = tpu.vector_load_idx %arg6[%add3A_84, %broadcast_in_dim3A_443] : memref<256x51xf32, #tpu.memory_space<vmem>>[vector<16xi32>, vector<16xi32>], vector<16xf32>,
      %gt3A_448 = arith.cmpf ogt, %gather3A_444, %max3A_431 : vector<16xf32>
      %max3A_449 = arith.maximumf %max3A_431, %gather3A_444 : vector<16xf32>
      %select_n3A_450 = arith.select %gt3A_448, %broadcast_in_dim3A_443, %select_n3A_432 : vector<16xi1>, vector<16xi32>
      %gt3A_451 = arith.cmpf ogt, %gather3A_445, %max3A_434 : vector<16xf32>
      %max3A_452 = arith.maximumf %max3A_434, %gather3A_445 : vector<16xf32>
      %select_n3A_453 = arith.select %gt3A_451, %broadcast_in_dim3A_443, %select_n3A_435 : vector<16xi1>, vector<16xi32>
      %gt3A_454 = arith.cmpf ogt, %gather3A_446, %max3A_437 : vector<16xf32>
      %max3A_455 = arith.maximumf %max3A_437, %gather3A_446 : vector<16xf32>
      %select_n3A_456 = arith.select %gt3A_454, %broadcast_in_dim3A_443, %select_n3A_438 : vector<16xi1>, vector<16xi32>
      %gt3A_457 = arith.cmpf ogt, %gather3A_447, %max3A_440 : vector<16xf32>
      %max3A_458 = arith.maximumf %max3A_440, %gather3A_447 : vector<16xf32>
      %select_n3A_459 = arith.select %gt3A_457, %broadcast_in_dim3A_443, %select_n3A_441 : vector<16xi1>, vector<16xi32>
      %broadcast_in_dim3A_460 = arith.constant 21 : i32
      %broadcast_in_dim3A_461 = vector.broadcast %broadcast_in_dim3A_460 : i32 to vector<16xi32>
      %gather3A_462 = tpu.vector_load_idx %arg6[%add3A_72, %broadcast_in_dim3A_461] : memref<256x51xf32, #tpu.memory_space<vmem>>[vector<16xi32>, vector<16xi32>], vector<16xf32>,
      %gather3A_463 = tpu.vector_load_idx %arg6[%add3A_76, %broadcast_in_dim3A_461] : memref<256x51xf32, #tpu.memory_space<vmem>>[vector<16xi32>, vector<16xi32>], vector<16xf32>,
      %gather3A_464 = tpu.vector_load_idx %arg6[%add3A_80, %broadcast_in_dim3A_461] : memref<256x51xf32, #tpu.memory_space<vmem>>[vector<16xi32>, vector<16xi32>], vector<16xf32>,
      %gather3A_465 = tpu.vector_load_idx %arg6[%add3A_84, %broadcast_in_dim3A_461] : memref<256x51xf32, #tpu.memory_space<vmem>>[vector<16xi32>, vector<16xi32>], vector<16xf32>,
      %gt3A_466 = arith.cmpf ogt, %gather3A_462, %max3A_449 : vector<16xf32>
      %max3A_467 = arith.maximumf %max3A_449, %gather3A_462 : vector<16xf32>
      %select_n3A_468 = arith.select %gt3A_466, %broadcast_in_dim3A_461, %select_n3A_450 : vector<16xi1>, vector<16xi32>
      %gt3A_469 = arith.cmpf ogt, %gather3A_463, %max3A_452 : vector<16xf32>
      %max3A_470 = arith.maximumf %max3A_452, %gather3A_463 : vector<16xf32>
      %select_n3A_471 = arith.select %gt3A_469, %broadcast_in_dim3A_461, %select_n3A_453 : vector<16xi1>, vector<16xi32>
      %gt3A_472 = arith.cmpf ogt, %gather3A_464, %max3A_455 : vector<16xf32>
      %max3A_473 = arith.maximumf %max3A_455, %gather3A_464 : vector<16xf32>
      %select_n3A_474 = arith.select %gt3A_472, %broadcast_in_dim3A_461, %select_n3A_456 : vector<16xi1>, vector<16xi32>
      %gt3A_475 = arith.cmpf ogt, %gather3A_465, %max3A_458 : vector<16xf32>
      %max3A_476 = arith.maximumf %max3A_458, %gather3A_465 : vector<16xf32>
      %select_n3A_477 = arith.select %gt3A_475, %broadcast_in_dim3A_461, %select_n3A_459 : vector<16xi1>, vector<16xi32>
      %broadcast_in_dim3A_478 = arith.constant 22 : i32
      %broadcast_in_dim3A_479 = vector.broadcast %broadcast_in_dim3A_478 : i32 to vector<16xi32>
      %gather3A_480 = tpu.vector_load_idx %arg6[%add3A_72, %broadcast_in_dim3A_479] : memref<256x51xf32, #tpu.memory_space<vmem>>[vector<16xi32>, vector<16xi32>], vector<16xf32>,
      %gather3A_481 = tpu.vector_load_idx %arg6[%add3A_76, %broadcast_in_dim3A_479] : memref<256x51xf32, #tpu.memory_space<vmem>>[vector<16xi32>, vector<16xi32>], vector<16xf32>,
      %gather3A_482 = tpu.vector_load_idx %arg6[%add3A_80, %broadcast_in_dim3A_479] : memref<256x51xf32, #tpu.memory_space<vmem>>[vector<16xi32>, vector<16xi32>], vector<16xf32>,
      %gather3A_483 = tpu.vector_load_idx %arg6[%add3A_84, %broadcast_in_dim3A_479] : memref<256x51xf32, #tpu.memory_space<vmem>>[vector<16xi32>, vector<16xi32>], vector<16xf32>,
      %gt3A_484 = arith.cmpf ogt, %gather3A_480, %max3A_467 : vector<16xf32>
      %max3A_485 = arith.maximumf %max3A_467, %gather3A_480 : vector<16xf32>
      %select_n3A_486 = arith.select %gt3A_484, %broadcast_in_dim3A_479, %select_n3A_468 : vector<16xi1>, vector<16xi32>
      %gt3A_487 = arith.cmpf ogt, %gather3A_481, %max3A_470 : vector<16xf32>
      %max3A_488 = arith.maximumf %max3A_470, %gather3A_481 : vector<16xf32>
      %select_n3A_489 = arith.select %gt3A_487, %broadcast_in_dim3A_479, %select_n3A_471 : vector<16xi1>, vector<16xi32>
      %gt3A_490 = arith.cmpf ogt, %gather3A_482, %max3A_473 : vector<16xf32>
      %max3A_491 = arith.maximumf %max3A_473, %gather3A_482 : vector<16xf32>
      %select_n3A_492 = arith.select %gt3A_490, %broadcast_in_dim3A_479, %select_n3A_474 : vector<16xi1>, vector<16xi32>
      %gt3A_493 = arith.cmpf ogt, %gather3A_483, %max3A_476 : vector<16xf32>
      %max3A_494 = arith.maximumf %max3A_476, %gather3A_483 : vector<16xf32>
      %select_n3A_495 = arith.select %gt3A_493, %broadcast_in_dim3A_479, %select_n3A_477 : vector<16xi1>, vector<16xi32>
      %broadcast_in_dim3A_496 = arith.constant 23 : i32
      %broadcast_in_dim3A_497 = vector.broadcast %broadcast_in_dim3A_496 : i32 to vector<16xi32>
      %gather3A_498 = tpu.vector_load_idx %arg6[%add3A_72, %broadcast_in_dim3A_497] : memref<256x51xf32, #tpu.memory_space<vmem>>[vector<16xi32>, vector<16xi32>], vector<16xf32>,
      %gather3A_499 = tpu.vector_load_idx %arg6[%add3A_76, %broadcast_in_dim3A_497] : memref<256x51xf32, #tpu.memory_space<vmem>>[vector<16xi32>, vector<16xi32>], vector<16xf32>,
      %gather3A_500 = tpu.vector_load_idx %arg6[%add3A_80, %broadcast_in_dim3A_497] : memref<256x51xf32, #tpu.memory_space<vmem>>[vector<16xi32>, vector<16xi32>], vector<16xf32>,
      %gather3A_501 = tpu.vector_load_idx %arg6[%add3A_84, %broadcast_in_dim3A_497] : memref<256x51xf32, #tpu.memory_space<vmem>>[vector<16xi32>, vector<16xi32>], vector<16xf32>,
      %gt3A_502 = arith.cmpf ogt, %gather3A_498, %max3A_485 : vector<16xf32>
      %max3A_503 = arith.maximumf %max3A_485, %gather3A_498 : vector<16xf32>
      %select_n3A_504 = arith.select %gt3A_502, %broadcast_in_dim3A_497, %select_n3A_486 : vector<16xi1>, vector<16xi32>
      %gt3A_505 = arith.cmpf ogt, %gather3A_499, %max3A_488 : vector<16xf32>
      %max3A_506 = arith.maximumf %max3A_488, %gather3A_499 : vector<16xf32>
      %select_n3A_507 = arith.select %gt3A_505, %broadcast_in_dim3A_497, %select_n3A_489 : vector<16xi1>, vector<16xi32>
      %gt3A_508 = arith.cmpf ogt, %gather3A_500, %max3A_491 : vector<16xf32>
      %max3A_509 = arith.maximumf %max3A_491, %gather3A_500 : vector<16xf32>
      %select_n3A_510 = arith.select %gt3A_508, %broadcast_in_dim3A_497, %select_n3A_492 : vector<16xi1>, vector<16xi32>
      %gt3A_511 = arith.cmpf ogt, %gather3A_501, %max3A_494 : vector<16xf32>
      %max3A_512 = arith.maximumf %max3A_494, %gather3A_501 : vector<16xf32>
      %select_n3A_513 = arith.select %gt3A_511, %broadcast_in_dim3A_497, %select_n3A_495 : vector<16xi1>, vector<16xi32>
      %broadcast_in_dim3A_514 = arith.constant 24 : i32
      %broadcast_in_dim3A_515 = vector.broadcast %broadcast_in_dim3A_514 : i32 to vector<16xi32>
      %gather3A_516 = tpu.vector_load_idx %arg6[%add3A_72, %broadcast_in_dim3A_515] : memref<256x51xf32, #tpu.memory_space<vmem>>[vector<16xi32>, vector<16xi32>], vector<16xf32>,
      %gather3A_517 = tpu.vector_load_idx %arg6[%add3A_76, %broadcast_in_dim3A_515] : memref<256x51xf32, #tpu.memory_space<vmem>>[vector<16xi32>, vector<16xi32>], vector<16xf32>,
      %gather3A_518 = tpu.vector_load_idx %arg6[%add3A_80, %broadcast_in_dim3A_515] : memref<256x51xf32, #tpu.memory_space<vmem>>[vector<16xi32>, vector<16xi32>], vector<16xf32>,
      %gather3A_519 = tpu.vector_load_idx %arg6[%add3A_84, %broadcast_in_dim3A_515] : memref<256x51xf32, #tpu.memory_space<vmem>>[vector<16xi32>, vector<16xi32>], vector<16xf32>,
      %gt3A_520 = arith.cmpf ogt, %gather3A_516, %max3A_503 : vector<16xf32>
      %max3A_521 = arith.maximumf %max3A_503, %gather3A_516 : vector<16xf32>
      %select_n3A_522 = arith.select %gt3A_520, %broadcast_in_dim3A_515, %select_n3A_504 : vector<16xi1>, vector<16xi32>
      %gt3A_523 = arith.cmpf ogt, %gather3A_517, %max3A_506 : vector<16xf32>
      %max3A_524 = arith.maximumf %max3A_506, %gather3A_517 : vector<16xf32>
      %select_n3A_525 = arith.select %gt3A_523, %broadcast_in_dim3A_515, %select_n3A_507 : vector<16xi1>, vector<16xi32>
      %gt3A_526 = arith.cmpf ogt, %gather3A_518, %max3A_509 : vector<16xf32>
      %max3A_527 = arith.maximumf %max3A_509, %gather3A_518 : vector<16xf32>
      %select_n3A_528 = arith.select %gt3A_526, %broadcast_in_dim3A_515, %select_n3A_510 : vector<16xi1>, vector<16xi32>
      %gt3A_529 = arith.cmpf ogt, %gather3A_519, %max3A_512 : vector<16xf32>
      %max3A_530 = arith.maximumf %max3A_512, %gather3A_519 : vector<16xf32>
      %select_n3A_531 = arith.select %gt3A_529, %broadcast_in_dim3A_515, %select_n3A_513 : vector<16xi1>, vector<16xi32>
      %broadcast_in_dim3A_532 = arith.constant 25 : i32
      %broadcast_in_dim3A_533 = vector.broadcast %broadcast_in_dim3A_532 : i32 to vector<16xi32>
      %gather3A_534 = tpu.vector_load_idx %arg6[%add3A_72, %broadcast_in_dim3A_533] : memref<256x51xf32, #tpu.memory_space<vmem>>[vector<16xi32>, vector<16xi32>], vector<16xf32>,
      %gather3A_535 = tpu.vector_load_idx %arg6[%add3A_76, %broadcast_in_dim3A_533] : memref<256x51xf32, #tpu.memory_space<vmem>>[vector<16xi32>, vector<16xi32>], vector<16xf32>,
      %gather3A_536 = tpu.vector_load_idx %arg6[%add3A_80, %broadcast_in_dim3A_533] : memref<256x51xf32, #tpu.memory_space<vmem>>[vector<16xi32>, vector<16xi32>], vector<16xf32>,
      %gather3A_537 = tpu.vector_load_idx %arg6[%add3A_84, %broadcast_in_dim3A_533] : memref<256x51xf32, #tpu.memory_space<vmem>>[vector<16xi32>, vector<16xi32>], vector<16xf32>,
      %gt3A_538 = arith.cmpf ogt, %gather3A_534, %max3A_521 : vector<16xf32>
      %max3A_539 = arith.maximumf %max3A_521, %gather3A_534 : vector<16xf32>
      %select_n3A_540 = arith.select %gt3A_538, %broadcast_in_dim3A_533, %select_n3A_522 : vector<16xi1>, vector<16xi32>
      %gt3A_541 = arith.cmpf ogt, %gather3A_535, %max3A_524 : vector<16xf32>
      %max3A_542 = arith.maximumf %max3A_524, %gather3A_535 : vector<16xf32>
      %select_n3A_543 = arith.select %gt3A_541, %broadcast_in_dim3A_533, %select_n3A_525 : vector<16xi1>, vector<16xi32>
      %gt3A_544 = arith.cmpf ogt, %gather3A_536, %max3A_527 : vector<16xf32>
      %max3A_545 = arith.maximumf %max3A_527, %gather3A_536 : vector<16xf32>
      %select_n3A_546 = arith.select %gt3A_544, %broadcast_in_dim3A_533, %select_n3A_528 : vector<16xi1>, vector<16xi32>
      %gt3A_547 = arith.cmpf ogt, %gather3A_537, %max3A_530 : vector<16xf32>
      %max3A_548 = arith.maximumf %max3A_530, %gather3A_537 : vector<16xf32>
      %select_n3A_549 = arith.select %gt3A_547, %broadcast_in_dim3A_533, %select_n3A_531 : vector<16xi1>, vector<16xi32>
      %broadcast_in_dim3A_550 = arith.constant 26 : i32
      %broadcast_in_dim3A_551 = vector.broadcast %broadcast_in_dim3A_550 : i32 to vector<16xi32>
      %gather3A_552 = tpu.vector_load_idx %arg6[%add3A_72, %broadcast_in_dim3A_551] : memref<256x51xf32, #tpu.memory_space<vmem>>[vector<16xi32>, vector<16xi32>], vector<16xf32>,
      %gather3A_553 = tpu.vector_load_idx %arg6[%add3A_76, %broadcast_in_dim3A_551] : memref<256x51xf32, #tpu.memory_space<vmem>>[vector<16xi32>, vector<16xi32>], vector<16xf32>,
      %gather3A_554 = tpu.vector_load_idx %arg6[%add3A_80, %broadcast_in_dim3A_551] : memref<256x51xf32, #tpu.memory_space<vmem>>[vector<16xi32>, vector<16xi32>], vector<16xf32>,
      %gather3A_555 = tpu.vector_load_idx %arg6[%add3A_84, %broadcast_in_dim3A_551] : memref<256x51xf32, #tpu.memory_space<vmem>>[vector<16xi32>, vector<16xi32>], vector<16xf32>,
      %gt3A_556 = arith.cmpf ogt, %gather3A_552, %max3A_539 : vector<16xf32>
      %max3A_557 = arith.maximumf %max3A_539, %gather3A_552 : vector<16xf32>
      %select_n3A_558 = arith.select %gt3A_556, %broadcast_in_dim3A_551, %select_n3A_540 : vector<16xi1>, vector<16xi32>
      %gt3A_559 = arith.cmpf ogt, %gather3A_553, %max3A_542 : vector<16xf32>
      %max3A_560 = arith.maximumf %max3A_542, %gather3A_553 : vector<16xf32>
      %select_n3A_561 = arith.select %gt3A_559, %broadcast_in_dim3A_551, %select_n3A_543 : vector<16xi1>, vector<16xi32>
      %gt3A_562 = arith.cmpf ogt, %gather3A_554, %max3A_545 : vector<16xf32>
      %max3A_563 = arith.maximumf %max3A_545, %gather3A_554 : vector<16xf32>
      %select_n3A_564 = arith.select %gt3A_562, %broadcast_in_dim3A_551, %select_n3A_546 : vector<16xi1>, vector<16xi32>
      %gt3A_565 = arith.cmpf ogt, %gather3A_555, %max3A_548 : vector<16xf32>
      %max3A_566 = arith.maximumf %max3A_548, %gather3A_555 : vector<16xf32>
      %select_n3A_567 = arith.select %gt3A_565, %broadcast_in_dim3A_551, %select_n3A_549 : vector<16xi1>, vector<16xi32>
      %broadcast_in_dim3A_568 = arith.constant 27 : i32
      %broadcast_in_dim3A_569 = vector.broadcast %broadcast_in_dim3A_568 : i32 to vector<16xi32>
      %gather3A_570 = tpu.vector_load_idx %arg6[%add3A_72, %broadcast_in_dim3A_569] : memref<256x51xf32, #tpu.memory_space<vmem>>[vector<16xi32>, vector<16xi32>], vector<16xf32>,
      %gather3A_571 = tpu.vector_load_idx %arg6[%add3A_76, %broadcast_in_dim3A_569] : memref<256x51xf32, #tpu.memory_space<vmem>>[vector<16xi32>, vector<16xi32>], vector<16xf32>,
      %gather3A_572 = tpu.vector_load_idx %arg6[%add3A_80, %broadcast_in_dim3A_569] : memref<256x51xf32, #tpu.memory_space<vmem>>[vector<16xi32>, vector<16xi32>], vector<16xf32>,
      %gather3A_573 = tpu.vector_load_idx %arg6[%add3A_84, %broadcast_in_dim3A_569] : memref<256x51xf32, #tpu.memory_space<vmem>>[vector<16xi32>, vector<16xi32>], vector<16xf32>,
      %gt3A_574 = arith.cmpf ogt, %gather3A_570, %max3A_557 : vector<16xf32>
      %max3A_575 = arith.maximumf %max3A_557, %gather3A_570 : vector<16xf32>
      %select_n3A_576 = arith.select %gt3A_574, %broadcast_in_dim3A_569, %select_n3A_558 : vector<16xi1>, vector<16xi32>
      %gt3A_577 = arith.cmpf ogt, %gather3A_571, %max3A_560 : vector<16xf32>
      %max3A_578 = arith.maximumf %max3A_560, %gather3A_571 : vector<16xf32>
      %select_n3A_579 = arith.select %gt3A_577, %broadcast_in_dim3A_569, %select_n3A_561 : vector<16xi1>, vector<16xi32>
      %gt3A_580 = arith.cmpf ogt, %gather3A_572, %max3A_563 : vector<16xf32>
      %max3A_581 = arith.maximumf %max3A_563, %gather3A_572 : vector<16xf32>
      %select_n3A_582 = arith.select %gt3A_580, %broadcast_in_dim3A_569, %select_n3A_564 : vector<16xi1>, vector<16xi32>
      %gt3A_583 = arith.cmpf ogt, %gather3A_573, %max3A_566 : vector<16xf32>
      %max3A_584 = arith.maximumf %max3A_566, %gather3A_573 : vector<16xf32>
      %select_n3A_585 = arith.select %gt3A_583, %broadcast_in_dim3A_569, %select_n3A_567 : vector<16xi1>, vector<16xi32>
      %broadcast_in_dim3A_586 = arith.constant 28 : i32
      %broadcast_in_dim3A_587 = vector.broadcast %broadcast_in_dim3A_586 : i32 to vector<16xi32>
      %gather3A_588 = tpu.vector_load_idx %arg6[%add3A_72, %broadcast_in_dim3A_587] : memref<256x51xf32, #tpu.memory_space<vmem>>[vector<16xi32>, vector<16xi32>], vector<16xf32>,
      %gather3A_589 = tpu.vector_load_idx %arg6[%add3A_76, %broadcast_in_dim3A_587] : memref<256x51xf32, #tpu.memory_space<vmem>>[vector<16xi32>, vector<16xi32>], vector<16xf32>,
      %gather3A_590 = tpu.vector_load_idx %arg6[%add3A_80, %broadcast_in_dim3A_587] : memref<256x51xf32, #tpu.memory_space<vmem>>[vector<16xi32>, vector<16xi32>], vector<16xf32>,
      %gather3A_591 = tpu.vector_load_idx %arg6[%add3A_84, %broadcast_in_dim3A_587] : memref<256x51xf32, #tpu.memory_space<vmem>>[vector<16xi32>, vector<16xi32>], vector<16xf32>,
      %gt3A_592 = arith.cmpf ogt, %gather3A_588, %max3A_575 : vector<16xf32>
      %max3A_593 = arith.maximumf %max3A_575, %gather3A_588 : vector<16xf32>
      %select_n3A_594 = arith.select %gt3A_592, %broadcast_in_dim3A_587, %select_n3A_576 : vector<16xi1>, vector<16xi32>
      %gt3A_595 = arith.cmpf ogt, %gather3A_589, %max3A_578 : vector<16xf32>
      %max3A_596 = arith.maximumf %max3A_578, %gather3A_589 : vector<16xf32>
      %select_n3A_597 = arith.select %gt3A_595, %broadcast_in_dim3A_587, %select_n3A_579 : vector<16xi1>, vector<16xi32>
      %gt3A_598 = arith.cmpf ogt, %gather3A_590, %max3A_581 : vector<16xf32>
      %max3A_599 = arith.maximumf %max3A_581, %gather3A_590 : vector<16xf32>
      %select_n3A_600 = arith.select %gt3A_598, %broadcast_in_dim3A_587, %select_n3A_582 : vector<16xi1>, vector<16xi32>
      %gt3A_601 = arith.cmpf ogt, %gather3A_591, %max3A_584 : vector<16xf32>
      %max3A_602 = arith.maximumf %max3A_584, %gather3A_591 : vector<16xf32>
      %select_n3A_603 = arith.select %gt3A_601, %broadcast_in_dim3A_587, %select_n3A_585 : vector<16xi1>, vector<16xi32>
      %broadcast_in_dim3A_604 = arith.constant 29 : i32
      %broadcast_in_dim3A_605 = vector.broadcast %broadcast_in_dim3A_604 : i32 to vector<16xi32>
      %gather3A_606 = tpu.vector_load_idx %arg6[%add3A_72, %broadcast_in_dim3A_605] : memref<256x51xf32, #tpu.memory_space<vmem>>[vector<16xi32>, vector<16xi32>], vector<16xf32>,
      %gather3A_607 = tpu.vector_load_idx %arg6[%add3A_76, %broadcast_in_dim3A_605] : memref<256x51xf32, #tpu.memory_space<vmem>>[vector<16xi32>, vector<16xi32>], vector<16xf32>,
      %gather3A_608 = tpu.vector_load_idx %arg6[%add3A_80, %broadcast_in_dim3A_605] : memref<256x51xf32, #tpu.memory_space<vmem>>[vector<16xi32>, vector<16xi32>], vector<16xf32>,
      %gather3A_609 = tpu.vector_load_idx %arg6[%add3A_84, %broadcast_in_dim3A_605] : memref<256x51xf32, #tpu.memory_space<vmem>>[vector<16xi32>, vector<16xi32>], vector<16xf32>,
      %gt3A_610 = arith.cmpf ogt, %gather3A_606, %max3A_593 : vector<16xf32>
      %max3A_611 = arith.maximumf %max3A_593, %gather3A_606 : vector<16xf32>
      %select_n3A_612 = arith.select %gt3A_610, %broadcast_in_dim3A_605, %select_n3A_594 : vector<16xi1>, vector<16xi32>
      %gt3A_613 = arith.cmpf ogt, %gather3A_607, %max3A_596 : vector<16xf32>
      %max3A_614 = arith.maximumf %max3A_596, %gather3A_607 : vector<16xf32>
      %select_n3A_615 = arith.select %gt3A_613, %broadcast_in_dim3A_605, %select_n3A_597 : vector<16xi1>, vector<16xi32>
      %gt3A_616 = arith.cmpf ogt, %gather3A_608, %max3A_599 : vector<16xf32>
      %max3A_617 = arith.maximumf %max3A_599, %gather3A_608 : vector<16xf32>
      %select_n3A_618 = arith.select %gt3A_616, %broadcast_in_dim3A_605, %select_n3A_600 : vector<16xi1>, vector<16xi32>
      %gt3A_619 = arith.cmpf ogt, %gather3A_609, %max3A_602 : vector<16xf32>
      %max3A_620 = arith.maximumf %max3A_602, %gather3A_609 : vector<16xf32>
      %select_n3A_621 = arith.select %gt3A_619, %broadcast_in_dim3A_605, %select_n3A_603 : vector<16xi1>, vector<16xi32>
      %broadcast_in_dim3A_622 = arith.constant 30 : i32
      %broadcast_in_dim3A_623 = vector.broadcast %broadcast_in_dim3A_622 : i32 to vector<16xi32>
      %gather3A_624 = tpu.vector_load_idx %arg6[%add3A_72, %broadcast_in_dim3A_623] : memref<256x51xf32, #tpu.memory_space<vmem>>[vector<16xi32>, vector<16xi32>], vector<16xf32>,
      %gather3A_625 = tpu.vector_load_idx %arg6[%add3A_76, %broadcast_in_dim3A_623] : memref<256x51xf32, #tpu.memory_space<vmem>>[vector<16xi32>, vector<16xi32>], vector<16xf32>,
      %gather3A_626 = tpu.vector_load_idx %arg6[%add3A_80, %broadcast_in_dim3A_623] : memref<256x51xf32, #tpu.memory_space<vmem>>[vector<16xi32>, vector<16xi32>], vector<16xf32>,
      %gather3A_627 = tpu.vector_load_idx %arg6[%add3A_84, %broadcast_in_dim3A_623] : memref<256x51xf32, #tpu.memory_space<vmem>>[vector<16xi32>, vector<16xi32>], vector<16xf32>,
      %gt3A_628 = arith.cmpf ogt, %gather3A_624, %max3A_611 : vector<16xf32>
      %max3A_629 = arith.maximumf %max3A_611, %gather3A_624 : vector<16xf32>
      %select_n3A_630 = arith.select %gt3A_628, %broadcast_in_dim3A_623, %select_n3A_612 : vector<16xi1>, vector<16xi32>
      %gt3A_631 = arith.cmpf ogt, %gather3A_625, %max3A_614 : vector<16xf32>
      %max3A_632 = arith.maximumf %max3A_614, %gather3A_625 : vector<16xf32>
      %select_n3A_633 = arith.select %gt3A_631, %broadcast_in_dim3A_623, %select_n3A_615 : vector<16xi1>, vector<16xi32>
      %gt3A_634 = arith.cmpf ogt, %gather3A_626, %max3A_617 : vector<16xf32>
      %max3A_635 = arith.maximumf %max3A_617, %gather3A_626 : vector<16xf32>
      %select_n3A_636 = arith.select %gt3A_634, %broadcast_in_dim3A_623, %select_n3A_618 : vector<16xi1>, vector<16xi32>
      %gt3A_637 = arith.cmpf ogt, %gather3A_627, %max3A_620 : vector<16xf32>
      %max3A_638 = arith.maximumf %max3A_620, %gather3A_627 : vector<16xf32>
      %select_n3A_639 = arith.select %gt3A_637, %broadcast_in_dim3A_623, %select_n3A_621 : vector<16xi1>, vector<16xi32>
      %broadcast_in_dim3A_640 = arith.constant 31 : i32
      %broadcast_in_dim3A_641 = vector.broadcast %broadcast_in_dim3A_640 : i32 to vector<16xi32>
      %gather3A_642 = tpu.vector_load_idx %arg6[%add3A_72, %broadcast_in_dim3A_641] : memref<256x51xf32, #tpu.memory_space<vmem>>[vector<16xi32>, vector<16xi32>], vector<16xf32>,
      %gather3A_643 = tpu.vector_load_idx %arg6[%add3A_76, %broadcast_in_dim3A_641] : memref<256x51xf32, #tpu.memory_space<vmem>>[vector<16xi32>, vector<16xi32>], vector<16xf32>,
      %gather3A_644 = tpu.vector_load_idx %arg6[%add3A_80, %broadcast_in_dim3A_641] : memref<256x51xf32, #tpu.memory_space<vmem>>[vector<16xi32>, vector<16xi32>], vector<16xf32>,
      %gather3A_645 = tpu.vector_load_idx %arg6[%add3A_84, %broadcast_in_dim3A_641] : memref<256x51xf32, #tpu.memory_space<vmem>>[vector<16xi32>, vector<16xi32>], vector<16xf32>,
      %gt3A_646 = arith.cmpf ogt, %gather3A_642, %max3A_629 : vector<16xf32>
      %max3A_647 = arith.maximumf %max3A_629, %gather3A_642 : vector<16xf32>
      %select_n3A_648 = arith.select %gt3A_646, %broadcast_in_dim3A_641, %select_n3A_630 : vector<16xi1>, vector<16xi32>
      %gt3A_649 = arith.cmpf ogt, %gather3A_643, %max3A_632 : vector<16xf32>
      %max3A_650 = arith.maximumf %max3A_632, %gather3A_643 : vector<16xf32>
      %select_n3A_651 = arith.select %gt3A_649, %broadcast_in_dim3A_641, %select_n3A_633 : vector<16xi1>, vector<16xi32>
      %gt3A_652 = arith.cmpf ogt, %gather3A_644, %max3A_635 : vector<16xf32>
      %max3A_653 = arith.maximumf %max3A_635, %gather3A_644 : vector<16xf32>
      %select_n3A_654 = arith.select %gt3A_652, %broadcast_in_dim3A_641, %select_n3A_636 : vector<16xi1>, vector<16xi32>
      %gt3A_655 = arith.cmpf ogt, %gather3A_645, %max3A_638 : vector<16xf32>
      %max3A_656 = arith.maximumf %max3A_638, %gather3A_645 : vector<16xf32>
      %select_n3A_657 = arith.select %gt3A_655, %broadcast_in_dim3A_641, %select_n3A_639 : vector<16xi1>, vector<16xi32>
      %broadcast_in_dim3A_658 = arith.constant 32 : i32
      %broadcast_in_dim3A_659 = vector.broadcast %broadcast_in_dim3A_658 : i32 to vector<16xi32>
      %gather3A_660 = tpu.vector_load_idx %arg6[%add3A_72, %broadcast_in_dim3A_659] : memref<256x51xf32, #tpu.memory_space<vmem>>[vector<16xi32>, vector<16xi32>], vector<16xf32>,
      %gather3A_661 = tpu.vector_load_idx %arg6[%add3A_76, %broadcast_in_dim3A_659] : memref<256x51xf32, #tpu.memory_space<vmem>>[vector<16xi32>, vector<16xi32>], vector<16xf32>,
      %gather3A_662 = tpu.vector_load_idx %arg6[%add3A_80, %broadcast_in_dim3A_659] : memref<256x51xf32, #tpu.memory_space<vmem>>[vector<16xi32>, vector<16xi32>], vector<16xf32>,
      %gather3A_663 = tpu.vector_load_idx %arg6[%add3A_84, %broadcast_in_dim3A_659] : memref<256x51xf32, #tpu.memory_space<vmem>>[vector<16xi32>, vector<16xi32>], vector<16xf32>,
      %gt3A_664 = arith.cmpf ogt, %gather3A_660, %max3A_647 : vector<16xf32>
      %max3A_665 = arith.maximumf %max3A_647, %gather3A_660 : vector<16xf32>
      %select_n3A_666 = arith.select %gt3A_664, %broadcast_in_dim3A_659, %select_n3A_648 : vector<16xi1>, vector<16xi32>
      %gt3A_667 = arith.cmpf ogt, %gather3A_661, %max3A_650 : vector<16xf32>
      %max3A_668 = arith.maximumf %max3A_650, %gather3A_661 : vector<16xf32>
      %select_n3A_669 = arith.select %gt3A_667, %broadcast_in_dim3A_659, %select_n3A_651 : vector<16xi1>, vector<16xi32>
      %gt3A_670 = arith.cmpf ogt, %gather3A_662, %max3A_653 : vector<16xf32>
      %max3A_671 = arith.maximumf %max3A_653, %gather3A_662 : vector<16xf32>
      %select_n3A_672 = arith.select %gt3A_670, %broadcast_in_dim3A_659, %select_n3A_654 : vector<16xi1>, vector<16xi32>
      %gt3A_673 = arith.cmpf ogt, %gather3A_663, %max3A_656 : vector<16xf32>
      %max3A_674 = arith.maximumf %max3A_656, %gather3A_663 : vector<16xf32>
      %select_n3A_675 = arith.select %gt3A_673, %broadcast_in_dim3A_659, %select_n3A_657 : vector<16xi1>, vector<16xi32>
      %broadcast_in_dim3A_676 = arith.constant 33 : i32
      %broadcast_in_dim3A_677 = vector.broadcast %broadcast_in_dim3A_676 : i32 to vector<16xi32>
      %gather3A_678 = tpu.vector_load_idx %arg6[%add3A_72, %broadcast_in_dim3A_677] : memref<256x51xf32, #tpu.memory_space<vmem>>[vector<16xi32>, vector<16xi32>], vector<16xf32>,
      %gather3A_679 = tpu.vector_load_idx %arg6[%add3A_76, %broadcast_in_dim3A_677] : memref<256x51xf32, #tpu.memory_space<vmem>>[vector<16xi32>, vector<16xi32>], vector<16xf32>,
      %gather3A_680 = tpu.vector_load_idx %arg6[%add3A_80, %broadcast_in_dim3A_677] : memref<256x51xf32, #tpu.memory_space<vmem>>[vector<16xi32>, vector<16xi32>], vector<16xf32>,
      %gather3A_681 = tpu.vector_load_idx %arg6[%add3A_84, %broadcast_in_dim3A_677] : memref<256x51xf32, #tpu.memory_space<vmem>>[vector<16xi32>, vector<16xi32>], vector<16xf32>,
      %gt3A_682 = arith.cmpf ogt, %gather3A_678, %max3A_665 : vector<16xf32>
      %max3A_683 = arith.maximumf %max3A_665, %gather3A_678 : vector<16xf32>
      %select_n3A_684 = arith.select %gt3A_682, %broadcast_in_dim3A_677, %select_n3A_666 : vector<16xi1>, vector<16xi32>
      %gt3A_685 = arith.cmpf ogt, %gather3A_679, %max3A_668 : vector<16xf32>
      %max3A_686 = arith.maximumf %max3A_668, %gather3A_679 : vector<16xf32>
      %select_n3A_687 = arith.select %gt3A_685, %broadcast_in_dim3A_677, %select_n3A_669 : vector<16xi1>, vector<16xi32>
      %gt3A_688 = arith.cmpf ogt, %gather3A_680, %max3A_671 : vector<16xf32>
      %max3A_689 = arith.maximumf %max3A_671, %gather3A_680 : vector<16xf32>
      %select_n3A_690 = arith.select %gt3A_688, %broadcast_in_dim3A_677, %select_n3A_672 : vector<16xi1>, vector<16xi32>
      %gt3A_691 = arith.cmpf ogt, %gather3A_681, %max3A_674 : vector<16xf32>
      %max3A_692 = arith.maximumf %max3A_674, %gather3A_681 : vector<16xf32>
      %select_n3A_693 = arith.select %gt3A_691, %broadcast_in_dim3A_677, %select_n3A_675 : vector<16xi1>, vector<16xi32>
      %broadcast_in_dim3A_694 = arith.constant 34 : i32
      %broadcast_in_dim3A_695 = vector.broadcast %broadcast_in_dim3A_694 : i32 to vector<16xi32>
      %gather3A_696 = tpu.vector_load_idx %arg6[%add3A_72, %broadcast_in_dim3A_695] : memref<256x51xf32, #tpu.memory_space<vmem>>[vector<16xi32>, vector<16xi32>], vector<16xf32>,
      %gather3A_697 = tpu.vector_load_idx %arg6[%add3A_76, %broadcast_in_dim3A_695] : memref<256x51xf32, #tpu.memory_space<vmem>>[vector<16xi32>, vector<16xi32>], vector<16xf32>,
      %gather3A_698 = tpu.vector_load_idx %arg6[%add3A_80, %broadcast_in_dim3A_695] : memref<256x51xf32, #tpu.memory_space<vmem>>[vector<16xi32>, vector<16xi32>], vector<16xf32>,
      %gather3A_699 = tpu.vector_load_idx %arg6[%add3A_84, %broadcast_in_dim3A_695] : memref<256x51xf32, #tpu.memory_space<vmem>>[vector<16xi32>, vector<16xi32>], vector<16xf32>,
      %gt3A_700 = arith.cmpf ogt, %gather3A_696, %max3A_683 : vector<16xf32>
      %max3A_701 = arith.maximumf %max3A_683, %gather3A_696 : vector<16xf32>
      %select_n3A_702 = arith.select %gt3A_700, %broadcast_in_dim3A_695, %select_n3A_684 : vector<16xi1>, vector<16xi32>
      %gt3A_703 = arith.cmpf ogt, %gather3A_697, %max3A_686 : vector<16xf32>
      %max3A_704 = arith.maximumf %max3A_686, %gather3A_697 : vector<16xf32>
      %select_n3A_705 = arith.select %gt3A_703, %broadcast_in_dim3A_695, %select_n3A_687 : vector<16xi1>, vector<16xi32>
      %gt3A_706 = arith.cmpf ogt, %gather3A_698, %max3A_689 : vector<16xf32>
      %max3A_707 = arith.maximumf %max3A_689, %gather3A_698 : vector<16xf32>
      %select_n3A_708 = arith.select %gt3A_706, %broadcast_in_dim3A_695, %select_n3A_690 : vector<16xi1>, vector<16xi32>
      %gt3A_709 = arith.cmpf ogt, %gather3A_699, %max3A_692 : vector<16xf32>
      %max3A_710 = arith.maximumf %max3A_692, %gather3A_699 : vector<16xf32>
      %select_n3A_711 = arith.select %gt3A_709, %broadcast_in_dim3A_695, %select_n3A_693 : vector<16xi1>, vector<16xi32>
      %broadcast_in_dim3A_712 = arith.constant 35 : i32
      %broadcast_in_dim3A_713 = vector.broadcast %broadcast_in_dim3A_712 : i32 to vector<16xi32>
      %gather3A_714 = tpu.vector_load_idx %arg6[%add3A_72, %broadcast_in_dim3A_713] : memref<256x51xf32, #tpu.memory_space<vmem>>[vector<16xi32>, vector<16xi32>], vector<16xf32>,
      %gather3A_715 = tpu.vector_load_idx %arg6[%add3A_76, %broadcast_in_dim3A_713] : memref<256x51xf32, #tpu.memory_space<vmem>>[vector<16xi32>, vector<16xi32>], vector<16xf32>,
      %gather3A_716 = tpu.vector_load_idx %arg6[%add3A_80, %broadcast_in_dim3A_713] : memref<256x51xf32, #tpu.memory_space<vmem>>[vector<16xi32>, vector<16xi32>], vector<16xf32>,
      %gather3A_717 = tpu.vector_load_idx %arg6[%add3A_84, %broadcast_in_dim3A_713] : memref<256x51xf32, #tpu.memory_space<vmem>>[vector<16xi32>, vector<16xi32>], vector<16xf32>,
      %gt3A_718 = arith.cmpf ogt, %gather3A_714, %max3A_701 : vector<16xf32>
      %max3A_719 = arith.maximumf %max3A_701, %gather3A_714 : vector<16xf32>
      %select_n3A_720 = arith.select %gt3A_718, %broadcast_in_dim3A_713, %select_n3A_702 : vector<16xi1>, vector<16xi32>
      %gt3A_721 = arith.cmpf ogt, %gather3A_715, %max3A_704 : vector<16xf32>
      %max3A_722 = arith.maximumf %max3A_704, %gather3A_715 : vector<16xf32>
      %select_n3A_723 = arith.select %gt3A_721, %broadcast_in_dim3A_713, %select_n3A_705 : vector<16xi1>, vector<16xi32>
      %gt3A_724 = arith.cmpf ogt, %gather3A_716, %max3A_707 : vector<16xf32>
      %max3A_725 = arith.maximumf %max3A_707, %gather3A_716 : vector<16xf32>
      %select_n3A_726 = arith.select %gt3A_724, %broadcast_in_dim3A_713, %select_n3A_708 : vector<16xi1>, vector<16xi32>
      %gt3A_727 = arith.cmpf ogt, %gather3A_717, %max3A_710 : vector<16xf32>
      %max3A_728 = arith.maximumf %max3A_710, %gather3A_717 : vector<16xf32>
      %select_n3A_729 = arith.select %gt3A_727, %broadcast_in_dim3A_713, %select_n3A_711 : vector<16xi1>, vector<16xi32>
      %broadcast_in_dim3A_730 = arith.constant 36 : i32
      %broadcast_in_dim3A_731 = vector.broadcast %broadcast_in_dim3A_730 : i32 to vector<16xi32>
      %gather3A_732 = tpu.vector_load_idx %arg6[%add3A_72, %broadcast_in_dim3A_731] : memref<256x51xf32, #tpu.memory_space<vmem>>[vector<16xi32>, vector<16xi32>], vector<16xf32>,
      %gather3A_733 = tpu.vector_load_idx %arg6[%add3A_76, %broadcast_in_dim3A_731] : memref<256x51xf32, #tpu.memory_space<vmem>>[vector<16xi32>, vector<16xi32>], vector<16xf32>,
      %gather3A_734 = tpu.vector_load_idx %arg6[%add3A_80, %broadcast_in_dim3A_731] : memref<256x51xf32, #tpu.memory_space<vmem>>[vector<16xi32>, vector<16xi32>], vector<16xf32>,
      %gather3A_735 = tpu.vector_load_idx %arg6[%add3A_84, %broadcast_in_dim3A_731] : memref<256x51xf32, #tpu.memory_space<vmem>>[vector<16xi32>, vector<16xi32>], vector<16xf32>,
      %gt3A_736 = arith.cmpf ogt, %gather3A_732, %max3A_719 : vector<16xf32>
      %max3A_737 = arith.maximumf %max3A_719, %gather3A_732 : vector<16xf32>
      %select_n3A_738 = arith.select %gt3A_736, %broadcast_in_dim3A_731, %select_n3A_720 : vector<16xi1>, vector<16xi32>
      %gt3A_739 = arith.cmpf ogt, %gather3A_733, %max3A_722 : vector<16xf32>
      %max3A_740 = arith.maximumf %max3A_722, %gather3A_733 : vector<16xf32>
      %select_n3A_741 = arith.select %gt3A_739, %broadcast_in_dim3A_731, %select_n3A_723 : vector<16xi1>, vector<16xi32>
      %gt3A_742 = arith.cmpf ogt, %gather3A_734, %max3A_725 : vector<16xf32>
      %max3A_743 = arith.maximumf %max3A_725, %gather3A_734 : vector<16xf32>
      %select_n3A_744 = arith.select %gt3A_742, %broadcast_in_dim3A_731, %select_n3A_726 : vector<16xi1>, vector<16xi32>
      %gt3A_745 = arith.cmpf ogt, %gather3A_735, %max3A_728 : vector<16xf32>
      %max3A_746 = arith.maximumf %max3A_728, %gather3A_735 : vector<16xf32>
      %select_n3A_747 = arith.select %gt3A_745, %broadcast_in_dim3A_731, %select_n3A_729 : vector<16xi1>, vector<16xi32>
      %broadcast_in_dim3A_748 = arith.constant 37 : i32
      %broadcast_in_dim3A_749 = vector.broadcast %broadcast_in_dim3A_748 : i32 to vector<16xi32>
      %gather3A_750 = tpu.vector_load_idx %arg6[%add3A_72, %broadcast_in_dim3A_749] : memref<256x51xf32, #tpu.memory_space<vmem>>[vector<16xi32>, vector<16xi32>], vector<16xf32>,
      %gather3A_751 = tpu.vector_load_idx %arg6[%add3A_76, %broadcast_in_dim3A_749] : memref<256x51xf32, #tpu.memory_space<vmem>>[vector<16xi32>, vector<16xi32>], vector<16xf32>,
      %gather3A_752 = tpu.vector_load_idx %arg6[%add3A_80, %broadcast_in_dim3A_749] : memref<256x51xf32, #tpu.memory_space<vmem>>[vector<16xi32>, vector<16xi32>], vector<16xf32>,
      %gather3A_753 = tpu.vector_load_idx %arg6[%add3A_84, %broadcast_in_dim3A_749] : memref<256x51xf32, #tpu.memory_space<vmem>>[vector<16xi32>, vector<16xi32>], vector<16xf32>,
      %gt3A_754 = arith.cmpf ogt, %gather3A_750, %max3A_737 : vector<16xf32>
      %max3A_755 = arith.maximumf %max3A_737, %gather3A_750 : vector<16xf32>
      %select_n3A_756 = arith.select %gt3A_754, %broadcast_in_dim3A_749, %select_n3A_738 : vector<16xi1>, vector<16xi32>
      %gt3A_757 = arith.cmpf ogt, %gather3A_751, %max3A_740 : vector<16xf32>
      %max3A_758 = arith.maximumf %max3A_740, %gather3A_751 : vector<16xf32>
      %select_n3A_759 = arith.select %gt3A_757, %broadcast_in_dim3A_749, %select_n3A_741 : vector<16xi1>, vector<16xi32>
      %gt3A_760 = arith.cmpf ogt, %gather3A_752, %max3A_743 : vector<16xf32>
      %max3A_761 = arith.maximumf %max3A_743, %gather3A_752 : vector<16xf32>
      %select_n3A_762 = arith.select %gt3A_760, %broadcast_in_dim3A_749, %select_n3A_744 : vector<16xi1>, vector<16xi32>
      %gt3A_763 = arith.cmpf ogt, %gather3A_753, %max3A_746 : vector<16xf32>
      %max3A_764 = arith.maximumf %max3A_746, %gather3A_753 : vector<16xf32>
      %select_n3A_765 = arith.select %gt3A_763, %broadcast_in_dim3A_749, %select_n3A_747 : vector<16xi1>, vector<16xi32>
      %broadcast_in_dim3A_766 = arith.constant 38 : i32
      %broadcast_in_dim3A_767 = vector.broadcast %broadcast_in_dim3A_766 : i32 to vector<16xi32>
      %gather3A_768 = tpu.vector_load_idx %arg6[%add3A_72, %broadcast_in_dim3A_767] : memref<256x51xf32, #tpu.memory_space<vmem>>[vector<16xi32>, vector<16xi32>], vector<16xf32>,
      %gather3A_769 = tpu.vector_load_idx %arg6[%add3A_76, %broadcast_in_dim3A_767] : memref<256x51xf32, #tpu.memory_space<vmem>>[vector<16xi32>, vector<16xi32>], vector<16xf32>,
      %gather3A_770 = tpu.vector_load_idx %arg6[%add3A_80, %broadcast_in_dim3A_767] : memref<256x51xf32, #tpu.memory_space<vmem>>[vector<16xi32>, vector<16xi32>], vector<16xf32>,
      %gather3A_771 = tpu.vector_load_idx %arg6[%add3A_84, %broadcast_in_dim3A_767] : memref<256x51xf32, #tpu.memory_space<vmem>>[vector<16xi32>, vector<16xi32>], vector<16xf32>,
      %gt3A_772 = arith.cmpf ogt, %gather3A_768, %max3A_755 : vector<16xf32>
      %max3A_773 = arith.maximumf %max3A_755, %gather3A_768 : vector<16xf32>
      %select_n3A_774 = arith.select %gt3A_772, %broadcast_in_dim3A_767, %select_n3A_756 : vector<16xi1>, vector<16xi32>
      %gt3A_775 = arith.cmpf ogt, %gather3A_769, %max3A_758 : vector<16xf32>
      %max3A_776 = arith.maximumf %max3A_758, %gather3A_769 : vector<16xf32>
      %select_n3A_777 = arith.select %gt3A_775, %broadcast_in_dim3A_767, %select_n3A_759 : vector<16xi1>, vector<16xi32>
      %gt3A_778 = arith.cmpf ogt, %gather3A_770, %max3A_761 : vector<16xf32>
      %max3A_779 = arith.maximumf %max3A_761, %gather3A_770 : vector<16xf32>
      %select_n3A_780 = arith.select %gt3A_778, %broadcast_in_dim3A_767, %select_n3A_762 : vector<16xi1>, vector<16xi32>
      %gt3A_781 = arith.cmpf ogt, %gather3A_771, %max3A_764 : vector<16xf32>
      %max3A_782 = arith.maximumf %max3A_764, %gather3A_771 : vector<16xf32>
      %select_n3A_783 = arith.select %gt3A_781, %broadcast_in_dim3A_767, %select_n3A_765 : vector<16xi1>, vector<16xi32>
      %broadcast_in_dim3A_784 = arith.constant 39 : i32
      %broadcast_in_dim3A_785 = vector.broadcast %broadcast_in_dim3A_784 : i32 to vector<16xi32>
      %gather3A_786 = tpu.vector_load_idx %arg6[%add3A_72, %broadcast_in_dim3A_785] : memref<256x51xf32, #tpu.memory_space<vmem>>[vector<16xi32>, vector<16xi32>], vector<16xf32>,
      %gather3A_787 = tpu.vector_load_idx %arg6[%add3A_76, %broadcast_in_dim3A_785] : memref<256x51xf32, #tpu.memory_space<vmem>>[vector<16xi32>, vector<16xi32>], vector<16xf32>,
      %gather3A_788 = tpu.vector_load_idx %arg6[%add3A_80, %broadcast_in_dim3A_785] : memref<256x51xf32, #tpu.memory_space<vmem>>[vector<16xi32>, vector<16xi32>], vector<16xf32>,
      %gather3A_789 = tpu.vector_load_idx %arg6[%add3A_84, %broadcast_in_dim3A_785] : memref<256x51xf32, #tpu.memory_space<vmem>>[vector<16xi32>, vector<16xi32>], vector<16xf32>,
      %gt3A_790 = arith.cmpf ogt, %gather3A_786, %max3A_773 : vector<16xf32>
      %max3A_791 = arith.maximumf %max3A_773, %gather3A_786 : vector<16xf32>
      %select_n3A_792 = arith.select %gt3A_790, %broadcast_in_dim3A_785, %select_n3A_774 : vector<16xi1>, vector<16xi32>
      %gt3A_793 = arith.cmpf ogt, %gather3A_787, %max3A_776 : vector<16xf32>
      %max3A_794 = arith.maximumf %max3A_776, %gather3A_787 : vector<16xf32>
      %select_n3A_795 = arith.select %gt3A_793, %broadcast_in_dim3A_785, %select_n3A_777 : vector<16xi1>, vector<16xi32>
      %gt3A_796 = arith.cmpf ogt, %gather3A_788, %max3A_779 : vector<16xf32>
      %max3A_797 = arith.maximumf %max3A_779, %gather3A_788 : vector<16xf32>
      %select_n3A_798 = arith.select %gt3A_796, %broadcast_in_dim3A_785, %select_n3A_780 : vector<16xi1>, vector<16xi32>
      %gt3A_799 = arith.cmpf ogt, %gather3A_789, %max3A_782 : vector<16xf32>
      %max3A_800 = arith.maximumf %max3A_782, %gather3A_789 : vector<16xf32>
      %select_n3A_801 = arith.select %gt3A_799, %broadcast_in_dim3A_785, %select_n3A_783 : vector<16xi1>, vector<16xi32>
      %broadcast_in_dim3A_802 = arith.constant 40 : i32
      %broadcast_in_dim3A_803 = vector.broadcast %broadcast_in_dim3A_802 : i32 to vector<16xi32>
      %gather3A_804 = tpu.vector_load_idx %arg6[%add3A_72, %broadcast_in_dim3A_803] : memref<256x51xf32, #tpu.memory_space<vmem>>[vector<16xi32>, vector<16xi32>], vector<16xf32>,
      %gather3A_805 = tpu.vector_load_idx %arg6[%add3A_76, %broadcast_in_dim3A_803] : memref<256x51xf32, #tpu.memory_space<vmem>>[vector<16xi32>, vector<16xi32>], vector<16xf32>,
      %gather3A_806 = tpu.vector_load_idx %arg6[%add3A_80, %broadcast_in_dim3A_803] : memref<256x51xf32, #tpu.memory_space<vmem>>[vector<16xi32>, vector<16xi32>], vector<16xf32>,
      %gather3A_807 = tpu.vector_load_idx %arg6[%add3A_84, %broadcast_in_dim3A_803] : memref<256x51xf32, #tpu.memory_space<vmem>>[vector<16xi32>, vector<16xi32>], vector<16xf32>,
      %gt3A_808 = arith.cmpf ogt, %gather3A_804, %max3A_791 : vector<16xf32>
      %max3A_809 = arith.maximumf %max3A_791, %gather3A_804 : vector<16xf32>
      %select_n3A_810 = arith.select %gt3A_808, %broadcast_in_dim3A_803, %select_n3A_792 : vector<16xi1>, vector<16xi32>
      %gt3A_811 = arith.cmpf ogt, %gather3A_805, %max3A_794 : vector<16xf32>
      %max3A_812 = arith.maximumf %max3A_794, %gather3A_805 : vector<16xf32>
      %select_n3A_813 = arith.select %gt3A_811, %broadcast_in_dim3A_803, %select_n3A_795 : vector<16xi1>, vector<16xi32>
      %gt3A_814 = arith.cmpf ogt, %gather3A_806, %max3A_797 : vector<16xf32>
      %max3A_815 = arith.maximumf %max3A_797, %gather3A_806 : vector<16xf32>
      %select_n3A_816 = arith.select %gt3A_814, %broadcast_in_dim3A_803, %select_n3A_798 : vector<16xi1>, vector<16xi32>
      %gt3A_817 = arith.cmpf ogt, %gather3A_807, %max3A_800 : vector<16xf32>
      %max3A_818 = arith.maximumf %max3A_800, %gather3A_807 : vector<16xf32>
      %select_n3A_819 = arith.select %gt3A_817, %broadcast_in_dim3A_803, %select_n3A_801 : vector<16xi1>, vector<16xi32>
      %broadcast_in_dim3A_820 = arith.constant 41 : i32
      %broadcast_in_dim3A_821 = vector.broadcast %broadcast_in_dim3A_820 : i32 to vector<16xi32>
      %gather3A_822 = tpu.vector_load_idx %arg6[%add3A_72, %broadcast_in_dim3A_821] : memref<256x51xf32, #tpu.memory_space<vmem>>[vector<16xi32>, vector<16xi32>], vector<16xf32>,
      %gather3A_823 = tpu.vector_load_idx %arg6[%add3A_76, %broadcast_in_dim3A_821] : memref<256x51xf32, #tpu.memory_space<vmem>>[vector<16xi32>, vector<16xi32>], vector<16xf32>,
      %gather3A_824 = tpu.vector_load_idx %arg6[%add3A_80, %broadcast_in_dim3A_821] : memref<256x51xf32, #tpu.memory_space<vmem>>[vector<16xi32>, vector<16xi32>], vector<16xf32>,
      %gather3A_825 = tpu.vector_load_idx %arg6[%add3A_84, %broadcast_in_dim3A_821] : memref<256x51xf32, #tpu.memory_space<vmem>>[vector<16xi32>, vector<16xi32>], vector<16xf32>,
      %gt3A_826 = arith.cmpf ogt, %gather3A_822, %max3A_809 : vector<16xf32>
      %max3A_827 = arith.maximumf %max3A_809, %gather3A_822 : vector<16xf32>
      %select_n3A_828 = arith.select %gt3A_826, %broadcast_in_dim3A_821, %select_n3A_810 : vector<16xi1>, vector<16xi32>
      %gt3A_829 = arith.cmpf ogt, %gather3A_823, %max3A_812 : vector<16xf32>
      %max3A_830 = arith.maximumf %max3A_812, %gather3A_823 : vector<16xf32>
      %select_n3A_831 = arith.select %gt3A_829, %broadcast_in_dim3A_821, %select_n3A_813 : vector<16xi1>, vector<16xi32>
      %gt3A_832 = arith.cmpf ogt, %gather3A_824, %max3A_815 : vector<16xf32>
      %max3A_833 = arith.maximumf %max3A_815, %gather3A_824 : vector<16xf32>
      %select_n3A_834 = arith.select %gt3A_832, %broadcast_in_dim3A_821, %select_n3A_816 : vector<16xi1>, vector<16xi32>
      %gt3A_835 = arith.cmpf ogt, %gather3A_825, %max3A_818 : vector<16xf32>
      %max3A_836 = arith.maximumf %max3A_818, %gather3A_825 : vector<16xf32>
      %select_n3A_837 = arith.select %gt3A_835, %broadcast_in_dim3A_821, %select_n3A_819 : vector<16xi1>, vector<16xi32>
      %broadcast_in_dim3A_838 = arith.constant 42 : i32
      %broadcast_in_dim3A_839 = vector.broadcast %broadcast_in_dim3A_838 : i32 to vector<16xi32>
      %gather3A_840 = tpu.vector_load_idx %arg6[%add3A_72, %broadcast_in_dim3A_839] : memref<256x51xf32, #tpu.memory_space<vmem>>[vector<16xi32>, vector<16xi32>], vector<16xf32>,
      %gather3A_841 = tpu.vector_load_idx %arg6[%add3A_76, %broadcast_in_dim3A_839] : memref<256x51xf32, #tpu.memory_space<vmem>>[vector<16xi32>, vector<16xi32>], vector<16xf32>,
      %gather3A_842 = tpu.vector_load_idx %arg6[%add3A_80, %broadcast_in_dim3A_839] : memref<256x51xf32, #tpu.memory_space<vmem>>[vector<16xi32>, vector<16xi32>], vector<16xf32>,
      %gather3A_843 = tpu.vector_load_idx %arg6[%add3A_84, %broadcast_in_dim3A_839] : memref<256x51xf32, #tpu.memory_space<vmem>>[vector<16xi32>, vector<16xi32>], vector<16xf32>,
      %gt3A_844 = arith.cmpf ogt, %gather3A_840, %max3A_827 : vector<16xf32>
      %max3A_845 = arith.maximumf %max3A_827, %gather3A_840 : vector<16xf32>
      %select_n3A_846 = arith.select %gt3A_844, %broadcast_in_dim3A_839, %select_n3A_828 : vector<16xi1>, vector<16xi32>
      %gt3A_847 = arith.cmpf ogt, %gather3A_841, %max3A_830 : vector<16xf32>
      %max3A_848 = arith.maximumf %max3A_830, %gather3A_841 : vector<16xf32>
      %select_n3A_849 = arith.select %gt3A_847, %broadcast_in_dim3A_839, %select_n3A_831 : vector<16xi1>, vector<16xi32>
      %gt3A_850 = arith.cmpf ogt, %gather3A_842, %max3A_833 : vector<16xf32>
      %max3A_851 = arith.maximumf %max3A_833, %gather3A_842 : vector<16xf32>
      %select_n3A_852 = arith.select %gt3A_850, %broadcast_in_dim3A_839, %select_n3A_834 : vector<16xi1>, vector<16xi32>
      %gt3A_853 = arith.cmpf ogt, %gather3A_843, %max3A_836 : vector<16xf32>
      %max3A_854 = arith.maximumf %max3A_836, %gather3A_843 : vector<16xf32>
      %select_n3A_855 = arith.select %gt3A_853, %broadcast_in_dim3A_839, %select_n3A_837 : vector<16xi1>, vector<16xi32>
      %broadcast_in_dim3A_856 = arith.constant 43 : i32
      %broadcast_in_dim3A_857 = vector.broadcast %broadcast_in_dim3A_856 : i32 to vector<16xi32>
      %gather3A_858 = tpu.vector_load_idx %arg6[%add3A_72, %broadcast_in_dim3A_857] : memref<256x51xf32, #tpu.memory_space<vmem>>[vector<16xi32>, vector<16xi32>], vector<16xf32>,
      %gather3A_859 = tpu.vector_load_idx %arg6[%add3A_76, %broadcast_in_dim3A_857] : memref<256x51xf32, #tpu.memory_space<vmem>>[vector<16xi32>, vector<16xi32>], vector<16xf32>,
      %gather3A_860 = tpu.vector_load_idx %arg6[%add3A_80, %broadcast_in_dim3A_857] : memref<256x51xf32, #tpu.memory_space<vmem>>[vector<16xi32>, vector<16xi32>], vector<16xf32>,
      %gather3A_861 = tpu.vector_load_idx %arg6[%add3A_84, %broadcast_in_dim3A_857] : memref<256x51xf32, #tpu.memory_space<vmem>>[vector<16xi32>, vector<16xi32>], vector<16xf32>,
      %gt3A_862 = arith.cmpf ogt, %gather3A_858, %max3A_845 : vector<16xf32>
      %max3A_863 = arith.maximumf %max3A_845, %gather3A_858 : vector<16xf32>
      %select_n3A_864 = arith.select %gt3A_862, %broadcast_in_dim3A_857, %select_n3A_846 : vector<16xi1>, vector<16xi32>
      %gt3A_865 = arith.cmpf ogt, %gather3A_859, %max3A_848 : vector<16xf32>
      %max3A_866 = arith.maximumf %max3A_848, %gather3A_859 : vector<16xf32>
      %select_n3A_867 = arith.select %gt3A_865, %broadcast_in_dim3A_857, %select_n3A_849 : vector<16xi1>, vector<16xi32>
      %gt3A_868 = arith.cmpf ogt, %gather3A_860, %max3A_851 : vector<16xf32>
      %max3A_869 = arith.maximumf %max3A_851, %gather3A_860 : vector<16xf32>
      %select_n3A_870 = arith.select %gt3A_868, %broadcast_in_dim3A_857, %select_n3A_852 : vector<16xi1>, vector<16xi32>
      %gt3A_871 = arith.cmpf ogt, %gather3A_861, %max3A_854 : vector<16xf32>
      %max3A_872 = arith.maximumf %max3A_854, %gather3A_861 : vector<16xf32>
      %select_n3A_873 = arith.select %gt3A_871, %broadcast_in_dim3A_857, %select_n3A_855 : vector<16xi1>, vector<16xi32>
      %broadcast_in_dim3A_874 = arith.constant 44 : i32
      %broadcast_in_dim3A_875 = vector.broadcast %broadcast_in_dim3A_874 : i32 to vector<16xi32>
      %gather3A_876 = tpu.vector_load_idx %arg6[%add3A_72, %broadcast_in_dim3A_875] : memref<256x51xf32, #tpu.memory_space<vmem>>[vector<16xi32>, vector<16xi32>], vector<16xf32>,
      %gather3A_877 = tpu.vector_load_idx %arg6[%add3A_76, %broadcast_in_dim3A_875] : memref<256x51xf32, #tpu.memory_space<vmem>>[vector<16xi32>, vector<16xi32>], vector<16xf32>,
      %gather3A_878 = tpu.vector_load_idx %arg6[%add3A_80, %broadcast_in_dim3A_875] : memref<256x51xf32, #tpu.memory_space<vmem>>[vector<16xi32>, vector<16xi32>], vector<16xf32>,
      %gather3A_879 = tpu.vector_load_idx %arg6[%add3A_84, %broadcast_in_dim3A_875] : memref<256x51xf32, #tpu.memory_space<vmem>>[vector<16xi32>, vector<16xi32>], vector<16xf32>,
      %gt3A_880 = arith.cmpf ogt, %gather3A_876, %max3A_863 : vector<16xf32>
      %max3A_881 = arith.maximumf %max3A_863, %gather3A_876 : vector<16xf32>
      %select_n3A_882 = arith.select %gt3A_880, %broadcast_in_dim3A_875, %select_n3A_864 : vector<16xi1>, vector<16xi32>
      %gt3A_883 = arith.cmpf ogt, %gather3A_877, %max3A_866 : vector<16xf32>
      %max3A_884 = arith.maximumf %max3A_866, %gather3A_877 : vector<16xf32>
      %select_n3A_885 = arith.select %gt3A_883, %broadcast_in_dim3A_875, %select_n3A_867 : vector<16xi1>, vector<16xi32>
      %gt3A_886 = arith.cmpf ogt, %gather3A_878, %max3A_869 : vector<16xf32>
      %max3A_887 = arith.maximumf %max3A_869, %gather3A_878 : vector<16xf32>
      %select_n3A_888 = arith.select %gt3A_886, %broadcast_in_dim3A_875, %select_n3A_870 : vector<16xi1>, vector<16xi32>
      %gt3A_889 = arith.cmpf ogt, %gather3A_879, %max3A_872 : vector<16xf32>
      %max3A_890 = arith.maximumf %max3A_872, %gather3A_879 : vector<16xf32>
      %select_n3A_891 = arith.select %gt3A_889, %broadcast_in_dim3A_875, %select_n3A_873 : vector<16xi1>, vector<16xi32>
      %broadcast_in_dim3A_892 = arith.constant 45 : i32
      %broadcast_in_dim3A_893 = vector.broadcast %broadcast_in_dim3A_892 : i32 to vector<16xi32>
      %gather3A_894 = tpu.vector_load_idx %arg6[%add3A_72, %broadcast_in_dim3A_893] : memref<256x51xf32, #tpu.memory_space<vmem>>[vector<16xi32>, vector<16xi32>], vector<16xf32>,
      %gather3A_895 = tpu.vector_load_idx %arg6[%add3A_76, %broadcast_in_dim3A_893] : memref<256x51xf32, #tpu.memory_space<vmem>>[vector<16xi32>, vector<16xi32>], vector<16xf32>,
      %gather3A_896 = tpu.vector_load_idx %arg6[%add3A_80, %broadcast_in_dim3A_893] : memref<256x51xf32, #tpu.memory_space<vmem>>[vector<16xi32>, vector<16xi32>], vector<16xf32>,
      %gather3A_897 = tpu.vector_load_idx %arg6[%add3A_84, %broadcast_in_dim3A_893] : memref<256x51xf32, #tpu.memory_space<vmem>>[vector<16xi32>, vector<16xi32>], vector<16xf32>,
      %gt3A_898 = arith.cmpf ogt, %gather3A_894, %max3A_881 : vector<16xf32>
      %max3A_899 = arith.maximumf %max3A_881, %gather3A_894 : vector<16xf32>
      %select_n3A_900 = arith.select %gt3A_898, %broadcast_in_dim3A_893, %select_n3A_882 : vector<16xi1>, vector<16xi32>
      %gt3A_901 = arith.cmpf ogt, %gather3A_895, %max3A_884 : vector<16xf32>
      %max3A_902 = arith.maximumf %max3A_884, %gather3A_895 : vector<16xf32>
      %select_n3A_903 = arith.select %gt3A_901, %broadcast_in_dim3A_893, %select_n3A_885 : vector<16xi1>, vector<16xi32>
      %gt3A_904 = arith.cmpf ogt, %gather3A_896, %max3A_887 : vector<16xf32>
      %max3A_905 = arith.maximumf %max3A_887, %gather3A_896 : vector<16xf32>
      %select_n3A_906 = arith.select %gt3A_904, %broadcast_in_dim3A_893, %select_n3A_888 : vector<16xi1>, vector<16xi32>
      %gt3A_907 = arith.cmpf ogt, %gather3A_897, %max3A_890 : vector<16xf32>
      %max3A_908 = arith.maximumf %max3A_890, %gather3A_897 : vector<16xf32>
      %select_n3A_909 = arith.select %gt3A_907, %broadcast_in_dim3A_893, %select_n3A_891 : vector<16xi1>, vector<16xi32>
      %broadcast_in_dim3A_910 = arith.constant 46 : i32
      %broadcast_in_dim3A_911 = vector.broadcast %broadcast_in_dim3A_910 : i32 to vector<16xi32>
      %gather3A_912 = tpu.vector_load_idx %arg6[%add3A_72, %broadcast_in_dim3A_911] : memref<256x51xf32, #tpu.memory_space<vmem>>[vector<16xi32>, vector<16xi32>], vector<16xf32>,
      %gather3A_913 = tpu.vector_load_idx %arg6[%add3A_76, %broadcast_in_dim3A_911] : memref<256x51xf32, #tpu.memory_space<vmem>>[vector<16xi32>, vector<16xi32>], vector<16xf32>,
      %gather3A_914 = tpu.vector_load_idx %arg6[%add3A_80, %broadcast_in_dim3A_911] : memref<256x51xf32, #tpu.memory_space<vmem>>[vector<16xi32>, vector<16xi32>], vector<16xf32>,
      %gather3A_915 = tpu.vector_load_idx %arg6[%add3A_84, %broadcast_in_dim3A_911] : memref<256x51xf32, #tpu.memory_space<vmem>>[vector<16xi32>, vector<16xi32>], vector<16xf32>,
      %gt3A_916 = arith.cmpf ogt, %gather3A_912, %max3A_899 : vector<16xf32>
      %max3A_917 = arith.maximumf %max3A_899, %gather3A_912 : vector<16xf32>
      %select_n3A_918 = arith.select %gt3A_916, %broadcast_in_dim3A_911, %select_n3A_900 : vector<16xi1>, vector<16xi32>
      %gt3A_919 = arith.cmpf ogt, %gather3A_913, %max3A_902 : vector<16xf32>
      %max3A_920 = arith.maximumf %max3A_902, %gather3A_913 : vector<16xf32>
      %select_n3A_921 = arith.select %gt3A_919, %broadcast_in_dim3A_911, %select_n3A_903 : vector<16xi1>, vector<16xi32>
      %gt3A_922 = arith.cmpf ogt, %gather3A_914, %max3A_905 : vector<16xf32>
      %max3A_923 = arith.maximumf %max3A_905, %gather3A_914 : vector<16xf32>
      %select_n3A_924 = arith.select %gt3A_922, %broadcast_in_dim3A_911, %select_n3A_906 : vector<16xi1>, vector<16xi32>
      %gt3A_925 = arith.cmpf ogt, %gather3A_915, %max3A_908 : vector<16xf32>
      %max3A_926 = arith.maximumf %max3A_908, %gather3A_915 : vector<16xf32>
      %select_n3A_927 = arith.select %gt3A_925, %broadcast_in_dim3A_911, %select_n3A_909 : vector<16xi1>, vector<16xi32>
      %broadcast_in_dim3A_928 = arith.constant 47 : i32
      %broadcast_in_dim3A_929 = vector.broadcast %broadcast_in_dim3A_928 : i32 to vector<16xi32>
      %gather3A_930 = tpu.vector_load_idx %arg6[%add3A_72, %broadcast_in_dim3A_929] : memref<256x51xf32, #tpu.memory_space<vmem>>[vector<16xi32>, vector<16xi32>], vector<16xf32>,
      %gather3A_931 = tpu.vector_load_idx %arg6[%add3A_76, %broadcast_in_dim3A_929] : memref<256x51xf32, #tpu.memory_space<vmem>>[vector<16xi32>, vector<16xi32>], vector<16xf32>,
      %gather3A_932 = tpu.vector_load_idx %arg6[%add3A_80, %broadcast_in_dim3A_929] : memref<256x51xf32, #tpu.memory_space<vmem>>[vector<16xi32>, vector<16xi32>], vector<16xf32>,
      %gather3A_933 = tpu.vector_load_idx %arg6[%add3A_84, %broadcast_in_dim3A_929] : memref<256x51xf32, #tpu.memory_space<vmem>>[vector<16xi32>, vector<16xi32>], vector<16xf32>,
      %gt3A_934 = arith.cmpf ogt, %gather3A_930, %max3A_917 : vector<16xf32>
      %max3A_935 = arith.maximumf %max3A_917, %gather3A_930 : vector<16xf32>
      %select_n3A_936 = arith.select %gt3A_934, %broadcast_in_dim3A_929, %select_n3A_918 : vector<16xi1>, vector<16xi32>
      %gt3A_937 = arith.cmpf ogt, %gather3A_931, %max3A_920 : vector<16xf32>
      %max3A_938 = arith.maximumf %max3A_920, %gather3A_931 : vector<16xf32>
      %select_n3A_939 = arith.select %gt3A_937, %broadcast_in_dim3A_929, %select_n3A_921 : vector<16xi1>, vector<16xi32>
      %gt3A_940 = arith.cmpf ogt, %gather3A_932, %max3A_923 : vector<16xf32>
      %max3A_941 = arith.maximumf %max3A_923, %gather3A_932 : vector<16xf32>
      %select_n3A_942 = arith.select %gt3A_940, %broadcast_in_dim3A_929, %select_n3A_924 : vector<16xi1>, vector<16xi32>
      %gt3A_943 = arith.cmpf ogt, %gather3A_933, %max3A_926 : vector<16xf32>
      %max3A_944 = arith.maximumf %max3A_926, %gather3A_933 : vector<16xf32>
      %select_n3A_945 = arith.select %gt3A_943, %broadcast_in_dim3A_929, %select_n3A_927 : vector<16xi1>, vector<16xi32>
      %broadcast_in_dim3A_946 = arith.constant 48 : i32
      %broadcast_in_dim3A_947 = vector.broadcast %broadcast_in_dim3A_946 : i32 to vector<16xi32>
      %gather3A_948 = tpu.vector_load_idx %arg6[%add3A_72, %broadcast_in_dim3A_947] : memref<256x51xf32, #tpu.memory_space<vmem>>[vector<16xi32>, vector<16xi32>], vector<16xf32>,
      %gather3A_949 = tpu.vector_load_idx %arg6[%add3A_76, %broadcast_in_dim3A_947] : memref<256x51xf32, #tpu.memory_space<vmem>>[vector<16xi32>, vector<16xi32>], vector<16xf32>,
      %gather3A_950 = tpu.vector_load_idx %arg6[%add3A_80, %broadcast_in_dim3A_947] : memref<256x51xf32, #tpu.memory_space<vmem>>[vector<16xi32>, vector<16xi32>], vector<16xf32>,
      %gather3A_951 = tpu.vector_load_idx %arg6[%add3A_84, %broadcast_in_dim3A_947] : memref<256x51xf32, #tpu.memory_space<vmem>>[vector<16xi32>, vector<16xi32>], vector<16xf32>,
      %gt3A_952 = arith.cmpf ogt, %gather3A_948, %max3A_935 : vector<16xf32>
      %max3A_953 = arith.maximumf %max3A_935, %gather3A_948 : vector<16xf32>
      %select_n3A_954 = arith.select %gt3A_952, %broadcast_in_dim3A_947, %select_n3A_936 : vector<16xi1>, vector<16xi32>
      %gt3A_955 = arith.cmpf ogt, %gather3A_949, %max3A_938 : vector<16xf32>
      %max3A_956 = arith.maximumf %max3A_938, %gather3A_949 : vector<16xf32>
      %select_n3A_957 = arith.select %gt3A_955, %broadcast_in_dim3A_947, %select_n3A_939 : vector<16xi1>, vector<16xi32>
      %gt3A_958 = arith.cmpf ogt, %gather3A_950, %max3A_941 : vector<16xf32>
      %max3A_959 = arith.maximumf %max3A_941, %gather3A_950 : vector<16xf32>
      %select_n3A_960 = arith.select %gt3A_958, %broadcast_in_dim3A_947, %select_n3A_942 : vector<16xi1>, vector<16xi32>
      %gt3A_961 = arith.cmpf ogt, %gather3A_951, %max3A_944 : vector<16xf32>
      %max3A_962 = arith.maximumf %max3A_944, %gather3A_951 : vector<16xf32>
      %select_n3A_963 = arith.select %gt3A_961, %broadcast_in_dim3A_947, %select_n3A_945 : vector<16xi1>, vector<16xi32>
      %broadcast_in_dim3A_964 = arith.constant 49 : i32
      %broadcast_in_dim3A_965 = vector.broadcast %broadcast_in_dim3A_964 : i32 to vector<16xi32>
      %gather3A_966 = tpu.vector_load_idx %arg6[%add3A_72, %broadcast_in_dim3A_965] : memref<256x51xf32, #tpu.memory_space<vmem>>[vector<16xi32>, vector<16xi32>], vector<16xf32>,
      %gather3A_967 = tpu.vector_load_idx %arg6[%add3A_76, %broadcast_in_dim3A_965] : memref<256x51xf32, #tpu.memory_space<vmem>>[vector<16xi32>, vector<16xi32>], vector<16xf32>,
      %gather3A_968 = tpu.vector_load_idx %arg6[%add3A_80, %broadcast_in_dim3A_965] : memref<256x51xf32, #tpu.memory_space<vmem>>[vector<16xi32>, vector<16xi32>], vector<16xf32>,
      %gather3A_969 = tpu.vector_load_idx %arg6[%add3A_84, %broadcast_in_dim3A_965] : memref<256x51xf32, #tpu.memory_space<vmem>>[vector<16xi32>, vector<16xi32>], vector<16xf32>,
      %gt3A_970 = arith.cmpf ogt, %gather3A_966, %max3A_953 : vector<16xf32>
      %max3A_971 = arith.maximumf %max3A_953, %gather3A_966 : vector<16xf32>
      %select_n3A_972 = arith.select %gt3A_970, %broadcast_in_dim3A_965, %select_n3A_954 : vector<16xi1>, vector<16xi32>
      %gt3A_973 = arith.cmpf ogt, %gather3A_967, %max3A_956 : vector<16xf32>
      %max3A_974 = arith.maximumf %max3A_956, %gather3A_967 : vector<16xf32>
      %select_n3A_975 = arith.select %gt3A_973, %broadcast_in_dim3A_965, %select_n3A_957 : vector<16xi1>, vector<16xi32>
      %gt3A_976 = arith.cmpf ogt, %gather3A_968, %max3A_959 : vector<16xf32>
      %max3A_977 = arith.maximumf %max3A_959, %gather3A_968 : vector<16xf32>
      %select_n3A_978 = arith.select %gt3A_976, %broadcast_in_dim3A_965, %select_n3A_960 : vector<16xi1>, vector<16xi32>
      %gt3A_979 = arith.cmpf ogt, %gather3A_969, %max3A_962 : vector<16xf32>
      %max3A_980 = arith.maximumf %max3A_962, %gather3A_969 : vector<16xf32>
      %select_n3A_981 = arith.select %gt3A_979, %broadcast_in_dim3A_965, %select_n3A_963 : vector<16xi1>, vector<16xi32>
      %broadcast_in_dim3A_982 = arith.constant 50 : i32
      %broadcast_in_dim3A_983 = vector.broadcast %broadcast_in_dim3A_982 : i32 to vector<16xi32>
      %gather3A_984 = tpu.vector_load_idx %arg6[%add3A_72, %broadcast_in_dim3A_983] : memref<256x51xf32, #tpu.memory_space<vmem>>[vector<16xi32>, vector<16xi32>], vector<16xf32>,
      %gather3A_985 = tpu.vector_load_idx %arg6[%add3A_76, %broadcast_in_dim3A_983] : memref<256x51xf32, #tpu.memory_space<vmem>>[vector<16xi32>, vector<16xi32>], vector<16xf32>,
      %gather3A_986 = tpu.vector_load_idx %arg6[%add3A_80, %broadcast_in_dim3A_983] : memref<256x51xf32, #tpu.memory_space<vmem>>[vector<16xi32>, vector<16xi32>], vector<16xf32>,
      %gather3A_987 = tpu.vector_load_idx %arg6[%add3A_84, %broadcast_in_dim3A_983] : memref<256x51xf32, #tpu.memory_space<vmem>>[vector<16xi32>, vector<16xi32>], vector<16xf32>,
      %gt3A_988 = arith.cmpf ogt, %gather3A_984, %max3A_971 : vector<16xf32>
      %max3A_989 = arith.maximumf %max3A_971, %gather3A_984 : vector<16xf32>
      %select_n3A_990 = arith.select %gt3A_988, %broadcast_in_dim3A_983, %select_n3A_972 : vector<16xi1>, vector<16xi32>
      %gt3A_991 = arith.cmpf ogt, %gather3A_985, %max3A_974 : vector<16xf32>
      %max3A_992 = arith.maximumf %max3A_974, %gather3A_985 : vector<16xf32>
      %select_n3A_993 = arith.select %gt3A_991, %broadcast_in_dim3A_983, %select_n3A_975 : vector<16xi1>, vector<16xi32>
      %gt3A_994 = arith.cmpf ogt, %gather3A_986, %max3A_977 : vector<16xf32>
      %max3A_995 = arith.maximumf %max3A_977, %gather3A_986 : vector<16xf32>
      %select_n3A_996 = arith.select %gt3A_994, %broadcast_in_dim3A_983, %select_n3A_978 : vector<16xi1>, vector<16xi32>
      %gt3A_997 = arith.cmpf ogt, %gather3A_987, %max3A_980 : vector<16xf32>
      %max3A_998 = arith.maximumf %max3A_980, %gather3A_987 : vector<16xf32>
      %select_n3A_999 = arith.select %gt3A_997, %broadcast_in_dim3A_983, %select_n3A_981 : vector<16xi1>, vector<16xi32>
      %add3A_1000 = arith.constant 0 : i32
      %add3A_1001 = arith.addi %multiple_of3A_68, %add3A_1000 : i32
      %multiple_of3A_1002 = tpu.assume_multiple %add3A_1001, 16 : i32
      %get3A = arith.index_cast %multiple_of3A_1002 : i32 to index
      %get3A_1003 = tpu.vector_load %arg8[%get3A] {strides = array<i32>} : memref<256xi32, #tpu.memory_space<vmem>>, vector<16xi32>,
      %eq3A = arith.constant 0 : i32
      %eq3A_1004 = vector.broadcast %eq3A : i32 to vector<16xi32>
      %eq3A_1005 = arith.cmpi eq, %get3A_1003, %eq3A_1004 : vector<16xi32>
      %select_n3A_1006 = arith.select %eq3A_1005, %select_n3A_990, %get3A_1003 : vector<16xi1>, vector<16xi32>
      %add3A_1007 = arith.constant 0 : i32
      %add3A_1008 = arith.addi %multiple_of3A_68, %add3A_1007 : i32
      %multiple_of3A_1009 = tpu.assume_multiple %add3A_1008, 16 : i32
      %swap3A = arith.index_cast %multiple_of3A_1009 : i32 to index
      %swap3A_1010 = tpu.vector_load %arg10[%swap3A] {strides = array<i32>} : memref<256xi32, #tpu.memory_space<vmem>>, vector<16xi32>,
      tpu.vector_store %arg10[%swap3A], %select_n3A_1006 {strides = array<i32>} : memref<256xi32, #tpu.memory_space<vmem>>, vector<16xi32>,
      %add3A_1011 = arith.constant 16 : i32
      %add3A_1012 = arith.addi %multiple_of3A_68, %add3A_1011 : i32
      %multiple_of3A_1013 = tpu.assume_multiple %add3A_1012, 16 : i32
      %get3A_1014 = arith.index_cast %multiple_of3A_1013 : i32 to index
      %get3A_1015 = tpu.vector_load %arg8[%get3A_1014] {strides = array<i32>} : memref<256xi32, #tpu.memory_space<vmem>>, vector<16xi32>,
      %eq3A_1016 = arith.constant 0 : i32
      %eq3A_1017 = vector.broadcast %eq3A_1016 : i32 to vector<16xi32>
      %eq3A_1018 = arith.cmpi eq, %get3A_1015, %eq3A_1017 : vector<16xi32>
      %select_n3A_1019 = arith.select %eq3A_1018, %select_n3A_993, %get3A_1015 : vector<16xi1>, vector<16xi32>
      %add3A_1020 = arith.constant 16 : i32
      %add3A_1021 = arith.addi %multiple_of3A_68, %add3A_1020 : i32
      %multiple_of3A_1022 = tpu.assume_multiple %add3A_1021, 16 : i32
      %swap3A_1023 = arith.index_cast %multiple_of3A_1022 : i32 to index
      %swap3A_1024 = tpu.vector_load %arg10[%swap3A_1023] {strides = array<i32>} : memref<256xi32, #tpu.memory_space<vmem>>, vector<16xi32>,
      tpu.vector_store %arg10[%swap3A_1023], %select_n3A_1019 {strides = array<i32>} : memref<256xi32, #tpu.memory_space<vmem>>, vector<16xi32>,
      %add3A_1025 = arith.constant 32 : i32
      %add3A_1026 = arith.addi %multiple_of3A_68, %add3A_1025 : i32
      %multiple_of3A_1027 = tpu.assume_multiple %add3A_1026, 16 : i32
      %get3A_1028 = arith.index_cast %multiple_of3A_1027 : i32 to index
      %get3A_1029 = tpu.vector_load %arg8[%get3A_1028] {strides = array<i32>} : memref<256xi32, #tpu.memory_space<vmem>>, vector<16xi32>,
      %eq3A_1030 = arith.constant 0 : i32
      %eq3A_1031 = vector.broadcast %eq3A_1030 : i32 to vector<16xi32>
      %eq3A_1032 = arith.cmpi eq, %get3A_1029, %eq3A_1031 : vector<16xi32>
      %select_n3A_1033 = arith.select %eq3A_1032, %select_n3A_996, %get3A_1029 : vector<16xi1>, vector<16xi32>
      %add3A_1034 = arith.constant 32 : i32
      %add3A_1035 = arith.addi %multiple_of3A_68, %add3A_1034 : i32
      %multiple_of3A_1036 = tpu.assume_multiple %add3A_1035, 16 : i32
      %swap3A_1037 = arith.index_cast %multiple_of3A_1036 : i32 to index
      %swap3A_1038 = tpu.vector_load %arg10[%swap3A_1037] {strides = array<i32>} : memref<256xi32, #tpu.memory_space<vmem>>, vector<16xi32>,
      tpu.vector_store %arg10[%swap3A_1037], %select_n3A_1033 {strides = array<i32>} : memref<256xi32, #tpu.memory_space<vmem>>, vector<16xi32>,
      %add3A_1039 = arith.constant 48 : i32
      %add3A_1040 = arith.addi %multiple_of3A_68, %add3A_1039 : i32
      %multiple_of3A_1041 = tpu.assume_multiple %add3A_1040, 16 : i32
      %get3A_1042 = arith.index_cast %multiple_of3A_1041 : i32 to index
      %get3A_1043 = tpu.vector_load %arg8[%get3A_1042] {strides = array<i32>} : memref<256xi32, #tpu.memory_space<vmem>>, vector<16xi32>,
      %eq3A_1044 = arith.constant 0 : i32
      %eq3A_1045 = vector.broadcast %eq3A_1044 : i32 to vector<16xi32>
      %eq3A_1046 = arith.cmpi eq, %get3A_1043, %eq3A_1045 : vector<16xi32>
      %select_n3A_1047 = arith.select %eq3A_1046, %select_n3A_999, %get3A_1043 : vector<16xi1>, vector<16xi32>
      %add3A_1048 = arith.constant 48 : i32
      %add3A_1049 = arith.addi %multiple_of3A_68, %add3A_1048 : i32
      %multiple_of3A_1050 = tpu.assume_multiple %add3A_1049, 16 : i32
      %swap3A_1051 = arith.index_cast %multiple_of3A_1050 : i32 to index
      %swap3A_1052 = tpu.vector_load %arg10[%swap3A_1051] {strides = array<i32>} : memref<256xi32, #tpu.memory_space<vmem>>, vector<16xi32>,
      tpu.vector_store %arg10[%swap3A_1051], %select_n3A_1047 {strides = array<i32>} : memref<256xi32, #tpu.memory_space<vmem>>, vector<16xi32>,
      %scan3A_1053 = arith.constant 0 : i32
      scf.yield %scan3A_1053 : i32
    }
    %scan3A_60 = arith.constant 4 : i32
    %add3A_61 = arith.constant 256 : i32
    %add3A_62 = arith.addi %mul3A_2, %add3A_61 : i32
    %multiple_of3A_63 = tpu.assume_multiple %add3A_62, 256 : i32
    "tpu.region"() ({
      %run_scoped3A = tpu.sem_alloc : memref<!tpu.dma_semaphore, #tpu.memory_space<semaphore_mem>>
      %dma_start3A_64 = tpu.memref_slice %arg4[%multiple_of3A_63] : memref<16384xi32, #tpu.memory_space<hbm>> -> memref<256xi32, #tpu.memory_space<hbm>>
      %dma_start3A_65 = tpu.memref_slice %arg4[%multiple_of3A_63] : memref<16384xi32, #tpu.memory_space<hbm>> -> memref<256xi32, #tpu.memory_space<hbm>>
      tpu.enqueue_dma source(%arg10 : memref<256xi32, #tpu.memory_space<vmem>>) target(%dma_start3A_65 : memref<256xi32, #tpu.memory_space<hbm>>) target_semaphore(%run_scoped3A : memref<!tpu.dma_semaphore, #tpu.memory_space<semaphore_mem>>)
      %dma_wait3A_66 = tpu.memref_slice %arg4[%multiple_of3A_63] : memref<16384xi32, #tpu.memory_space<hbm>> -> memref<256xi32, #tpu.memory_space<hbm>>
      %dma_wait3A_67 = tpu.memref_slice %arg4[%multiple_of3A_63] : memref<16384xi32, #tpu.memory_space<hbm>> -> memref<256xi32, #tpu.memory_space<hbm>>
      tpu.wait_dma2 semaphore(%run_scoped3A : memref<!tpu.dma_semaphore, #tpu.memory_space<semaphore_mem>>) src(%arg10 : memref<256xi32, #tpu.memory_space<vmem>>) dst(%dma_wait3A_67 : memref<256xi32, #tpu.memory_space<hbm>>)
      tpu.yield
    }) : () -> ()
    return
  }
}

module attributes {stable_mosaic.version = 14 : i64} {
  func.func @_tc_rows_kernel(%arg0: i32, %arg1: memref<16384x51xf32, #tpu.memory_space<vmem>>, %arg2: memref<1x1x16384xi32, #tpu.memory_space<vmem>>, %arg3: memref<1x1x16384xi32, #tpu.memory_space<vmem>>) attributes {dimension_semantics = [#tpu.dimension_semantics<arbitrary>], iteration_bounds = array<i64: 15>, scalar_prefetch = 0 : i64, scratch_operands = 0 : i64, tpu.core_type = #tpu.core_type<tc>, window_params = [{transform_indices = @transform_0, window_bounds = array<i64: 16384, 51>}, {transform_indices = @transform_1, window_bounds = array<i64: 1, 1, 16384>}, {transform_indices = @transform_2, window_bounds = array<i64: 1, 1, 16384>}]} {
    %get3A = arith.constant 0 : index
    %get3A_0 = arith.constant 0 : index
    %get3A_1 = vector.load %arg1[%get3A, %get3A_0] : memref<16384x51xf32, #tpu.memory_space<vmem>>, vector<16384x51xf32>
    %transpose3A = tpu.transpose %get3A_1, [1, 0] : vector<16384x51xf32> -> vector<51x16384xf32>
    %argmax3A = tpu.reduce_index %transpose3A {axis = 0 : i32, kind = #tpu.reduction_kind<arg_max>} : vector<51x16384xf32> -> vector<16384xi32>
    %get3A_2 = arith.constant 0 : index
    %get3A_3 = arith.constant 0 : index
    %get3A_4 = arith.constant 0 : index
    %get3A_5 = vector.load %arg2[%get3A_2, %get3A_3, %get3A_4] : memref<1x1x16384xi32, #tpu.memory_space<vmem>>, vector<1x1x16384xi32>
    %get3A_6 = vector.shape_cast %get3A_5 : vector<1x1x16384xi32> to vector<16384xi32>
    %eq3A = arith.constant 0 : i32
    %eq3A_7 = vector.broadcast %eq3A : i32 to vector<16384xi32>
    %eq3A_8 = arith.cmpi eq, %get3A_6, %eq3A_7 : vector<16384xi32>
    %select_n3A = arith.select %eq3A_8, %argmax3A, %get3A_6 : vector<16384xi1>, vector<16384xi32>
    %swap3A = arith.constant 0 : index
    %swap3A_9 = arith.constant 0 : index
    %swap3A_10 = arith.constant 0 : index
    %swap3A_11 = vector.load %arg3[%swap3A, %swap3A_9, %swap3A_10] : memref<1x1x16384xi32, #tpu.memory_space<vmem>>, vector<1x1x16384xi32>
    %swap3A_12 = vector.shape_cast %swap3A_11 : vector<1x1x16384xi32> to vector<16384xi32>
    %swap3A_13 = vector.shape_cast %select_n3A : vector<16384xi32> to vector<1x1x16384xi32>
    tpu.vector_store %arg3[%swap3A, %swap3A_9, %swap3A_10], %swap3A_13 {strides = array<i32>} : memref<1x1x16384xi32, #tpu.memory_space<vmem>>, vector<1x1x16384xi32>,
    return
  }
  func.func @transform_0(%arg0: i32) -> (i32, i32) {
    %c0_i32 = arith.constant 0 : i32
    %c0_i32_0 = arith.constant 0 : i32
    return %arg0, %c0_i32 : i32, i32
  }
  func.func @transform_1(%arg0: i32) -> (i32, i32, i32) {
    %c0_i32 = arith.constant 0 : i32
    %c0_i32_0 = arith.constant 0 : i32
    %c0_i32_1 = arith.constant 0 : i32
    return %arg0, %c0_i32, %c0_i32_0 : i32, i32, i32
  }
  func.func @transform_2(%arg0: i32) -> (i32, i32, i32) {
    %c0_i32 = arith.constant 0 : i32
    %c0_i32_0 = arith.constant 0 : i32
    %c0_i32_1 = arith.constant 0 : i32
    return %arg0, %c0_i32, %c0_i32_0 : i32, i32, i32
  }
}

</mosaic_0001>

<sc_bundles>
// kernel: kernel.4.cloned.1.call-start
scs
__scs_entry_jumppad:
0x0: {  	(pc) =	sbr.rel $0x88, $3  }
0x1: {  	(tag) =	ssettag $0x0;
	lr =	simm.s32 $0x1  }
0x2: {  	[smem:$0x3F9F] =	sst lr;
	_ =	strace $0xD0000000  }
0x3: {  	_ = 	snop  }
0x4: {  	_ = 	snop  }
0x5: {  	_ = 	snop  }
0x6: {  	_ = 	snop  }
0x7: {  	_ = 	snop  }
__scs_overlays_trampoline_lowered:
0x8: {  	[smem:$0x3FAE] =	sst s0  }
0x9: {  	[smem:$0x3FAF] =	sst s1  }
0xa: {  	[smem:$0x3FB0] =	sst s2  }
0xb: {  	[smem:$0x3FB1] =	sst s3  }
0xc: {  	[smem:$0x3FB2] =	sst s4  }
0xd: {  	[smem:$0x3FB3] =	sst s5  }
0xe: {  	[smem:$0x3FB4] =	sst s6  }
0xf: {  	[smem:$0x3FB5] =	sst s7  }
0x10: {  	[smem:$0x3FB6] =	sst s8  }
0x11: {  	[smem:$0x3FB7] =	sst s9;
	s0 =	simm.s32 @!p0 $0x0  }
0x12: {  	s1 =	sld [smem:$0x3F9D];
	s0 =	simm.s32 @p0 $0x1  }
0x13: {  	[smem:$0x3FB8] =	sst s0;
	s0 =	simm.s32 @!p1 $0x0  }
0x14: {  	s2 =	sld [smem:$0x3F9C];
	s0 =	simm.s32 @p1 $0x1  }
0x15: {  	[smem:$0x3FB9] =	sst s0;
	s0 =	simm.s32 @!p2 $0x0  }
0x16: {  	s3 =	sld [smem:$0x3FDB];
	s0 =	simm.s32 @p2 $0x1  }
0x17: {  	s4 =	simm.s32 $0x1BF5;
	[smem:$0x3FBB] =	sst s0  }
0x18: {  	s0 =	sld [smem:$0x3F9E];
	_ =	swait.ge [sflag:s4], $0x0  }
0x19: {  	s7 =	sld [smem:$0x3F9F]  }
0x1a: {  	s8 =	sadd.s32 $0xFFFFE003, lr  }
0x1b: {  	s9 =	sadd.s32 $0xFFFFFEF7, lr;
	s5 =	simm.s32 $0xFFFFFFFF;
	p2 =	slt.u32 s8, $0xFFFFF086  }
0x1c: {  	p1 =	slt.u32 s9, $0xF7A;
	s5 =	simm.s32 @!p2 $0x0  }
0x1d: {  	s5 =	simm.s32 @p1 $0x1;
	p0 =	seq.s32 s7, s2  }
0x1e: {  	s7 =	smul.u32 @!p0 $0xF7A, s2;
	p2 =	seq.s32 @!p0 s5, $0x0  }
0x1f: {  	s9 =	smul.u32 $0xF7A, s1;
	s8 =	simm.s32 @!p0 $0x1BF5;
	p2 =	por !p2, p0  }
0x20: {  	[sflag:s8] =	ssyncset.s32 @!p0 $0xFFFFF086;
	s6 =	sadd.s32 @!p0 s3, s7;
	s7 =	simm.s32 @!p0 $0x108  }
0x21: {  	s3 =	sadd.s32 s3, s9;
	s6 =	sadd.s32 @!p0 $0x88, s6;
	s7 =	simm.s32 @p2 $0x1082  }
0x22: {  	[simem:s7], [sflag:s8] =	dma.local @!p0 [hbm:s6], $0xF7A  }
0x23: {  	s9 =	sor.u32 $0xD0000000, s2;
	s6 =	simm.s32 $0x108;
	_ =	swait.ge @!p0 [sflag:s8], $0x0  }
0x24: {  	s3 =	sadd.s32 $0x88, s3;
	s6 =	simm.s32 @!p1 $0x1082;
	[sflag:s4] =	ssyncset.s32 $0xFFFFF086  }
0x25: {  	[simem:s6], [sflag:s4] =	dma.local [hbm:s3], $0xF7A  }
0x26: {  	[smem:$0x3F9F] =	sst s1;
	(tag) =	ssettag s2;
	_ =	strace s9  }
0x27: {  	s1 =	sld [smem:$0x3FAF]  }
0x28: {  	s2 =	sld [smem:$0x3FB0]  }
0x29: {  	s4 =	sld [smem:$0x3FB2]  }
0x2a: {  	p0 =	seq.s32 s5, $0x0;
	s5 =	sld [smem:$0x3FB3]  }
0x2b: {  	s6 =	sld [smem:$0x3FB4]  }
0x2c: {  	s7 =	sld [smem:$0x3FB5]  }
0x2d: {  	s3 =	simm.s32 $0x108;
	s8 =	sld [smem:$0x3FB6]  }
0x2e: {  	s3 =	simm.s32 @!p0 $0x1082;
	s9 =	sld [smem:$0x3FB7]  }
0x2f: {  	lr =	sadd.s32 s0, s3;
	s0 =	sld [smem:$0x3FAE]  }
0x30: {  	s3 =	sld [smem:$0x3FB1]  }
0x31: {  	[smem:$0x3FBA] =	sst s10  }
0x32: {  	s10 =	sld [smem:$0x3FB8];
	_ =	sdelay $0x3  }
0x33: {  	p0 =	seq.s32 s10, $0x1;
	s10 =	sld [smem:$0x3FBA];
	_ =	sdelay $0x3  }
0x34: {  	[smem:$0x3FBA] =	sst s10  }
0x35: {  	s10 =	sld [smem:$0x3FB9];
	_ =	sdelay $0x3  }
0x36: {  	p1 =	seq.s32 s10, $0x1;
	s10 =	sld [smem:$0x3FBA];
	_ =	sdelay $0x3  }
0x37: {  	[smem:$0x3FBA] =	sst s10  }
0x38: {  	s10 =	sld [smem:$0x3FBB]  }
0x39: {  	_ = 	snop;
	(pc) =	sbr.ind lr, $3  }
0x3a: {  	_ = 	snop  }
0x3b: {  	_ = 	snop  }
0x3c: {  	p2 =	seq.s32 s10, $0x1;
	s10 =	sld [smem:$0x3FBA]  }
0x3d: {  	_ =	shalt  }
0x3e: {  	_ =	shalt  }
0x3f: {  	_ =	shalt  }
0x40: {  	_ =	shalt  }
0x41: {  	_ =	shalt  }
0x42: {  	_ =	shalt  }
0x43: {  	_ =	shalt  }
0x44: {  	_ =	shalt  }
0x45: {  	_ =	shalt  }
0x46: {  	_ =	shalt  }
0x47: {  	_ =	shalt  }
0x48: {  	_ =	shalt  }
0x49: {  	_ =	shalt  }
0x4a: {  	_ =	shalt  }
0x4b: {  	_ =	shalt  }
0x4c: {  	_ =	shalt  }
0x4d: {  	_ =	shalt  }
0x4e: {  	_ =	shalt  }
0x4f: {  	_ =	shalt  }
0x50: {  	_ =	shalt  }
0x51: {  	_ =	shalt  }
0x52: {  	_ =	shalt  }
0x53: {  	_ =	shalt  }
0x54: {  	_ =	shalt  }
0x55: {  	_ =	shalt  }
0x56: {  	_ =	shalt  }
0x57: {  	_ =	shalt  }
0x58: {  	_ =	shalt  }
0x59: {  	_ =	shalt  }
0x5a: {  	_ =	shalt  }
0x5b: {  	_ =	shalt  }
0x5c: {  	_ =	shalt  }
0x5d: {  	_ =	shalt  }
0x5e: {  	_ =	shalt  }
0x5f: {  	_ =	shalt  }
0x60: {  	_ =	shalt  }
0x61: {  	_ =	shalt  }
0x62: {  	_ =	shalt  }
0x63: {  	_ =	shalt  }
0x64: {  	_ =	shalt  }
0x65: {  	_ =	shalt  }
0x66: {  	_ =	shalt  }
0x67: {  	_ =	shalt  }
0x68: {  	_ =	shalt  }
0x69: {  	_ =	shalt  }
0x6a: {  	_ =	shalt  }
0x6b: {  	_ =	shalt  }
0x6c: {  	_ =	shalt  }
0x6d: {  	_ =	shalt  }
0x6e: {  	_ =	shalt  }
0x6f: {  	_ =	shalt  }
0x70: {  	_ =	shalt  }
0x71: {  	_ =	shalt  }
0x72: {  	_ =	shalt  }
0x73: {  	_ =	shalt  }
0x74: {  	_ =	shalt  }
0x75: {  	_ =	shalt  }
0x76: {  	_ =	shalt  }
0x77: {  	_ =	shalt  }
0x78: {  	_ =	shalt  }
0x79: {  	_ =	shalt  }
0x7a: {  	_ =	shalt  }
0x7b: {  	_ =	shalt  }
0x7c: {  	_ =	shalt  }
0x7d: {  	_ =	shalt  }
0x7e: {  	_ =	shalt  }
0x7f: {  	_ =	shalt  }
0x80: {  	_ =	shalt  }
0x81: {  	_ =	shalt  }
0x82: {  	_ =	shalt  }
0x83: {  	_ =	shalt  }
0x84: {  	_ =	shalt  }
0x85: {  	_ =	shalt  }
0x86: {  	_ =	shalt  }
0x87: {  	_ =	shalt  }
.Lfunc_end0:
.L_simem_size_0:
called_computation_lowered:
.L_overlay_start_0:
0x88: {  	s2 =	sld [smem:$0x3FD9]  }
0x89: {  	s3 =	sld [smem:$0x3FFE];
	_ =	sdelay $0x1  }
0x8a: {  	s1 =	srdreg.scid  }
0x8b: {  	s0 =	sand.u32 $0x1, s1  }
0x8c: {  	s17 =	sshll.u32 s0, $0xA;
	s2 =	sadd.s32 s3, s2  }
0x8d: {  	s2 =	sadd.s32 s2, s17  }
0x8e: {  	[smem:$0x3FC6] =	sst s2  }
0x8f: {  	_ = 	snop  }
0x90: {  	s2 =	sld [smem:$0x3FC8];
	(tm) =	ssettm $0x1  }
0x91: {  	s18 =	sld [smem:$0x3FFB];
	_ =	sdelay $0x3  }
0x92: {  	_ =	strace s18  }
0x93: {  	s3 =	sld [smem:$0x3FFC];
	_ =	sdelay $0x3  }
0x94: {  	_ =	strace s3  }
0x95: {  	s3 =	sld [smem:$0x3FFD];
	_ =	sdelay $0x3  }
0x96: {  	_ =	strace s3  }
0x97: {  	_ =	strace $0x8FFFFFFF  }
0x98: {  	s19 =	sld [smem:$0x3FDB];
	_ =	sdelay $0x1  }
0x99: {  	s4 =	simm.s32 $_scs_section_size  }
0x9a: {  	s5 =	simm.s32 $_size__tile_overlayer_lowered;
	s6 =	simm.s32 $_tile_overlayer_lowered  }
0x9b: {  	s22 =	simm.s32 $0x1BFF;
	s21 =	sshll.u32 s6, $0x1;
	s3 =	sadd.s32 s4, s19  }
0x9c: {  	s7 =	simm.s32 $0x0;
	s20 =	sshll.u32 s5, $0x1;
	s5 =	sadd.s32 s21, s3  }
0x9d: {  	[timem:s7], [sflag:s22] =	dma.local [hbm:s5], s20  }
0x9e: {  	_ =	swait.ge [sflag:s22], s20  }
0x9f: {  	s4 =	ssub.s32 $0x0, s20;
	[sflag:s22] =	ssyncset.done $0x0  }
0xa0: {  	[sflag:s22] =	ssyncadd.s32 s4;
	_ =	sdelay $0x1  }
0xa1: {  	s23 =	simm.s32 $0x1B8B  }
0xa2: {  	_ =	swait.ge [sflag:s23], $0x1  }
0xa3: {  	[sflag:s23] =	ssyncset.done $0x0  }
0xa4: {  	s25 =	simm.s32 $0x1B8E;
	s24 =	sld [smem:$0x3FFE];
	[sflag:s23] =	ssyncadd.s32 $0xFFFFFFFF  }
0xa5: {  	s26 =	simm.s32 $execute0_lowered;
	[smem:$0x3FD2] =	sst s25  }
0xa6: {  	s5 =	sshll.u32 s26, $0x1;
	_ =	strace $0x80000046;
	[dreg:$0x1] =	wrdreg $0xFFFFFFFF  }
0xa7: {  	s28 =	simm.s32 $_size_execute0_lowered;
	s3 =	sadd.s32 s3, s5;
	[dreg:$0x0] =	wrdreg $0x0  }
0xa8: {  	s5 =	sshll.u32 s28, $0x1;
	[dreg:$0x2] =	wrdreg s3  }
0xa9: {  	[dreg:$0x3] =	wrdreg s5  }
0xaa: {  	[dreg:$0x4] =	wrdreg $0xC0  }
0xab: {  	_ =	task [dreg:s7], $0x5FFFF  }
0xac: {  	[dreg:$0x1] =	wrdreg $0xFFFFFFFF  }
0xad: {  	[dreg:$0x0] =	wrdreg $0x60  }
0xae: {  	[dreg:$0x2] =	wrdreg s24  }
0xaf: {  	[dreg:$0x3] =	wrdreg s2  }
0xb0: {  	[dreg:$0x4] =	wrdreg $0x9  }
0xb1: {  	_ =	task.clear_ibuf [dreg:s7], $0x5FFFF;
	_ =	strace $0x90000046  }
0xb2: {  	s29 =	simm.s32 $0x9;
	_ =	strace $0x80000048  }
0xb3: {  	_ =	swait.ge [sflag:s29], $0x1  }
0xb4: {  	[sflag:s29] =	ssyncadd.s32 $0xFFFFFFFF  }
0xb5: {  	_ =	strace $0x90000048  }
0xb6: {  	_ =	sfence  }
0xb7: {  	s30 =	sld [smem:$0x0];
	_ =	sdelay $0x2  }
0xb8: {  	s31 =	sshll.u32 s1, $0xD;
	s1 =	sshrl.u32 s1, $0x2  }
0xb9: {  	s3 =	sand.u32 $0x4000, s31;
	s1 =	sadd.s32 s1, s30  }
0xba: {  	s0 =	sor.u32 s3, s0;
	s1 =	sshll.u32 s1, $0x11  }
0xbb: {  	s0 =	sor.u32 s1, s0  }
0xbc: {  	s0 =	sadd.s32 $0x8F2B, s0  }
0xbd: {  	[sflag:s0] =	ssyncadd.remote.s32 $0x1  }
0xbe: {  	_ =	sfence.sel $0xFFFF  }
0xbf: {  	[dreg:$0x0] =	wrdreg $0xFFFFFFFF;
	(pc) =	sbr.abs _section_cstart, $3  }
0xc0: {  	[dreg:$0x1] =	wrdreg $0xFFFFFFFF  }
0xc1: {  	_ =	task.clear_ibuf [dreg:s7], $0x2FFFF;
	_ =	strace $0x9FFFFFFF  }
0xc2: {  	(tm) =	ssettm $0x7FFFFFFF  }
0xc3: {  	_ =	shalt  }
tec
execute0_lowered:
.L_overlay_start_1:
0x0: {  	(tag) =	ssettag $0x1  }
0x1: {  	s3 =	rddreg [dreg:$0x0]  }
0x2: {  	s6 =	rddreg [dreg:$0x1]  }
0x3: {  	s0 =	rddreg [dreg:$0x2];
	s4 =	srdreg.scid  }
0x4: {  	s2 =	simm.s32 $0x0;
	s1 =	stileid.u32;
	s12 =	simm.s32 $0x10100  }
0x5: {  	s13 =	simm.s32 $0x1;
	s14 =	simm.s32 $0x10200;
	s15 =	simm.s32 $0x3  }
0x6: {  	s16 =	simm.s32 $0x2;
	s17 =	simm.s32 $0x10300;
	s18 =	simm.s32 $0x0  }
0x7: {  	s4 =	sand.u32 $0x1, s4;
	[smem:$0x7FF] =	sst s2;
	s5 =	sshll.u32 s1, $0xA  }
0x8: {  	s8 =	sadd.s32 $0x600, s3;
	s7 =	sshll.u32 s4, $0x9;
	s4 =	ssub.s32 $0x2, s4  }
0x9: {  	_ =	strace $0x80000047;
	s5 =	sor.u32 s7, s5;
	s25 =	sshrl.u32 s4, $0x1  }
0xa: {  	s7 =	sshrl.u32 s5, $0x3;
	s9 =	sor.u32 $0x3C000, s5;
	s11 =	ssub.s32 s4, s25  }
0xb: {  	s28 =	sor.u32 $0x3C100, s5;
	s10 =	sadd.s32 s7, s3;
	s26 =	sshll.u32 s9, $0x4  }
0xc: {  	v0 =	vlaneseq.u32;
	s29 =	sshrl.u32 s9, $0x3;
	s30 =	sshll.u32 s28, $0x4;
	s31 =	sshrl.u32 s28, $0x3  }
0xd: {  	v2 =	vmul.u32 $0x80, v0;
	s9 =	smax.u32 s11, $0x1;
	s11 =	simm.s32 $0x8000;
	s3 =	sadd.s32 s8, s26  }
0xe: {  	s4 =	sadd.s32 s6, s29;
	s5 =	sadd.s32 s8, s30;
	s7 =	sadd.s32 $0x400600, s10  }
0xf: {  	[tilespmem:$0x1FFF0] =	vst v2;
	s6 =	sadd.s32 s6, s31;
	s8 =	sadd.s32 $0x400620, s10;
	s10 =	simm.s32 $0x10000  }
.LBB2_1:
0x10: {  	[tilespmem:s2], [sflag:$0x1] =	stream.linear.gather [hbm4b:s3+s2], $0x8000, $0x38;
	[tilespmem:$0x10400] =	vst v63  }
0x11: {  	_ = 	snop  }
0x12: {  	[tilespmem:s10], [sflag:$0x1] =	stream.linear.gather [hbm4b:s4+s2], $0x100, $0x38;
	[tilespmem:$0x10400] =	vst v63  }
0x13: {  	_ = 	snop  }
0x14: {  	[tilespmem:s11], [sflag:$0x2] =	stream.linear.gather [hbm4b:s5+s2], $0x8000, $0x38;
	[tilespmem:$0x10400] =	vst v63  }
0x15: {  	_ = 	snop  }
0x16: {  	[tilespmem:s12], [sflag:$0x2] =	stream.linear.gather [hbm4b:s6+s2], $0x100, $0x38;
	[tilespmem:$0x10400] =	vst v63  }
0x17: {  	_ =	swait.ge [sflag:s13], $0x8000  }
0x18: {  	[sflag:s13] =	ssyncset.done $0x0  }
0x19: {  	[sflag:s13] =	ssyncadd.s32 $0xFFFF8000  }
0x1a: {  	_ =	swait.ge [sflag:s13], $0x100  }
0x1b: {  	s19 =	simm.s32 $0x10220;
	[sflag:s13] =	ssyncset.done $0x0  }
0x1c: {  	s20 =	simm.s32 $0x10020;
	s21 =	simm.s32 $0x0;
	[sflag:s13] =	ssyncadd.s32 $0xFFFFFF00  }
.LBB2_2:
0x1d: {  	_ =	sdelay $0x1  }
0x1e: {  	v0 =	vmov s21;
	s22 =	sadd.s32 $0x10, s21  }
0x1f: {  	v0 =	vshll.u32 v0, $0x7;
	v1 =	vmov s22  }
0x20: {  	v1 =	vshll.u32 v1, $0x7;
	v56 =	vor.u32 v2, v0  }
0x21: {  	s30 =	sadd.s32 $0x20, s21;
	v34 =	vor.u32 v2, v1  }
0x22: {  	v0 =	vmov s30;
	v4 =	vor.u32 $0x1, v56  }
0x23: {  	v0 =	vshll.u32 v0, $0x7;
	v8 =	vor.u32 $0x2, v56  }
0x24: {  	v25 =	vor.u32 $0x2, v34;
	v3 =	vor.u32 v2, v0;
	v2 =	vld [tilespmem:$0x1FFF0]  }
0x25: {  	v11 =	vor.u32 $0x3, v34;
	v5 =	vld.idx.msk [tilespmem:v56+s2+$0x0], $0xffff  }
0x26: {  	v13 =	vor.u32 $0x4, v34;
	v7 =	vld.idx.msk [tilespmem:v34+s2+$0x0], $0xffff  }
0x27: {  	v30 =	vor.u32 $0x6, v56;
	v9 =	vld.idx.msk [tilespmem:v4+s2+$0x0], $0xffff  }
0x28: {  	v33 =	vor.u32 $0x7, v34;
	v8 =	vld.idx.msk [tilespmem:v8+s2+$0x0], $0xffff  }
0x29: {  	v21 =	vor.u32 $0x8, v34;
	v12 =	vld.idx.msk [tilespmem:v25+s2+$0x0], $0xffff  }
0x2a: {  	s31 =	sadd.s32 $0x30, s21;
	v0 =	vor.u32 $0x1, v34;
	v11 =	vld.idx.msk [tilespmem:v11+s2+$0x0], $0xffff  }
0x2b: {  	v1 =	vmov s31;
	v23 =	vor.u32 $0x9, v34;
	v13 =	vld.idx.msk [tilespmem:v13+s2+$0x0], $0xffff  }
0x2c: {  	v1 =	vshll.u32 v1, $0x7;
	v27 =	vor.u32 $0x3, v3;
	v19 =	vld.idx.msk [tilespmem:v30+s2+$0x0], $0xffff  }
0x2d: {  	v22 =	vld.idx.msk [tilespmem:v33+s2+$0x0], $0xffff;
	v2 =	vor.u32 v2, v1;
	v1 =	vor.u32 $0x1, v3  }
0x2e: {  	v14 =	vor.u32 $0x4, v3;
	v21 =	vld.idx.msk [tilespmem:v21+s2+$0x0], $0xffff  }
0x2f: {  	v10 =	vld.idx.msk [tilespmem:v0+s2+$0x0], $0xffff;
	v0 =	vor.u32 $0x2, v3  }
0x30: {  	v16 =	vor.u32 $0x5, v3;
	v23 =	vld.idx.msk [tilespmem:v23+s2+$0x0], $0xffff  }
0x31: {  	v24 =	vor.u32 $0x9, v3;
	v4 =	vld.idx.msk [tilespmem:v27+s2+$0x0], $0xffff  }
0x32: {  	v44 =	vor.u32 $0xE, v3;
	v1 =	vld.idx.msk [tilespmem:v1+s2+$0x0], $0xffff  }
0x33: {  	v52 =	vor.u32 $0x10, v3;
	v14 =	vld.idx.msk [tilespmem:v14+s2+$0x0], $0xffff  }
0x34: {  	v33 =	vor.u32 $0xD, v3;
	v0 =	vld.idx.msk [tilespmem:v0+s2+$0x0], $0xffff  }
0x35: {  	v46 =	vor.u32 $0xF, v3;
	v16 =	vld.idx.msk [tilespmem:v16+s2+$0x0], $0xffff  }
0x36: {  	v50 =	vor.u32 $0x10, v56;
	v24 =	vld.idx.msk [tilespmem:v24+s2+$0x0], $0xffff  }
0x37: {  	v47 =	vld.idx.msk [tilespmem:v44+s2+$0x0], $0xffff;
	[tilespmem:$0x1FD30] =	vst v1;
	v1 =	vor.u32 $0x2, v2  }
0x38: {  	v6 =	vor.u32 $0x1, v2;
	v58 =	vld.idx.msk [tilespmem:v52+s2+$0x0], $0xffff  }
0x39: {  	v33 =	vld.idx.msk [tilespmem:v33+s2+$0x0], $0xffff;
	[tilespmem:$0x1FD60] =	vst v0;
	v0 =	vor.u32 $0x3, v2  }
0x3a: {  	v28 =	vor.u32 $0x4, v2;
	vm0 =	vgt.f32 v9, v5;
	v5 =	vmax.f32 v5, v9;
	v9 =	vld.idx.msk [tilespmem:v46+s2+$0x0], $0xffff  }
0x3b: {  	v29 =	vor.u32 $0x5, v2;
	vm9 =	vgt.f32 v8, v5;
	v5 =	vmax.f32 v5, v8;
	v8 =	vld.idx.msk [tilespmem:v50+s2+$0x0], $0xffff  }
0x3c: {  	v31 =	vor.u32 $0x6, v2;
	v1 =	vld.idx.msk [tilespmem:v1+s2+$0x0], $0xffff  }
0x3d: {  	v38 =	vor.u32 $0xA, v2;
	v6 =	vld.idx.msk [tilespmem:v6+s2+$0x0], $0xffff  }
0x3e: {  	v39 =	vor.u32 $0xB, v56;
	[tilespmem:$0x1FD90] =	vst v4;
	v0 =	vld.idx.msk [tilespmem:v0+s2+$0x0], $0xffff  }
0x3f: {  	v45 =	vor.u32 $0xE, v2;
	[tilespmem:$0x1FDB0] =	vst v14;
	v4 =	vld.idx.msk [tilespmem:v28+s2+$0x0], $0xffff  }
0x40: {  	v48 =	vor.u32 $0xF, v2;
	[tilespmem:$0x1FDD0] =	vst v16;
	v14 =	vld.idx.msk [tilespmem:v29+s2+$0x0], $0xffff  }
0x41: {  	v16 =	vld.idx.msk [tilespmem:v31+s2+$0x0], $0xffff;
	[tilespmem:$0x1FD80] =	vst v1;
	v1 =	vor.u32 $0x4, v56  }
0x42: {  	v55 =	vor.u32 $0x11, v34;
	[tilespmem:$0x1FE50] =	vst v24;
	v24 =	vld.idx.msk [tilespmem:v38+s2+$0x0], $0xffff  }
0x43: {  	v29 =	vld.idx.msk [tilespmem:v39+s2+$0x0], $0xffff;
	[tilespmem:$0x1FDA0] =	vst v0;
	v0 =	vor.u32 $0x5, v56  }
0x44: {  	v51 =	vor.u32 $0x10, v34;
	v49 =	vld.idx.msk [tilespmem:v45+s2+$0x0], $0xffff  }
0x45: {  	v53 =	vor.u32 $0x10, v2;
	vm1 =	vgt.f32 v10, v7;
	v7 =	vmax.f32 v7, v10;
	v10 =	vld.idx.msk [tilespmem:v48+s2+$0x0], $0xffff  }
0x46: {  	vm10 =	vgt.f32 v12, v7;
	v7 =	vmax.f32 v7, v12;
	v15 =	vld.idx.msk [tilespmem:v1+s2+$0x0], $0xffff;
	v1 =	vor.u32 $0x5, v34  }
0x47: {  	v26 =	vor.u32 $0x3, v56;
	vm11 =	vgt.f32 v11, v7;
	v7 =	vmax.f32 v7, v11;
	v11 =	vld.idx.msk [tilespmem:v55+s2+$0x0], $0xffff  }
0x48: {  	v17 =	vld.idx.msk [tilespmem:v0+s2+$0x0], $0xffff;
	v0 =	vor.u32 $0x6, v34  }
0x49: {  	v32 =	vor.u32 $0x7, v56;
	vm12 =	vgt.f32 v13, v7;
	v7 =	vmax.f32 v7, v13;
	v13 =	vld.idx.msk [tilespmem:v51+s2+$0x0], $0xffff  }
0x4a: {  	v35 =	vor.u32 $0x8, v56;
	[tilespmem:$0x1FF10] =	vst v9;
	v9 =	vld.idx.msk [tilespmem:v53+s2+$0x0], $0xffff  }
0x4b: {  	v18 =	vld.idx.msk [tilespmem:v1+s2+$0x0], $0xffff;
	v1 =	vor.u32 $0x6, v3  }
0x4c: {  	v36 =	vor.u32 $0x8, v3;
	[tilespmem:$0x1FD50] =	vst v6;
	v6 =	vld.idx.msk [tilespmem:v26+s2+$0x0], $0xffff  }
0x4d: {  	v20 =	vld.idx.msk [tilespmem:v0+s2+$0x0], $0xffff;
	v0 =	vor.u32 $0x7, v3  }
0x4e: {  	v41 =	vor.u32 $0xC, v56;
	[tilespmem:$0x1FDE0] =	vst v14;
	v14 =	vld.idx.msk [tilespmem:v32+s2+$0x0], $0xffff  }
0x4f: {  	v42 =	vor.u32 $0xC, v34;
	[tilespmem:$0x1FE00] =	vst v16;
	v16 =	vld.idx.msk [tilespmem:v35+s2+$0x0], $0xffff  }
0x50: {  	v54 =	vor.u32 $0x11, v56;
	[tilespmem:$0x1FEF0] =	vst v47;
	v1 =	vld.idx.msk [tilespmem:v1+s2+$0x0], $0xffff  }
0x51: {  	v47 =	vor.u32 $0x15, v3;
	[tilespmem:$0x1FDC0] =	vst v4;
	v4 =	vld.idx.msk [tilespmem:v36+s2+$0x0], $0xffff  }
0x52: {  	v48 =	vor.u32 $0x15, v2;
	v0 =	vld.idx.msk [tilespmem:v0+s2+$0x0], $0xffff  }
0x53: {  	v37 =	vor.u32 $0x9, v2;
	[tilespmem:$0x1FE80] =	vst v24;
	v24 =	vld.idx.msk [tilespmem:v41+s2+$0x0], $0xffff  }
0x54: {  	v51 =	vor.u32 $0x16, v3;
	v32 =	vld.idx.msk [tilespmem:v42+s2+$0x0], $0xffff;
	[tilespmem:$0x1FF20] =	vst v10  }
0x55: {  	v10 =	vld.idx.msk [tilespmem:v54+s2+$0x0], $0xffff;
	[tilespmem:$0x1FDF0] =	vst v1;
	v1 =	vor.u32 $0x7, v2  }
0x56: {  	v26 =	vor.u32 $0xA, v3;
	v52 =	vld.idx.msk [tilespmem:v47+s2+$0x0], $0xffff  }
0x57: {  	v54 =	vld.idx.msk [tilespmem:v48+s2+$0x0], $0xffff;
	[tilespmem:$0x1FE10] =	vst v0;
	v0 =	vor.u32 $0x8, v2  }
0x58: {  	v31 =	vor.u32 $0xD, v34;
	[tilespmem:$0x1FE30] =	vst v4;
	v4 =	vld.idx.msk [tilespmem:v37+s2+$0x0], $0xffff  }
0x59: {  	v59 =	vor.u32 $0x11, v2;
	v48 =	vld.idx.msk [tilespmem:v51+s2+$0x0], $0xffff  }
0x5a: {  	v60 =	vor.u32 $0x12, v56;
	v1 =	vld.idx.msk [tilespmem:v1+s2+$0x0], $0xffff  }
0x5b: {  	v40 =	vor.u32 $0xB, v2;
	v26 =	vld.idx.msk [tilespmem:v26+s2+$0x0], $0xffff  }
0x5c: {  	v53 =	vor.u32 $0x16, v2;
	v0 =	vld.idx.msk [tilespmem:v0+s2+$0x0], $0xffff  }
0x5d: {  	v36 =	vor.u32 $0xF, v56;
	[tilespmem:$0x1FE60] =	vst v4;
	v4 =	vld.idx.msk [tilespmem:v31+s2+$0x0], $0xffff  }
0x5e: {  	[tilespmem:$0x1FF40] =	vst v9;
	v37 =	vor.u32 $0xF, v34;
	v31 =	vld.idx.msk [tilespmem:v59+s2+$0x0], $0xffff  }
0x5f: {  	v9 =	vld.idx.msk [tilespmem:v60+s2+$0x0], $0xffff;
	[tilespmem:$0x1FE20] =	vst v1;
	v1 =	vor.u32 $0x9, v56  }
0x60: {  	v43 =	vor.u32 $0xD, v56;
	[tilespmem:$0x1FE70] =	vst v26;
	v26 =	vld.idx.msk [tilespmem:v40+s2+$0x0], $0xffff  }
0x61: {  	v61 =	vor.u32 $0x12, v34;
	v47 =	vld.idx.msk [tilespmem:v53+s2+$0x0], $0xffff;
	[tilespmem:$0x1FE40] =	vst v0;
	v0 =	vor.u32 $0xA, v56  }
0x62: {  	v57 =	vor.u32 $0x11, v3;
	v62 =	vor.u32 $0x12, v3;
	v63 =	vor.u32 $0x12, v2;
	v12 =	vld.idx.msk [tilespmem:v36+s2+$0x0], $0xffff  }
0x63: {  	vm2 =	vgt.f32 v6, v5;
	v5 =	vmax.f32 v5, v6;
	v6 =	vld.idx.msk [tilespmem:v37+s2+$0x0], $0xffff;
	[tilespmem:$0x1FF60] =	vst v31;
	v31 =	vor.u32 $0x19, v3  }
0x64: {  	v44 =	vor.u32 $0x14, v2;
	v46 =	vor.u32 $0x15, v34;
	v25 =	vld.idx.msk [tilespmem:v1+s2+$0x0], $0xffff;
	v1 =	vor.u32 $0xA, v34  }
0x65: {  	v50 =	vor.u32 $0x16, v34;
	v38 =	vimm.s32 $0x0;
	v39 =	vor.u32 $0x13, v2;
	[tilespmem:$0x1FEA0] =	vst v26;
	v26 =	vld.idx.msk [tilespmem:v43+s2+$0x0], $0xffff  }
0x66: {  	v45 =	vor.u32 $0x15, v56;
	v55 =	vor.u32 $0x17, v56;
	v27 =	vld.idx.msk [tilespmem:v0+s2+$0x0], $0xffff;
	v0 =	vor.u32 $0xB, v34  }
0x67: {  	[tilespmem:$0x1FED0] =	vst v33;
	v33 =	vor.u32 $0x13, v56;
	vm3 =	vgt.f32 v15, v5;
	v5 =	vmax.f32 v5, v15;
	v15 =	vld.idx.msk [tilespmem:v57+s2+$0x0], $0xffff  }
0x68: {  	v35 =	vor.u32 $0xE, v34;
	[tilespmem:$0x1FFE0] =	vst v54;
	vm4 =	vgt.f32 v17, v5;
	v5 =	vmax.f32 v5, v17;
	v54 =	vld.idx.msk [tilespmem:v31+s2+$0x0], $0xffff  }
0x69: {  	vm5 =	vgt.f32 v19, v5;
	v5 =	vmax.f32 v5, v19;
	v28 =	vld.idx.msk [tilespmem:v1+s2+$0x0], $0xffff;
	v1 =	vor.u32 $0xB, v3  }
0x6a: {  	v41 =	vsel vm1, $0x1, v38;
	vm6 =	vgt.f32 v14, v5;
	v5 =	vmax.f32 v5, v14;
	v14 =	vld.idx.msk [tilespmem:v62+s2+$0x0], $0xffff  }
0x6b: {  	[tilespmem:$0x1FF00] =	vst v49;
	v42 =	vor.u32 $0x14, v34;
	v49 =	vor.u32 $0x16, v56;
	v30 =	vld.idx.msk [tilespmem:v0+s2+$0x0], $0xffff;
	v0 =	vor.u32 $0xC, v3  }
0x6c: {  	v37 =	vor.u32 $0x13, v3;
	vm7 =	vgt.f32 v16, v5;
	v5 =	vmax.f32 v5, v16;
	v16 =	vld.idx.msk [tilespmem:v33+s2+$0x0], $0xffff  }
0x6d: {  	v60 =	vor.u32 $0x17, v2;
	vm13 =	vgt.f32 v18, v7;
	v7 =	vmax.f32 v7, v18;
	v18 =	vld.idx.msk [tilespmem:v61+s2+$0x0], $0xffff  }
0x6e: {  	v36 =	vsel vm0, $0x1, v38;
	v38 =	vor.u32 $0x1B, v56;
	v40 =	vor.u32 $0x14, v56;
	v1 =	vld.idx.msk [tilespmem:v1+s2+$0x0], $0xffff  }
0x6f: {  	v59 =	vor.u32 $0x17, v3;
	v43 =	vor.u32 $0x14, v3;
	v57 =	vor.u32 $0x17, v34;
	[tilespmem:$0x1FF50] =	vst v15;
	v15 =	vld.idx.msk [tilespmem:v63+s2+$0x0], $0xffff  }
0x70: {  	v31 =	vor.u32 $0x1E, v2;
	v19 =	vsel vm9, $0x2, v36;
	v36 =	vor.u32 $0x1A, v3;
	v0 =	vld.idx.msk [tilespmem:v0+s2+$0x0], $0xffff  }
0x71: {  	v63 =	vor.u32 $0x18, v3;
	vm14 =	vgt.f32 v20, v7;
	v7 =	vmax.f32 v7, v20;
	v20 =	vld.idx.msk [tilespmem:v37+s2+$0x0], $0xffff  }
0x72: {  	v19 =	vsel vm2, $0x3, v19;
	vm15 =	vgt.f32 v22, v7;
	v7 =	vmax.f32 v7, v22;
	v22 =	vld.idx.msk [tilespmem:v42+s2+$0x0], $0xffff;
	[tilespmem:$0x1FF70] =	vst v14  }
0x73: {  	vm8 =	vgt.f32 v21, v7;
	v7 =	vmax.f32 v7, v21;
	v14 =	vld.idx.msk [tilespmem:v39+s2+$0x0], $0xffff;
	[tilespmem:$0x1FE90] =	vst v1;
	v1 =	vor.u32 $0xC, v2  }
0x74: {  	v62 =	vor.u32 $0x18, v34;
	vm9 =	vgt.f32 v23, v7;
	v7 =	vmax.f32 v7, v23;
	v23 =	vld.idx.msk [tilespmem:v43+s2+$0x0], $0xffff;
	[tilespmem:$0x1FF80] =	vst v15  }
0x75: {  	v19 =	vsel vm3, $0x4, v19;
	v21 =	vsel vm10, $0x2, v41;
	v15 =	vld.idx.msk [tilespmem:v40+s2+$0x0], $0xffff;
	[tilespmem:$0x1FEB0] =	vst v0;
	v0 =	vor.u32 $0xD, v2  }
0x76: {  	[tilespmem:$0x1FFD0] =	vst v52;
	v33 =	vor.u32 $0x1A, v56;
	v19 =	vsel vm4, $0x5, v19;
	v21 =	vsel vm11, $0x3, v21;
	v52 =	vld.idx.msk [tilespmem:v63+s2+$0x0], $0xffff  }
0x77: {  	v61 =	vor.u32 $0x18, v56;
	v19 =	vsel vm5, $0x6, v19;
	v21 =	vsel vm12, $0x4, v21;
	[tilespmem:$0x1FF90] =	vst v20;
	v20 =	vld.idx.msk [tilespmem:v44+s2+$0x0], $0xffff  }
0x78: {  	v37 =	vor.u32 $0x1A, v2;
	v41 =	vor.u32 $0x1B, v3;
	v21 =	vsel vm13, $0x5, v21;
	v1 =	vld.idx.msk [tilespmem:v1+s2+$0x0], $0xffff  }
0x79: {  	[tilespmem:$0x1FF30] =	vst v58;
	v19 =	vsel vm6, $0x7, v19;
	v42 =	vor.u32 $0x1B, v2;
	v58 =	vsel vm14, $0x6, v21;
	v21 =	vld.idx.msk [tilespmem:v50+s2+$0x0], $0xffff  }
0x7a: {  	v19 =	vsel vm7, $0x8, v19;
	vm0 =	vgt.f32 v25, v5;
	v5 =	vmax.f32 v5, v25;
	v0 =	vld.idx.msk [tilespmem:v0+s2+$0x0], $0xffff  }
0x7b: {  	v39 =	vor.u32 $0x1B, v34;
	v50 =	vld.idx.msk [tilespmem:v59+s2+$0x0], $0xffff;
	vm1 =	vgt.f32 v27, v5;
	v5 =	vmax.f32 v5, v27  }
0x7c: {  	v43 =	vor.u32 $0x1C, v56;
	[tilespmem:$0x1FFA0] =	vst v14;
	v14 =	vld.idx.msk [tilespmem:v45+s2+$0x0], $0xffff;
	vm2 =	vgt.f32 v29, v5;
	v5 =	vmax.f32 v5, v29  }
0x7d: {  	v59 =	vld.idx.msk [tilespmem:v41+s2+$0x0], $0xffff;
	vm3 =	vgt.f32 v24, v5;
	v5 =	vmax.f32 v5, v24;
	[tilespmem:$0x1FEC0] =	vst v1;
	v1 =	vor.u32 $0xE, v56  }
0x7e: {  	[tilespmem:$0x1FFC0] =	vst v20;
	v20 =	vld.idx.msk [tilespmem:v49+s2+$0x0], $0xffff;
	vm4 =	vgt.f32 v26, v5;
	v5 =	vmax.f32 v5, v26;
	v26 =	vor.u32 $0x1D, v3  }
0x7f: {  	vm10 =	vgt.f32 v28, v7;
	v7 =	vmax.f32 v7, v28;
	[tilespmem:$0x1FEE0] =	vst v0;
	v0 =	vld.idx.msk [tilespmem:v35+s2+$0x0], $0xffff;
	v35 =	vor.u32 $0x13, v34  }
0x80: {  	v49 =	vld.idx.msk [tilespmem:v60+s2+$0x0], $0xffff;
	v28 =	vor.u32 $0x18, v2;
	vm11 =	vgt.f32 v30, v7;
	v7 =	vmax.f32 v7, v30  }
0x81: {  	v25 =	vld.idx.msk [tilespmem:v46+s2+$0x0], $0xffff;
	vm12 =	vgt.f32 v32, v7;
	v7 =	vmax.f32 v7, v32;
	v32 =	vor.u32 $0x19, v2  }
0x82: {  	v44 =	vor.u32 $0x1C, v34;
	v19 =	vsel vm0, $0x9, v19;
	v29 =	vor.u32 $0x19, v56;
	v1 =	vld.idx.msk [tilespmem:v1+s2+$0x0], $0xffff  }
0x83: {  	v45 =	vor.u32 $0x1C, v3;
	v46 =	vor.u32 $0x1C, v2;
	v19 =	vsel vm1, $0xA, v19;
	v63 =	vld.idx.msk [tilespmem:v26+s2+$0x0], $0xffff  }
0x84: {  	v27 =	vor.u32 $0x1D, v2;
	v19 =	vsel vm2, $0xB, v19;
	v17 =	vld.idx.msk [tilespmem:v35+s2+$0x0], $0xffff;
	v35 =	vor.u32 $0x1A, v34  }
0x85: {  	v24 =	vor.u32 $0x1D, v56;
	vm13 =	vgt.f32 v4, v7;
	v4 =	vmax.f32 v7, v4;
	v51 =	vld.idx.msk [tilespmem:v28+s2+$0x0], $0xffff  }
0x86: {  	v19 =	vsel vm3, $0xC, v19;
	v53 =	vld.idx.msk [tilespmem:v32+s2+$0x0], $0xffff;
	vm14 =	vgt.f32 v0, v4;
	v0 =	vmax.f32 v4, v0  }
0x87: {  	v4 =	vld.idx.msk [tilespmem:v29+s2+$0x0], $0xffff;
	v29 =	vor.u32 $0x1E, v34;
	vm5 =	vgt.f32 v1, v5;
	v1 =	vmax.f32 v5, v1  }
0x88: {  	v5 =	vsel vm15, $0x7, v58;
	vm15 =	vgt.f32 v6, v0;
	v0 =	vmax.f32 v0, v6;
	v6 =	vld.idx.msk [tilespmem:v57+s2+$0x0], $0xffff  }
0x89: {  	v19 =	vsel vm4, $0xD, v19;
	v30 =	vor.u32 $0x19, v34;
	v26 =	vor.u32 $0x20, v2;
	v40 =	vld.idx.msk [tilespmem:v35+s2+$0x0], $0xffff  }
0x8a: {  	v28 =	vor.u32 $0x1E, v56;
	v32 =	vor.u32 $0x1F, v56;
	v57 =	vld.idx.msk [tilespmem:v36+s2+$0x0], $0xffff;
	v35 =	vimm.s32 $0x0  }
0x8b: {  	v36 =	vor.u32 $0x1F, v3;
	vm6 =	vgt.f32 v12, v1;
	v1 =	vmax.f32 v1, v12;
	v12 =	vld.idx.msk [tilespmem:v62+s2+$0x0], $0xffff  }
0x8c: {  	v5 =	vsel vm8, $0x8, v5;
	vm8 =	vgt.f32 v13, v0;
	v0 =	vmax.f32 v0, v13;
	v62 =	vld.idx.msk [tilespmem:v27+s2+$0x0], $0xffff  }
0x8d: {  	v19 =	vsel vm5, $0xE, v19;
	v13 =	vld.idx.msk [tilespmem:v29+s2+$0x0], $0xffff;
	v27 =	vimm.s32 $0x0;
	v29 =	vor.u32 $0x21, v34  }
0x8e: {  	v60 =	vld.idx.msk [tilespmem:v46+s2+$0x0], $0xffff;
	vm7 =	vgt.f32 v8, v1;
	v1 =	vmax.f32 v1, v8;
	v5 =	vsel vm9, $0x9, v5  }
0x8f: {  	v46 =	vld.idx.msk [tilespmem:v31+s2+$0x0], $0xffff;
	vm9 =	vgt.f32 v11, v0;
	v0 =	vmax.f32 v0, v11;
	v19 =	vsel vm6, $0xF, v19  }
0x90: {  	v11 =	vld.idx.msk [tilespmem:v33+s2+$0x0], $0xffff;
	v33 =	vor.u32 $0x1F, v34;
	vm0 =	vgt.f32 v10, v1;
	v1 =	vmax.f32 v1, v10  }
0x91: {  	v5 =	vsel vm10, $0xA, v5;
	vm10 =	vgt.f32 v18, v0;
	v0 =	vmax.f32 v0, v18;
	v10 =	vld.idx.msk [tilespmem:v38+s2+$0x0], $0xffff  }
0x92: {  	v18 =	vld.idx.msk [tilespmem:v44+s2+$0x0], $0xffff;
	v19 =	vsel vm7, $0x10, v19;
	v38 =	vor.u32 $0x1F, v2;
	v44 =	vimm.s32 $0x0  }
0x93: {  	v7 =	vld.idx.msk [tilespmem:v55+s2+$0x0], $0xffff;
	vm1 =	vgt.f32 v9, v1;
	v1 =	vmax.f32 v1, v9;
	v5 =	vsel vm11, $0xB, v5  }
0x94: {  	v9 =	vld.idx.msk [tilespmem:v30+s2+$0x0], $0xffff;
	vm11 =	vgt.f32 v17, v0;
	v0 =	vmax.f32 v0, v17;
	v30 =	vor.u32 $0x1E, v3  }
0x95: {  	v55 =	vld.idx.msk [tilespmem:v37+s2+$0x0], $0xffff;
	v19 =	vsel vm0, $0x11, v19;
	vm2 =	vgt.f32 v16, v1;
	v1 =	vmax.f32 v1, v16  }
0x96: {  	v58 =	vld.idx.msk [tilespmem:v42+s2+$0x0], $0xffff;
	v5 =	vsel vm12, $0xC, v5;
	vm12 =	vgt.f32 v22, v0;
	v0 =	vmax.f32 v0, v22  }
0x97: {  	v16 =	vld.idx.msk [tilespmem:v39+s2+$0x0], $0xffff;
	v39 =	vor.u32 $0x20, v56;
	v19 =	vsel vm1, $0x12, v19;
	v22 =	vor.u32 $0x24, v3  }
0x98: {  	v42 =	vld.idx.msk [tilespmem:v26+s2+$0x0], $0xffff;
	vm3 =	vgt.f32 v15, v1;
	v1 =	vmax.f32 v1, v15;
	v5 =	vsel vm13, $0xD, v5  }
0x99: {  	v8 =	vld.idx.msk [tilespmem:v61+s2+$0x0], $0xffff;
	vm13 =	vgt.f32 v25, v0;
	v0 =	vmax.f32 v0, v25;
	v25 =	vor.u32 $0x1D, v34  }
0x9a: {  	v61 =	vld.idx.msk [tilespmem:v45+s2+$0x0], $0xffff;
	vm4 =	vgt.f32 v14, v1;
	v1 =	vmax.f32 v1, v14;
	v5 =	vsel vm14, $0xE, v5  }
0x9b: {  	v15 =	vld.idx.msk [tilespmem:v43+s2+$0x0], $0xffff;
	vm14 =	vgt.f32 v21, v0;
	v0 =	vmax.f32 v0, v21;
	vm5 =	vgt.f32 v20, v1  }
0x9c: {  	v43 =	vld.idx.msk [tilespmem:v36+s2+$0x0], $0xffff;
	v1 =	vmax.f32 v1, v20;
	v5 =	vsel vm15, $0xF, v5;
	vm15 =	vgt.f32 v6, v0  }
0x9d: {  	v0 =	vmax.f32 v0, v6;
	vm6 =	vgt.f32 v7, v1;
	v1 =	vmax.f32 v1, v7;
	v7 =	vld.idx.msk [tilespmem:v24+s2+$0x0], $0xffff  }
0x9e: {  	v5 =	vsel vm8, $0x10, v5;
	vm8 =	vgt.f32 v12, v0;
	v0 =	vmax.f32 v0, v12;
	v12 =	vld.idx.msk [tilespmem:v28+s2+$0x0], $0xffff  }
0x9f: {  	v45 =	vld.idx.msk [tilespmem:v30+s2+$0x0], $0xffff;
	v24 =	vor.u32 $0x20, v34;
	v28 =	vor.u32 $0x21, v56;
	v30 =	vor.u32 $0x21, v3  }
0xa0: {  	vm7 =	vgt.f32 v8, v1;
	v1 =	vmax.f32 v1, v8;
	v37 =	vsel vm9, $0x11, v5;
	v8 =	vld.idx.msk [tilespmem:v32+s2+$0x0], $0xffff  }
0xa1: {  	v32 =	vor.u32 $0x21, v2;
	v6 =	vld.idx.msk [tilespmem:v25+s2+$0x0], $0xffff;
	vm0 =	vgt.f32 v4, v1;
	v1 =	vmax.f32 v1, v4  }
0xa2: {  	v4 =	vsel vm10, $0x12, v37;
	vm9 =	vgt.f32 v11, v1;
	v1 =	vmax.f32 v1, v11;
	v11 =	vld.idx.msk [tilespmem:v33+s2+$0x0], $0xffff  }
0xa3: {  	v21 =	vsel vm0, $0xFFFFFFFF, v35;
	vm0 =	vgt.f32 v9, v0;
	v0 =	vmax.f32 v0, v9;
	v9 =	vld.idx.msk [tilespmem:v39+s2+$0x0], $0xffff  }
0xa4: {  	v25 =	vor.u32 $0x20, v3;
	v20 =	vsel vm9, $0xFFFFFFFF, v44;
	vm10 =	vgt.f32 v40, v0;
	v44 =	vld.idx.msk [tilespmem:v38+s2+$0x0], $0xffff  }
0xa5: {  	v0 =	vmax.f32 v0, v40;
	vm9 =	vgt.f32 v10, v1;
	v1 =	vmax.f32 v1, v10;
	v10 =	vld.idx.msk [tilespmem:v29+s2+$0x0], $0xffff  }
0xa6: {  	v4 =	vsel vm11, $0x13, v4;
	vm11 =	vgt.f32 v16, v0;
	v0 =	vmax.f32 v0, v16;
	v16 =	vld.idx.msk [tilespmem:v24+s2+$0x0], $0xffff  }
0xa7: {  	v26 =	vor.u32 $0x23, v56;
	v19 =	vsel vm2, $0x13, v19;
	v5 =	vsel vm9, $0xFFFFFFFF, v27;
	v39 =	vld.idx.msk [tilespmem:v30+s2+$0x0], $0xffff  }
0xa8: {  	v19 =	vsel vm3, $0x14, v19;
	[tilespmem:$0x1FD00] =	vst v5;
	v5 =	vld.idx.msk [tilespmem:v28+s2+$0x0], $0xffff  }
0xa9: {  	[tilespmem:$0x1FFB0] =	vst v23;
	v31 =	vimm.s32 $0x0;
	v23 =	vsel vm4, $0x15, v19;
	v33 =	vor.u32 $0x22, v56;
	v40 =	vld.idx.msk [tilespmem:v32+s2+$0x0], $0xffff  }
0xaa: {  	v35 =	vor.u32 $0x22, v34;
	v4 =	vsel vm12, $0x14, v4;
	vm9 =	vgt.f32 v15, v1;
	v32 =	vld.idx.msk [tilespmem:v22+s2+$0x0], $0xffff  }
0xab: {  	[tilespmem:$0x1FCE0] =	vst v21;
	v29 =	vor.u32 $0x23, v2;
	v21 =	vor.u32 $0x24, v34;
	v14 =	vsel vm9, $0xFFFFFFFF, v31;
	v41 =	vld.idx.msk [tilespmem:v25+s2+$0x0], $0xffff  }
0xac: {  	v1 =	vmax.f32 v1, v15;
	v24 =	vor.u32 $0x22, v3;
	v4 =	vsel vm13, $0x15, v4;
	[tilespmem:$0x1FD10] =	vst v14;
	v14 =	vld.idx.msk [tilespmem:v26+s2+$0x0], $0xffff  }
0xad: {  	[tilespmem:$0x1FCF0] =	vst v20;
	v27 =	vor.u32 $0x23, v34;
	v20 =	vor.u32 $0x29, v56;
	vm1 =	vgt.f32 v18, v0;
	v26 =	vld [tilespmem:$0x1FCE0]  }
0xae: {  	v0 =	vmax.f32 v0, v18;
	vm12 =	vgt.f32 v7, v1;
	v18 =	vsel vm5, $0x16, v23;
	v15 =	vld.idx.msk [tilespmem:v33+s2+$0x0], $0xffff  }
0xaf: {  	vm2 =	vgt.f32 v6, v0;
	v6 =	vmax.f32 v0, v6;
	v30 =	vsel vm6, $0x17, v18;
	v0 =	vld.idx.msk [tilespmem:v35+s2+$0x0], $0xffff  }
0xb0: {  	v1 =	vmax.f32 v1, v7;
	v28 =	vor.u32 $0x23, v3;
	v17 =	vsel vm7, $0x18, v30;
	v30 =	vld [tilespmem:$0x1FCF0]  }
0xb1: {  	v4 =	vsel vm14, $0x16, v4;
	v31 =	vor.u32 $0x24, v56;
	v23 =	vor.u32 $0x24, v2;
	v36 =	vld.idx.msk [tilespmem:v29+s2+$0x0], $0xffff  }
0xb2: {  	v22 =	vor.u32 $0x2C, v56;
	v25 =	vor.u32 $0x22, v2;
	vm13 =	vgt.f32 v12, v1;
	v19 =	vld.idx.msk [tilespmem:v21+s2+$0x0], $0xffff  }
0xb3: {  	v1 =	vmax.f32 v1, v12;
	v4 =	vsel vm15, $0x17, v4;
	v12 =	vor.u32 $0x2B, v2;
	v37 =	vld.idx.msk [tilespmem:v24+s2+$0x0], $0xffff  }
0xb4: {  	vm3 =	vgt.f32 v13, v6;
	vm6 =	vgt.f32 v8, v1;
	v8 =	vmax.f32 v1, v8;
	v1 =	vld.idx.msk [tilespmem:v27+s2+$0x0], $0xffff  }
0xb5: {  	v6 =	vmax.f32 v6, v13;
	v4 =	vsel vm8, $0x18, v4;
	v21 =	vor.u32 $0x2B, v56;
	v35 =	vld.idx.msk [tilespmem:v28+s2+$0x0], $0xffff  }
0xb6: {  	vm4 =	vgt.f32 v11, v6;
	v6 =	vmax.f32 v6, v11;
	v24 =	vor.u32 $0x25, v56;
	v7 =	vld.idx.msk [tilespmem:v31+s2+$0x0], $0xffff  }
0xb7: {  	vm7 =	vgt.f32 v9, v8;
	v8 =	vmax.f32 v8, v9;
	v27 =	vor.u32 $0x25, v34;
	v33 =	vld.idx.msk [tilespmem:v23+s2+$0x0], $0xffff  }
0xb8: {  	v4 =	vsel vm0, $0x19, v4;
	v29 =	vor.u32 $0x28, v56;
	vm5 =	vgt.f32 v16, v6;
	v38 =	vld.idx.msk [tilespmem:v25+s2+$0x0], $0xffff  }
0xb9: {  	v6 =	vmax.f32 v6, v16;
	v28 =	vor.u32 $0x27, v56;
	vm14 =	vnez.u8 v26;
	v26 =	vld [tilespmem:$0x1FD00]  }
0xba: {  	vm0 =	vgt.f32 v10, v6;
	v6 =	vmax.f32 v6, v10;
	v25 =	vor.u32 $0x26, v56;
	v10 =	vld.idx.msk [tilespmem:v21+s2+$0x0], $0xffff  }
0xbb: {  	v4 =	vsel vm10, $0x1A, v4;
	v16 =	vsel vm14, $0x19, v17;
	vm15 =	vnez.u8 v30;
	v9 =	vld.idx.msk [tilespmem:v24+s2+$0x0], $0xffff  }
0xbc: {  	v23 =	vor.u32 $0x2A, v56;
	v4 =	vsel vm11, $0x1B, v4;
	v11 =	vsel vm15, $0x1A, v16;
	v16 =	vld.idx.msk [tilespmem:v27+s2+$0x0], $0xffff  }
0xbd: {  	vm9 =	vgt.f32 v5, v8;
	v5 =	vmax.f32 v8, v5;
	v4 =	vsel vm1, $0x1C, v4;
	v24 =	vld [tilespmem:$0x1FD10]  }
0xbe: {  	vm8 =	vgt.f32 v15, v5;
	v5 =	vmax.f32 v5, v15;
	v30 =	vor.u32 $0x26, v3;
	v8 =	vld.idx.msk [tilespmem:v28+s2+$0x0], $0xffff  }
0xbf: {  	v4 =	vsel vm2, $0x1D, v4;
	vm15 =	vgt.f32 v14, v5;
	v27 =	vor.u32 $0x25, v2;
	v13 =	vld.idx.msk [tilespmem:v25+s2+$0x0], $0xffff  }
0xc0: {  	v5 =	vmax.f32 v5, v14;
	v21 =	vor.u32 $0x2F, v56;
	v4 =	vsel vm3, $0x1E, v4;
	v25 =	vld.idx.msk [tilespmem:v20+s2+$0x0], $0xffff  }
0xc1: {  	v4 =	vsel vm4, $0x1F, v4;
	v28 =	vor.u32 $0x2E, v56;
	v20 =	vld.idx.msk [tilespmem:v23+s2+$0x0], $0xffff;
	v23 =	vor.u32 $0x2D, v56  }
0xc2: {  	v4 =	vsel vm5, $0x20, v4;
	vm14 =	vnez.u8 v26;
	v26 =	vor.u32 $0x26, v34  }
0xc3: {  	v11 =	vsel vm14, $0x1B, v11;
	vm14 =	vgt.f32 v7, v5;
	v5 =	vmax.f32 v5, v7;
	v7 =	vld.idx.msk [tilespmem:v29+s2+$0x0], $0xffff  }
0xc4: {  	vm10 =	vgt.f32 v9, v5;
	v5 =	vmax.f32 v5, v9;
	vm11 =	vnez.u8 v24;
	v29 =	vld.idx.msk [tilespmem:v27+s2+$0x0], $0xffff  }
0xc5: {  	v24 =	vor.u32 $0x31, v56;
	v27 =	vor.u32 $0x27, v34;
	v9 =	vld.idx.msk [tilespmem:v21+s2+$0x0], $0xffff;
	v21 =	vor.u32 $0x27, v2  }
0xc6: {  	v11 =	vsel vm11, $0x1C, v11;
	vm11 =	vgt.f32 v13, v5;
	v5 =	vmax.f32 v5, v13;
	v14 =	vld.idx.msk [tilespmem:v23+s2+$0x0], $0xffff  }
0xc7: {  	v11 =	vsel vm12, $0x1D, v11;
	vm1 =	vgt.f32 v8, v5;
	v5 =	vmax.f32 v5, v8;
	v8 =	vld.idx.msk [tilespmem:v28+s2+$0x0], $0xffff  }
0xc8: {  	v23 =	vor.u32 $0x26, v2;
	v11 =	vsel vm13, $0x1E, v11;
	v28 =	vld.idx.msk [tilespmem:v30+s2+$0x0], $0xffff;
	v30 =	vor.u32 $0x32, v56  }
0xc9: {  	vm12 =	vgt.f32 v7, v5;
	v5 =	vmax.f32 v5, v7;
	v7 =	vld.idx.msk [tilespmem:v22+s2+$0x0], $0xffff;
	v22 =	vor.u32 $0x30, v56  }
0xca: {  	v11 =	vsel vm6, $0x1F, v11;
	v56 =	vimm.s32 $0x0;
	vm2 =	vgt.f32 v25, v5  }
0xcb: {  	v5 =	vmax.f32 v5, v25;
	v25 =	vld.idx.msk [tilespmem:v26+s2+$0x0], $0xffff;
	v26 =	vimm.s32 $0x0;
	v11 =	vsel vm7, $0x20, v11  }
0xcc: {  	vm13 =	vgt.f32 v20, v5;
	v5 =	vmax.f32 v5, v20;
	v20 =	vor.u32 $0x27, v3  }
0xcd: {  	v11 =	vsel vm9, $0x21, v11;
	vm9 =	vgt.f32 v0, v6;
	v0 =	vmax.f32 v6, v0  }
0xce: {  	vm3 =	vgt.f32 v10, v5;
	v5 =	vmax.f32 v5, v10;
	v11 =	vsel vm8, $0x22, v11  }
0xcf: {  	vm5 =	vgt.f32 v1, v0;
	v0 =	vmax.f32 v0, v1;
	v18 =	vsel vm3, $0xFFFFFFFF, v26  }
0xd0: {  	v13 =	vld.idx.msk [tilespmem:v24+s2+$0x0], $0xffff;
	vm8 =	vgt.f32 v19, v0;
	vm6 =	vgt.f32 v7, v5;
	v5 =	vmax.f32 v5, v7  }
0xd1: {  	v0 =	vmax.f32 v0, v19;
	v19 =	vld.idx.msk [tilespmem:v12+s2+$0x0], $0xffff;
	vm3 =	vgt.f32 v14, v5;
	v5 =	vmax.f32 v5, v14  }
0xd2: {  	v10 =	vor.u32 $0x28, v3;
	v7 =	vld.idx.msk [tilespmem:v22+s2+$0x0], $0xffff;
	v22 =	vimm.s32 $0x0;
	vm4 =	vgt.f32 v8, v5  }
0xd3: {  	[tilespmem:$0x1FD20] =	vst v18;
	v18 =	vsel vm6, $0xFFFFFFFF, v56;
	v56 =	vld.idx.msk [tilespmem:v23+s2+$0x0], $0xffff;
	v5 =	vmax.f32 v5, v8;
	v15 =	vsel vm4, $0xFFFFFFFF, v22  }
0xd4: {  	vm4 =	vgt.f32 v9, v5;
	v5 =	vmax.f32 v5, v9;
	v9 =	vld.idx.msk [tilespmem:v30+s2+$0x0], $0xffff;
	v30 =	vor.u32 $0x29, v34  }
0xd5: {  	v1 =	vor.u32 $0x2B, v34;
	v8 =	vld.idx.msk [tilespmem:v27+s2+$0x0], $0xffff  }
0xd6: {  	v17 =	vor.u32 $0x28, v2;
	v4 =	vsel vm0, $0x21, v4;
	v23 =	vor.u32 $0x28, v34;
	v24 =	vld.idx.msk [tilespmem:v20+s2+$0x0], $0xffff  }
0xd7: {  	v4 =	vsel vm9, $0x22, v4;
	v27 =	vld.idx.msk [tilespmem:v21+s2+$0x0], $0xffff;
	vm6 =	vgt.f32 v7, v5;
	v5 =	vmax.f32 v5, v7  }
0xd8: {  	v14 =	vor.u32 $0x2A, v3;
	v22 =	vld.idx.msk [tilespmem:v10+s2+$0x0], $0xffff;
	vm7 =	vgt.f32 v13, v5;
	v5 =	vmax.f32 v5, v13  }
0xd9: {  	[tilespmem:$0x1FD40] =	vst v18;
	v18 =	vsel vm15, $0x23, v11;
	vm9 =	vgt.f32 v9, v5;
	v9 =	vld.idx.msk [tilespmem:v30+s2+$0x0], $0xffff;
	v30 =	vor.u32 $0x2A, v2  }
0xda: {  	v10 =	vor.u32 $0x2A, v34;
	v6 =	vsel vm14, $0x24, v18;
	v1 =	vld.idx.msk [tilespmem:v1+s2+$0x0], $0xffff  }
0xdb: {  	vm14 =	vgt.f32 v16, v0;
	v0 =	vmax.f32 v0, v16;
	[tilespmem:$0x1FD70] =	vst v15;
	v15 =	vor.u32 $0x2B, v3;
	v13 =	vld.idx.msk [tilespmem:v23+s2+$0x0], $0xffff  }
0xdc: {  	vm0 =	vgt.f32 v25, v0;
	v0 =	vmax.f32 v0, v25;
	v25 =	vor.u32 $0x2E, v34;
	v23 =	vld.idx.msk [tilespmem:v17+s2+$0x0], $0xffff  }
0xdd: {  	v4 =	vsel vm5, $0x23, v4;
	v18 =	vld.idx.msk [tilespmem:v14+s2+$0x0], $0xffff;
	v14 =	vor.u32 $0x2C, v34  }
0xde: {  	v4 =	vsel vm8, $0x24, v4;
	v20 =	vld.idx.msk [tilespmem:v30+s2+$0x0], $0xffff;
	v30 =	vor.u32 $0x2D, v34  }
0xdf: {  	v11 =	vor.u32 $0x2F, v34;
	v6 =	vsel vm10, $0x25, v6;
	v7 =	vor.u32 $0x29, v3;
	v10 =	vld.idx.msk [tilespmem:v10+s2+$0x0], $0xffff  }
0xe0: {  	v4 =	vsel vm14, $0x25, v4;
	vm8 =	vgt.f32 v8, v0;
	v0 =	vmax.f32 v0, v8;
	v17 =	vld.idx.msk [tilespmem:v15+s2+$0x0], $0xffff  }
0xe1: {  	v25 =	vld.idx.msk [tilespmem:v25+s2+$0x0], $0xffff;
	vm14 =	vgt.f32 v13, v0;
	v0 =	vmax.f32 v0, v13;
	v13 =	vor.u32 $0x30, v34  }
0xe2: {  	v12 =	vor.u32 $0x31, v34;
	v6 =	vsel vm11, $0x26, v6;
	v4 =	vsel vm0, $0x26, v4;
	v5 =	vld.idx.msk [tilespmem:v14+s2+$0x0], $0xffff  }
0xe3: {  	v6 =	vsel vm1, $0x27, v6;
	vm15 =	vgt.f32 v9, v0;
	v0 =	vmax.f32 v0, v9;
	v9 =	vld.idx.msk [tilespmem:v30+s2+$0x0], $0xffff  }
0xe4: {  	v8 =	vor.u32 $0x2C, v3;
	v21 =	vld.idx.msk [tilespmem:v7+s2+$0x0], $0xffff;
	vm11 =	vgt.f32 v10, v0;
	v0 =	vmax.f32 v0, v10  }
0xe5: {  	vm1 =	vgt.f32 v1, v0;
	v0 =	vmax.f32 v0, v1;
	v1 =	vsel vm8, $0x27, v4;
	v4 =	vld.idx.msk [tilespmem:v11+s2+$0x0], $0xffff  }
0xe6: {  	v15 =	vsel vm12, $0x28, v6;
	v14 =	vor.u32 $0x32, v34;
	v11 =	vor.u32 $0x2D, v2;
	v6 =	vld.idx.msk [tilespmem:v13+s2+$0x0], $0xffff  }
0xe7: {  	v7 =	vld.idx.msk [tilespmem:v12+s2+$0x0], $0xffff;
	vm0 =	vgt.f32 v5, v0;
	v0 =	vmax.f32 v0, v5;
	v1 =	vsel vm14, $0x28, v1  }
0xe8: {  	v5 =	vsel vm2, $0x29, v15;
	vm5 =	vgt.f32 v9, v0;
	v0 =	vmax.f32 v0, v9  }
0xe9: {  	v13 =	vor.u32 $0x2E, v3;
	vm8 =	vgt.f32 v25, v0;
	v0 =	vmax.f32 v0, v25  }
0xea: {  	v1 =	vsel vm15, $0x29, v1;
	vm2 =	vgt.f32 v4, v0;
	v0 =	vmax.f32 v0, v4  }
0xeb: {  	v5 =	vsel vm13, $0x2A, v5;
	v25 =	vld.idx.msk [tilespmem:v3+s2+$0x0], $0xffff;
	vm10 =	vgt.f32 v6, v0;
	v0 =	vmax.f32 v0, v6  }
0xec: {  	vm13 =	vgt.f32 v7, v0;
	v0 =	vmax.f32 v0, v7;
	v7 =	vsel vm11, $0x2A, v1;
	v1 =	vld [tilespmem:$0x1FD30]  }
0xed: {  	v16 =	vld.idx.msk [tilespmem:v8+s2+$0x0], $0xffff  }
0xee: {  	v8 =	vld.idx.msk [tilespmem:v14+s2+$0x0], $0xffff  }
0xef: {  	v30 =	vor.u32 $0x2C, v2;
	v15 =	vld.idx.msk [tilespmem:v11+s2+$0x0], $0xffff  }
0xf0: {  	v11 =	vld.idx.msk [tilespmem:v13+s2+$0x0], $0xffff  }
0xf1: {  	vm11 =	vgt.f32 v1, v25;
	v13 =	vmax.f32 v25, v1;
	v1 =	vld [tilespmem:$0x1FD40];
	_ =	sdelay $0x1  }
0xf2: {  	vm14 =	vgt.f32 v8, v0;
	v0 =	vld [tilespmem:$0x1FD20]  }
0xf3: {  	v34 =	vld.idx.msk [tilespmem:v30+s2+$0x0], $0xffff  }
0xf4: {  	v30 =	vor.u32 $0x2E, v2;
	v4 =	vld.idx.msk [tilespmem:v2+s2+$0x0], $0xffff  }
0xf5: {  	vm12 =	vnez.u8 v1;
	v1 =	vld [tilespmem:$0x1FD50];
	_ =	sdelay $0x1  }
0xf6: {  	vm15 =	vnez.u8 v0  }
0xf7: {  	v0 =	vsel vm15, $0x2B, v5  }
0xf8: {  	v14 =	vld.idx.msk [tilespmem:v30+s2+$0x0], $0xffff;
	v0 =	vsel vm12, $0x2C, v0  }
0xf9: {  	vm12 =	vgt.f32 v1, v4;
	v30 =	vmax.f32 v4, v1;
	v1 =	vsel vm3, $0x2D, v0;
	v0 =	vld [tilespmem:$0x1FD60];
	_ =	sdelay $0x4  }
0xfa: {  	vm3 =	vgt.f32 v0, v13;
	v13 =	vmax.f32 v13, v0;
	v0 =	vld [tilespmem:$0x1FD70];
	_ =	sdelay $0x4  }
0xfb: {  	v25 =	vor.u32 $0x30, v2;
	vm15 =	vnez.u8 v0;
	v0 =	vld [tilespmem:$0x1FD80];
	_ =	sdelay $0x3  }
0xfc: {  	v31 =	vor.u32 $0x25, v3;
	v26 =	vor.u32 $0x29, v2;
	v1 =	vsel vm15, $0x2E, v1  }
0xfd: {  	vm15 =	vgt.f32 v0, v30;
	v30 =	vmax.f32 v30, v0;
	v0 =	vsel vm4, $0x2F, v1;
	v1 =	vld.idx.msk [tilespmem:v25+s2+$0x0], $0xffff  }
0xfe: {  	v25 =	vld [tilespmem:$0x1FD90]  }
0xff: {  	v9 =	vor.u32 $0x2F, v3  }
0x100: {  	v6 =	vor.u32 $0x2F, v2  }
0x101: {  	v31 =	vld.idx.msk [tilespmem:v31+s2+$0x0], $0xffff  }
0x102: {  	v26 =	vld.idx.msk [tilespmem:v26+s2+$0x0], $0xffff;
	v10 =	vor.u32 $0x2D, v3  }
0x103: {  	vm4 =	vgt.f32 v25, v13;
	v13 =	vmax.f32 v13, v25;
	v25 =	vld [tilespmem:$0x1FDA0]  }
0x104: {  	v8 =	vld.idx.msk [tilespmem:v9+s2+$0x0], $0xffff;
	v9 =	vor.u32 $0x31, v3  }
0x105: {  	v12 =	vld.idx.msk [tilespmem:v6+s2+$0x0], $0xffff;
	v6 =	vor.u32 $0x31, v2  }
0x106: {  	v5 =	vor.u32 $0x30, v3;
	v4 =	vor.u32 $0x32, v3;
	v3 =	vld [tilespmem:s20+$0xFFFFFFE0]  }
0x107: {  	v10 =	vld.idx.msk [tilespmem:v10+s2+$0x0], $0xffff;
	v2 =	vor.u32 $0x32, v2  }
0x108: {  	v0 =	vsel vm6, $0x30, v0;
	vm6 =	vgt.f32 v25, v30;
	v30 =	vmax.f32 v30, v25;
	v25 =	vld [tilespmem:$0x1FDB0]  }
0x109: {  	v9 =	vld.idx.msk [tilespmem:v9+s2+$0x0], $0xffff  }
0x10a: {  	v6 =	vld.idx.msk [tilespmem:v6+s2+$0x0], $0xffff;
	v0 =	vsel vm7, $0x31, v0  }
0x10b: {  	v5 =	vld.idx.msk [tilespmem:v5+s2+$0x0], $0xffff;
	v0 =	vsel vm9, $0x32, v0;
	vm9 =	veq.s32 v3, $0x0  }
0x10c: {  	v3 =	vsel vm9, v0, v3;
	v0 =	vld.idx.msk [tilespmem:v2+s2+$0x0], $0xffff  }
0x10d: {  	vm7 =	vgt.f32 v25, v13;
	v13 =	vmax.f32 v13, v25;
	v25 =	vld.idx.msk [tilespmem:v4+s2+$0x0], $0xffff;
	v4 =	vsel vm1, $0x2B, v7  }
0x10e: {  	[tilespmem:s19+$0xFFFFFFE0] =	vst v3;
	v3 =	vsel vm0, $0x2C, v4;
	v4 =	vld [tilespmem:$0x1FDD0];
	_ =	sdelay $0x3  }
0x10f: {  	v2 =	vld [tilespmem:$0x1FDC0]  }
0x110: {  	vm0 =	vgt.f32 v4, v13;
	v4 =	vmax.f32 v13, v4;
	v13 =	vld [tilespmem:$0x1FDE0];
	_ =	sdelay $0x3  }
0x111: {  	vm1 =	vgt.f32 v2, v30;
	v2 =	vmax.f32 v30, v2  }
0x112: {  	v3 =	vsel vm5, $0x2D, v3;
	vm5 =	vgt.f32 v13, v2;
	v2 =	vmax.f32 v2, v13;
	v13 =	vld [tilespmem:$0x1FDF0];
	_ =	sdelay $0x4  }
0x113: {  	v3 =	vsel vm8, $0x2E, v3;
	vm8 =	vgt.f32 v13, v4;
	v4 =	vmax.f32 v4, v13;
	v13 =	vld [tilespmem:$0x1FE00];
	_ =	sdelay $0x4  }
0x114: {  	v3 =	vsel vm2, $0x2F, v3;
	vm2 =	vgt.f32 v13, v2;
	v2 =	vmax.f32 v2, v13;
	v13 =	vld [tilespmem:$0x1FE10];
	_ =	sdelay $0x4  }
0x115: {  	vm9 =	vgt.f32 v13, v4;
	v4 =	vmax.f32 v4, v13;
	v13 =	vld [tilespmem:$0x1FE20];
	_ =	sdelay $0x3  }
0x116: {  	v7 =	vld [tilespmem:s20+$0xFFFFFFF0]  }
0x117: {  	v3 =	vsel vm10, $0x30, v3;
	vm10 =	vgt.f32 v13, v2;
	v2 =	vmax.f32 v2, v13;
	v13 =	vld [tilespmem:$0x1FE30];
	_ =	sdelay $0x2  }
0x118: {  	v3 =	vsel vm13, $0x31, v3  }
0x119: {  	v3 =	vsel vm14, $0x32, v3;
	vm14 =	veq.s32 v7, $0x0  }
0x11a: {  	vm13 =	vgt.f32 v13, v4;
	v4 =	vmax.f32 v4, v13;
	v13 =	vsel vm14, v3, v7;
	v3 =	vld [tilespmem:$0x1FE40]  }
0x11b: {  	v7 =	vld [tilespmem:$0x1FE50];
	_ =	sdelay $0x3  }
0x11c: {  	v30 =	vimm.s32 $0x0;
	vm14 =	vgt.f32 v3, v2;
	v2 =	vmax.f32 v2, v3  }
0x11d: {  	v3 =	vsel vm11, $0x1, v30;
	vm11 =	vgt.f32 v7, v4;
	v4 =	vmax.f32 v4, v7;
	v7 =	vld [tilespmem:$0x1FE60];
	_ =	sdelay $0x3  }
0x11e: {  	v3 =	vsel vm3, $0x2, v3  }
0x11f: {  	vm3 =	vgt.f32 v7, v2;
	v2 =	vmax.f32 v2, v7;
	v7 =	vsel vm12, $0x1, v30;
	v30 =	vld [tilespmem:$0x1FE70];
	_ =	sdelay $0x4  }
0x120: {  	vm12 =	vgt.f32 v30, v4;
	v4 =	vmax.f32 v4, v30;
	v30 =	vld [tilespmem:$0x1FE80];
	_ =	sdelay $0x4  }
0x121: {  	v7 =	vsel vm15, $0x2, v7;
	vm15 =	vgt.f32 v30, v2;
	v2 =	vmax.f32 v2, v30;
	v30 =	vld [tilespmem:$0x1FE90];
	_ =	sdelay $0x4  }
0x122: {  	v3 =	vsel vm4, $0x3, v3;
	vm4 =	vgt.f32 v30, v4;
	v4 =	vmax.f32 v4, v30;
	v30 =	vld [tilespmem:$0x1FEA0];
	_ =	sdelay $0x4  }
0x123: {  	v7 =	vsel vm6, $0x3, v7;
	vm6 =	vgt.f32 v30, v2;
	v2 =	vmax.f32 v2, v30;
	v30 =	vld [tilespmem:$0x1FEB0];
	_ =	sdelay $0x4  }
0x124: {  	v3 =	vsel vm7, $0x4, v3;
	vm7 =	vgt.f32 v30, v4;
	v4 =	vmax.f32 v4, v30;
	v30 =	vld [tilespmem:$0x1FEC0];
	_ =	sdelay $0x4  }
0x125: {  	v7 =	vsel vm1, $0x4, v7;
	vm1 =	vgt.f32 v30, v2;
	v2 =	vmax.f32 v2, v30;
	v30 =	vld [tilespmem:$0x1FED0];
	_ =	sdelay $0x4  }
0x126: {  	v3 =	vsel vm0, $0x5, v3;
	vm0 =	vgt.f32 v30, v4;
	v4 =	vmax.f32 v4, v30;
	v30 =	vld [tilespmem:$0x1FEE0];
	_ =	sdelay $0x4  }
0x127: {  	v7 =	vsel vm5, $0x5, v7;
	vm5 =	vgt.f32 v30, v2;
	v2 =	vmax.f32 v2, v30;
	v30 =	vld [tilespmem:$0x1FEF0];
	_ =	sdelay $0x4  }
0x128: {  	v3 =	vsel vm8, $0x6, v3;
	vm8 =	vgt.f32 v30, v4;
	v4 =	vmax.f32 v4, v30;
	v30 =	vld [tilespmem:$0x1FF00];
	_ =	sdelay $0x4  }
0x129: {  	v7 =	vsel vm2, $0x6, v7;
	vm2 =	vgt.f32 v30, v2;
	v2 =	vmax.f32 v2, v30;
	v30 =	vld [tilespmem:$0x1FF10];
	_ =	sdelay $0x4  }
0x12a: {  	v3 =	vsel vm9, $0x7, v3;
	vm9 =	vgt.f32 v30, v4;
	v4 =	vmax.f32 v4, v30;
	v30 =	vld [tilespmem:$0x1FF20];
	_ =	sdelay $0x4  }
0x12b: {  	v7 =	vsel vm10, $0x7, v7;
	vm10 =	vgt.f32 v30, v2;
	v2 =	vmax.f32 v2, v30;
	v30 =	vld [tilespmem:$0x1FF30];
	_ =	sdelay $0x4  }
0x12c: {  	v3 =	vsel vm13, $0x8, v3;
	vm13 =	vgt.f32 v30, v4;
	v4 =	vmax.f32 v4, v30;
	v30 =	vld [tilespmem:$0x1FF40];
	_ =	sdelay $0x4  }
0x12d: {  	v7 =	vsel vm14, $0x8, v7;
	vm14 =	vgt.f32 v30, v2;
	v2 =	vmax.f32 v2, v30;
	v30 =	vld [tilespmem:$0x1FF50];
	_ =	sdelay $0x4  }
0x12e: {  	v3 =	vsel vm11, $0x9, v3;
	vm11 =	vgt.f32 v30, v4;
	v4 =	vmax.f32 v4, v30;
	v30 =	vld [tilespmem:$0x1FF60];
	_ =	sdelay $0x4  }
0x12f: {  	v7 =	vsel vm3, $0x9, v7;
	vm3 =	vgt.f32 v30, v2;
	v2 =	vmax.f32 v2, v30;
	v30 =	vld [tilespmem:$0x1FF70];
	_ =	sdelay $0x4  }
0x130: {  	v3 =	vsel vm12, $0xA, v3;
	vm12 =	vgt.f32 v30, v4;
	v4 =	vmax.f32 v4, v30;
	v30 =	vld [tilespmem:$0x1FF80];
	_ =	sdelay $0x4  }
0x131: {  	v7 =	vsel vm15, $0xA, v7;
	vm15 =	vgt.f32 v30, v2;
	v2 =	vmax.f32 v2, v30;
	v30 =	vld [tilespmem:$0x1FF90];
	_ =	sdelay $0x4  }
0x132: {  	v3 =	vsel vm4, $0xB, v3;
	vm4 =	vgt.f32 v30, v4;
	v4 =	vmax.f32 v4, v30;
	v30 =	vld [tilespmem:$0x1FFA0];
	_ =	sdelay $0x4  }
0x133: {  	v3 =	vsel vm7, $0xC, v3;
	vm7 =	vgt.f32 v30, v2;
	v2 =	vmax.f32 v2, v30;
	v30 =	vld [tilespmem:$0x1FFB0];
	_ =	sdelay $0x3  }
0x134: {  	v3 =	vsel vm0, $0xD, v3  }
0x135: {  	v3 =	vsel vm8, $0xE, v3;
	vm8 =	vgt.f32 v30, v4;
	v4 =	vmax.f32 v4, v30;
	v30 =	vld [tilespmem:$0x1FFC0]  }
0x136: {  	v7 =	vsel vm6, $0xB, v7  }
0x137: {  	v7 =	vsel vm1, $0xC, v7  }
0x138: {  	v7 =	vsel vm5, $0xD, v7  }
0x139: {  	v7 =	vsel vm2, $0xE, v7;
	v3 =	vsel vm9, $0xF, v3  }
0x13a: {  	v3 =	vsel vm13, $0x10, v3;
	vm13 =	vgt.f32 v30, v2;
	v2 =	vmax.f32 v2, v30;
	v30 =	vld [tilespmem:$0x1FFD0]  }
0x13b: {  	v7 =	vsel vm10, $0xF, v7  }
0x13c: {  	v7 =	vsel vm14, $0x10, v7;
	v3 =	vsel vm11, $0x11, v3  }
0x13d: {  	v7 =	vsel vm3, $0x11, v7;
	v3 =	vsel vm12, $0x12, v3  }
0x13e: {  	v7 =	vsel vm15, $0x12, v7;
	v3 =	vsel vm4, $0x13, v3  }
0x13f: {  	v7 =	vsel vm7, $0x13, v7;
	vm14 =	vgt.f32 v30, v4;
	v4 =	vmax.f32 v4, v30  }
0x140: {  	v3 =	vsel vm8, $0x14, v3;
	vm15 =	vgt.f32 v48, v4;
	v4 =	vmax.f32 v4, v48;
	v48 =	vld [tilespmem:$0x1FFE0]  }
0x141: {  	v3 =	vsel vm14, $0x15, v3;
	vm5 =	vgt.f32 v50, v4;
	v4 =	vmax.f32 v4, v50  }
0x142: {  	v3 =	vsel vm15, $0x16, v3;
	vm7 =	vgt.f32 v52, v4;
	v4 =	vmax.f32 v4, v52  }
0x143: {  	v3 =	vsel vm5, $0x17, v3;
	vm9 =	vgt.f32 v54, v4;
	v4 =	vmax.f32 v4, v54  }
0x144: {  	v7 =	vsel vm13, $0x14, v7;
	v3 =	vsel vm7, $0x18, v3;
	vm11 =	vgt.f32 v57, v4  }
0x145: {  	v4 =	vmax.f32 v4, v57;
	v3 =	vsel vm9, $0x19, v3;
	vm4 =	vgt.f32 v48, v2  }
0x146: {  	v2 =	vmax.f32 v2, v48;
	vm13 =	vgt.f32 v59, v4;
	v4 =	vmax.f32 v4, v59  }
0x147: {  	v3 =	vsel vm11, $0x1A, v3;
	v7 =	vsel vm4, $0x15, v7;
	vm6 =	vgt.f32 v47, v2  }
0x148: {  	v2 =	vmax.f32 v2, v47;
	vm15 =	vgt.f32 v61, v4;
	v4 =	vmax.f32 v4, v61  }
0x149: {  	v3 =	vsel vm13, $0x1B, v3;
	v7 =	vsel vm6, $0x16, v7;
	vm8 =	vgt.f32 v49, v2  }
0x14a: {  	v2 =	vmax.f32 v2, v49;
	vm5 =	vgt.f32 v63, v4;
	v4 =	vmax.f32 v4, v63  }
0x14b: {  	v3 =	vsel vm15, $0x1C, v3;
	v7 =	vsel vm8, $0x17, v7;
	vm10 =	vgt.f32 v51, v2  }
0x14c: {  	v2 =	vmax.f32 v2, v51;
	vm7 =	vgt.f32 v45, v4;
	v4 =	vmax.f32 v4, v45  }
0x14d: {  	v3 =	vsel vm5, $0x1D, v3;
	v7 =	vsel vm10, $0x18, v7;
	vm12 =	vgt.f32 v53, v2  }
0x14e: {  	v2 =	vmax.f32 v2, v53;
	vm9 =	vgt.f32 v43, v4;
	v4 =	vmax.f32 v4, v43  }
0x14f: {  	v3 =	vsel vm7, $0x1E, v3;
	v7 =	vsel vm12, $0x19, v7;
	vm14 =	vgt.f32 v55, v2  }
0x150: {  	v2 =	vmax.f32 v2, v55;
	vm11 =	vgt.f32 v41, v4;
	v4 =	vmax.f32 v4, v41  }
0x151: {  	v3 =	vsel vm9, $0x1F, v3;
	v7 =	vsel vm14, $0x1A, v7;
	vm4 =	vgt.f32 v58, v2  }
0x152: {  	v2 =	vmax.f32 v2, v58;
	vm13 =	vgt.f32 v39, v4;
	v4 =	vmax.f32 v4, v39  }
0x153: {  	v3 =	vsel vm11, $0x20, v3;
	v7 =	vsel vm4, $0x1B, v7;
	vm6 =	vgt.f32 v60, v2  }
0x154: {  	v2 =	vmax.f32 v2, v60;
	vm15 =	vgt.f32 v37, v4;
	v4 =	vmax.f32 v4, v37  }
0x155: {  	v3 =	vsel vm13, $0x21, v3;
	v7 =	vsel vm6, $0x1C, v7;
	vm8 =	vgt.f32 v62, v2  }
0x156: {  	v2 =	vmax.f32 v2, v62;
	vm5 =	vgt.f32 v35, v4;
	v4 =	vmax.f32 v4, v35  }
0x157: {  	v3 =	vsel vm15, $0x22, v3;
	v7 =	vsel vm8, $0x1D, v7;
	vm10 =	vgt.f32 v46, v2  }
0x158: {  	v2 =	vmax.f32 v2, v46;
	vm7 =	vgt.f32 v32, v4;
	v4 =	vmax.f32 v4, v32  }
0x159: {  	v3 =	vsel vm5, $0x23, v3;
	v7 =	vsel vm10, $0x1E, v7;
	vm12 =	vgt.f32 v44, v2  }
0x15a: {  	v2 =	vmax.f32 v2, v44;
	vm9 =	vgt.f32 v31, v4;
	v4 =	vmax.f32 v4, v31  }
0x15b: {  	v3 =	vsel vm7, $0x24, v3;
	v7 =	vsel vm12, $0x1F, v7;
	vm14 =	vgt.f32 v42, v2  }
0x15c: {  	v2 =	vmax.f32 v2, v42;
	vm11 =	vgt.f32 v28, v4;
	v4 =	vmax.f32 v4, v28  }
0x15d: {  	v3 =	vsel vm9, $0x25, v3;
	v7 =	vsel vm14, $0x20, v7;
	vm4 =	vgt.f32 v40, v2  }
0x15e: {  	v2 =	vmax.f32 v2, v40;
	vm13 =	vgt.f32 v24, v4;
	v4 =	vmax.f32 v4, v24  }
0x15f: {  	v3 =	vsel vm11, $0x26, v3;
	v7 =	vsel vm4, $0x21, v7;
	vm6 =	vgt.f32 v38, v2  }
0x160: {  	v2 =	vmax.f32 v2, v38;
	vm15 =	vgt.f32 v22, v4;
	v4 =	vmax.f32 v4, v22  }
0x161: {  	[tilespmem:s19+$0xFFFFFFF0] =	vst v13;
	v3 =	vsel vm13, $0x27, v3;
	v7 =	vsel vm6, $0x22, v7;
	vm8 =	vgt.f32 v36, v2  }
0x162: {  	v60 =	vld [tilespmem:s20+$0x0];
	v2 =	vmax.f32 v2, v36;
	vm5 =	vgt.f32 v21, v4;
	v4 =	vmax.f32 v4, v21  }
0x163: {  	v3 =	vsel vm15, $0x28, v3;
	v7 =	vsel vm8, $0x23, v7;
	vm10 =	vgt.f32 v33, v2  }
0x164: {  	v2 =	vmax.f32 v2, v33;
	vm7 =	vgt.f32 v18, v4;
	v4 =	vmax.f32 v4, v18  }
0x165: {  	v3 =	vsel vm5, $0x29, v3;
	v7 =	vsel vm10, $0x24, v7;
	vm12 =	vgt.f32 v29, v2  }
0x166: {  	v2 =	vmax.f32 v2, v29;
	vm9 =	vgt.f32 v17, v4;
	v4 =	vmax.f32 v4, v17  }
0x167: {  	v3 =	vsel vm7, $0x2A, v3;
	vm7 =	veq.s32 v60, $0x0;
	v7 =	vsel vm12, $0x25, v7  }
0x168: {  	vm14 =	vgt.f32 v56, v2;
	v2 =	vmax.f32 v2, v56;
	vm10 =	vgt.f32 v16, v4  }
0x169: {  	v4 =	vmax.f32 v4, v16;
	v3 =	vsel vm9, $0x2B, v3;
	v7 =	vsel vm14, $0x26, v7  }
0x16a: {  	vm4 =	vgt.f32 v27, v2;
	v2 =	vmax.f32 v2, v27;
	vm11 =	vgt.f32 v10, v4  }
0x16b: {  	v4 =	vmax.f32 v4, v10;
	v3 =	vsel vm10, $0x2C, v3;
	v7 =	vsel vm4, $0x27, v7  }
0x16c: {  	vm6 =	vgt.f32 v23, v2;
	v2 =	vmax.f32 v2, v23;
	vm12 =	vgt.f32 v11, v4  }
0x16d: {  	v4 =	vmax.f32 v4, v11;
	v3 =	vsel vm11, $0x2D, v3;
	v7 =	vsel vm6, $0x28, v7  }
0x16e: {  	vm8 =	vgt.f32 v26, v2;
	v2 =	vmax.f32 v2, v26;
	v3 =	vsel vm12, $0x2E, v3  }
0x16f: {  	vm14 =	vgt.f32 v8, v4;
	v4 =	vmax.f32 v4, v8;
	v7 =	vsel vm8, $0x29, v7  }
0x170: {  	vm13 =	vgt.f32 v20, v2;
	v2 =	vmax.f32 v2, v20;
	v3 =	vsel vm14, $0x2F, v3  }
0x171: {  	vm15 =	vgt.f32 v5, v4;
	v4 =	vmax.f32 v4, v5;
	v7 =	vsel vm13, $0x2A, v7  }
0x172: {  	v3 =	vsel vm15, $0x30, v3;
	vm5 =	vgt.f32 v9, v4;
	v4 =	vmax.f32 v4, v9  }
0x173: {  	vm4 =	vgt.f32 v19, v2;
	v3 =	vsel vm5, $0x31, v3;
	vm6 =	vgt.f32 v25, v4  }
0x174: {  	v2 =	vmax.f32 v2, v19;
	v61 =	vsel vm4, $0x2B, v7;
	v3 =	vsel vm6, $0x32, v3  }
0x175: {  	vm8 =	vgt.f32 v34, v2;
	v2 =	vmax.f32 v2, v34;
	v3 =	vsel vm7, v3, v60  }
0x176: {  	v62 =	vsel vm8, $0x2C, v61;
	vm9 =	vgt.f32 v15, v2;
	v2 =	vmax.f32 v2, v15;
	[tilespmem:s19+$0x0] =	vst v3  }
0x177: {  	vm10 =	vgt.f32 v14, v2;
	v2 =	vmax.f32 v2, v14;
	v3 =	vsel vm9, $0x2D, v62;
	v63 =	vld [tilespmem:s20+$0x10]  }
0x178: {  	vm11 =	vgt.f32 v12, v2;
	v2 =	vmax.f32 v2, v12;
	v3 =	vsel vm10, $0x2E, v3  }
0x179: {  	p0 =	sne.s32 s21, $0xC0;
	vm12 =	vgt.f32 v1, v2;
	v1 =	vmax.f32 v2, v1;
	v3 =	vsel vm11, $0x2F, v3  }
.Ltmp0:
0x17a: {  	vm13 =	vgt.f32 v6, v1;
	v1 =	vmax.f32 v1, v6;
	v2 =	vsel vm12, $0x30, v3;
	(pc) =	sbr.rel @p0 .LBB2_2-.Ltmp0, $4  }
0x17b: {  	vm14 =	vgt.f32 v0, v1;
	v2 =	vsel vm13, $0x31, v2  }
0x17c: {  	v0 =	vsel vm14, $0x32, v2;
	vm15 =	veq.s32 v63, $0x0  }
0x17d: {  	v0 =	vsel vm15, v0, v63  }
0x17e: {  	s21 =	sadd.s32 $0x40, s21;
	s20 =	sadd.s32 $0x40, s20;
	v2 =	vld [tilespmem:$0x1FFF0];
	[tilespmem:s19+$0x10] =	vst v0;
	s19 =	sadd.s32 $0x40, s19  }
0x17f: {  	s19 =	simm.s32 $0x0  }
0x180: {  	[hbm4b:s7+s19] =	stream.linear.scatter [tilespmem:s14], [sflag:$0x3], $0x100, $0x38;
	[tilespmem:$0x10400] =	vst v63  }
0x181: {  	_ =	swait.ge [sflag:s15], $0x100  }
0x182: {  	[sflag:s15] =	ssyncset.done $0x0  }
0x183: {  	[sflag:s15] =	ssyncadd.s32 $0xFFFFFF00  }
0x184: {  	_ =	swait.ge [sflag:s16], $0x8000  }
0x185: {  	[sflag:s16] =	ssyncset.done $0x0  }
0x186: {  	[sflag:s16] =	ssyncadd.s32 $0xFFFF8000  }
0x187: {  	_ =	swait.ge [sflag:s16], $0x100  }
0x188: {  	[sflag:s16] =	ssyncset.done $0x0  }
0x189: {  	s20 =	simm.s32 $0x10320;
	s21 =	simm.s32 $0x10120;
	[sflag:s16] =	ssyncadd.s32 $0xFFFFFF00  }
.LBB2_4:
0x18a: {  	_ =	sdelay $0x1  }
0x18b: {  	v0 =	vmov s19;
	s22 =	sadd.s32 $0x10, s19  }
0x18c: {  	v0 =	vshll.u32 v0, $0x7;
	v1 =	vmov s22  }
0x18d: {  	v1 =	vshll.u32 v1, $0x7;
	v56 =	vor.u32 v2, v0  }
0x18e: {  	s30 =	sadd.s32 $0x20, s19;
	v34 =	vor.u32 v2, v1  }
0x18f: {  	v0 =	vmov s30;
	v4 =	vor.u32 $0x1, v56  }
0x190: {  	v0 =	vshll.u32 v0, $0x7;
	v8 =	vor.u32 $0x2, v56  }
0x191: {  	v25 =	vor.u32 $0x2, v34;
	v3 =	vor.u32 v2, v0;
	v2 =	vld [tilespmem:$0x1FFF0]  }
0x192: {  	v11 =	vor.u32 $0x3, v34;
	v5 =	vld.idx.msk [tilespmem:v56+s11+$0x0], $0xffff  }
0x193: {  	v13 =	vor.u32 $0x4, v34;
	v7 =	vld.idx.msk [tilespmem:v34+s11+$0x0], $0xffff  }
0x194: {  	v30 =	vor.u32 $0x6, v56;
	v9 =	vld.idx.msk [tilespmem:v4+s11+$0x0], $0xffff  }
0x195: {  	v33 =	vor.u32 $0x7, v34;
	v8 =	vld.idx.msk [tilespmem:v8+s11+$0x0], $0xffff  }
0x196: {  	v21 =	vor.u32 $0x8, v34;
	v12 =	vld.idx.msk [tilespmem:v25+s11+$0x0], $0xffff  }
0x197: {  	s31 =	sadd.s32 $0x30, s19;
	v0 =	vor.u32 $0x1, v34;
	v11 =	vld.idx.msk [tilespmem:v11+s11+$0x0], $0xffff  }
0x198: {  	v1 =	vmov s31;
	v23 =	vor.u32 $0x9, v34;
	v13 =	vld.idx.msk [tilespmem:v13+s11+$0x0], $0xffff  }
0x199: {  	v1 =	vshll.u32 v1, $0x7;
	v27 =	vor.u32 $0x3, v3;
	v19 =	vld.idx.msk [tilespmem:v30+s11+$0x0], $0xffff  }
0x19a: {  	v22 =	vld.idx.msk [tilespmem:v33+s11+$0x0], $0xffff;
	v2 =	vor.u32 v2, v1;
	v1 =	vor.u32 $0x1, v3  }
0x19b: {  	v14 =	vor.u32 $0x4, v3;
	v21 =	vld.idx.msk [tilespmem:v21+s11+$0x0], $0xffff  }
0x19c: {  	v10 =	vld.idx.msk [tilespmem:v0+s11+$0x0], $0xffff;
	v0 =	vor.u32 $0x2, v3  }
0x19d: {  	v16 =	vor.u32 $0x5, v3;
	v23 =	vld.idx.msk [tilespmem:v23+s11+$0x0], $0xffff  }
0x19e: {  	v24 =	vor.u32 $0x9, v3;
	v4 =	vld.idx.msk [tilespmem:v27+s11+$0x0], $0xffff  }
0x19f: {  	v44 =	vor.u32 $0xE, v3;
	v1 =	vld.idx.msk [tilespmem:v1+s11+$0x0], $0xffff  }
0x1a0: {  	v52 =	vor.u32 $0x10, v3;
	v14 =	vld.idx.msk [tilespmem:v14+s11+$0x0], $0xffff  }
0x1a1: {  	v33 =	vor.u32 $0xD, v3;
	v0 =	vld.idx.msk [tilespmem:v0+s11+$0x0], $0xffff  }
0x1a2: {  	v46 =	vor.u32 $0xF, v3;
	v16 =	vld.idx.msk [tilespmem:v16+s11+$0x0], $0xffff  }
0x1a3: {  	v50 =	vor.u32 $0x10, v56;
	v24 =	vld.idx.msk [tilespmem:v24+s11+$0x0], $0xffff  }
0x1a4: {  	v47 =	vld.idx.msk [tilespmem:v44+s11+$0x0], $0xffff;
	[tilespmem:$0x1FA20] =	vst v1;
	v1 =	vor.u32 $0x2, v2  }
0x1a5: {  	v6 =	vor.u32 $0x1, v2;
	v58 =	vld.idx.msk [tilespmem:v52+s11+$0x0], $0xffff  }
0x1a6: {  	v33 =	vld.idx.msk [tilespmem:v33+s11+$0x0], $0xffff;
	[tilespmem:$0x1FA50] =	vst v0;
	v0 =	vor.u32 $0x3, v2  }
0x1a7: {  	v28 =	vor.u32 $0x4, v2;
	vm0 =	vgt.f32 v9, v5;
	v5 =	vmax.f32 v5, v9;
	v9 =	vld.idx.msk [tilespmem:v46+s11+$0x0], $0xffff  }
0x1a8: {  	v29 =	vor.u32 $0x5, v2;
	vm9 =	vgt.f32 v8, v5;
	v5 =	vmax.f32 v5, v8;
	v8 =	vld.idx.msk [tilespmem:v50+s11+$0x0], $0xffff  }
0x1a9: {  	v31 =	vor.u32 $0x6, v2;
	v1 =	vld.idx.msk [tilespmem:v1+s11+$0x0], $0xffff  }
0x1aa: {  	v38 =	vor.u32 $0xA, v2;
	v6 =	vld.idx.msk [tilespmem:v6+s11+$0x0], $0xffff  }
0x1ab: {  	v39 =	vor.u32 $0xB, v56;
	[tilespmem:$0x1FA80] =	vst v4;
	v0 =	vld.idx.msk [tilespmem:v0+s11+$0x0], $0xffff  }
0x1ac: {  	v45 =	vor.u32 $0xE, v2;
	[tilespmem:$0x1FAA0] =	vst v14;
	v4 =	vld.idx.msk [tilespmem:v28+s11+$0x0], $0xffff  }
0x1ad: {  	v48 =	vor.u32 $0xF, v2;
	[tilespmem:$0x1FAC0] =	vst v16;
	v14 =	vld.idx.msk [tilespmem:v29+s11+$0x0], $0xffff  }
0x1ae: {  	v16 =	vld.idx.msk [tilespmem:v31+s11+$0x0], $0xffff;
	[tilespmem:$0x1FA70] =	vst v1;
	v1 =	vor.u32 $0x4, v56  }
0x1af: {  	v55 =	vor.u32 $0x11, v34;
	[tilespmem:$0x1FB40] =	vst v24;
	v24 =	vld.idx.msk [tilespmem:v38+s11+$0x0], $0xffff  }
0x1b0: {  	v29 =	vld.idx.msk [tilespmem:v39+s11+$0x0], $0xffff;
	[tilespmem:$0x1FA90] =	vst v0;
	v0 =	vor.u32 $0x5, v56  }
0x1b1: {  	v51 =	vor.u32 $0x10, v34;
	v49 =	vld.idx.msk [tilespmem:v45+s11+$0x0], $0xffff  }
0x1b2: {  	v53 =	vor.u32 $0x10, v2;
	vm1 =	vgt.f32 v10, v7;
	v7 =	vmax.f32 v7, v10;
	v10 =	vld.idx.msk [tilespmem:v48+s11+$0x0], $0xffff  }
0x1b3: {  	vm10 =	vgt.f32 v12, v7;
	v7 =	vmax.f32 v7, v12;
	v15 =	vld.idx.msk [tilespmem:v1+s11+$0x0], $0xffff;
	v1 =	vor.u32 $0x5, v34  }
0x1b4: {  	v26 =	vor.u32 $0x3, v56;
	vm11 =	vgt.f32 v11, v7;
	v7 =	vmax.f32 v7, v11;
	v11 =	vld.idx.msk [tilespmem:v55+s11+$0x0], $0xffff  }
0x1b5: {  	v17 =	vld.idx.msk [tilespmem:v0+s11+$0x0], $0xffff;
	v0 =	vor.u32 $0x6, v34  }
0x1b6: {  	v32 =	vor.u32 $0x7, v56;
	vm12 =	vgt.f32 v13, v7;
	v7 =	vmax.f32 v7, v13;
	v13 =	vld.idx.msk [tilespmem:v51+s11+$0x0], $0xffff  }
0x1b7: {  	v35 =	vor.u32 $0x8, v56;
	[tilespmem:$0x1FC00] =	vst v9;
	v9 =	vld.idx.msk [tilespmem:v53+s11+$0x0], $0xffff  }
0x1b8: {  	v18 =	vld.idx.msk [tilespmem:v1+s11+$0x0], $0xffff;
	v1 =	vor.u32 $0x6, v3  }
0x1b9: {  	v36 =	vor.u32 $0x8, v3;
	[tilespmem:$0x1FA40] =	vst v6;
	v6 =	vld.idx.msk [tilespmem:v26+s11+$0x0], $0xffff  }
0x1ba: {  	v20 =	vld.idx.msk [tilespmem:v0+s11+$0x0], $0xffff;
	v0 =	vor.u32 $0x7, v3  }
0x1bb: {  	v41 =	vor.u32 $0xC, v56;
	[tilespmem:$0x1FAD0] =	vst v14;
	v14 =	vld.idx.msk [tilespmem:v32+s11+$0x0], $0xffff  }
0x1bc: {  	v42 =	vor.u32 $0xC, v34;
	[tilespmem:$0x1FAF0] =	vst v16;
	v16 =	vld.idx.msk [tilespmem:v35+s11+$0x0], $0xffff  }
0x1bd: {  	v54 =	vor.u32 $0x11, v56;
	[tilespmem:$0x1FBE0] =	vst v47;
	v1 =	vld.idx.msk [tilespmem:v1+s11+$0x0], $0xffff  }
0x1be: {  	v47 =	vor.u32 $0x15, v3;
	[tilespmem:$0x1FAB0] =	vst v4;
	v4 =	vld.idx.msk [tilespmem:v36+s11+$0x0], $0xffff  }
0x1bf: {  	v48 =	vor.u32 $0x15, v2;
	v0 =	vld.idx.msk [tilespmem:v0+s11+$0x0], $0xffff  }
0x1c0: {  	v37 =	vor.u32 $0x9, v2;
	[tilespmem:$0x1FB70] =	vst v24;
	v24 =	vld.idx.msk [tilespmem:v41+s11+$0x0], $0xffff  }
0x1c1: {  	v51 =	vor.u32 $0x16, v3;
	v32 =	vld.idx.msk [tilespmem:v42+s11+$0x0], $0xffff;
	[tilespmem:$0x1FC10] =	vst v10  }
0x1c2: {  	v10 =	vld.idx.msk [tilespmem:v54+s11+$0x0], $0xffff;
	[tilespmem:$0x1FAE0] =	vst v1;
	v1 =	vor.u32 $0x7, v2  }
0x1c3: {  	v26 =	vor.u32 $0xA, v3;
	v52 =	vld.idx.msk [tilespmem:v47+s11+$0x0], $0xffff  }
0x1c4: {  	v54 =	vld.idx.msk [tilespmem:v48+s11+$0x0], $0xffff;
	[tilespmem:$0x1FB00] =	vst v0;
	v0 =	vor.u32 $0x8, v2  }
0x1c5: {  	v31 =	vor.u32 $0xD, v34;
	[tilespmem:$0x1FB20] =	vst v4;
	v4 =	vld.idx.msk [tilespmem:v37+s11+$0x0], $0xffff  }
0x1c6: {  	v59 =	vor.u32 $0x11, v2;
	v48 =	vld.idx.msk [tilespmem:v51+s11+$0x0], $0xffff  }
0x1c7: {  	v60 =	vor.u32 $0x12, v56;
	v1 =	vld.idx.msk [tilespmem:v1+s11+$0x0], $0xffff  }
0x1c8: {  	v40 =	vor.u32 $0xB, v2;
	v26 =	vld.idx.msk [tilespmem:v26+s11+$0x0], $0xffff  }
0x1c9: {  	v53 =	vor.u32 $0x16, v2;
	v0 =	vld.idx.msk [tilespmem:v0+s11+$0x0], $0xffff  }
0x1ca: {  	v36 =	vor.u32 $0xF, v56;
	[tilespmem:$0x1FB50] =	vst v4;
	v4 =	vld.idx.msk [tilespmem:v31+s11+$0x0], $0xffff  }
0x1cb: {  	[tilespmem:$0x1FC30] =	vst v9;
	v37 =	vor.u32 $0xF, v34;
	v31 =	vld.idx.msk [tilespmem:v59+s11+$0x0], $0xffff  }
0x1cc: {  	v9 =	vld.idx.msk [tilespmem:v60+s11+$0x0], $0xffff;
	[tilespmem:$0x1FB10] =	vst v1;
	v1 =	vor.u32 $0x9, v56  }
0x1cd: {  	v43 =	vor.u32 $0xD, v56;
	[tilespmem:$0x1FB60] =	vst v26;
	v26 =	vld.idx.msk [tilespmem:v40+s11+$0x0], $0xffff  }
0x1ce: {  	v61 =	vor.u32 $0x12, v34;
	v47 =	vld.idx.msk [tilespmem:v53+s11+$0x0], $0xffff;
	[tilespmem:$0x1FB30] =	vst v0;
	v0 =	vor.u32 $0xA, v56  }
0x1cf: {  	v57 =	vor.u32 $0x11, v3;
	v62 =	vor.u32 $0x12, v3;
	v63 =	vor.u32 $0x12, v2;
	v12 =	vld.idx.msk [tilespmem:v36+s11+$0x0], $0xffff  }
0x1d0: {  	vm2 =	vgt.f32 v6, v5;
	v5 =	vmax.f32 v5, v6;
	v6 =	vld.idx.msk [tilespmem:v37+s11+$0x0], $0xffff;
	[tilespmem:$0x1FC50] =	vst v31;
	v31 =	vor.u32 $0x19, v3  }
0x1d1: {  	v44 =	vor.u32 $0x14, v2;
	v46 =	vor.u32 $0x15, v34;
	v25 =	vld.idx.msk [tilespmem:v1+s11+$0x0], $0xffff;
	v1 =	vor.u32 $0xA, v34  }
0x1d2: {  	v50 =	vor.u32 $0x16, v34;
	v38 =	vimm.s32 $0x0;
	v39 =	vor.u32 $0x13, v2;
	[tilespmem:$0x1FB90] =	vst v26;
	v26 =	vld.idx.msk [tilespmem:v43+s11+$0x0], $0xffff  }
0x1d3: {  	v45 =	vor.u32 $0x15, v56;
	v55 =	vor.u32 $0x17, v56;
	v27 =	vld.idx.msk [tilespmem:v0+s11+$0x0], $0xffff;
	v0 =	vor.u32 $0xB, v34  }
0x1d4: {  	[tilespmem:$0x1FBC0] =	vst v33;
	v33 =	vor.u32 $0x13, v56;
	vm3 =	vgt.f32 v15, v5;
	v5 =	vmax.f32 v5, v15;
	v15 =	vld.idx.msk [tilespmem:v57+s11+$0x0], $0xffff  }
0x1d5: {  	v35 =	vor.u32 $0xE, v34;
	[tilespmem:$0x1FCD0] =	vst v54;
	vm4 =	vgt.f32 v17, v5;
	v5 =	vmax.f32 v5, v17;
	v54 =	vld.idx.msk [tilespmem:v31+s11+$0x0], $0xffff  }
0x1d6: {  	vm5 =	vgt.f32 v19, v5;
	v5 =	vmax.f32 v5, v19;
	v28 =	vld.idx.msk [tilespmem:v1+s11+$0x0], $0xffff;
	v1 =	vor.u32 $0xB, v3  }
0x1d7: {  	v41 =	vsel vm1, $0x1, v38;
	vm6 =	vgt.f32 v14, v5;
	v5 =	vmax.f32 v5, v14;
	v14 =	vld.idx.msk [tilespmem:v62+s11+$0x0], $0xffff  }
0x1d8: {  	[tilespmem:$0x1FBF0] =	vst v49;
	v42 =	vor.u32 $0x14, v34;
	v49 =	vor.u32 $0x16, v56;
	v30 =	vld.idx.msk [tilespmem:v0+s11+$0x0], $0xffff;
	v0 =	vor.u32 $0xC, v3  }
0x1d9: {  	v37 =	vor.u32 $0x13, v3;
	vm7 =	vgt.f32 v16, v5;
	v5 =	vmax.f32 v5, v16;
	v16 =	vld.idx.msk [tilespmem:v33+s11+$0x0], $0xffff  }
0x1da: {  	v60 =	vor.u32 $0x17, v2;
	vm13 =	vgt.f32 v18, v7;
	v7 =	vmax.f32 v7, v18;
	v18 =	vld.idx.msk [tilespmem:v61+s11+$0x0], $0xffff  }
0x1db: {  	v36 =	vsel vm0, $0x1, v38;
	v38 =	vor.u32 $0x1B, v56;
	v40 =	vor.u32 $0x14, v56;
	v1 =	vld.idx.msk [tilespmem:v1+s11+$0x0], $0xffff  }
0x1dc: {  	v59 =	vor.u32 $0x17, v3;
	v43 =	vor.u32 $0x14, v3;
	v57 =	vor.u32 $0x17, v34;
	[tilespmem:$0x1FC40] =	vst v15;
	v15 =	vld.idx.msk [tilespmem:v63+s11+$0x0], $0xffff  }
0x1dd: {  	v31 =	vor.u32 $0x1E, v2;
	v19 =	vsel vm9, $0x2, v36;
	v36 =	vor.u32 $0x1A, v3;
	v0 =	vld.idx.msk [tilespmem:v0+s11+$0x0], $0xffff  }
0x1de: {  	v63 =	vor.u32 $0x18, v3;
	vm14 =	vgt.f32 v20, v7;
	v7 =	vmax.f32 v7, v20;
	v20 =	vld.idx.msk [tilespmem:v37+s11+$0x0], $0xffff  }
0x1df: {  	v19 =	vsel vm2, $0x3, v19;
	vm15 =	vgt.f32 v22, v7;
	v7 =	vmax.f32 v7, v22;
	v22 =	vld.idx.msk [tilespmem:v42+s11+$0x0], $0xffff;
	[tilespmem:$0x1FC60] =	vst v14  }
0x1e0: {  	vm8 =	vgt.f32 v21, v7;
	v7 =	vmax.f32 v7, v21;
	v14 =	vld.idx.msk [tilespmem:v39+s11+$0x0], $0xffff;
	[tilespmem:$0x1FB80] =	vst v1;
	v1 =	vor.u32 $0xC, v2  }
0x1e1: {  	v62 =	vor.u32 $0x18, v34;
	vm9 =	vgt.f32 v23, v7;
	v7 =	vmax.f32 v7, v23;
	v23 =	vld.idx.msk [tilespmem:v43+s11+$0x0], $0xffff;
	[tilespmem:$0x1FC70] =	vst v15  }
0x1e2: {  	v19 =	vsel vm3, $0x4, v19;
	v21 =	vsel vm10, $0x2, v41;
	v15 =	vld.idx.msk [tilespmem:v40+s11+$0x0], $0xffff;
	[tilespmem:$0x1FBA0] =	vst v0;
	v0 =	vor.u32 $0xD, v2  }
0x1e3: {  	[tilespmem:$0x1FCC0] =	vst v52;
	v33 =	vor.u32 $0x1A, v56;
	v19 =	vsel vm4, $0x5, v19;
	v21 =	vsel vm11, $0x3, v21;
	v52 =	vld.idx.msk [tilespmem:v63+s11+$0x0], $0xffff  }
0x1e4: {  	v61 =	vor.u32 $0x18, v56;
	v19 =	vsel vm5, $0x6, v19;
	v21 =	vsel vm12, $0x4, v21;
	[tilespmem:$0x1FC80] =	vst v20;
	v20 =	vld.idx.msk [tilespmem:v44+s11+$0x0], $0xffff  }
0x1e5: {  	v37 =	vor.u32 $0x1A, v2;
	v41 =	vor.u32 $0x1B, v3;
	v21 =	vsel vm13, $0x5, v21;
	v1 =	vld.idx.msk [tilespmem:v1+s11+$0x0], $0xffff  }
0x1e6: {  	[tilespmem:$0x1FC20] =	vst v58;
	v19 =	vsel vm6, $0x7, v19;
	v42 =	vor.u32 $0x1B, v2;
	v58 =	vsel vm14, $0x6, v21;
	v21 =	vld.idx.msk [tilespmem:v50+s11+$0x0], $0xffff  }
0x1e7: {  	v19 =	vsel vm7, $0x8, v19;
	vm0 =	vgt.f32 v25, v5;
	v5 =	vmax.f32 v5, v25;
	v0 =	vld.idx.msk [tilespmem:v0+s11+$0x0], $0xffff  }
0x1e8: {  	v39 =	vor.u32 $0x1B, v34;
	v50 =	vld.idx.msk [tilespmem:v59+s11+$0x0], $0xffff;
	vm1 =	vgt.f32 v27, v5;
	v5 =	vmax.f32 v5, v27  }
0x1e9: {  	v43 =	vor.u32 $0x1C, v56;
	[tilespmem:$0x1FC90] =	vst v14;
	v14 =	vld.idx.msk [tilespmem:v45+s11+$0x0], $0xffff;
	vm2 =	vgt.f32 v29, v5;
	v5 =	vmax.f32 v5, v29  }
0x1ea: {  	v59 =	vld.idx.msk [tilespmem:v41+s11+$0x0], $0xffff;
	vm3 =	vgt.f32 v24, v5;
	v5 =	vmax.f32 v5, v24;
	[tilespmem:$0x1FBB0] =	vst v1;
	v1 =	vor.u32 $0xE, v56  }
0x1eb: {  	[tilespmem:$0x1FCB0] =	vst v20;
	v20 =	vld.idx.msk [tilespmem:v49+s11+$0x0], $0xffff;
	vm4 =	vgt.f32 v26, v5;
	v5 =	vmax.f32 v5, v26;
	v26 =	vor.u32 $0x1D, v3  }
0x1ec: {  	vm10 =	vgt.f32 v28, v7;
	v7 =	vmax.f32 v7, v28;
	[tilespmem:$0x1FBD0] =	vst v0;
	v0 =	vld.idx.msk [tilespmem:v35+s11+$0x0], $0xffff;
	v35 =	vor.u32 $0x13, v34  }
0x1ed: {  	v49 =	vld.idx.msk [tilespmem:v60+s11+$0x0], $0xffff;
	v28 =	vor.u32 $0x18, v2;
	vm11 =	vgt.f32 v30, v7;
	v7 =	vmax.f32 v7, v30  }
0x1ee: {  	v25 =	vld.idx.msk [tilespmem:v46+s11+$0x0], $0xffff;
	vm12 =	vgt.f32 v32, v7;
	v7 =	vmax.f32 v7, v32;
	v32 =	vor.u32 $0x19, v2  }
0x1ef: {  	v44 =	vor.u32 $0x1C, v34;
	v19 =	vsel vm0, $0x9, v19;
	v29 =	vor.u32 $0x19, v56;
	v1 =	vld.idx.msk [tilespmem:v1+s11+$0x0], $0xffff  }
0x1f0: {  	v45 =	vor.u32 $0x1C, v3;
	v46 =	vor.u32 $0x1C, v2;
	v19 =	vsel vm1, $0xA, v19;
	v63 =	vld.idx.msk [tilespmem:v26+s11+$0x0], $0xffff  }
0x1f1: {  	v27 =	vor.u32 $0x1D, v2;
	v19 =	vsel vm2, $0xB, v19;
	v17 =	vld.idx.msk [tilespmem:v35+s11+$0x0], $0xffff;
	v35 =	vor.u32 $0x1A, v34  }
0x1f2: {  	v24 =	vor.u32 $0x1D, v56;
	vm13 =	vgt.f32 v4, v7;
	v4 =	vmax.f32 v7, v4;
	v51 =	vld.idx.msk [tilespmem:v28+s11+$0x0], $0xffff  }
0x1f3: {  	v19 =	vsel vm3, $0xC, v19;
	v53 =	vld.idx.msk [tilespmem:v32+s11+$0x0], $0xffff;
	vm14 =	vgt.f32 v0, v4;
	v0 =	vmax.f32 v4, v0  }
0x1f4: {  	v4 =	vld.idx.msk [tilespmem:v29+s11+$0x0], $0xffff;
	v29 =	vor.u32 $0x1E, v34;
	vm5 =	vgt.f32 v1, v5;
	v1 =	vmax.f32 v5, v1  }
0x1f5: {  	v5 =	vsel vm15, $0x7, v58;
	vm15 =	vgt.f32 v6, v0;
	v0 =	vmax.f32 v0, v6;
	v6 =	vld.idx.msk [tilespmem:v57+s11+$0x0], $0xffff  }
0x1f6: {  	v19 =	vsel vm4, $0xD, v19;
	v30 =	vor.u32 $0x19, v34;
	v26 =	vor.u32 $0x20, v2;
	v40 =	vld.idx.msk [tilespmem:v35+s11+$0x0], $0xffff  }
0x1f7: {  	v28 =	vor.u32 $0x1E, v56;
	v32 =	vor.u32 $0x1F, v56;
	v57 =	vld.idx.msk [tilespmem:v36+s11+$0x0], $0xffff;
	v35 =	vimm.s32 $0x0  }
0x1f8: {  	v36 =	vor.u32 $0x1F, v3;
	vm6 =	vgt.f32 v12, v1;
	v1 =	vmax.f32 v1, v12;
	v12 =	vld.idx.msk [tilespmem:v62+s11+$0x0], $0xffff  }
0x1f9: {  	v5 =	vsel vm8, $0x8, v5;
	vm8 =	vgt.f32 v13, v0;
	v0 =	vmax.f32 v0, v13;
	v62 =	vld.idx.msk [tilespmem:v27+s11+$0x0], $0xffff  }
0x1fa: {  	v19 =	vsel vm5, $0xE, v19;
	v13 =	vld.idx.msk [tilespmem:v29+s11+$0x0], $0xffff;
	v27 =	vimm.s32 $0x0;
	v29 =	vor.u32 $0x21, v34  }
0x1fb: {  	v60 =	vld.idx.msk [tilespmem:v46+s11+$0x0], $0xffff;
	vm7 =	vgt.f32 v8, v1;
	v1 =	vmax.f32 v1, v8;
	v5 =	vsel vm9, $0x9, v5  }
0x1fc: {  	v46 =	vld.idx.msk [tilespmem:v31+s11+$0x0], $0xffff;
	vm9 =	vgt.f32 v11, v0;
	v0 =	vmax.f32 v0, v11;
	v19 =	vsel vm6, $0xF, v19  }
0x1fd: {  	v11 =	vld.idx.msk [tilespmem:v33+s11+$0x0], $0xffff;
	v33 =	vor.u32 $0x1F, v34;
	vm0 =	vgt.f32 v10, v1;
	v1 =	vmax.f32 v1, v10  }
0x1fe: {  	v5 =	vsel vm10, $0xA, v5;
	vm10 =	vgt.f32 v18, v0;
	v0 =	vmax.f32 v0, v18;
	v10 =	vld.idx.msk [tilespmem:v38+s11+$0x0], $0xffff  }
0x1ff: {  	v18 =	vld.idx.msk [tilespmem:v44+s11+$0x0], $0xffff;
	v19 =	vsel vm7, $0x10, v19;
	v38 =	vor.u32 $0x1F, v2;
	v44 =	vimm.s32 $0x0  }
0x200: {  	v7 =	vld.idx.msk [tilespmem:v55+s11+$0x0], $0xffff;
	vm1 =	vgt.f32 v9, v1;
	v1 =	vmax.f32 v1, v9;
	v5 =	vsel vm11, $0xB, v5  }
0x201: {  	v9 =	vld.idx.msk [tilespmem:v30+s11+$0x0], $0xffff;
	vm11 =	vgt.f32 v17, v0;
	v0 =	vmax.f32 v0, v17;
	v30 =	vor.u32 $0x1E, v3  }
0x202: {  	v55 =	vld.idx.msk [tilespmem:v37+s11+$0x0], $0xffff;
	v19 =	vsel vm0, $0x11, v19;
	vm2 =	vgt.f32 v16, v1;
	v1 =	vmax.f32 v1, v16  }
0x203: {  	v58 =	vld.idx.msk [tilespmem:v42+s11+$0x0], $0xffff;
	v5 =	vsel vm12, $0xC, v5;
	vm12 =	vgt.f32 v22, v0;
	v0 =	vmax.f32 v0, v22  }
0x204: {  	v16 =	vld.idx.msk [tilespmem:v39+s11+$0x0], $0xffff;
	v39 =	vor.u32 $0x20, v56;
	v19 =	vsel vm1, $0x12, v19;
	v22 =	vor.u32 $0x24, v3  }
0x205: {  	v42 =	vld.idx.msk [tilespmem:v26+s11+$0x0], $0xffff;
	vm3 =	vgt.f32 v15, v1;
	v1 =	vmax.f32 v1, v15;
	v5 =	vsel vm13, $0xD, v5  }
0x206: {  	v8 =	vld.idx.msk [tilespmem:v61+s11+$0x0], $0xffff;
	vm13 =	vgt.f32 v25, v0;
	v0 =	vmax.f32 v0, v25;
	v25 =	vor.u32 $0x1D, v34  }
0x207: {  	v61 =	vld.idx.msk [tilespmem:v45+s11+$0x0], $0xffff;
	vm4 =	vgt.f32 v14, v1;
	v1 =	vmax.f32 v1, v14;
	v5 =	vsel vm14, $0xE, v5  }
0x208: {  	v15 =	vld.idx.msk [tilespmem:v43+s11+$0x0], $0xffff;
	vm14 =	vgt.f32 v21, v0;
	v0 =	vmax.f32 v0, v21;
	vm5 =	vgt.f32 v20, v1  }
0x209: {  	v43 =	vld.idx.msk [tilespmem:v36+s11+$0x0], $0xffff;
	v1 =	vmax.f32 v1, v20;
	v5 =	vsel vm15, $0xF, v5;
	vm15 =	vgt.f32 v6, v0  }
0x20a: {  	v0 =	vmax.f32 v0, v6;
	vm6 =	vgt.f32 v7, v1;
	v1 =	vmax.f32 v1, v7;
	v7 =	vld.idx.msk [tilespmem:v24+s11+$0x0], $0xffff  }
0x20b: {  	v5 =	vsel vm8, $0x10, v5;
	vm8 =	vgt.f32 v12, v0;
	v0 =	vmax.f32 v0, v12;
	v12 =	vld.idx.msk [tilespmem:v28+s11+$0x0], $0xffff  }
0x20c: {  	v45 =	vld.idx.msk [tilespmem:v30+s11+$0x0], $0xffff;
	v24 =	vor.u32 $0x20, v34;
	v28 =	vor.u32 $0x21, v56;
	v30 =	vor.u32 $0x21, v3  }
0x20d: {  	vm7 =	vgt.f32 v8, v1;
	v1 =	vmax.f32 v1, v8;
	v37 =	vsel vm9, $0x11, v5;
	v8 =	vld.idx.msk [tilespmem:v32+s11+$0x0], $0xffff  }
0x20e: {  	v32 =	vor.u32 $0x21, v2;
	v6 =	vld.idx.msk [tilespmem:v25+s11+$0x0], $0xffff;
	vm0 =	vgt.f32 v4, v1;
	v1 =	vmax.f32 v1, v4  }
0x20f: {  	v4 =	vsel vm10, $0x12, v37;
	vm9 =	vgt.f32 v11, v1;
	v1 =	vmax.f32 v1, v11;
	v11 =	vld.idx.msk [tilespmem:v33+s11+$0x0], $0xffff  }
0x210: {  	v21 =	vsel vm0, $0xFFFFFFFF, v35;
	vm0 =	vgt.f32 v9, v0;
	v0 =	vmax.f32 v0, v9;
	v9 =	vld.idx.msk [tilespmem:v39+s11+$0x0], $0xffff  }
0x211: {  	v25 =	vor.u32 $0x20, v3;
	v20 =	vsel vm9, $0xFFFFFFFF, v44;
	vm10 =	vgt.f32 v40, v0;
	v44 =	vld.idx.msk [tilespmem:v38+s11+$0x0], $0xffff  }
0x212: {  	v0 =	vmax.f32 v0, v40;
	vm9 =	vgt.f32 v10, v1;
	v1 =	vmax.f32 v1, v10;
	v10 =	vld.idx.msk [tilespmem:v29+s11+$0x0], $0xffff  }
0x213: {  	v4 =	vsel vm11, $0x13, v4;
	vm11 =	vgt.f32 v16, v0;
	v0 =	vmax.f32 v0, v16;
	v16 =	vld.idx.msk [tilespmem:v24+s11+$0x0], $0xffff  }
0x214: {  	v26 =	vor.u32 $0x23, v56;
	v19 =	vsel vm2, $0x13, v19;
	v5 =	vsel vm9, $0xFFFFFFFF, v27;
	v39 =	vld.idx.msk [tilespmem:v30+s11+$0x0], $0xffff  }
0x215: {  	v19 =	vsel vm3, $0x14, v19;
	[tilespmem:$0x1F9F0] =	vst v5;
	v5 =	vld.idx.msk [tilespmem:v28+s11+$0x0], $0xffff  }
0x216: {  	[tilespmem:$0x1FCA0] =	vst v23;
	v31 =	vimm.s32 $0x0;
	v23 =	vsel vm4, $0x15, v19;
	v33 =	vor.u32 $0x22, v56;
	v40 =	vld.idx.msk [tilespmem:v32+s11+$0x0], $0xffff  }
0x217: {  	v35 =	vor.u32 $0x22, v34;
	v4 =	vsel vm12, $0x14, v4;
	vm9 =	vgt.f32 v15, v1;
	v32 =	vld.idx.msk [tilespmem:v22+s11+$0x0], $0xffff  }
0x218: {  	[tilespmem:$0x1F9D0] =	vst v21;
	v29 =	vor.u32 $0x23, v2;
	v21 =	vor.u32 $0x24, v34;
	v14 =	vsel vm9, $0xFFFFFFFF, v31;
	v41 =	vld.idx.msk [tilespmem:v25+s11+$0x0], $0xffff  }
0x219: {  	v1 =	vmax.f32 v1, v15;
	v24 =	vor.u32 $0x22, v3;
	v4 =	vsel vm13, $0x15, v4;
	[tilespmem:$0x1FA00] =	vst v14;
	v14 =	vld.idx.msk [tilespmem:v26+s11+$0x0], $0xffff  }
0x21a: {  	[tilespmem:$0x1F9E0] =	vst v20;
	v27 =	vor.u32 $0x23, v34;
	v20 =	vor.u32 $0x29, v56;
	vm1 =	vgt.f32 v18, v0;
	v26 =	vld [tilespmem:$0x1F9D0]  }
0x21b: {  	v0 =	vmax.f32 v0, v18;
	vm12 =	vgt.f32 v7, v1;
	v18 =	vsel vm5, $0x16, v23;
	v15 =	vld.idx.msk [tilespmem:v33+s11+$0x0], $0xffff  }
0x21c: {  	vm2 =	vgt.f32 v6, v0;
	v6 =	vmax.f32 v0, v6;
	v30 =	vsel vm6, $0x17, v18;
	v0 =	vld.idx.msk [tilespmem:v35+s11+$0x0], $0xffff  }
0x21d: {  	v1 =	vmax.f32 v1, v7;
	v28 =	vor.u32 $0x23, v3;
	v17 =	vsel vm7, $0x18, v30;
	v30 =	vld [tilespmem:$0x1F9E0]  }
0x21e: {  	v4 =	vsel vm14, $0x16, v4;
	v31 =	vor.u32 $0x24, v56;
	v23 =	vor.u32 $0x24, v2;
	v36 =	vld.idx.msk [tilespmem:v29+s11+$0x0], $0xffff  }
0x21f: {  	v22 =	vor.u32 $0x2C, v56;
	v25 =	vor.u32 $0x22, v2;
	vm13 =	vgt.f32 v12, v1;
	v19 =	vld.idx.msk [tilespmem:v21+s11+$0x0], $0xffff  }
0x220: {  	v1 =	vmax.f32 v1, v12;
	v4 =	vsel vm15, $0x17, v4;
	v12 =	vor.u32 $0x2B, v2;
	v37 =	vld.idx.msk [tilespmem:v24+s11+$0x0], $0xffff  }
0x221: {  	vm3 =	vgt.f32 v13, v6;
	vm6 =	vgt.f32 v8, v1;
	v8 =	vmax.f32 v1, v8;
	v1 =	vld.idx.msk [tilespmem:v27+s11+$0x0], $0xffff  }
0x222: {  	v6 =	vmax.f32 v6, v13;
	v4 =	vsel vm8, $0x18, v4;
	v21 =	vor.u32 $0x2B, v56;
	v35 =	vld.idx.msk [tilespmem:v28+s11+$0x0], $0xffff  }
0x223: {  	vm4 =	vgt.f32 v11, v6;
	v6 =	vmax.f32 v6, v11;
	v24 =	vor.u32 $0x25, v56;
	v7 =	vld.idx.msk [tilespmem:v31+s11+$0x0], $0xffff  }
0x224: {  	vm7 =	vgt.f32 v9, v8;
	v8 =	vmax.f32 v8, v9;
	v27 =	vor.u32 $0x25, v34;
	v33 =	vld.idx.msk [tilespmem:v23+s11+$0x0], $0xffff  }
0x225: {  	v4 =	vsel vm0, $0x19, v4;
	v29 =	vor.u32 $0x28, v56;
	vm5 =	vgt.f32 v16, v6;
	v38 =	vld.idx.msk [tilespmem:v25+s11+$0x0], $0xffff  }
0x226: {  	v6 =	vmax.f32 v6, v16;
	v28 =	vor.u32 $0x27, v56;
	vm14 =	vnez.u8 v26;
	v26 =	vld [tilespmem:$0x1F9F0]  }
0x227: {  	vm0 =	vgt.f32 v10, v6;
	v6 =	vmax.f32 v6, v10;
	v25 =	vor.u32 $0x26, v56;
	v10 =	vld.idx.msk [tilespmem:v21+s11+$0x0], $0xffff  }
0x228: {  	v4 =	vsel vm10, $0x1A, v4;
	v16 =	vsel vm14, $0x19, v17;
	vm15 =	vnez.u8 v30;
	v9 =	vld.idx.msk [tilespmem:v24+s11+$0x0], $0xffff  }
0x229: {  	v23 =	vor.u32 $0x2A, v56;
	v4 =	vsel vm11, $0x1B, v4;
	v11 =	vsel vm15, $0x1A, v16;
	v16 =	vld.idx.msk [tilespmem:v27+s11+$0x0], $0xffff  }
0x22a: {  	vm9 =	vgt.f32 v5, v8;
	v5 =	vmax.f32 v8, v5;
	v4 =	vsel vm1, $0x1C, v4;
	v24 =	vld [tilespmem:$0x1FA00]  }
0x22b: {  	vm8 =	vgt.f32 v15, v5;
	v5 =	vmax.f32 v5, v15;
	v30 =	vor.u32 $0x26, v3;
	v8 =	vld.idx.msk [tilespmem:v28+s11+$0x0], $0xffff  }
0x22c: {  	v4 =	vsel vm2, $0x1D, v4;
	vm15 =	vgt.f32 v14, v5;
	v27 =	vor.u32 $0x25, v2;
	v13 =	vld.idx.msk [tilespmem:v25+s11+$0x0], $0xffff  }
0x22d: {  	v5 =	vmax.f32 v5, v14;
	v21 =	vor.u32 $0x2F, v56;
	v4 =	vsel vm3, $0x1E, v4;
	v25 =	vld.idx.msk [tilespmem:v20+s11+$0x0], $0xffff  }
0x22e: {  	v4 =	vsel vm4, $0x1F, v4;
	v28 =	vor.u32 $0x2E, v56;
	v20 =	vld.idx.msk [tilespmem:v23+s11+$0x0], $0xffff;
	v23 =	vor.u32 $0x2D, v56  }
0x22f: {  	v4 =	vsel vm5, $0x20, v4;
	vm14 =	vnez.u8 v26;
	v26 =	vor.u32 $0x26, v34  }
0x230: {  	v11 =	vsel vm14, $0x1B, v11;
	vm14 =	vgt.f32 v7, v5;
	v5 =	vmax.f32 v5, v7;
	v7 =	vld.idx.msk [tilespmem:v29+s11+$0x0], $0xffff  }
0x231: {  	vm10 =	vgt.f32 v9, v5;
	v5 =	vmax.f32 v5, v9;
	vm11 =	vnez.u8 v24;
	v29 =	vld.idx.msk [tilespmem:v27+s11+$0x0], $0xffff  }
0x232: {  	v24 =	vor.u32 $0x31, v56;
	v27 =	vor.u32 $0x27, v34;
	v9 =	vld.idx.msk [tilespmem:v21+s11+$0x0], $0xffff;
	v21 =	vor.u32 $0x27, v2  }
0x233: {  	v11 =	vsel vm11, $0x1C, v11;
	vm11 =	vgt.f32 v13, v5;
	v5 =	vmax.f32 v5, v13;
	v14 =	vld.idx.msk [tilespmem:v23+s11+$0x0], $0xffff  }
0x234: {  	v11 =	vsel vm12, $0x1D, v11;
	vm1 =	vgt.f32 v8, v5;
	v5 =	vmax.f32 v5, v8;
	v8 =	vld.idx.msk [tilespmem:v28+s11+$0x0], $0xffff  }
0x235: {  	v23 =	vor.u32 $0x26, v2;
	v11 =	vsel vm13, $0x1E, v11;
	v28 =	vld.idx.msk [tilespmem:v30+s11+$0x0], $0xffff;
	v30 =	vor.u32 $0x32, v56  }
0x236: {  	vm12 =	vgt.f32 v7, v5;
	v5 =	vmax.f32 v5, v7;
	v7 =	vld.idx.msk [tilespmem:v22+s11+$0x0], $0xffff;
	v22 =	vor.u32 $0x30, v56  }
0x237: {  	v11 =	vsel vm6, $0x1F, v11;
	v56 =	vimm.s32 $0x0;
	vm2 =	vgt.f32 v25, v5  }
0x238: {  	v5 =	vmax.f32 v5, v25;
	v25 =	vld.idx.msk [tilespmem:v26+s11+$0x0], $0xffff;
	v26 =	vimm.s32 $0x0;
	v11 =	vsel vm7, $0x20, v11  }
0x239: {  	vm13 =	vgt.f32 v20, v5;
	v5 =	vmax.f32 v5, v20;
	v20 =	vor.u32 $0x27, v3  }
0x23a: {  	v11 =	vsel vm9, $0x21, v11;
	vm9 =	vgt.f32 v0, v6;
	v0 =	vmax.f32 v6, v0  }
0x23b: {  	vm3 =	vgt.f32 v10, v5;
	v5 =	vmax.f32 v5, v10;
	v11 =	vsel vm8, $0x22, v11  }
0x23c: {  	vm5 =	vgt.f32 v1, v0;
	v0 =	vmax.f32 v0, v1;
	v18 =	vsel vm3, $0xFFFFFFFF, v26  }
0x23d: {  	v13 =	vld.idx.msk [tilespmem:v24+s11+$0x0], $0xffff;
	vm8 =	vgt.f32 v19, v0;
	vm6 =	vgt.f32 v7, v5;
	v5 =	vmax.f32 v5, v7  }
0x23e: {  	v0 =	vmax.f32 v0, v19;
	v19 =	vld.idx.msk [tilespmem:v12+s11+$0x0], $0xffff;
	vm3 =	vgt.f32 v14, v5;
	v5 =	vmax.f32 v5, v14  }
0x23f: {  	v10 =	vor.u32 $0x28, v3;
	v7 =	vld.idx.msk [tilespmem:v22+s11+$0x0], $0xffff;
	v22 =	vimm.s32 $0x0;
	vm4 =	vgt.f32 v8, v5  }
0x240: {  	[tilespmem:$0x1FA10] =	vst v18;
	v18 =	vsel vm6, $0xFFFFFFFF, v56;
	v56 =	vld.idx.msk [tilespmem:v23+s11+$0x0], $0xffff;
	v5 =	vmax.f32 v5, v8;
	v15 =	vsel vm4, $0xFFFFFFFF, v22  }
0x241: {  	vm4 =	vgt.f32 v9, v5;
	v5 =	vmax.f32 v5, v9;
	v9 =	vld.idx.msk [tilespmem:v30+s11+$0x0], $0xffff;
	v30 =	vor.u32 $0x29, v34  }
0x242: {  	v1 =	vor.u32 $0x2B, v34;
	v8 =	vld.idx.msk [tilespmem:v27+s11+$0x0], $0xffff  }
0x243: {  	v17 =	vor.u32 $0x28, v2;
	v4 =	vsel vm0, $0x21, v4;
	v23 =	vor.u32 $0x28, v34;
	v24 =	vld.idx.msk [tilespmem:v20+s11+$0x0], $0xffff  }
0x244: {  	v4 =	vsel vm9, $0x22, v4;
	v27 =	vld.idx.msk [tilespmem:v21+s11+$0x0], $0xffff;
	vm6 =	vgt.f32 v7, v5;
	v5 =	vmax.f32 v5, v7  }
0x245: {  	v14 =	vor.u32 $0x2A, v3;
	v22 =	vld.idx.msk [tilespmem:v10+s11+$0x0], $0xffff;
	vm7 =	vgt.f32 v13, v5;
	v5 =	vmax.f32 v5, v13  }
0x246: {  	[tilespmem:$0x1FA30] =	vst v18;
	v18 =	vsel vm15, $0x23, v11;
	vm9 =	vgt.f32 v9, v5;
	v9 =	vld.idx.msk [tilespmem:v30+s11+$0x0], $0xffff;
	v30 =	vor.u32 $0x2A, v2  }
0x247: {  	v10 =	vor.u32 $0x2A, v34;
	v6 =	vsel vm14, $0x24, v18;
	v1 =	vld.idx.msk [tilespmem:v1+s11+$0x0], $0xffff  }
0x248: {  	vm14 =	vgt.f32 v16, v0;
	v0 =	vmax.f32 v0, v16;
	[tilespmem:$0x1FA60] =	vst v15;
	v15 =	vor.u32 $0x2B, v3;
	v13 =	vld.idx.msk [tilespmem:v23+s11+$0x0], $0xffff  }
0x249: {  	vm0 =	vgt.f32 v25, v0;
	v0 =	vmax.f32 v0, v25;
	v25 =	vor.u32 $0x2E, v34;
	v23 =	vld.idx.msk [tilespmem:v17+s11+$0x0], $0xffff  }
0x24a: {  	v4 =	vsel vm5, $0x23, v4;
	v18 =	vld.idx.msk [tilespmem:v14+s11+$0x0], $0xffff;
	v14 =	vor.u32 $0x2C, v34  }
0x24b: {  	v4 =	vsel vm8, $0x24, v4;
	v20 =	vld.idx.msk [tilespmem:v30+s11+$0x0], $0xffff;
	v30 =	vor.u32 $0x2D, v34  }
0x24c: {  	v11 =	vor.u32 $0x2F, v34;
	v6 =	vsel vm10, $0x25, v6;
	v7 =	vor.u32 $0x29, v3;
	v10 =	vld.idx.msk [tilespmem:v10+s11+$0x0], $0xffff  }
0x24d: {  	v4 =	vsel vm14, $0x25, v4;
	vm8 =	vgt.f32 v8, v0;
	v0 =	vmax.f32 v0, v8;
	v17 =	vld.idx.msk [tilespmem:v15+s11+$0x0], $0xffff  }
0x24e: {  	v25 =	vld.idx.msk [tilespmem:v25+s11+$0x0], $0xffff;
	vm14 =	vgt.f32 v13, v0;
	v0 =	vmax.f32 v0, v13;
	v13 =	vor.u32 $0x30, v34  }
0x24f: {  	v12 =	vor.u32 $0x31, v34;
	v6 =	vsel vm11, $0x26, v6;
	v4 =	vsel vm0, $0x26, v4;
	v5 =	vld.idx.msk [tilespmem:v14+s11+$0x0], $0xffff  }
0x250: {  	v6 =	vsel vm1, $0x27, v6;
	vm15 =	vgt.f32 v9, v0;
	v0 =	vmax.f32 v0, v9;
	v9 =	vld.idx.msk [tilespmem:v30+s11+$0x0], $0xffff  }
0x251: {  	v8 =	vor.u32 $0x2C, v3;
	v21 =	vld.idx.msk [tilespmem:v7+s11+$0x0], $0xffff;
	vm11 =	vgt.f32 v10, v0;
	v0 =	vmax.f32 v0, v10  }
0x252: {  	vm1 =	vgt.f32 v1, v0;
	v0 =	vmax.f32 v0, v1;
	v1 =	vsel vm8, $0x27, v4;
	v4 =	vld.idx.msk [tilespmem:v11+s11+$0x0], $0xffff  }
0x253: {  	v15 =	vsel vm12, $0x28, v6;
	v14 =	vor.u32 $0x32, v34;
	v11 =	vor.u32 $0x2D, v2;
	v6 =	vld.idx.msk [tilespmem:v13+s11+$0x0], $0xffff  }
0x254: {  	v7 =	vld.idx.msk [tilespmem:v12+s11+$0x0], $0xffff;
	vm0 =	vgt.f32 v5, v0;
	v0 =	vmax.f32 v0, v5;
	v1 =	vsel vm14, $0x28, v1  }
0x255: {  	v5 =	vsel vm2, $0x29, v15;
	vm5 =	vgt.f32 v9, v0;
	v0 =	vmax.f32 v0, v9  }
0x256: {  	v13 =	vor.u32 $0x2E, v3;
	vm8 =	vgt.f32 v25, v0;
	v0 =	vmax.f32 v0, v25  }
0x257: {  	v1 =	vsel vm15, $0x29, v1;
	vm2 =	vgt.f32 v4, v0;
	v0 =	vmax.f32 v0, v4  }
0x258: {  	v5 =	vsel vm13, $0x2A, v5;
	v25 =	vld.idx.msk [tilespmem:v3+s11+$0x0], $0xffff;
	vm10 =	vgt.f32 v6, v0;
	v0 =	vmax.f32 v0, v6  }
0x259: {  	vm13 =	vgt.f32 v7, v0;
	v0 =	vmax.f32 v0, v7;
	v7 =	vsel vm11, $0x2A, v1;
	v1 =	vld [tilespmem:$0x1FA20]  }
0x25a: {  	v16 =	vld.idx.msk [tilespmem:v8+s11+$0x0], $0xffff  }
0x25b: {  	v8 =	vld.idx.msk [tilespmem:v14+s11+$0x0], $0xffff  }
0x25c: {  	v30 =	vor.u32 $0x2C, v2;
	v15 =	vld.idx.msk [tilespmem:v11+s11+$0x0], $0xffff  }
0x25d: {  	v11 =	vld.idx.msk [tilespmem:v13+s11+$0x0], $0xffff  }
0x25e: {  	vm11 =	vgt.f32 v1, v25;
	v13 =	vmax.f32 v25, v1;
	v1 =	vld [tilespmem:$0x1FA30];
	_ =	sdelay $0x1  }
0x25f: {  	vm14 =	vgt.f32 v8, v0;
	v0 =	vld [tilespmem:$0x1FA10]  }
0x260: {  	v34 =	vld.idx.msk [tilespmem:v30+s11+$0x0], $0xffff  }
0x261: {  	v30 =	vor.u32 $0x2E, v2;
	v4 =	vld.idx.msk [tilespmem:v2+s11+$0x0], $0xffff  }
0x262: {  	vm12 =	vnez.u8 v1;
	v1 =	vld [tilespmem:$0x1FA40];
	_ =	sdelay $0x1  }
0x263: {  	vm15 =	vnez.u8 v0  }
0x264: {  	v0 =	vsel vm15, $0x2B, v5  }
0x265: {  	v14 =	vld.idx.msk [tilespmem:v30+s11+$0x0], $0xffff;
	v0 =	vsel vm12, $0x2C, v0  }
0x266: {  	vm12 =	vgt.f32 v1, v4;
	v30 =	vmax.f32 v4, v1;
	v1 =	vsel vm3, $0x2D, v0;
	v0 =	vld [tilespmem:$0x1FA50];
	_ =	sdelay $0x4  }
0x267: {  	vm3 =	vgt.f32 v0, v13;
	v13 =	vmax.f32 v13, v0;
	v0 =	vld [tilespmem:$0x1FA60];
	_ =	sdelay $0x4  }
0x268: {  	v25 =	vor.u32 $0x30, v2;
	vm15 =	vnez.u8 v0;
	v0 =	vld [tilespmem:$0x1FA70];
	_ =	sdelay $0x3  }
0x269: {  	v31 =	vor.u32 $0x25, v3;
	v26 =	vor.u32 $0x29, v2;
	v1 =	vsel vm15, $0x2E, v1  }
0x26a: {  	vm15 =	vgt.f32 v0, v30;
	v30 =	vmax.f32 v30, v0;
	v0 =	vsel vm4, $0x2F, v1;
	v1 =	vld.idx.msk [tilespmem:v25+s11+$0x0], $0xffff  }
0x26b: {  	v25 =	vld [tilespmem:$0x1FA80]  }
0x26c: {  	v9 =	vor.u32 $0x2F, v3  }
0x26d: {  	v6 =	vor.u32 $0x2F, v2  }
0x26e: {  	v31 =	vld.idx.msk [tilespmem:v31+s11+$0x0], $0xffff  }
0x26f: {  	v26 =	vld.idx.msk [tilespmem:v26+s11+$0x0], $0xffff;
	v10 =	vor.u32 $0x2D, v3  }
0x270: {  	vm4 =	vgt.f32 v25, v13;
	v13 =	vmax.f32 v13, v25;
	v25 =	vld [tilespmem:$0x1FA90]  }
0x271: {  	v8 =	vld.idx.msk [tilespmem:v9+s11+$0x0], $0xffff;
	v9 =	vor.u32 $0x31, v3  }
0x272: {  	v12 =	vld.idx.msk [tilespmem:v6+s11+$0x0], $0xffff;
	v6 =	vor.u32 $0x31, v2  }
0x273: {  	v5 =	vor.u32 $0x30, v3;
	v4 =	vor.u32 $0x32, v3;
	v3 =	vld [tilespmem:s21+$0xFFFFFFE0]  }
0x274: {  	v10 =	vld.idx.msk [tilespmem:v10+s11+$0x0], $0xffff;
	v2 =	vor.u32 $0x32, v2  }
0x275: {  	v0 =	vsel vm6, $0x30, v0;
	vm6 =	vgt.f32 v25, v30;
	v30 =	vmax.f32 v30, v25;
	v25 =	vld [tilespmem:$0x1FAA0]  }
0x276: {  	v9 =	vld.idx.msk [tilespmem:v9+s11+$0x0], $0xffff  }
0x277: {  	v6 =	vld.idx.msk [tilespmem:v6+s11+$0x0], $0xffff;
	v0 =	vsel vm7, $0x31, v0  }
0x278: {  	v5 =	vld.idx.msk [tilespmem:v5+s11+$0x0], $0xffff;
	v0 =	vsel vm9, $0x32, v0;
	vm9 =	veq.s32 v3, $0x0  }
0x279: {  	v3 =	vsel vm9, v0, v3;
	v0 =	vld.idx.msk [tilespmem:v2+s11+$0x0], $0xffff  }
0x27a: {  	vm7 =	vgt.f32 v25, v13;
	v13 =	vmax.f32 v13, v25;
	v25 =	vld.idx.msk [tilespmem:v4+s11+$0x0], $0xffff;
	v4 =	vsel vm1, $0x2B, v7  }
0x27b: {  	[tilespmem:s20+$0xFFFFFFE0] =	vst v3;
	v3 =	vsel vm0, $0x2C, v4;
	v4 =	vld [tilespmem:$0x1FAC0];
	_ =	sdelay $0x3  }
0x27c: {  	v2 =	vld [tilespmem:$0x1FAB0]  }
0x27d: {  	vm0 =	vgt.f32 v4, v13;
	v4 =	vmax.f32 v13, v4;
	v13 =	vld [tilespmem:$0x1FAD0];
	_ =	sdelay $0x3  }
0x27e: {  	vm1 =	vgt.f32 v2, v30;
	v2 =	vmax.f32 v30, v2  }
0x27f: {  	v3 =	vsel vm5, $0x2D, v3;
	vm5 =	vgt.f32 v13, v2;
	v2 =	vmax.f32 v2, v13;
	v13 =	vld [tilespmem:$0x1FAE0];
	_ =	sdelay $0x4  }
0x280: {  	v3 =	vsel vm8, $0x2E, v3;
	vm8 =	vgt.f32 v13, v4;
	v4 =	vmax.f32 v4, v13;
	v13 =	vld [tilespmem:$0x1FAF0];
	_ =	sdelay $0x4  }
0x281: {  	v3 =	vsel vm2, $0x2F, v3;
	vm2 =	vgt.f32 v13, v2;
	v2 =	vmax.f32 v2, v13;
	v13 =	vld [tilespmem:$0x1FB00];
	_ =	sdelay $0x4  }
0x282: {  	vm9 =	vgt.f32 v13, v4;
	v4 =	vmax.f32 v4, v13;
	v13 =	vld [tilespmem:$0x1FB10];
	_ =	sdelay $0x3  }
0x283: {  	v7 =	vld [tilespmem:s21+$0xFFFFFFF0]  }
0x284: {  	v3 =	vsel vm10, $0x30, v3;
	vm10 =	vgt.f32 v13, v2;
	v2 =	vmax.f32 v2, v13;
	v13 =	vld [tilespmem:$0x1FB20];
	_ =	sdelay $0x2  }
0x285: {  	v3 =	vsel vm13, $0x31, v3  }
0x286: {  	v3 =	vsel vm14, $0x32, v3;
	vm14 =	veq.s32 v7, $0x0  }
0x287: {  	vm13 =	vgt.f32 v13, v4;
	v4 =	vmax.f32 v4, v13;
	v13 =	vsel vm14, v3, v7;
	v3 =	vld [tilespmem:$0x1FB30]  }
0x288: {  	v7 =	vld [tilespmem:$0x1FB40];
	_ =	sdelay $0x3  }
0x289: {  	v30 =	vimm.s32 $0x0;
	vm14 =	vgt.f32 v3, v2;
	v2 =	vmax.f32 v2, v3  }
0x28a: {  	v3 =	vsel vm11, $0x1, v30;
	vm11 =	vgt.f32 v7, v4;
	v4 =	vmax.f32 v4, v7;
	v7 =	vld [tilespmem:$0x1FB50];
	_ =	sdelay $0x3  }
0x28b: {  	v3 =	vsel vm3, $0x2, v3  }
0x28c: {  	vm3 =	vgt.f32 v7, v2;
	v2 =	vmax.f32 v2, v7;
	v7 =	vsel vm12, $0x1, v30;
	v30 =	vld [tilespmem:$0x1FB60];
	_ =	sdelay $0x4  }
0x28d: {  	vm12 =	vgt.f32 v30, v4;
	v4 =	vmax.f32 v4, v30;
	v30 =	vld [tilespmem:$0x1FB70];
	_ =	sdelay $0x4  }
0x28e: {  	v7 =	vsel vm15, $0x2, v7;
	vm15 =	vgt.f32 v30, v2;
	v2 =	vmax.f32 v2, v30;
	v30 =	vld [tilespmem:$0x1FB80];
	_ =	sdelay $0x4  }
0x28f: {  	v3 =	vsel vm4, $0x3, v3;
	vm4 =	vgt.f32 v30, v4;
	v4 =	vmax.f32 v4, v30;
	v30 =	vld [tilespmem:$0x1FB90];
	_ =	sdelay $0x4  }
0x290: {  	v7 =	vsel vm6, $0x3, v7;
	vm6 =	vgt.f32 v30, v2;
	v2 =	vmax.f32 v2, v30;
	v30 =	vld [tilespmem:$0x1FBA0];
	_ =	sdelay $0x4  }
0x291: {  	v3 =	vsel vm7, $0x4, v3;
	vm7 =	vgt.f32 v30, v4;
	v4 =	vmax.f32 v4, v30;
	v30 =	vld [tilespmem:$0x1FBB0];
	_ =	sdelay $0x4  }
0x292: {  	v7 =	vsel vm1, $0x4, v7;
	vm1 =	vgt.f32 v30, v2;
	v2 =	vmax.f32 v2, v30;
	v30 =	vld [tilespmem:$0x1FBC0];
	_ =	sdelay $0x4  }
0x293: {  	v3 =	vsel vm0, $0x5, v3;
	vm0 =	vgt.f32 v30, v4;
	v4 =	vmax.f32 v4, v30;
	v30 =	vld [tilespmem:$0x1FBD0];
	_ =	sdelay $0x4  }
0x294: {  	v7 =	vsel vm5, $0x5, v7;
	vm5 =	vgt.f32 v30, v2;
	v2 =	vmax.f32 v2, v30;
	v30 =	vld [tilespmem:$0x1FBE0];
	_ =	sdelay $0x4  }
0x295: {  	v3 =	vsel vm8, $0x6, v3;
	vm8 =	vgt.f32 v30, v4;
	v4 =	vmax.f32 v4, v30;
	v30 =	vld [tilespmem:$0x1FBF0];
	_ =	sdelay $0x4  }
0x296: {  	v7 =	vsel vm2, $0x6, v7;
	vm2 =	vgt.f32 v30, v2;
	v2 =	vmax.f32 v2, v30;
	v30 =	vld [tilespmem:$0x1FC00];
	_ =	sdelay $0x4  }
0x297: {  	v3 =	vsel vm9, $0x7, v3;
	vm9 =	vgt.f32 v30, v4;
	v4 =	vmax.f32 v4, v30;
	v30 =	vld [tilespmem:$0x1FC10];
	_ =	sdelay $0x4  }
0x298: {  	v7 =	vsel vm10, $0x7, v7;
	vm10 =	vgt.f32 v30, v2;
	v2 =	vmax.f32 v2, v30;
	v30 =	vld [tilespmem:$0x1FC20];
	_ =	sdelay $0x4  }
0x299: {  	v3 =	vsel vm13, $0x8, v3;
	vm13 =	vgt.f32 v30, v4;
	v4 =	vmax.f32 v4, v30;
	v30 =	vld [tilespmem:$0x1FC30];
	_ =	sdelay $0x4  }
0x29a: {  	v7 =	vsel vm14, $0x8, v7;
	vm14 =	vgt.f32 v30, v2;
	v2 =	vmax.f32 v2, v30;
	v30 =	vld [tilespmem:$0x1FC40];
	_ =	sdelay $0x4  }
0x29b: {  	v3 =	vsel vm11, $0x9, v3;
	vm11 =	vgt.f32 v30, v4;
	v4 =	vmax.f32 v4, v30;
	v30 =	vld [tilespmem:$0x1FC50];
	_ =	sdelay $0x4  }
0x29c: {  	v7 =	vsel vm3, $0x9, v7;
	vm3 =	vgt.f32 v30, v2;
	v2 =	vmax.f32 v2, v30;
	v30 =	vld [tilespmem:$0x1FC60];
	_ =	sdelay $0x4  }
0x29d: {  	v3 =	vsel vm12, $0xA, v3;
	vm12 =	vgt.f32 v30, v4;
	v4 =	vmax.f32 v4, v30;
	v30 =	vld [tilespmem:$0x1FC70];
	_ =	sdelay $0x4  }
0x29e: {  	v7 =	vsel vm15, $0xA, v7;
	vm15 =	vgt.f32 v30, v2;
	v2 =	vmax.f32 v2, v30;
	v30 =	vld [tilespmem:$0x1FC80];
	_ =	sdelay $0x4  }
0x29f: {  	v3 =	vsel vm4, $0xB, v3;
	vm4 =	vgt.f32 v30, v4;
	v4 =	vmax.f32 v4, v30;
	v30 =	vld [tilespmem:$0x1FC90];
	_ =	sdelay $0x4  }
0x2a0: {  	v3 =	vsel vm7, $0xC, v3;
	vm7 =	vgt.f32 v30, v2;
	v2 =	vmax.f32 v2, v30;
	v30 =	vld [tilespmem:$0x1FCA0];
	_ =	sdelay $0x3  }
0x2a1: {  	v3 =	vsel vm0, $0xD, v3  }
0x2a2: {  	v3 =	vsel vm8, $0xE, v3;
	vm8 =	vgt.f32 v30, v4;
	v4 =	vmax.f32 v4, v30;
	v30 =	vld [tilespmem:$0x1FCB0]  }
0x2a3: {  	v7 =	vsel vm6, $0xB, v7  }
0x2a4: {  	v7 =	vsel vm1, $0xC, v7  }
0x2a5: {  	v7 =	vsel vm5, $0xD, v7  }
0x2a6: {  	v7 =	vsel vm2, $0xE, v7;
	v3 =	vsel vm9, $0xF, v3  }
0x2a7: {  	v3 =	vsel vm13, $0x10, v3;
	vm13 =	vgt.f32 v30, v2;
	v2 =	vmax.f32 v2, v30;
	v30 =	vld [tilespmem:$0x1FCC0]  }
0x2a8: {  	v7 =	vsel vm10, $0xF, v7  }
0x2a9: {  	v7 =	vsel vm14, $0x10, v7;
	v3 =	vsel vm11, $0x11, v3  }
0x2aa: {  	v7 =	vsel vm3, $0x11, v7;
	v3 =	vsel vm12, $0x12, v3  }
0x2ab: {  	v7 =	vsel vm15, $0x12, v7;
	v3 =	vsel vm4, $0x13, v3  }
0x2ac: {  	v7 =	vsel vm7, $0x13, v7;
	vm14 =	vgt.f32 v30, v4;
	v4 =	vmax.f32 v4, v30  }
0x2ad: {  	v3 =	vsel vm8, $0x14, v3;
	vm15 =	vgt.f32 v48, v4;
	v4 =	vmax.f32 v4, v48;
	v48 =	vld [tilespmem:$0x1FCD0]  }
0x2ae: {  	v3 =	vsel vm14, $0x15, v3;
	vm5 =	vgt.f32 v50, v4;
	v4 =	vmax.f32 v4, v50  }
0x2af: {  	v3 =	vsel vm15, $0x16, v3;
	vm7 =	vgt.f32 v52, v4;
	v4 =	vmax.f32 v4, v52  }
0x2b0: {  	v3 =	vsel vm5, $0x17, v3;
	vm9 =	vgt.f32 v54, v4;
	v4 =	vmax.f32 v4, v54  }
0x2b1: {  	v7 =	vsel vm13, $0x14, v7;
	v3 =	vsel vm7, $0x18, v3;
	vm11 =	vgt.f32 v57, v4  }
0x2b2: {  	v4 =	vmax.f32 v4, v57;
	v3 =	vsel vm9, $0x19, v3;
	vm4 =	vgt.f32 v48, v2  }
0x2b3: {  	v2 =	vmax.f32 v2, v48;
	vm13 =	vgt.f32 v59, v4;
	v4 =	vmax.f32 v4, v59  }
0x2b4: {  	v3 =	vsel vm11, $0x1A, v3;
	v7 =	vsel vm4, $0x15, v7;
	vm6 =	vgt.f32 v47, v2  }
0x2b5: {  	v2 =	vmax.f32 v2, v47;
	vm15 =	vgt.f32 v61, v4;
	v4 =	vmax.f32 v4, v61  }
0x2b6: {  	v3 =	vsel vm13, $0x1B, v3;
	v7 =	vsel vm6, $0x16, v7;
	vm8 =	vgt.f32 v49, v2  }
0x2b7: {  	v2 =	vmax.f32 v2, v49;
	vm5 =	vgt.f32 v63, v4;
	v4 =	vmax.f32 v4, v63  }
0x2b8: {  	v3 =	vsel vm15, $0x1C, v3;
	v7 =	vsel vm8, $0x17, v7;
	vm10 =	vgt.f32 v51, v2  }
0x2b9: {  	v2 =	vmax.f32 v2, v51;
	vm7 =	vgt.f32 v45, v4;
	v4 =	vmax.f32 v4, v45  }
0x2ba: {  	v3 =	vsel vm5, $0x1D, v3;
	v7 =	vsel vm10, $0x18, v7;
	vm12 =	vgt.f32 v53, v2  }
0x2bb: {  	v2 =	vmax.f32 v2, v53;
	vm9 =	vgt.f32 v43, v4;
	v4 =	vmax.f32 v4, v43  }
0x2bc: {  	v3 =	vsel vm7, $0x1E, v3;
	v7 =	vsel vm12, $0x19, v7;
	vm14 =	vgt.f32 v55, v2  }
0x2bd: {  	v2 =	vmax.f32 v2, v55;
	vm11 =	vgt.f32 v41, v4;
	v4 =	vmax.f32 v4, v41  }
0x2be: {  	v3 =	vsel vm9, $0x1F, v3;
	v7 =	vsel vm14, $0x1A, v7;
	vm4 =	vgt.f32 v58, v2  }
0x2bf: {  	v2 =	vmax.f32 v2, v58;
	vm13 =	vgt.f32 v39, v4;
	v4 =	vmax.f32 v4, v39  }
0x2c0: {  	v3 =	vsel vm11, $0x20, v3;
	v7 =	vsel vm4, $0x1B, v7;
	vm6 =	vgt.f32 v60, v2  }
0x2c1: {  	v2 =	vmax.f32 v2, v60;
	vm15 =	vgt.f32 v37, v4;
	v4 =	vmax.f32 v4, v37  }
0x2c2: {  	v3 =	vsel vm13, $0x21, v3;
	v7 =	vsel vm6, $0x1C, v7;
	vm8 =	vgt.f32 v62, v2  }
0x2c3: {  	v2 =	vmax.f32 v2, v62;
	vm5 =	vgt.f32 v35, v4;
	v4 =	vmax.f32 v4, v35  }
0x2c4: {  	v3 =	vsel vm15, $0x22, v3;
	v7 =	vsel vm8, $0x1D, v7;
	vm10 =	vgt.f32 v46, v2  }
0x2c5: {  	v2 =	vmax.f32 v2, v46;
	vm7 =	vgt.f32 v32, v4;
	v4 =	vmax.f32 v4, v32  }
0x2c6: {  	v3 =	vsel vm5, $0x23, v3;
	v7 =	vsel vm10, $0x1E, v7;
	vm12 =	vgt.f32 v44, v2  }
0x2c7: {  	v2 =	vmax.f32 v2, v44;
	vm9 =	vgt.f32 v31, v4;
	v4 =	vmax.f32 v4, v31  }
0x2c8: {  	v3 =	vsel vm7, $0x24, v3;
	v7 =	vsel vm12, $0x1F, v7;
	vm14 =	vgt.f32 v42, v2  }
0x2c9: {  	v2 =	vmax.f32 v2, v42;
	vm11 =	vgt.f32 v28, v4;
	v4 =	vmax.f32 v4, v28  }
0x2ca: {  	v3 =	vsel vm9, $0x25, v3;
	v7 =	vsel vm14, $0x20, v7;
	vm4 =	vgt.f32 v40, v2  }
0x2cb: {  	v2 =	vmax.f32 v2, v40;
	vm13 =	vgt.f32 v24, v4;
	v4 =	vmax.f32 v4, v24  }
0x2cc: {  	v3 =	vsel vm11, $0x26, v3;
	v7 =	vsel vm4, $0x21, v7;
	vm6 =	vgt.f32 v38, v2  }
0x2cd: {  	v2 =	vmax.f32 v2, v38;
	vm15 =	vgt.f32 v22, v4;
	v4 =	vmax.f32 v4, v22  }
0x2ce: {  	[tilespmem:s20+$0xFFFFFFF0] =	vst v13;
	v3 =	vsel vm13, $0x27, v3;
	v7 =	vsel vm6, $0x22, v7;
	vm8 =	vgt.f32 v36, v2  }
0x2cf: {  	v60 =	vld [tilespmem:s21+$0x0];
	v2 =	vmax.f32 v2, v36;
	vm5 =	vgt.f32 v21, v4;
	v4 =	vmax.f32 v4, v21  }
0x2d0: {  	v3 =	vsel vm15, $0x28, v3;
	v7 =	vsel vm8, $0x23, v7;
	vm10 =	vgt.f32 v33, v2  }
0x2d1: {  	v2 =	vmax.f32 v2, v33;
	vm7 =	vgt.f32 v18, v4;
	v4 =	vmax.f32 v4, v18  }
0x2d2: {  	v3 =	vsel vm5, $0x29, v3;
	v7 =	vsel vm10, $0x24, v7;
	vm12 =	vgt.f32 v29, v2  }
0x2d3: {  	v2 =	vmax.f32 v2, v29;
	vm9 =	vgt.f32 v17, v4;
	v4 =	vmax.f32 v4, v17  }
0x2d4: {  	v3 =	vsel vm7, $0x2A, v3;
	vm7 =	veq.s32 v60, $0x0;
	v7 =	vsel vm12, $0x25, v7  }
0x2d5: {  	vm14 =	vgt.f32 v56, v2;
	v2 =	vmax.f32 v2, v56;
	vm10 =	vgt.f32 v16, v4  }
0x2d6: {  	v4 =	vmax.f32 v4, v16;
	v3 =	vsel vm9, $0x2B, v3;
	v7 =	vsel vm14, $0x26, v7  }
0x2d7: {  	vm4 =	vgt.f32 v27, v2;
	v2 =	vmax.f32 v2, v27;
	vm11 =	vgt.f32 v10, v4  }
0x2d8: {  	v4 =	vmax.f32 v4, v10;
	v3 =	vsel vm10, $0x2C, v3;
	v7 =	vsel vm4, $0x27, v7  }
0x2d9: {  	vm6 =	vgt.f32 v23, v2;
	v2 =	vmax.f32 v2, v23;
	vm12 =	vgt.f32 v11, v4  }
0x2da: {  	v4 =	vmax.f32 v4, v11;
	v3 =	vsel vm11, $0x2D, v3;
	v7 =	vsel vm6, $0x28, v7  }
0x2db: {  	vm8 =	vgt.f32 v26, v2;
	v2 =	vmax.f32 v2, v26;
	v3 =	vsel vm12, $0x2E, v3  }
0x2dc: {  	vm14 =	vgt.f32 v8, v4;
	v4 =	vmax.f32 v4, v8;
	v7 =	vsel vm8, $0x29, v7  }
0x2dd: {  	vm13 =	vgt.f32 v20, v2;
	v2 =	vmax.f32 v2, v20;
	v3 =	vsel vm14, $0x2F, v3  }
0x2de: {  	vm15 =	vgt.f32 v5, v4;
	v4 =	vmax.f32 v4, v5;
	v7 =	vsel vm13, $0x2A, v7  }
0x2df: {  	v3 =	vsel vm15, $0x30, v3;
	vm5 =	vgt.f32 v9, v4;
	v4 =	vmax.f32 v4, v9  }
0x2e0: {  	vm4 =	vgt.f32 v19, v2;
	v3 =	vsel vm5, $0x31, v3;
	vm6 =	vgt.f32 v25, v4  }
0x2e1: {  	v2 =	vmax.f32 v2, v19;
	v61 =	vsel vm4, $0x2B, v7;
	v3 =	vsel vm6, $0x32, v3  }
0x2e2: {  	vm8 =	vgt.f32 v34, v2;
	v2 =	vmax.f32 v2, v34;
	v3 =	vsel vm7, v3, v60  }
0x2e3: {  	v62 =	vsel vm8, $0x2C, v61;
	vm9 =	vgt.f32 v15, v2;
	v2 =	vmax.f32 v2, v15;
	[tilespmem:s20+$0x0] =	vst v3  }
0x2e4: {  	vm10 =	vgt.f32 v14, v2;
	v2 =	vmax.f32 v2, v14;
	v3 =	vsel vm9, $0x2D, v62;
	v63 =	vld [tilespmem:s21+$0x10]  }
0x2e5: {  	vm11 =	vgt.f32 v12, v2;
	v2 =	vmax.f32 v2, v12;
	v3 =	vsel vm10, $0x2E, v3  }
0x2e6: {  	p0 =	sne.s32 s19, $0xC0;
	vm12 =	vgt.f32 v1, v2;
	v1 =	vmax.f32 v2, v1;
	v3 =	vsel vm11, $0x2F, v3  }
.Ltmp1:
0x2e7: {  	vm13 =	vgt.f32 v6, v1;
	v1 =	vmax.f32 v1, v6;
	v2 =	vsel vm12, $0x30, v3;
	(pc) =	sbr.rel @p0 .LBB2_4-.Ltmp1, $4  }
0x2e8: {  	vm14 =	vgt.f32 v0, v1;
	v2 =	vsel vm13, $0x31, v2  }
0x2e9: {  	v0 =	vsel vm14, $0x32, v2;
	vm15 =	veq.s32 v63, $0x0  }
0x2ea: {  	v0 =	vsel vm15, v0, v63  }
0x2eb: {  	s19 =	sadd.s32 $0x40, s19;
	s21 =	sadd.s32 $0x40, s21;
	v2 =	vld [tilespmem:$0x1FFF0];
	[tilespmem:s20+$0x10] =	vst v0;
	s20 =	sadd.s32 $0x40, s20  }
0x2ec: {  	s18 =	sadd.s32 $0x1, s18  }
0x2ed: {  	p0 =	sne.s32 s18, s9  }
.Ltmp2:
0x2ee: {  	_ = 	snop;
	(pc) =	sbr.rel @p0 .LBB2_1-.Ltmp2, $4  }
0x2ef: {  	[hbm4b:s8+s2] =	stream.linear.scatter [tilespmem:s17], [sflag:$0x3], $0x100, $0x38;
	[tilespmem:$0x10400] =	vst v63  }
0x2f0: {  	_ =	swait.ge [sflag:s15], $0x100  }
0x2f1: {  	[sflag:s15] =	ssyncset.done $0x0  }
0x2f2: {  	[sflag:s15] =	ssyncadd.s32 $0xFFFFFF00  }
0x2f3: {  	_ =	sfence.sel $0x180000  }
0x2f4: {  	[bflag:$0x0] =	sbarrier.arrive $0xFFFF  }
0x2f5: {  	p0 =	sne.s32 s1, $0x0;
	_ =	strace $0x90000047  }
0x2f6: {  	s0 =	sadd.s32 @!p0 $0x100000, s0;
	[bflag:$0x2] =	sbarrier.arrive $0xFFFF  }
0x2f7: {  	[sflag:s0] =	ssyncadd.tile.s32 @!p0 $0x1;
	_ =	shalt  }
.Lfunc_end2:
_tile_overlayer_lowered:
.L_overlay_start_2:
0x2f8: {  	(tag) =	ssettag $0x2  }
0x2f9: {  	s0 =	rddreg [dreg:$0x0];
	s2 =	stileid.u32  }
0x2fa: {  	s1 =	rddreg [dreg:$0x1];
	p0 =	sne.s32 s2, $0x0  }
0x2fb: {  	s3 =	rddreg [dreg:$0x2];
	[bflag:$0x3] =	sbarrier.arrive $0xFFFF;
	s2 =	simm.s32 @!p0 $0x1C03  }
0x2fc: {  	[timem:s3], [sflag:s2] =	dma.local @!p0 [hbm:s0], s1  }
0x2fd: {  	s0 =	simm.s32 @!p0 $0x3  }
0x2fe: {  	_ =	swait.ge @!p0 [sflag:s0], s1  }
0x2ff: {  	s1 =	ssub.s32 @!p0 $0x0, s1;
	[sflag:s0] =	ssyncset.done @!p0 $0x0  }
0x300: {  	[sflag:s0] =	ssyncadd.s32 @!p0 s1  }
0x301: {  	[bflag:$0x3] =	sbarrier.arrive $0xFFFF  }
0x302: {  	_ =	shalt  }

</sc_bundles>
